<compile_context>
chip_gen: v7x
topology: tpu7x:2x2x1
jax: 0.10.2.dev20260603
libtpu: 0.0.44.dev20260713+nightly
codegen_flags: <defaults>
</compile_context>

<pallas_src>
import functools

import jax
import jax.numpy as jnp
from jax import lax
from jax.experimental import pallas as pl
from jax.experimental.pallas import tpu as pltpu
from jax.experimental.pallas import tpu_sc as plsc

N_BINS = 10
LANES = 16
NC, NS = 2, 16
NW = NC * NS
CHUNK = 16384
UNROLL = 16
ROWS_BLK = 256


def _wid():
    return lax.axis_index("s") * NC + lax.axis_index("c")


def _stream_chunks(hbm, base, n_chunks, buf0, buf1, sem0, sem1, chunk_fn,
                   carry):
    assert n_chunks % 2 == 0

    def _wait(buf, sem):
        pltpu.make_async_copy(hbm.at[pl.ds(0, CHUNK)], buf, sem).wait()

    pltpu.async_copy(hbm.at[pl.ds(base, CHUNK)], buf0, sem0)

    def outer(p, carry):
        i = p * 2
        pltpu.async_copy(hbm.at[pl.ds(base + (i + 1) * CHUNK, CHUNK)],
                         buf1, sem1)
        _wait(buf0, sem0)
        carry = chunk_fn(buf0, carry)
        nxt = jnp.minimum(i + 2, n_chunks - 2)
        pltpu.async_copy(hbm.at[pl.ds(base + nxt * CHUNK, CHUNK)],
                         buf0, sem0)
        _wait(buf1, sem1)
        return chunk_fn(buf1, carry)

    carry = lax.fori_loop(0, n_chunks // 2, outer, carry)
    _wait(buf0, sem0)
    return carry


def _minmax_body(pos_chunks, neg_chunks):
    def body(pos_hbm, neg_hbm, min_out, max_out, buf0, buf1, stage,
             sem0, sem1):
        wid = _wid()

        def chunk_fn(buf, c):
            def inner(j, c):
                accs = list(c)
                for u in range(UNROLL):
                    v = buf[pl.ds((j * UNROLL + u) * LANES, LANES)]
                    k = u % 2
                    accs[2 * k] = jnp.minimum(accs[2 * k], v)
                    accs[2 * k + 1] = jnp.maximum(accs[2 * k + 1], v)
                return tuple(accs)

            return lax.fori_loop(0, CHUNK // (LANES * UNROLL), inner, c)

        inf = jnp.full((LANES,), jnp.inf, jnp.float32)
        carry = (inf, -inf, inf, -inf)
        carry = _stream_chunks(pos_hbm, wid * (pos_chunks * CHUNK),
                               pos_chunks, buf0, buf1, sem0, sem1,
                               chunk_fn, carry)
        carry = _stream_chunks(neg_hbm, wid * (neg_chunks * CHUNK),
                               neg_chunks, buf0, buf1, sem0, sem1,
                               chunk_fn, carry)
        stage[...] = jnp.minimum(carry[0], carry[2])
        pltpu.sync_copy(stage, min_out.at[pl.ds(wid * LANES, LANES)])
        stage[...] = jnp.maximum(carry[1], carry[3])
        pltpu.sync_copy(stage, max_out.at[pl.ds(wid * LANES, LANES)])

    return body


def _butterfly(v, stage, op):
    iota = lax.iota(jnp.int32, LANES)
    for stride in (8, 4, 2, 1):
        stage[...] = v
        v = op(v, plsc.load_gather(stage, [iota ^ stride]))
    return v


def _hist_body(pos_chunks, neg_chunks, mm_groups):
    def body(pos_hbm, neg_hbm, minp_hbm, maxp_hbm, pos_out, neg_out,
             buf0, buf1, mnv, mxv, hist, stage, sem0, sem1):
        wid = _wid()

        pltpu.sync_copy(minp_hbm, mnv)
        pltpu.sync_copy(maxp_hbm, mxv)

        def red(i, c):
            return (jnp.minimum(c[0], mnv[pl.ds(i * LANES, LANES)]),
                    jnp.maximum(c[1], mxv[pl.ds(i * LANES, LANES)]))

        vmn, vmx = lax.fori_loop(
            0, mm_groups, red,
            (jnp.full((LANES,), jnp.inf, jnp.float32),
             jnp.full((LANES,), -jnp.inf, jnp.float32)))
        vmn = _butterfly(vmn, stage, jnp.minimum)
        vmx = _butterfly(vmx, stage, jnp.maximum)
        sv = 10.0 / (vmx - vmn + 0.1)
        cv = (0.05 - vmn) * sv
        laneoff = lax.iota(jnp.int32, 16) * LANES
        ones = jnp.full((LANES,), 1, jnp.int32)
        onef = jnp.full((LANES,), 1.0, jnp.float32)
        zeros = jnp.zeros((LANES,), jnp.float32)

        def accum(v):
            idx = v * sv + cv
            li = idx.astype(jnp.int32)
            du = idx - li.astype(jnp.float32)
            al = laneoff + li
            plsc.addupdate_scatter(hist, [al], onef - du)
            plsc.addupdate_scatter(hist, [al + ones], du)

        def chunk_fn(buf, c):
            @plsc.parallel_loop(0, CHUNK // LANES, step=1, unroll=UNROLL)
            def _(j):
                accum(buf[pl.ds(j * LANES, LANES)])

            return c

        def run(hbm, n_chunks, out):
            for r in range(LANES):
                hist[pl.ds(r * LANES, LANES)] = zeros
            _stream_chunks(hbm, wid * (n_chunks * CHUNK), n_chunks,
                           buf0, buf1, sem0, sem1, chunk_fn, 0)
            acc = hist[pl.ds(0, LANES)]
            for r in range(1, LANES):
                acc = acc + hist[pl.ds(r * LANES, LANES)]
            stage[...] = acc
            pltpu.sync_copy(stage, out.at[pl.ds(wid * LANES, LANES)])

        run(pos_hbm, pos_chunks, pos_out)
        run(neg_hbm, neg_chunks, neg_out)

    return body


def _tc_hist_body(rows_blk, grid):

    def body(mn_ref, mx_ref, x_ref, out_ref, acc):
        pid = pl.program_id(0)

        @pl.when(pid == 0)
        def _():
            acc[...] = jnp.zeros_like(acc)

        mn = jnp.min(mn_ref[...])
        mx = jnp.max(mx_ref[...])
        s = 10.0 / (mx - mn + 0.1)
        c = (0.05 - mn) * s
        idx3 = x_ref[...].reshape(rows_blk // 8, 8, 1024) * s + c
        for b in range(10):
            w = jnp.clip((b + 1.0) - idx3, 0.0, 1.0)
            acc[b * 8:(b + 1) * 8, :] = (acc[b * 8:(b + 1) * 8, :]
                                         + jnp.sum(w, axis=0))

        @pl.when(pid == grid - 1)
        def _():
            for b in range(10):
                p = acc[b * 8:(b + 1) * 8, :]
                for _ in range(3):
                    h = p.shape[1] // 2
                    p = p[:, :h] + p[:, h:]
                out_ref[b, :] = jnp.sum(p, axis=0)

    return body


def _combine_body(inv_np, inv_nn, tc_np, tc_nn):
    def body(pos_parts, neg_parts, tcp, tcn, loss_out, pv, nv, pad, stage,
             tbuf):
        wid = _wid()

        @pl.when(wid == 0)
        def _():
            iota = lax.iota(jnp.int32, LANES)
            zeros = jnp.zeros((LANES,), jnp.float32)

            def tc_hist(tc_ref, count):
                w = jnp.where(iota == 10,
                              jnp.full((LANES,), count, jnp.float32), zeros)
                pltpu.sync_copy(tc_ref, tbuf)
                for b in range(10):
                    acc = tbuf[pl.ds(b * 128, LANES)]
                    for k in range(1, 8):
                        acc = acc + tbuf[pl.ds(b * 128 + k * LANES, LANES)]
                    acc = _butterfly(acc, stage, jnp.add)
                    w = jnp.where(iota == b, acc, w)
                pad[pl.ds(0, LANES)] = zeros
                pad[pl.ds(LANES, LANES)] = w
                sh = plsc.load_gather(pad, [iota + (LANES - 1)])
                return jnp.where(iota <= 10, w - sh, zeros)

            pltpu.sync_copy(pos_parts, pv)
            pltpu.sync_copy(neg_parts, nv)
            hp = tc_hist(tcp, tc_np)
            hn = tc_hist(tcn, tc_nn)
            for r in range(NW):
                hp = hp + pv[pl.ds(r * LANES, LANES)]
                hn = hn + nv[pl.ds(r * LANES, LANES)]
            iota = lax.iota(jnp.int32, LANES)
            pad[pl.ds(0, LANES)] = jnp.zeros((LANES,), jnp.float32)
            cdf = hp
            for stride in (1, 2, 4, 8):
                pad[pl.ds(LANES, LANES)] = cdf
                cdf = cdf + plsc.load_gather(pad, [iota + (LANES - stride)])
            total = _butterfly(cdf * hn, stage, jnp.add)
            stage[...] = total * (inv_np * inv_nn)
            pltpu.sync_copy(stage, loss_out)

    return body


@jax.jit
def _run(sim_pos, sim_neg):
    npos = sim_pos.shape[0]
    nneg = sim_neg.shape[0]
    assert npos % (NW * CHUNK * 2) == 0 and nneg % (NW * CHUNK * 2) == 0
    mesh = plsc.VectorSubcoreMesh(core_axis_name="c", subcore_axis_name="s")
    part = jax.ShapeDtypeStruct((NW * LANES,), jnp.float32)
    params = pltpu.CompilerParams(needs_layout_passes=False)

    mm_pos_chunks = npos // (NW * CHUNK)
    mm_neg_chunks = nneg // (NW * CHUNK)
    assert mm_pos_chunks % 2 == 0 and mm_neg_chunks % 2 == 0

    minp, maxp = pl.kernel(
        _minmax_body(mm_pos_chunks, mm_neg_chunks),
        out_type=[part, part],
        mesh=mesh,
        compiler_params=params,
        scratch_types=[pltpu.VMEM((CHUNK,), jnp.float32),
                       pltpu.VMEM((CHUNK,), jnp.float32),
                       pltpu.VMEM((LANES,), jnp.float32),
                       pltpu.SemaphoreType.DMA,
                       pltpu.SemaphoreType.DMA],
    )(sim_pos, sim_neg)

    allmn = jnp.concatenate([minp, minp])
    allmx = jnp.concatenate([maxp, maxp])

    sc_pos = (npos * 8) // 16
    sc_neg = (nneg * 6) // 16
    sc_pos_chunks = sc_pos // (NW * CHUNK)
    sc_neg_chunks = sc_neg // (NW * CHUNK)
    assert sc_pos_chunks % 2 == 0 and sc_neg_chunks % 2 == 0
    assert (npos - sc_pos) % (ROWS_BLK * 1024) == 0
    assert (nneg - sc_neg) % (ROWS_BLK * 1024) == 0

    def tc_hist(arr, start):
        x2 = arr.reshape(-1, 1024)
        start_blk = start // (ROWS_BLK * 1024)
        grid = (arr.shape[0] - start) // (ROWS_BLK * 1024)
        return pl.pallas_call(
            _tc_hist_body(ROWS_BLK, grid),
            grid=(grid,),
            in_specs=[
                pl.BlockSpec((8, 128), lambda i: (0, 0)),
                pl.BlockSpec((8, 128), lambda i: (0, 0)),
                pl.BlockSpec((ROWS_BLK, 1024),
                             lambda i: (i + start_blk, 0)),
            ],
            out_specs=pl.BlockSpec((10, 128), lambda i: (0, 0)),
            out_shape=jax.ShapeDtypeStruct((10, 128), jnp.float32),
            scratch_shapes=[pltpu.VMEM((80, 1024), jnp.float32)],
        )(allmn.reshape(8, 128), allmx.reshape(8, 128), x2)

    tc_pos = tc_hist(sim_pos, sc_pos)
    tc_neg = tc_hist(sim_neg, sc_neg)

    pos_parts, neg_parts = pl.kernel(
        _hist_body(sc_pos_chunks, sc_neg_chunks, 2 * NW),
        out_type=[part, part],
        mesh=mesh,
        compiler_params=params,
        scratch_types=[pltpu.VMEM((CHUNK,), jnp.float32),
                       pltpu.VMEM((CHUNK,), jnp.float32),
                       pltpu.VMEM((2 * NW * LANES,), jnp.float32),
                       pltpu.VMEM((2 * NW * LANES,), jnp.float32),
                       pltpu.VMEM((LANES * LANES,), jnp.float32),
                       pltpu.VMEM((LANES,), jnp.float32),
                       pltpu.SemaphoreType.DMA,
                       pltpu.SemaphoreType.DMA],
    )(sim_pos, sim_neg, allmn, allmx)

    loss_vec = pl.kernel(
        _combine_body(1.0 / npos, 1.0 / nneg,
                      float(npos - sc_pos), float(nneg - sc_neg)),
        out_type=jax.ShapeDtypeStruct((LANES,), jnp.float32),
        mesh=mesh,
        compiler_params=params,
        scratch_types=[pltpu.VMEM((NW * LANES,), jnp.float32),
                       pltpu.VMEM((NW * LANES,), jnp.float32),
                       pltpu.VMEM((2 * LANES,), jnp.float32),
                       pltpu.VMEM((LANES,), jnp.float32),
                       pltpu.VMEM((1280,), jnp.float32)],
    )(pos_parts, neg_parts, tc_pos.reshape(-1), tc_neg.reshape(-1))

    loss = loss_vec[0]
    return (loss, loss)


def kernel(sim_pos, sim_neg):
    return _run(sim_pos.ravel(), sim_neg.ravel())

# --- scband reference (transcript-rebuilt; emitter-appended) ---
"""Pipeline reference for scband-differiential-histogram-auc-84988812853703 (READ-ONLY COPY).

The authoritative reference and input builder live on the scoring server;
editing this copy changes nothing except your own understanding.
"""

import jax, jax.numpy as jnp
import numpy as np

N_BINS = 10

def _bilinear_histogram(sim, n_bins, span=1.0):
    step = span / n_bins
    index = sim / step
    lower = jnp.floor(index)
    upper = jnp.ceil(index)
    delta_u = index - lower
    delta_l = upper - index
    lower_i = lower.astype(jnp.int32)
    upper_i = upper.astype(jnp.int32)
    hist = jnp.bincount(upper_i, weights=delta_u, length=n_bins + 1) \
         + jnp.bincount(lower_i, weights=delta_l, length=n_bins + 1)
    return hist

def setup_inputs(seed: int = 0):
    key = jax.random.key(seed)
    k1, k2 = jax.random.split(key)
    sim_pos = jax.random.uniform(k1, (4194304,), dtype=jnp.float32)
    sim_neg = jax.random.uniform(k2, (16777216,), dtype=jnp.float32)
    return {"sim_pos": sim_pos, "sim_neg": sim_neg}

def reference(sim_pos, sim_neg):
    sim_pos = sim_pos.ravel()
    sim_neg = sim_neg.ravel()
    max_pos = jnp.max(sim_pos)
    min_pos = jnp.min(sim_pos)
    max_neg = jnp.max(sim_neg)
    min_neg = jnp.min(sim_neg)
    max_ = jnp.where(max_pos >= max_neg, max_pos, max_neg)
    min_ = jnp.where(min_pos <= min_neg, min_pos, min_neg)
    sim_pos_n = (sim_pos - min_ + 0.05) / (max_ - min_ + 0.1)
    sim_neg_n = (sim_neg - min_ + 0.05) / (max_ - min_ + 0.1)
    pdf_pos = _bilinear_histogram(sim_pos_n, N_BINS) / sim_pos_n.shape[0]
    pdf_neg = _bilinear_histogram(sim_neg_n, N_BINS) / sim_neg_n.shape[0]
    cdf_pos = jnp.cumsum(pdf_pos, axis=0)
    loss = jnp.sum(cdf_pos * pdf_neg)
    return (loss, loss)

if __name__ == "__main__":
    import jax
    _d = setup_inputs()
    print(jax.jit(kernel)(*tuple(_d.values())))

</pallas_src>

<mosaic_0001>
#map = affine_map<(d0, d1) -> (0)>
module attributes {stable_mosaic.version = 14 : i64} {
  func.func @body(%arg0: i32, %arg1: i32, %arg2: memref<4194304xf32, #tpu.memory_space<hbm>>, %arg3: memref<16777216xf32, #tpu.memory_space<hbm>>, %arg4: memref<512xf32, #tpu.memory_space<hbm>>, %arg5: memref<512xf32, #tpu.memory_space<hbm>>, %arg6: memref<16384xf32, #tpu.memory_space<vmem>>, %arg7: memref<16384xf32, #tpu.memory_space<vmem>>, %arg8: memref<16xf32, #tpu.memory_space<vmem>>, %arg9: memref<!tpu.dma_semaphore, #tpu.memory_space<semaphore_mem>>, %arg10: memref<!tpu.dma_semaphore, #tpu.memory_space<semaphore_mem>>) attributes {dimension_semantics = [#tpu.dimension_semantics<core_parallel>, #tpu.dimension_semantics<subcore_parallel>], iteration_bounds = array<i64: 2, 16>, scalar_prefetch = 0 : i64, scratch_operands = 5 : i64, tpu.core_type = #tpu.core_type<sc_vector_subcore>, window_params = [{transform_indices = #map}, {transform_indices = #map}, {transform_indices = #map}, {transform_indices = #map}]} {
    %mul3A = arith.constant 2 : i32
    %mul3A_0 = arith.muli %arg1, %mul3A : i32
    %add3A = arith.addi %mul3A_0, %arg0 : i32
    %broadcast_in_dim3A = arith.constant 0x7F800000 : f32
    %broadcast_in_dim3A_1 = vector.broadcast %broadcast_in_dim3A : f32 to vector<16xf32>
    %neg3A = arith.constant 0.000000e+00 : f32
    %neg3A_2 = vector.broadcast %neg3A : f32 to vector<16xf32>
    %neg3A_3 = arith.subf %neg3A_2, %broadcast_in_dim3A_1 : vector<16xf32>
    %neg3A_4 = arith.constant 0.000000e+00 : f32
    %neg3A_5 = vector.broadcast %neg3A_4 : f32 to vector<16xf32>
    %neg3A_6 = arith.subf %neg3A_5, %broadcast_in_dim3A_1 : vector<16xf32>
    %mul3A_7 = arith.constant 131072 : i32
    %mul3A_8 = arith.muli %add3A, %mul3A_7 : i32
    %dma_start3A = tpu.memref_slice %arg2[%mul3A_8] : memref<4194304xf32, #tpu.memory_space<hbm>> -> memref<16384xf32, #tpu.memory_space<hbm>>
    %dma_start3A_9 = tpu.memref_slice %arg2[%mul3A_8] : memref<4194304xf32, #tpu.memory_space<hbm>> -> memref<16384xf32, #tpu.memory_space<hbm>>
    tpu.enqueue_dma source(%dma_start3A_9 : memref<16384xf32, #tpu.memory_space<hbm>>) target(%arg6 : memref<16384xf32, #tpu.memory_space<vmem>>) target_semaphore(%arg9 : memref<!tpu.dma_semaphore, #tpu.memory_space<semaphore_mem>>)
    %scan3A = arith.constant 0 : i32
    %scan3A_10 = arith.constant 4 : i32
    %scan3A_11 = arith.addi %scan3A, %scan3A_10 : i32
    %scan3A_12 = arith.constant 1 : i32
    %scan3A_13:4 = scf.for %scan3A_39 = %scan3A to %scan3A_11 step %scan3A_12 iter_args(%scan3A_40 = %broadcast_in_dim3A_1, %scan3A_41 = %neg3A_3, %scan3A_42 = %broadcast_in_dim3A_1, %scan3A_43 = %neg3A_6) -> (vector<16xf32>, vector<16xf32>, vector<16xf32>, vector<16xf32>)  : i32 {
      %mul3A_44 = arith.constant 2 : i32
      %mul3A_45 = arith.muli %scan3A_39, %mul3A_44 : i32
      %add3A_46 = arith.constant 1 : i32
      %add3A_47 = arith.addi %mul3A_45, %add3A_46 : i32
      %mul3A_48 = arith.constant 16384 : i32
      %mul3A_49 = arith.muli %add3A_47, %mul3A_48 : i32
      %add3A_50 = arith.addi %mul3A_8, %mul3A_49 : i32
      %dma_start3A_51 = tpu.memref_slice %arg2[%add3A_50] : memref<4194304xf32, #tpu.memory_space<hbm>> -> memref<16384xf32, #tpu.memory_space<hbm>>
      %dma_start3A_52 = tpu.memref_slice %arg2[%add3A_50] : memref<4194304xf32, #tpu.memory_space<hbm>> -> memref<16384xf32, #tpu.memory_space<hbm>>
      tpu.enqueue_dma source(%dma_start3A_52 : memref<16384xf32, #tpu.memory_space<hbm>>) target(%arg7 : memref<16384xf32, #tpu.memory_space<vmem>>) target_semaphore(%arg10 : memref<!tpu.dma_semaphore, #tpu.memory_space<semaphore_mem>>)
      %dma_wait3A_53 = arith.constant 0 : i32
      %dma_wait3A_54 = tpu.memref_slice %arg2[%dma_wait3A_53] : memref<4194304xf32, #tpu.memory_space<hbm>> -> memref<16384xf32, #tpu.memory_space<hbm>>
      %dma_wait3A_55 = arith.constant 0 : i32
      %dma_wait3A_56 = tpu.memref_slice %arg2[%dma_wait3A_55] : memref<4194304xf32, #tpu.memory_space<hbm>> -> memref<16384xf32, #tpu.memory_space<hbm>>
      tpu.wait_dma2 semaphore(%arg9 : memref<!tpu.dma_semaphore, #tpu.memory_space<semaphore_mem>>) src(%dma_wait3A_56 : memref<16384xf32, #tpu.memory_space<hbm>>) dst(%arg6 : memref<16384xf32, #tpu.memory_space<vmem>>)
      %scan3A_57 = arith.constant 0 : i32
      %scan3A_58 = arith.constant 64 : i32
      %scan3A_59 = arith.addi %scan3A_57, %scan3A_58 : i32
      %scan3A_60 = arith.constant 1 : i32
      %scan3A_61:4 = scf.for %scan3A_82 = %scan3A_57 to %scan3A_59 step %scan3A_60 iter_args(%scan3A_83 = %scan3A_40, %scan3A_84 = %scan3A_41, %scan3A_85 = %scan3A_42, %scan3A_86 = %scan3A_43) -> (vector<16xf32>, vector<16xf32>, vector<16xf32>, vector<16xf32>)  : i32 {
        %mul3A_87 = arith.constant 16 : i32
        %mul3A_88 = arith.muli %scan3A_82, %mul3A_87 : i32
        %add3A_89 = arith.constant 0 : i32
        %add3A_90 = arith.addi %mul3A_88, %add3A_89 : i32
        %mul3A_91 = arith.constant 16 : i32
        %mul3A_92 = arith.muli %add3A_90, %mul3A_91 : i32
        %get3A = arith.index_cast %mul3A_92 : i32 to index
        %get3A_93 = tpu.vector_load %arg6[%get3A] {strides = array<i32>} : memref<16384xf32, #tpu.memory_space<vmem>>, vector<16xf32>,
        %min3A_94 = arith.minimumf %scan3A_83, %get3A_93 : vector<16xf32>
        %max3A_95 = arith.maximumf %scan3A_84, %get3A_93 : vector<16xf32>
        %mul3A_96 = arith.constant 16 : i32
        %mul3A_97 = arith.muli %scan3A_82, %mul3A_96 : i32
        %add3A_98 = arith.constant 1 : i32
        %add3A_99 = arith.addi %mul3A_97, %add3A_98 : i32
        %mul3A_100 = arith.constant 16 : i32
        %mul3A_101 = arith.muli %add3A_99, %mul3A_100 : i32
        %get3A_102 = arith.index_cast %mul3A_101 : i32 to index
        %get3A_103 = tpu.vector_load %arg6[%get3A_102] {strides = array<i32>} : memref<16384xf32, #tpu.memory_space<vmem>>, vector<16xf32>,
        %min3A_104 = arith.minimumf %scan3A_85, %get3A_103 : vector<16xf32>
        %max3A_105 = arith.maximumf %scan3A_86, %get3A_103 : vector<16xf32>
        %mul3A_106 = arith.constant 16 : i32
        %mul3A_107 = arith.muli %scan3A_82, %mul3A_106 : i32
        %add3A_108 = arith.constant 2 : i32
        %add3A_109 = arith.addi %mul3A_107, %add3A_108 : i32
        %mul3A_110 = arith.constant 16 : i32
        %mul3A_111 = arith.muli %add3A_109, %mul3A_110 : i32
        %get3A_112 = arith.index_cast %mul3A_111 : i32 to index
        %get3A_113 = tpu.vector_load %arg6[%get3A_112] {strides = array<i32>} : memref<16384xf32, #tpu.memory_space<vmem>>, vector<16xf32>,
        %min3A_114 = arith.minimumf %min3A_94, %get3A_113 : vector<16xf32>
        %max3A_115 = arith.maximumf %max3A_95, %get3A_113 : vector<16xf32>
        %mul3A_116 = arith.constant 16 : i32
        %mul3A_117 = arith.muli %scan3A_82, %mul3A_116 : i32
        %add3A_118 = arith.constant 3 : i32
        %add3A_119 = arith.addi %mul3A_117, %add3A_118 : i32
        %mul3A_120 = arith.constant 16 : i32
        %mul3A_121 = arith.muli %add3A_119, %mul3A_120 : i32
        %get3A_122 = arith.index_cast %mul3A_121 : i32 to index
        %get3A_123 = tpu.vector_load %arg6[%get3A_122] {strides = array<i32>} : memref<16384xf32, #tpu.memory_space<vmem>>, vector<16xf32>,
        %min3A_124 = arith.minimumf %min3A_104, %get3A_123 : vector<16xf32>
        %max3A_125 = arith.maximumf %max3A_105, %get3A_123 : vector<16xf32>
        %mul3A_126 = arith.constant 16 : i32
        %mul3A_127 = arith.muli %scan3A_82, %mul3A_126 : i32
        %add3A_128 = arith.constant 4 : i32
        %add3A_129 = arith.addi %mul3A_127, %add3A_128 : i32
        %mul3A_130 = arith.constant 16 : i32
        %mul3A_131 = arith.muli %add3A_129, %mul3A_130 : i32
        %get3A_132 = arith.index_cast %mul3A_131 : i32 to index
        %get3A_133 = tpu.vector_load %arg6[%get3A_132] {strides = array<i32>} : memref<16384xf32, #tpu.memory_space<vmem>>, vector<16xf32>,
        %min3A_134 = arith.minimumf %min3A_114, %get3A_133 : vector<16xf32>
        %max3A_135 = arith.maximumf %max3A_115, %get3A_133 : vector<16xf32>
        %mul3A_136 = arith.constant 16 : i32
        %mul3A_137 = arith.muli %scan3A_82, %mul3A_136 : i32
        %add3A_138 = arith.constant 5 : i32
        %add3A_139 = arith.addi %mul3A_137, %add3A_138 : i32
        %mul3A_140 = arith.constant 16 : i32
        %mul3A_141 = arith.muli %add3A_139, %mul3A_140 : i32
        %get3A_142 = arith.index_cast %mul3A_141 : i32 to index
        %get3A_143 = tpu.vector_load %arg6[%get3A_142] {strides = array<i32>} : memref<16384xf32, #tpu.memory_space<vmem>>, vector<16xf32>,
        %min3A_144 = arith.minimumf %min3A_124, %get3A_143 : vector<16xf32>
        %max3A_145 = arith.maximumf %max3A_125, %get3A_143 : vector<16xf32>
        %mul3A_146 = arith.constant 16 : i32
        %mul3A_147 = arith.muli %scan3A_82, %mul3A_146 : i32
        %add3A_148 = arith.constant 6 : i32
        %add3A_149 = arith.addi %mul3A_147, %add3A_148 : i32
        %mul3A_150 = arith.constant 16 : i32
        %mul3A_151 = arith.muli %add3A_149, %mul3A_150 : i32
        %get3A_152 = arith.index_cast %mul3A_151 : i32 to index
        %get3A_153 = tpu.vector_load %arg6[%get3A_152] {strides = array<i32>} : memref<16384xf32, #tpu.memory_space<vmem>>, vector<16xf32>,
        %min3A_154 = arith.minimumf %min3A_134, %get3A_153 : vector<16xf32>
        %max3A_155 = arith.maximumf %max3A_135, %get3A_153 : vector<16xf32>
        %mul3A_156 = arith.constant 16 : i32
        %mul3A_157 = arith.muli %scan3A_82, %mul3A_156 : i32
        %add3A_158 = arith.constant 7 : i32
        %add3A_159 = arith.addi %mul3A_157, %add3A_158 : i32
        %mul3A_160 = arith.constant 16 : i32
        %mul3A_161 = arith.muli %add3A_159, %mul3A_160 : i32
        %get3A_162 = arith.index_cast %mul3A_161 : i32 to index
        %get3A_163 = tpu.vector_load %arg6[%get3A_162] {strides = array<i32>} : memref<16384xf32, #tpu.memory_space<vmem>>, vector<16xf32>,
        %min3A_164 = arith.minimumf %min3A_144, %get3A_163 : vector<16xf32>
        %max3A_165 = arith.maximumf %max3A_145, %get3A_163 : vector<16xf32>
        %mul3A_166 = arith.constant 16 : i32
        %mul3A_167 = arith.muli %scan3A_82, %mul3A_166 : i32
        %add3A_168 = arith.constant 8 : i32
        %add3A_169 = arith.addi %mul3A_167, %add3A_168 : i32
        %mul3A_170 = arith.constant 16 : i32
        %mul3A_171 = arith.muli %add3A_169, %mul3A_170 : i32
        %get3A_172 = arith.index_cast %mul3A_171 : i32 to index
        %get3A_173 = tpu.vector_load %arg6[%get3A_172] {strides = array<i32>} : memref<16384xf32, #tpu.memory_space<vmem>>, vector<16xf32>,
        %min3A_174 = arith.minimumf %min3A_154, %get3A_173 : vector<16xf32>
        %max3A_175 = arith.maximumf %max3A_155, %get3A_173 : vector<16xf32>
        %mul3A_176 = arith.constant 16 : i32
        %mul3A_177 = arith.muli %scan3A_82, %mul3A_176 : i32
        %add3A_178 = arith.constant 9 : i32
        %add3A_179 = arith.addi %mul3A_177, %add3A_178 : i32
        %mul3A_180 = arith.constant 16 : i32
        %mul3A_181 = arith.muli %add3A_179, %mul3A_180 : i32
        %get3A_182 = arith.index_cast %mul3A_181 : i32 to index
        %get3A_183 = tpu.vector_load %arg6[%get3A_182] {strides = array<i32>} : memref<16384xf32, #tpu.memory_space<vmem>>, vector<16xf32>,
        %min3A_184 = arith.minimumf %min3A_164, %get3A_183 : vector<16xf32>
        %max3A_185 = arith.maximumf %max3A_165, %get3A_183 : vector<16xf32>
        %mul3A_186 = arith.constant 16 : i32
        %mul3A_187 = arith.muli %scan3A_82, %mul3A_186 : i32
        %add3A_188 = arith.constant 10 : i32
        %add3A_189 = arith.addi %mul3A_187, %add3A_188 : i32
        %mul3A_190 = arith.constant 16 : i32
        %mul3A_191 = arith.muli %add3A_189, %mul3A_190 : i32
        %get3A_192 = arith.index_cast %mul3A_191 : i32 to index
        %get3A_193 = tpu.vector_load %arg6[%get3A_192] {strides = array<i32>} : memref<16384xf32, #tpu.memory_space<vmem>>, vector<16xf32>,
        %min3A_194 = arith.minimumf %min3A_174, %get3A_193 : vector<16xf32>
        %max3A_195 = arith.maximumf %max3A_175, %get3A_193 : vector<16xf32>
        %mul3A_196 = arith.constant 16 : i32
        %mul3A_197 = arith.muli %scan3A_82, %mul3A_196 : i32
        %add3A_198 = arith.constant 11 : i32
        %add3A_199 = arith.addi %mul3A_197, %add3A_198 : i32
        %mul3A_200 = arith.constant 16 : i32
        %mul3A_201 = arith.muli %add3A_199, %mul3A_200 : i32
        %get3A_202 = arith.index_cast %mul3A_201 : i32 to index
        %get3A_203 = tpu.vector_load %arg6[%get3A_202] {strides = array<i32>} : memref<16384xf32, #tpu.memory_space<vmem>>, vector<16xf32>,
        %min3A_204 = arith.minimumf %min3A_184, %get3A_203 : vector<16xf32>
        %max3A_205 = arith.maximumf %max3A_185, %get3A_203 : vector<16xf32>
        %mul3A_206 = arith.constant 16 : i32
        %mul3A_207 = arith.muli %scan3A_82, %mul3A_206 : i32
        %add3A_208 = arith.constant 12 : i32
        %add3A_209 = arith.addi %mul3A_207, %add3A_208 : i32
        %mul3A_210 = arith.constant 16 : i32
        %mul3A_211 = arith.muli %add3A_209, %mul3A_210 : i32
        %get3A_212 = arith.index_cast %mul3A_211 : i32 to index
        %get3A_213 = tpu.vector_load %arg6[%get3A_212] {strides = array<i32>} : memref<16384xf32, #tpu.memory_space<vmem>>, vector<16xf32>,
        %min3A_214 = arith.minimumf %min3A_194, %get3A_213 : vector<16xf32>
        %max3A_215 = arith.maximumf %max3A_195, %get3A_213 : vector<16xf32>
        %mul3A_216 = arith.constant 16 : i32
        %mul3A_217 = arith.muli %scan3A_82, %mul3A_216 : i32
        %add3A_218 = arith.constant 13 : i32
        %add3A_219 = arith.addi %mul3A_217, %add3A_218 : i32
        %mul3A_220 = arith.constant 16 : i32
        %mul3A_221 = arith.muli %add3A_219, %mul3A_220 : i32
        %get3A_222 = arith.index_cast %mul3A_221 : i32 to index
        %get3A_223 = tpu.vector_load %arg6[%get3A_222] {strides = array<i32>} : memref<16384xf32, #tpu.memory_space<vmem>>, vector<16xf32>,
        %min3A_224 = arith.minimumf %min3A_204, %get3A_223 : vector<16xf32>
        %max3A_225 = arith.maximumf %max3A_205, %get3A_223 : vector<16xf32>
        %mul3A_226 = arith.constant 16 : i32
        %mul3A_227 = arith.muli %scan3A_82, %mul3A_226 : i32
        %add3A_228 = arith.constant 14 : i32
        %add3A_229 = arith.addi %mul3A_227, %add3A_228 : i32
        %mul3A_230 = arith.constant 16 : i32
        %mul3A_231 = arith.muli %add3A_229, %mul3A_230 : i32
        %get3A_232 = arith.index_cast %mul3A_231 : i32 to index
        %get3A_233 = tpu.vector_load %arg6[%get3A_232] {strides = array<i32>} : memref<16384xf32, #tpu.memory_space<vmem>>, vector<16xf32>,
        %min3A_234 = arith.minimumf %min3A_214, %get3A_233 : vector<16xf32>
        %max3A_235 = arith.maximumf %max3A_215, %get3A_233 : vector<16xf32>
        %mul3A_236 = arith.constant 16 : i32
        %mul3A_237 = arith.muli %scan3A_82, %mul3A_236 : i32
        %add3A_238 = arith.constant 15 : i32
        %add3A_239 = arith.addi %mul3A_237, %add3A_238 : i32
        %mul3A_240 = arith.constant 16 : i32
        %mul3A_241 = arith.muli %add3A_239, %mul3A_240 : i32
        %get3A_242 = arith.index_cast %mul3A_241 : i32 to index
        %get3A_243 = tpu.vector_load %arg6[%get3A_242] {strides = array<i32>} : memref<16384xf32, #tpu.memory_space<vmem>>, vector<16xf32>,
        %min3A_244 = arith.minimumf %min3A_224, %get3A_243 : vector<16xf32>
        %max3A_245 = arith.maximumf %max3A_225, %get3A_243 : vector<16xf32>
        scf.yield %min3A_234, %max3A_235, %min3A_244, %max3A_245 : vector<16xf32>, vector<16xf32>, vector<16xf32>, vector<16xf32>
      }
      %scan3A_62 = arith.constant 64 : i32
      %add3A_63 = arith.constant 2 : i32
      %add3A_64 = arith.addi %mul3A_45, %add3A_63 : i32
      %min3A_65 = arith.constant 6 : i32
      %min3A_66 = arith.minsi %add3A_64, %min3A_65 : i32
      %mul3A_67 = arith.constant 16384 : i32
      %mul3A_68 = arith.muli %min3A_66, %mul3A_67 : i32
      %add3A_69 = arith.addi %mul3A_8, %mul3A_68 : i32
      %dma_start3A_70 = tpu.memref_slice %arg2[%add3A_69] : memref<4194304xf32, #tpu.memory_space<hbm>> -> memref<16384xf32, #tpu.memory_space<hbm>>
      %dma_start3A_71 = tpu.memref_slice %arg2[%add3A_69] : memref<4194304xf32, #tpu.memory_space<hbm>> -> memref<16384xf32, #tpu.memory_space<hbm>>
      tpu.enqueue_dma source(%dma_start3A_71 : memref<16384xf32, #tpu.memory_space<hbm>>) target(%arg6 : memref<16384xf32, #tpu.memory_space<vmem>>) target_semaphore(%arg9 : memref<!tpu.dma_semaphore, #tpu.memory_space<semaphore_mem>>)
      %dma_wait3A_72 = arith.constant 0 : i32
      %dma_wait3A_73 = tpu.memref_slice %arg2[%dma_wait3A_72] : memref<4194304xf32, #tpu.memory_space<hbm>> -> memref<16384xf32, #tpu.memory_space<hbm>>
      %dma_wait3A_74 = arith.constant 0 : i32
      %dma_wait3A_75 = tpu.memref_slice %arg2[%dma_wait3A_74] : memref<4194304xf32, #tpu.memory_space<hbm>> -> memref<16384xf32, #tpu.memory_space<hbm>>
      tpu.wait_dma2 semaphore(%arg10 : memref<!tpu.dma_semaphore, #tpu.memory_space<semaphore_mem>>) src(%dma_wait3A_75 : memref<16384xf32, #tpu.memory_space<hbm>>) dst(%arg7 : memref<16384xf32, #tpu.memory_space<vmem>>)
      %scan3A_76 = arith.constant 0 : i32
      %scan3A_77 = arith.constant 64 : i32
      %scan3A_78 = arith.addi %scan3A_76, %scan3A_77 : i32
      %scan3A_79 = arith.constant 1 : i32
      %scan3A_80:4 = scf.for %scan3A_82 = %scan3A_76 to %scan3A_78 step %scan3A_79 iter_args(%scan3A_83 = %scan3A_61#0, %scan3A_84 = %scan3A_61#1, %scan3A_85 = %scan3A_61#2, %scan3A_86 = %scan3A_61#3) -> (vector<16xf32>, vector<16xf32>, vector<16xf32>, vector<16xf32>)  : i32 {
        %mul3A_87 = arith.constant 16 : i32
        %mul3A_88 = arith.muli %scan3A_82, %mul3A_87 : i32
        %add3A_89 = arith.constant 0 : i32
        %add3A_90 = arith.addi %mul3A_88, %add3A_89 : i32
        %mul3A_91 = arith.constant 16 : i32
        %mul3A_92 = arith.muli %add3A_90, %mul3A_91 : i32
        %get3A = arith.index_cast %mul3A_92 : i32 to index
        %get3A_93 = tpu.vector_load %arg7[%get3A] {strides = array<i32>} : memref<16384xf32, #tpu.memory_space<vmem>>, vector<16xf32>,
        %min3A_94 = arith.minimumf %scan3A_83, %get3A_93 : vector<16xf32>
        %max3A_95 = arith.maximumf %scan3A_84, %get3A_93 : vector<16xf32>
        %mul3A_96 = arith.constant 16 : i32
        %mul3A_97 = arith.muli %scan3A_82, %mul3A_96 : i32
        %add3A_98 = arith.constant 1 : i32
        %add3A_99 = arith.addi %mul3A_97, %add3A_98 : i32
        %mul3A_100 = arith.constant 16 : i32
        %mul3A_101 = arith.muli %add3A_99, %mul3A_100 : i32
        %get3A_102 = arith.index_cast %mul3A_101 : i32 to index
        %get3A_103 = tpu.vector_load %arg7[%get3A_102] {strides = array<i32>} : memref<16384xf32, #tpu.memory_space<vmem>>, vector<16xf32>,
        %min3A_104 = arith.minimumf %scan3A_85, %get3A_103 : vector<16xf32>
        %max3A_105 = arith.maximumf %scan3A_86, %get3A_103 : vector<16xf32>
        %mul3A_106 = arith.constant 16 : i32
        %mul3A_107 = arith.muli %scan3A_82, %mul3A_106 : i32
        %add3A_108 = arith.constant 2 : i32
        %add3A_109 = arith.addi %mul3A_107, %add3A_108 : i32
        %mul3A_110 = arith.constant 16 : i32
        %mul3A_111 = arith.muli %add3A_109, %mul3A_110 : i32
        %get3A_112 = arith.index_cast %mul3A_111 : i32 to index
        %get3A_113 = tpu.vector_load %arg7[%get3A_112] {strides = array<i32>} : memref<16384xf32, #tpu.memory_space<vmem>>, vector<16xf32>,
        %min3A_114 = arith.minimumf %min3A_94, %get3A_113 : vector<16xf32>
        %max3A_115 = arith.maximumf %max3A_95, %get3A_113 : vector<16xf32>
        %mul3A_116 = arith.constant 16 : i32
        %mul3A_117 = arith.muli %scan3A_82, %mul3A_116 : i32
        %add3A_118 = arith.constant 3 : i32
        %add3A_119 = arith.addi %mul3A_117, %add3A_118 : i32
        %mul3A_120 = arith.constant 16 : i32
        %mul3A_121 = arith.muli %add3A_119, %mul3A_120 : i32
        %get3A_122 = arith.index_cast %mul3A_121 : i32 to index
        %get3A_123 = tpu.vector_load %arg7[%get3A_122] {strides = array<i32>} : memref<16384xf32, #tpu.memory_space<vmem>>, vector<16xf32>,
        %min3A_124 = arith.minimumf %min3A_104, %get3A_123 : vector<16xf32>
        %max3A_125 = arith.maximumf %max3A_105, %get3A_123 : vector<16xf32>
        %mul3A_126 = arith.constant 16 : i32
        %mul3A_127 = arith.muli %scan3A_82, %mul3A_126 : i32
        %add3A_128 = arith.constant 4 : i32
        %add3A_129 = arith.addi %mul3A_127, %add3A_128 : i32
        %mul3A_130 = arith.constant 16 : i32
        %mul3A_131 = arith.muli %add3A_129, %mul3A_130 : i32
        %get3A_132 = arith.index_cast %mul3A_131 : i32 to index
        %get3A_133 = tpu.vector_load %arg7[%get3A_132] {strides = array<i32>} : memref<16384xf32, #tpu.memory_space<vmem>>, vector<16xf32>,
        %min3A_134 = arith.minimumf %min3A_114, %get3A_133 : vector<16xf32>
        %max3A_135 = arith.maximumf %max3A_115, %get3A_133 : vector<16xf32>
        %mul3A_136 = arith.constant 16 : i32
        %mul3A_137 = arith.muli %scan3A_82, %mul3A_136 : i32
        %add3A_138 = arith.constant 5 : i32
        %add3A_139 = arith.addi %mul3A_137, %add3A_138 : i32
        %mul3A_140 = arith.constant 16 : i32
        %mul3A_141 = arith.muli %add3A_139, %mul3A_140 : i32
        %get3A_142 = arith.index_cast %mul3A_141 : i32 to index
        %get3A_143 = tpu.vector_load %arg7[%get3A_142] {strides = array<i32>} : memref<16384xf32, #tpu.memory_space<vmem>>, vector<16xf32>,
        %min3A_144 = arith.minimumf %min3A_124, %get3A_143 : vector<16xf32>
        %max3A_145 = arith.maximumf %max3A_125, %get3A_143 : vector<16xf32>
        %mul3A_146 = arith.constant 16 : i32
        %mul3A_147 = arith.muli %scan3A_82, %mul3A_146 : i32
        %add3A_148 = arith.constant 6 : i32
        %add3A_149 = arith.addi %mul3A_147, %add3A_148 : i32
        %mul3A_150 = arith.constant 16 : i32
        %mul3A_151 = arith.muli %add3A_149, %mul3A_150 : i32
        %get3A_152 = arith.index_cast %mul3A_151 : i32 to index
        %get3A_153 = tpu.vector_load %arg7[%get3A_152] {strides = array<i32>} : memref<16384xf32, #tpu.memory_space<vmem>>, vector<16xf32>,
        %min3A_154 = arith.minimumf %min3A_134, %get3A_153 : vector<16xf32>
        %max3A_155 = arith.maximumf %max3A_135, %get3A_153 : vector<16xf32>
        %mul3A_156 = arith.constant 16 : i32
        %mul3A_157 = arith.muli %scan3A_82, %mul3A_156 : i32
        %add3A_158 = arith.constant 7 : i32
        %add3A_159 = arith.addi %mul3A_157, %add3A_158 : i32
        %mul3A_160 = arith.constant 16 : i32
        %mul3A_161 = arith.muli %add3A_159, %mul3A_160 : i32
        %get3A_162 = arith.index_cast %mul3A_161 : i32 to index
        %get3A_163 = tpu.vector_load %arg7[%get3A_162] {strides = array<i32>} : memref<16384xf32, #tpu.memory_space<vmem>>, vector<16xf32>,
        %min3A_164 = arith.minimumf %min3A_144, %get3A_163 : vector<16xf32>
        %max3A_165 = arith.maximumf %max3A_145, %get3A_163 : vector<16xf32>
        %mul3A_166 = arith.constant 16 : i32
        %mul3A_167 = arith.muli %scan3A_82, %mul3A_166 : i32
        %add3A_168 = arith.constant 8 : i32
        %add3A_169 = arith.addi %mul3A_167, %add3A_168 : i32
        %mul3A_170 = arith.constant 16 : i32
        %mul3A_171 = arith.muli %add3A_169, %mul3A_170 : i32
        %get3A_172 = arith.index_cast %mul3A_171 : i32 to index
        %get3A_173 = tpu.vector_load %arg7[%get3A_172] {strides = array<i32>} : memref<16384xf32, #tpu.memory_space<vmem>>, vector<16xf32>,
        %min3A_174 = arith.minimumf %min3A_154, %get3A_173 : vector<16xf32>
        %max3A_175 = arith.maximumf %max3A_155, %get3A_173 : vector<16xf32>
        %mul3A_176 = arith.constant 16 : i32
        %mul3A_177 = arith.muli %scan3A_82, %mul3A_176 : i32
        %add3A_178 = arith.constant 9 : i32
        %add3A_179 = arith.addi %mul3A_177, %add3A_178 : i32
        %mul3A_180 = arith.constant 16 : i32
        %mul3A_181 = arith.muli %add3A_179, %mul3A_180 : i32
        %get3A_182 = arith.index_cast %mul3A_181 : i32 to index
        %get3A_183 = tpu.vector_load %arg7[%get3A_182] {strides = array<i32>} : memref<16384xf32, #tpu.memory_space<vmem>>, vector<16xf32>,
        %min3A_184 = arith.minimumf %min3A_164, %get3A_183 : vector<16xf32>
        %max3A_185 = arith.maximumf %max3A_165, %get3A_183 : vector<16xf32>
        %mul3A_186 = arith.constant 16 : i32
        %mul3A_187 = arith.muli %scan3A_82, %mul3A_186 : i32
        %add3A_188 = arith.constant 10 : i32
        %add3A_189 = arith.addi %mul3A_187, %add3A_188 : i32
        %mul3A_190 = arith.constant 16 : i32
        %mul3A_191 = arith.muli %add3A_189, %mul3A_190 : i32
        %get3A_192 = arith.index_cast %mul3A_191 : i32 to index
        %get3A_193 = tpu.vector_load %arg7[%get3A_192] {strides = array<i32>} : memref<16384xf32, #tpu.memory_space<vmem>>, vector<16xf32>,
        %min3A_194 = arith.minimumf %min3A_174, %get3A_193 : vector<16xf32>
        %max3A_195 = arith.maximumf %max3A_175, %get3A_193 : vector<16xf32>
        %mul3A_196 = arith.constant 16 : i32
        %mul3A_197 = arith.muli %scan3A_82, %mul3A_196 : i32
        %add3A_198 = arith.constant 11 : i32
        %add3A_199 = arith.addi %mul3A_197, %add3A_198 : i32
        %mul3A_200 = arith.constant 16 : i32
        %mul3A_201 = arith.muli %add3A_199, %mul3A_200 : i32
        %get3A_202 = arith.index_cast %mul3A_201 : i32 to index
        %get3A_203 = tpu.vector_load %arg7[%get3A_202] {strides = array<i32>} : memref<16384xf32, #tpu.memory_space<vmem>>, vector<16xf32>,
        %min3A_204 = arith.minimumf %min3A_184, %get3A_203 : vector<16xf32>
        %max3A_205 = arith.maximumf %max3A_185, %get3A_203 : vector<16xf32>
        %mul3A_206 = arith.constant 16 : i32
        %mul3A_207 = arith.muli %scan3A_82, %mul3A_206 : i32
        %add3A_208 = arith.constant 12 : i32
        %add3A_209 = arith.addi %mul3A_207, %add3A_208 : i32
        %mul3A_210 = arith.constant 16 : i32
        %mul3A_211 = arith.muli %add3A_209, %mul3A_210 : i32
        %get3A_212 = arith.index_cast %mul3A_211 : i32 to index
        %get3A_213 = tpu.vector_load %arg7[%get3A_212] {strides = array<i32>} : memref<16384xf32, #tpu.memory_space<vmem>>, vector<16xf32>,
        %min3A_214 = arith.minimumf %min3A_194, %get3A_213 : vector<16xf32>
        %max3A_215 = arith.maximumf %max3A_195, %get3A_213 : vector<16xf32>
        %mul3A_216 = arith.constant 16 : i32
        %mul3A_217 = arith.muli %scan3A_82, %mul3A_216 : i32
        %add3A_218 = arith.constant 13 : i32
        %add3A_219 = arith.addi %mul3A_217, %add3A_218 : i32
        %mul3A_220 = arith.constant 16 : i32
        %mul3A_221 = arith.muli %add3A_219, %mul3A_220 : i32
        %get3A_222 = arith.index_cast %mul3A_221 : i32 to index
        %get3A_223 = tpu.vector_load %arg7[%get3A_222] {strides = array<i32>} : memref<16384xf32, #tpu.memory_space<vmem>>, vector<16xf32>,
        %min3A_224 = arith.minimumf %min3A_204, %get3A_223 : vector<16xf32>
        %max3A_225 = arith.maximumf %max3A_205, %get3A_223 : vector<16xf32>
        %mul3A_226 = arith.constant 16 : i32
        %mul3A_227 = arith.muli %scan3A_82, %mul3A_226 : i32
        %add3A_228 = arith.constant 14 : i32
        %add3A_229 = arith.addi %mul3A_227, %add3A_228 : i32
        %mul3A_230 = arith.constant 16 : i32
        %mul3A_231 = arith.muli %add3A_229, %mul3A_230 : i32
        %get3A_232 = arith.index_cast %mul3A_231 : i32 to index
        %get3A_233 = tpu.vector_load %arg7[%get3A_232] {strides = array<i32>} : memref<16384xf32, #tpu.memory_space<vmem>>, vector<16xf32>,
        %min3A_234 = arith.minimumf %min3A_214, %get3A_233 : vector<16xf32>
        %max3A_235 = arith.maximumf %max3A_215, %get3A_233 : vector<16xf32>
        %mul3A_236 = arith.constant 16 : i32
        %mul3A_237 = arith.muli %scan3A_82, %mul3A_236 : i32
        %add3A_238 = arith.constant 15 : i32
        %add3A_239 = arith.addi %mul3A_237, %add3A_238 : i32
        %mul3A_240 = arith.constant 16 : i32
        %mul3A_241 = arith.muli %add3A_239, %mul3A_240 : i32
        %get3A_242 = arith.index_cast %mul3A_241 : i32 to index
        %get3A_243 = tpu.vector_load %arg7[%get3A_242] {strides = array<i32>} : memref<16384xf32, #tpu.memory_space<vmem>>, vector<16xf32>,
        %min3A_244 = arith.minimumf %min3A_224, %get3A_243 : vector<16xf32>
        %max3A_245 = arith.maximumf %max3A_225, %get3A_243 : vector<16xf32>
        scf.yield %min3A_234, %max3A_235, %min3A_244, %max3A_245 : vector<16xf32>, vector<16xf32>, vector<16xf32>, vector<16xf32>
      }
      %scan3A_81 = arith.constant 64 : i32
      scf.yield %scan3A_80#0, %scan3A_80#1, %scan3A_80#2, %scan3A_80#3 : vector<16xf32>, vector<16xf32>, vector<16xf32>, vector<16xf32>
    }
    %scan3A_14 = arith.constant 4 : i32
    %dma_wait3A = arith.constant 0 : i32
    %dma_wait3A_15 = tpu.memref_slice %arg2[%dma_wait3A] : memref<4194304xf32, #tpu.memory_space<hbm>> -> memref<16384xf32, #tpu.memory_space<hbm>>
    %dma_wait3A_16 = arith.constant 0 : i32
    %dma_wait3A_17 = tpu.memref_slice %arg2[%dma_wait3A_16] : memref<4194304xf32, #tpu.memory_space<hbm>> -> memref<16384xf32, #tpu.memory_space<hbm>>
    tpu.wait_dma2 semaphore(%arg9 : memref<!tpu.dma_semaphore, #tpu.memory_space<semaphore_mem>>) src(%dma_wait3A_17 : memref<16384xf32, #tpu.memory_space<hbm>>) dst(%arg6 : memref<16384xf32, #tpu.memory_space<vmem>>)
    %mul3A_18 = arith.constant 524288 : i32
    %mul3A_19 = arith.muli %add3A, %mul3A_18 : i32
    %dma_start3A_20 = tpu.memref_slice %arg3[%mul3A_19] : memref<16777216xf32, #tpu.memory_space<hbm>> -> memref<16384xf32, #tpu.memory_space<hbm>>
    %dma_start3A_21 = tpu.memref_slice %arg3[%mul3A_19] : memref<16777216xf32, #tpu.memory_space<hbm>> -> memref<16384xf32, #tpu.memory_space<hbm>>
    tpu.enqueue_dma source(%dma_start3A_21 : memref<16384xf32, #tpu.memory_space<hbm>>) target(%arg6 : memref<16384xf32, #tpu.memory_space<vmem>>) target_semaphore(%arg9 : memref<!tpu.dma_semaphore, #tpu.memory_space<semaphore_mem>>)
    %scan3A_22 = arith.constant 0 : i32
    %scan3A_23 = arith.constant 16 : i32
    %scan3A_24 = arith.addi %scan3A_22, %scan3A_23 : i32
    %scan3A_25 = arith.constant 1 : i32
    %scan3A_26:4 = scf.for %scan3A_39 = %scan3A_22 to %scan3A_24 step %scan3A_25 iter_args(%scan3A_40 = %scan3A_13#0, %scan3A_41 = %scan3A_13#1, %scan3A_42 = %scan3A_13#2, %scan3A_43 = %scan3A_13#3) -> (vector<16xf32>, vector<16xf32>, vector<16xf32>, vector<16xf32>)  : i32 {
      %mul3A_44 = arith.constant 2 : i32
      %mul3A_45 = arith.muli %scan3A_39, %mul3A_44 : i32
      %add3A_46 = arith.constant 1 : i32
      %add3A_47 = arith.addi %mul3A_45, %add3A_46 : i32
      %mul3A_48 = arith.constant 16384 : i32
      %mul3A_49 = arith.muli %add3A_47, %mul3A_48 : i32
      %add3A_50 = arith.addi %mul3A_19, %mul3A_49 : i32
      %dma_start3A_51 = tpu.memref_slice %arg3[%add3A_50] : memref<16777216xf32, #tpu.memory_space<hbm>> -> memref<16384xf32, #tpu.memory_space<hbm>>
      %dma_start3A_52 = tpu.memref_slice %arg3[%add3A_50] : memref<16777216xf32, #tpu.memory_space<hbm>> -> memref<16384xf32, #tpu.memory_space<hbm>>
      tpu.enqueue_dma source(%dma_start3A_52 : memref<16384xf32, #tpu.memory_space<hbm>>) target(%arg7 : memref<16384xf32, #tpu.memory_space<vmem>>) target_semaphore(%arg10 : memref<!tpu.dma_semaphore, #tpu.memory_space<semaphore_mem>>)
      %dma_wait3A_53 = arith.constant 0 : i32
      %dma_wait3A_54 = tpu.memref_slice %arg3[%dma_wait3A_53] : memref<16777216xf32, #tpu.memory_space<hbm>> -> memref<16384xf32, #tpu.memory_space<hbm>>
      %dma_wait3A_55 = arith.constant 0 : i32
      %dma_wait3A_56 = tpu.memref_slice %arg3[%dma_wait3A_55] : memref<16777216xf32, #tpu.memory_space<hbm>> -> memref<16384xf32, #tpu.memory_space<hbm>>
      tpu.wait_dma2 semaphore(%arg9 : memref<!tpu.dma_semaphore, #tpu.memory_space<semaphore_mem>>) src(%dma_wait3A_56 : memref<16384xf32, #tpu.memory_space<hbm>>) dst(%arg6 : memref<16384xf32, #tpu.memory_space<vmem>>)
      %scan3A_57 = arith.constant 0 : i32
      %scan3A_58 = arith.constant 64 : i32
      %scan3A_59 = arith.addi %scan3A_57, %scan3A_58 : i32
      %scan3A_60 = arith.constant 1 : i32
      %scan3A_61:4 = scf.for %scan3A_82 = %scan3A_57 to %scan3A_59 step %scan3A_60 iter_args(%scan3A_83 = %scan3A_40, %scan3A_84 = %scan3A_41, %scan3A_85 = %scan3A_42, %scan3A_86 = %scan3A_43) -> (vector<16xf32>, vector<16xf32>, vector<16xf32>, vector<16xf32>)  : i32 {
        %mul3A_87 = arith.constant 16 : i32
        %mul3A_88 = arith.muli %scan3A_82, %mul3A_87 : i32
        %add3A_89 = arith.constant 0 : i32
        %add3A_90 = arith.addi %mul3A_88, %add3A_89 : i32
        %mul3A_91 = arith.constant 16 : i32
        %mul3A_92 = arith.muli %add3A_90, %mul3A_91 : i32
        %get3A = arith.index_cast %mul3A_92 : i32 to index
        %get3A_93 = tpu.vector_load %arg6[%get3A] {strides = array<i32>} : memref<16384xf32, #tpu.memory_space<vmem>>, vector<16xf32>,
        %min3A_94 = arith.minimumf %scan3A_83, %get3A_93 : vector<16xf32>
        %max3A_95 = arith.maximumf %scan3A_84, %get3A_93 : vector<16xf32>
        %mul3A_96 = arith.constant 16 : i32
        %mul3A_97 = arith.muli %scan3A_82, %mul3A_96 : i32
        %add3A_98 = arith.constant 1 : i32
        %add3A_99 = arith.addi %mul3A_97, %add3A_98 : i32
        %mul3A_100 = arith.constant 16 : i32
        %mul3A_101 = arith.muli %add3A_99, %mul3A_100 : i32
        %get3A_102 = arith.index_cast %mul3A_101 : i32 to index
        %get3A_103 = tpu.vector_load %arg6[%get3A_102] {strides = array<i32>} : memref<16384xf32, #tpu.memory_space<vmem>>, vector<16xf32>,
        %min3A_104 = arith.minimumf %scan3A_85, %get3A_103 : vector<16xf32>
        %max3A_105 = arith.maximumf %scan3A_86, %get3A_103 : vector<16xf32>
        %mul3A_106 = arith.constant 16 : i32
        %mul3A_107 = arith.muli %scan3A_82, %mul3A_106 : i32
        %add3A_108 = arith.constant 2 : i32
        %add3A_109 = arith.addi %mul3A_107, %add3A_108 : i32
        %mul3A_110 = arith.constant 16 : i32
        %mul3A_111 = arith.muli %add3A_109, %mul3A_110 : i32
        %get3A_112 = arith.index_cast %mul3A_111 : i32 to index
        %get3A_113 = tpu.vector_load %arg6[%get3A_112] {strides = array<i32>} : memref<16384xf32, #tpu.memory_space<vmem>>, vector<16xf32>,
        %min3A_114 = arith.minimumf %min3A_94, %get3A_113 : vector<16xf32>
        %max3A_115 = arith.maximumf %max3A_95, %get3A_113 : vector<16xf32>
        %mul3A_116 = arith.constant 16 : i32
        %mul3A_117 = arith.muli %scan3A_82, %mul3A_116 : i32
        %add3A_118 = arith.constant 3 : i32
        %add3A_119 = arith.addi %mul3A_117, %add3A_118 : i32
        %mul3A_120 = arith.constant 16 : i32
        %mul3A_121 = arith.muli %add3A_119, %mul3A_120 : i32
        %get3A_122 = arith.index_cast %mul3A_121 : i32 to index
        %get3A_123 = tpu.vector_load %arg6[%get3A_122] {strides = array<i32>} : memref<16384xf32, #tpu.memory_space<vmem>>, vector<16xf32>,
        %min3A_124 = arith.minimumf %min3A_104, %get3A_123 : vector<16xf32>
        %max3A_125 = arith.maximumf %max3A_105, %get3A_123 : vector<16xf32>
        %mul3A_126 = arith.constant 16 : i32
        %mul3A_127 = arith.muli %scan3A_82, %mul3A_126 : i32
        %add3A_128 = arith.constant 4 : i32
        %add3A_129 = arith.addi %mul3A_127, %add3A_128 : i32
        %mul3A_130 = arith.constant 16 : i32
        %mul3A_131 = arith.muli %add3A_129, %mul3A_130 : i32
        %get3A_132 = arith.index_cast %mul3A_131 : i32 to index
        %get3A_133 = tpu.vector_load %arg6[%get3A_132] {strides = array<i32>} : memref<16384xf32, #tpu.memory_space<vmem>>, vector<16xf32>,
        %min3A_134 = arith.minimumf %min3A_114, %get3A_133 : vector<16xf32>
        %max3A_135 = arith.maximumf %max3A_115, %get3A_133 : vector<16xf32>
        %mul3A_136 = arith.constant 16 : i32
        %mul3A_137 = arith.muli %scan3A_82, %mul3A_136 : i32
        %add3A_138 = arith.constant 5 : i32
        %add3A_139 = arith.addi %mul3A_137, %add3A_138 : i32
        %mul3A_140 = arith.constant 16 : i32
        %mul3A_141 = arith.muli %add3A_139, %mul3A_140 : i32
        %get3A_142 = arith.index_cast %mul3A_141 : i32 to index
        %get3A_143 = tpu.vector_load %arg6[%get3A_142] {strides = array<i32>} : memref<16384xf32, #tpu.memory_space<vmem>>, vector<16xf32>,
        %min3A_144 = arith.minimumf %min3A_124, %get3A_143 : vector<16xf32>
        %max3A_145 = arith.maximumf %max3A_125, %get3A_143 : vector<16xf32>
        %mul3A_146 = arith.constant 16 : i32
        %mul3A_147 = arith.muli %scan3A_82, %mul3A_146 : i32
        %add3A_148 = arith.constant 6 : i32
        %add3A_149 = arith.addi %mul3A_147, %add3A_148 : i32
        %mul3A_150 = arith.constant 16 : i32
        %mul3A_151 = arith.muli %add3A_149, %mul3A_150 : i32
        %get3A_152 = arith.index_cast %mul3A_151 : i32 to index
        %get3A_153 = tpu.vector_load %arg6[%get3A_152] {strides = array<i32>} : memref<16384xf32, #tpu.memory_space<vmem>>, vector<16xf32>,
        %min3A_154 = arith.minimumf %min3A_134, %get3A_153 : vector<16xf32>
        %max3A_155 = arith.maximumf %max3A_135, %get3A_153 : vector<16xf32>
        %mul3A_156 = arith.constant 16 : i32
        %mul3A_157 = arith.muli %scan3A_82, %mul3A_156 : i32
        %add3A_158 = arith.constant 7 : i32
        %add3A_159 = arith.addi %mul3A_157, %add3A_158 : i32
        %mul3A_160 = arith.constant 16 : i32
        %mul3A_161 = arith.muli %add3A_159, %mul3A_160 : i32
        %get3A_162 = arith.index_cast %mul3A_161 : i32 to index
        %get3A_163 = tpu.vector_load %arg6[%get3A_162] {strides = array<i32>} : memref<16384xf32, #tpu.memory_space<vmem>>, vector<16xf32>,
        %min3A_164 = arith.minimumf %min3A_144, %get3A_163 : vector<16xf32>
        %max3A_165 = arith.maximumf %max3A_145, %get3A_163 : vector<16xf32>
        %mul3A_166 = arith.constant 16 : i32
        %mul3A_167 = arith.muli %scan3A_82, %mul3A_166 : i32
        %add3A_168 = arith.constant 8 : i32
        %add3A_169 = arith.addi %mul3A_167, %add3A_168 : i32
        %mul3A_170 = arith.constant 16 : i32
        %mul3A_171 = arith.muli %add3A_169, %mul3A_170 : i32
        %get3A_172 = arith.index_cast %mul3A_171 : i32 to index
        %get3A_173 = tpu.vector_load %arg6[%get3A_172] {strides = array<i32>} : memref<16384xf32, #tpu.memory_space<vmem>>, vector<16xf32>,
        %min3A_174 = arith.minimumf %min3A_154, %get3A_173 : vector<16xf32>
        %max3A_175 = arith.maximumf %max3A_155, %get3A_173 : vector<16xf32>
        %mul3A_176 = arith.constant 16 : i32
        %mul3A_177 = arith.muli %scan3A_82, %mul3A_176 : i32
        %add3A_178 = arith.constant 9 : i32
        %add3A_179 = arith.addi %mul3A_177, %add3A_178 : i32
        %mul3A_180 = arith.constant 16 : i32
        %mul3A_181 = arith.muli %add3A_179, %mul3A_180 : i32
        %get3A_182 = arith.index_cast %mul3A_181 : i32 to index
        %get3A_183 = tpu.vector_load %arg6[%get3A_182] {strides = array<i32>} : memref<16384xf32, #tpu.memory_space<vmem>>, vector<16xf32>,
        %min3A_184 = arith.minimumf %min3A_164, %get3A_183 : vector<16xf32>
        %max3A_185 = arith.maximumf %max3A_165, %get3A_183 : vector<16xf32>
        %mul3A_186 = arith.constant 16 : i32
        %mul3A_187 = arith.muli %scan3A_82, %mul3A_186 : i32
        %add3A_188 = arith.constant 10 : i32
        %add3A_189 = arith.addi %mul3A_187, %add3A_188 : i32
        %mul3A_190 = arith.constant 16 : i32
        %mul3A_191 = arith.muli %add3A_189, %mul3A_190 : i32
        %get3A_192 = arith.index_cast %mul3A_191 : i32 to index
        %get3A_193 = tpu.vector_load %arg6[%get3A_192] {strides = array<i32>} : memref<16384xf32, #tpu.memory_space<vmem>>, vector<16xf32>,
        %min3A_194 = arith.minimumf %min3A_174, %get3A_193 : vector<16xf32>
        %max3A_195 = arith.maximumf %max3A_175, %get3A_193 : vector<16xf32>
        %mul3A_196 = arith.constant 16 : i32
        %mul3A_197 = arith.muli %scan3A_82, %mul3A_196 : i32
        %add3A_198 = arith.constant 11 : i32
        %add3A_199 = arith.addi %mul3A_197, %add3A_198 : i32
        %mul3A_200 = arith.constant 16 : i32
        %mul3A_201 = arith.muli %add3A_199, %mul3A_200 : i32
        %get3A_202 = arith.index_cast %mul3A_201 : i32 to index
        %get3A_203 = tpu.vector_load %arg6[%get3A_202] {strides = array<i32>} : memref<16384xf32, #tpu.memory_space<vmem>>, vector<16xf32>,
        %min3A_204 = arith.minimumf %min3A_184, %get3A_203 : vector<16xf32>
        %max3A_205 = arith.maximumf %max3A_185, %get3A_203 : vector<16xf32>
        %mul3A_206 = arith.constant 16 : i32
        %mul3A_207 = arith.muli %scan3A_82, %mul3A_206 : i32
        %add3A_208 = arith.constant 12 : i32
        %add3A_209 = arith.addi %mul3A_207, %add3A_208 : i32
        %mul3A_210 = arith.constant 16 : i32
        %mul3A_211 = arith.muli %add3A_209, %mul3A_210 : i32
        %get3A_212 = arith.index_cast %mul3A_211 : i32 to index
        %get3A_213 = tpu.vector_load %arg6[%get3A_212] {strides = array<i32>} : memref<16384xf32, #tpu.memory_space<vmem>>, vector<16xf32>,
        %min3A_214 = arith.minimumf %min3A_194, %get3A_213 : vector<16xf32>
        %max3A_215 = arith.maximumf %max3A_195, %get3A_213 : vector<16xf32>
        %mul3A_216 = arith.constant 16 : i32
        %mul3A_217 = arith.muli %scan3A_82, %mul3A_216 : i32
        %add3A_218 = arith.constant 13 : i32
        %add3A_219 = arith.addi %mul3A_217, %add3A_218 : i32
        %mul3A_220 = arith.constant 16 : i32
        %mul3A_221 = arith.muli %add3A_219, %mul3A_220 : i32
        %get3A_222 = arith.index_cast %mul3A_221 : i32 to index
        %get3A_223 = tpu.vector_load %arg6[%get3A_222] {strides = array<i32>} : memref<16384xf32, #tpu.memory_space<vmem>>, vector<16xf32>,
        %min3A_224 = arith.minimumf %min3A_204, %get3A_223 : vector<16xf32>
        %max3A_225 = arith.maximumf %max3A_205, %get3A_223 : vector<16xf32>
        %mul3A_226 = arith.constant 16 : i32
        %mul3A_227 = arith.muli %scan3A_82, %mul3A_226 : i32
        %add3A_228 = arith.constant 14 : i32
        %add3A_229 = arith.addi %mul3A_227, %add3A_228 : i32
        %mul3A_230 = arith.constant 16 : i32
        %mul3A_231 = arith.muli %add3A_229, %mul3A_230 : i32
        %get3A_232 = arith.index_cast %mul3A_231 : i32 to index
        %get3A_233 = tpu.vector_load %arg6[%get3A_232] {strides = array<i32>} : memref<16384xf32, #tpu.memory_space<vmem>>, vector<16xf32>,
        %min3A_234 = arith.minimumf %min3A_214, %get3A_233 : vector<16xf32>
        %max3A_235 = arith.maximumf %max3A_215, %get3A_233 : vector<16xf32>
        %mul3A_236 = arith.constant 16 : i32
        %mul3A_237 = arith.muli %scan3A_82, %mul3A_236 : i32
        %add3A_238 = arith.constant 15 : i32
        %add3A_239 = arith.addi %mul3A_237, %add3A_238 : i32
        %mul3A_240 = arith.constant 16 : i32
        %mul3A_241 = arith.muli %add3A_239, %mul3A_240 : i32
        %get3A_242 = arith.index_cast %mul3A_241 : i32 to index
        %get3A_243 = tpu.vector_load %arg6[%get3A_242] {strides = array<i32>} : memref<16384xf32, #tpu.memory_space<vmem>>, vector<16xf32>,
        %min3A_244 = arith.minimumf %min3A_224, %get3A_243 : vector<16xf32>
        %max3A_245 = arith.maximumf %max3A_225, %get3A_243 : vector<16xf32>
        scf.yield %min3A_234, %max3A_235, %min3A_244, %max3A_245 : vector<16xf32>, vector<16xf32>, vector<16xf32>, vector<16xf32>
      }
      %scan3A_62 = arith.constant 64 : i32
      %add3A_63 = arith.constant 2 : i32
      %add3A_64 = arith.addi %mul3A_45, %add3A_63 : i32
      %min3A_65 = arith.constant 30 : i32
      %min3A_66 = arith.minsi %add3A_64, %min3A_65 : i32
      %mul3A_67 = arith.constant 16384 : i32
      %mul3A_68 = arith.muli %min3A_66, %mul3A_67 : i32
      %add3A_69 = arith.addi %mul3A_19, %mul3A_68 : i32
      %dma_start3A_70 = tpu.memref_slice %arg3[%add3A_69] : memref<16777216xf32, #tpu.memory_space<hbm>> -> memref<16384xf32, #tpu.memory_space<hbm>>
      %dma_start3A_71 = tpu.memref_slice %arg3[%add3A_69] : memref<16777216xf32, #tpu.memory_space<hbm>> -> memref<16384xf32, #tpu.memory_space<hbm>>
      tpu.enqueue_dma source(%dma_start3A_71 : memref<16384xf32, #tpu.memory_space<hbm>>) target(%arg6 : memref<16384xf32, #tpu.memory_space<vmem>>) target_semaphore(%arg9 : memref<!tpu.dma_semaphore, #tpu.memory_space<semaphore_mem>>)
      %dma_wait3A_72 = arith.constant 0 : i32
      %dma_wait3A_73 = tpu.memref_slice %arg3[%dma_wait3A_72] : memref<16777216xf32, #tpu.memory_space<hbm>> -> memref<16384xf32, #tpu.memory_space<hbm>>
      %dma_wait3A_74 = arith.constant 0 : i32
      %dma_wait3A_75 = tpu.memref_slice %arg3[%dma_wait3A_74] : memref<16777216xf32, #tpu.memory_space<hbm>> -> memref<16384xf32, #tpu.memory_space<hbm>>
      tpu.wait_dma2 semaphore(%arg10 : memref<!tpu.dma_semaphore, #tpu.memory_space<semaphore_mem>>) src(%dma_wait3A_75 : memref<16384xf32, #tpu.memory_space<hbm>>) dst(%arg7 : memref<16384xf32, #tpu.memory_space<vmem>>)
      %scan3A_76 = arith.constant 0 : i32
      %scan3A_77 = arith.constant 64 : i32
      %scan3A_78 = arith.addi %scan3A_76, %scan3A_77 : i32
      %scan3A_79 = arith.constant 1 : i32
      %scan3A_80:4 = scf.for %scan3A_82 = %scan3A_76 to %scan3A_78 step %scan3A_79 iter_args(%scan3A_83 = %scan3A_61#0, %scan3A_84 = %scan3A_61#1, %scan3A_85 = %scan3A_61#2, %scan3A_86 = %scan3A_61#3) -> (vector<16xf32>, vector<16xf32>, vector<16xf32>, vector<16xf32>)  : i32 {
        %mul3A_87 = arith.constant 16 : i32
        %mul3A_88 = arith.muli %scan3A_82, %mul3A_87 : i32
        %add3A_89 = arith.constant 0 : i32
        %add3A_90 = arith.addi %mul3A_88, %add3A_89 : i32
        %mul3A_91 = arith.constant 16 : i32
        %mul3A_92 = arith.muli %add3A_90, %mul3A_91 : i32
        %get3A = arith.index_cast %mul3A_92 : i32 to index
        %get3A_93 = tpu.vector_load %arg7[%get3A] {strides = array<i32>} : memref<16384xf32, #tpu.memory_space<vmem>>, vector<16xf32>,
        %min3A_94 = arith.minimumf %scan3A_83, %get3A_93 : vector<16xf32>
        %max3A_95 = arith.maximumf %scan3A_84, %get3A_93 : vector<16xf32>
        %mul3A_96 = arith.constant 16 : i32
        %mul3A_97 = arith.muli %scan3A_82, %mul3A_96 : i32
        %add3A_98 = arith.constant 1 : i32
        %add3A_99 = arith.addi %mul3A_97, %add3A_98 : i32
        %mul3A_100 = arith.constant 16 : i32
        %mul3A_101 = arith.muli %add3A_99, %mul3A_100 : i32
        %get3A_102 = arith.index_cast %mul3A_101 : i32 to index
        %get3A_103 = tpu.vector_load %arg7[%get3A_102] {strides = array<i32>} : memref<16384xf32, #tpu.memory_space<vmem>>, vector<16xf32>,
        %min3A_104 = arith.minimumf %scan3A_85, %get3A_103 : vector<16xf32>
        %max3A_105 = arith.maximumf %scan3A_86, %get3A_103 : vector<16xf32>
        %mul3A_106 = arith.constant 16 : i32
        %mul3A_107 = arith.muli %scan3A_82, %mul3A_106 : i32
        %add3A_108 = arith.constant 2 : i32
        %add3A_109 = arith.addi %mul3A_107, %add3A_108 : i32
        %mul3A_110 = arith.constant 16 : i32
        %mul3A_111 = arith.muli %add3A_109, %mul3A_110 : i32
        %get3A_112 = arith.index_cast %mul3A_111 : i32 to index
        %get3A_113 = tpu.vector_load %arg7[%get3A_112] {strides = array<i32>} : memref<16384xf32, #tpu.memory_space<vmem>>, vector<16xf32>,
        %min3A_114 = arith.minimumf %min3A_94, %get3A_113 : vector<16xf32>
        %max3A_115 = arith.maximumf %max3A_95, %get3A_113 : vector<16xf32>
        %mul3A_116 = arith.constant 16 : i32
        %mul3A_117 = arith.muli %scan3A_82, %mul3A_116 : i32
        %add3A_118 = arith.constant 3 : i32
        %add3A_119 = arith.addi %mul3A_117, %add3A_118 : i32
        %mul3A_120 = arith.constant 16 : i32
        %mul3A_121 = arith.muli %add3A_119, %mul3A_120 : i32
        %get3A_122 = arith.index_cast %mul3A_121 : i32 to index
        %get3A_123 = tpu.vector_load %arg7[%get3A_122] {strides = array<i32>} : memref<16384xf32, #tpu.memory_space<vmem>>, vector<16xf32>,
        %min3A_124 = arith.minimumf %min3A_104, %get3A_123 : vector<16xf32>
        %max3A_125 = arith.maximumf %max3A_105, %get3A_123 : vector<16xf32>
        %mul3A_126 = arith.constant 16 : i32
        %mul3A_127 = arith.muli %scan3A_82, %mul3A_126 : i32
        %add3A_128 = arith.constant 4 : i32
        %add3A_129 = arith.addi %mul3A_127, %add3A_128 : i32
        %mul3A_130 = arith.constant 16 : i32
        %mul3A_131 = arith.muli %add3A_129, %mul3A_130 : i32
        %get3A_132 = arith.index_cast %mul3A_131 : i32 to index
        %get3A_133 = tpu.vector_load %arg7[%get3A_132] {strides = array<i32>} : memref<16384xf32, #tpu.memory_space<vmem>>, vector<16xf32>,
        %min3A_134 = arith.minimumf %min3A_114, %get3A_133 : vector<16xf32>
        %max3A_135 = arith.maximumf %max3A_115, %get3A_133 : vector<16xf32>
        %mul3A_136 = arith.constant 16 : i32
        %mul3A_137 = arith.muli %scan3A_82, %mul3A_136 : i32
        %add3A_138 = arith.constant 5 : i32
        %add3A_139 = arith.addi %mul3A_137, %add3A_138 : i32
        %mul3A_140 = arith.constant 16 : i32
        %mul3A_141 = arith.muli %add3A_139, %mul3A_140 : i32
        %get3A_142 = arith.index_cast %mul3A_141 : i32 to index
        %get3A_143 = tpu.vector_load %arg7[%get3A_142] {strides = array<i32>} : memref<16384xf32, #tpu.memory_space<vmem>>, vector<16xf32>,
        %min3A_144 = arith.minimumf %min3A_124, %get3A_143 : vector<16xf32>
        %max3A_145 = arith.maximumf %max3A_125, %get3A_143 : vector<16xf32>
        %mul3A_146 = arith.constant 16 : i32
        %mul3A_147 = arith.muli %scan3A_82, %mul3A_146 : i32
        %add3A_148 = arith.constant 6 : i32
        %add3A_149 = arith.addi %mul3A_147, %add3A_148 : i32
        %mul3A_150 = arith.constant 16 : i32
        %mul3A_151 = arith.muli %add3A_149, %mul3A_150 : i32
        %get3A_152 = arith.index_cast %mul3A_151 : i32 to index
        %get3A_153 = tpu.vector_load %arg7[%get3A_152] {strides = array<i32>} : memref<16384xf32, #tpu.memory_space<vmem>>, vector<16xf32>,
        %min3A_154 = arith.minimumf %min3A_134, %get3A_153 : vector<16xf32>
        %max3A_155 = arith.maximumf %max3A_135, %get3A_153 : vector<16xf32>
        %mul3A_156 = arith.constant 16 : i32
        %mul3A_157 = arith.muli %scan3A_82, %mul3A_156 : i32
        %add3A_158 = arith.constant 7 : i32
        %add3A_159 = arith.addi %mul3A_157, %add3A_158 : i32
        %mul3A_160 = arith.constant 16 : i32
        %mul3A_161 = arith.muli %add3A_159, %mul3A_160 : i32
        %get3A_162 = arith.index_cast %mul3A_161 : i32 to index
        %get3A_163 = tpu.vector_load %arg7[%get3A_162] {strides = array<i32>} : memref<16384xf32, #tpu.memory_space<vmem>>, vector<16xf32>,
        %min3A_164 = arith.minimumf %min3A_144, %get3A_163 : vector<16xf32>
        %max3A_165 = arith.maximumf %max3A_145, %get3A_163 : vector<16xf32>
        %mul3A_166 = arith.constant 16 : i32
        %mul3A_167 = arith.muli %scan3A_82, %mul3A_166 : i32
        %add3A_168 = arith.constant 8 : i32
        %add3A_169 = arith.addi %mul3A_167, %add3A_168 : i32
        %mul3A_170 = arith.constant 16 : i32
        %mul3A_171 = arith.muli %add3A_169, %mul3A_170 : i32
        %get3A_172 = arith.index_cast %mul3A_171 : i32 to index
        %get3A_173 = tpu.vector_load %arg7[%get3A_172] {strides = array<i32>} : memref<16384xf32, #tpu.memory_space<vmem>>, vector<16xf32>,
        %min3A_174 = arith.minimumf %min3A_154, %get3A_173 : vector<16xf32>
        %max3A_175 = arith.maximumf %max3A_155, %get3A_173 : vector<16xf32>
        %mul3A_176 = arith.constant 16 : i32
        %mul3A_177 = arith.muli %scan3A_82, %mul3A_176 : i32
        %add3A_178 = arith.constant 9 : i32
        %add3A_179 = arith.addi %mul3A_177, %add3A_178 : i32
        %mul3A_180 = arith.constant 16 : i32
        %mul3A_181 = arith.muli %add3A_179, %mul3A_180 : i32
        %get3A_182 = arith.index_cast %mul3A_181 : i32 to index
        %get3A_183 = tpu.vector_load %arg7[%get3A_182] {strides = array<i32>} : memref<16384xf32, #tpu.memory_space<vmem>>, vector<16xf32>,
        %min3A_184 = arith.minimumf %min3A_164, %get3A_183 : vector<16xf32>
        %max3A_185 = arith.maximumf %max3A_165, %get3A_183 : vector<16xf32>
        %mul3A_186 = arith.constant 16 : i32
        %mul3A_187 = arith.muli %scan3A_82, %mul3A_186 : i32
        %add3A_188 = arith.constant 10 : i32
        %add3A_189 = arith.addi %mul3A_187, %add3A_188 : i32
        %mul3A_190 = arith.constant 16 : i32
        %mul3A_191 = arith.muli %add3A_189, %mul3A_190 : i32
        %get3A_192 = arith.index_cast %mul3A_191 : i32 to index
        %get3A_193 = tpu.vector_load %arg7[%get3A_192] {strides = array<i32>} : memref<16384xf32, #tpu.memory_space<vmem>>, vector<16xf32>,
        %min3A_194 = arith.minimumf %min3A_174, %get3A_193 : vector<16xf32>
        %max3A_195 = arith.maximumf %max3A_175, %get3A_193 : vector<16xf32>
        %mul3A_196 = arith.constant 16 : i32
        %mul3A_197 = arith.muli %scan3A_82, %mul3A_196 : i32
        %add3A_198 = arith.constant 11 : i32
        %add3A_199 = arith.addi %mul3A_197, %add3A_198 : i32
        %mul3A_200 = arith.constant 16 : i32
        %mul3A_201 = arith.muli %add3A_199, %mul3A_200 : i32
        %get3A_202 = arith.index_cast %mul3A_201 : i32 to index
        %get3A_203 = tpu.vector_load %arg7[%get3A_202] {strides = array<i32>} : memref<16384xf32, #tpu.memory_space<vmem>>, vector<16xf32>,
        %min3A_204 = arith.minimumf %min3A_184, %get3A_203 : vector<16xf32>
        %max3A_205 = arith.maximumf %max3A_185, %get3A_203 : vector<16xf32>
        %mul3A_206 = arith.constant 16 : i32
        %mul3A_207 = arith.muli %scan3A_82, %mul3A_206 : i32
        %add3A_208 = arith.constant 12 : i32
        %add3A_209 = arith.addi %mul3A_207, %add3A_208 : i32
        %mul3A_210 = arith.constant 16 : i32
        %mul3A_211 = arith.muli %add3A_209, %mul3A_210 : i32
        %get3A_212 = arith.index_cast %mul3A_211 : i32 to index
        %get3A_213 = tpu.vector_load %arg7[%get3A_212] {strides = array<i32>} : memref<16384xf32, #tpu.memory_space<vmem>>, vector<16xf32>,
        %min3A_214 = arith.minimumf %min3A_194, %get3A_213 : vector<16xf32>
        %max3A_215 = arith.maximumf %max3A_195, %get3A_213 : vector<16xf32>
        %mul3A_216 = arith.constant 16 : i32
        %mul3A_217 = arith.muli %scan3A_82, %mul3A_216 : i32
        %add3A_218 = arith.constant 13 : i32
        %add3A_219 = arith.addi %mul3A_217, %add3A_218 : i32
        %mul3A_220 = arith.constant 16 : i32
        %mul3A_221 = arith.muli %add3A_219, %mul3A_220 : i32
        %get3A_222 = arith.index_cast %mul3A_221 : i32 to index
        %get3A_223 = tpu.vector_load %arg7[%get3A_222] {strides = array<i32>} : memref<16384xf32, #tpu.memory_space<vmem>>, vector<16xf32>,
        %min3A_224 = arith.minimumf %min3A_204, %get3A_223 : vector<16xf32>
        %max3A_225 = arith.maximumf %max3A_205, %get3A_223 : vector<16xf32>
        %mul3A_226 = arith.constant 16 : i32
        %mul3A_227 = arith.muli %scan3A_82, %mul3A_226 : i32
        %add3A_228 = arith.constant 14 : i32
        %add3A_229 = arith.addi %mul3A_227, %add3A_228 : i32
        %mul3A_230 = arith.constant 16 : i32
        %mul3A_231 = arith.muli %add3A_229, %mul3A_230 : i32
        %get3A_232 = arith.index_cast %mul3A_231 : i32 to index
        %get3A_233 = tpu.vector_load %arg7[%get3A_232] {strides = array<i32>} : memref<16384xf32, #tpu.memory_space<vmem>>, vector<16xf32>,
        %min3A_234 = arith.minimumf %min3A_214, %get3A_233 : vector<16xf32>
        %max3A_235 = arith.maximumf %max3A_215, %get3A_233 : vector<16xf32>
        %mul3A_236 = arith.constant 16 : i32
        %mul3A_237 = arith.muli %scan3A_82, %mul3A_236 : i32
        %add3A_238 = arith.constant 15 : i32
        %add3A_239 = arith.addi %mul3A_237, %add3A_238 : i32
        %mul3A_240 = arith.constant 16 : i32
        %mul3A_241 = arith.muli %add3A_239, %mul3A_240 : i32
        %get3A_242 = arith.index_cast %mul3A_241 : i32 to index
        %get3A_243 = tpu.vector_load %arg7[%get3A_242] {strides = array<i32>} : memref<16384xf32, #tpu.memory_space<vmem>>, vector<16xf32>,
        %min3A_244 = arith.minimumf %min3A_224, %get3A_243 : vector<16xf32>
        %max3A_245 = arith.maximumf %max3A_225, %get3A_243 : vector<16xf32>
        scf.yield %min3A_234, %max3A_235, %min3A_244, %max3A_245 : vector<16xf32>, vector<16xf32>, vector<16xf32>, vector<16xf32>
      }
      %scan3A_81 = arith.constant 64 : i32
      scf.yield %scan3A_80#0, %scan3A_80#1, %scan3A_80#2, %scan3A_80#3 : vector<16xf32>, vector<16xf32>, vector<16xf32>, vector<16xf32>
    }
    %scan3A_27 = arith.constant 16 : i32
    %dma_wait3A_28 = arith.constant 0 : i32
    %dma_wait3A_29 = tpu.memref_slice %arg3[%dma_wait3A_28] : memref<16777216xf32, #tpu.memory_space<hbm>> -> memref<16384xf32, #tpu.memory_space<hbm>>
    %dma_wait3A_30 = arith.constant 0 : i32
    %dma_wait3A_31 = tpu.memref_slice %arg3[%dma_wait3A_30] : memref<16777216xf32, #tpu.memory_space<hbm>> -> memref<16384xf32, #tpu.memory_space<hbm>>
    tpu.wait_dma2 semaphore(%arg9 : memref<!tpu.dma_semaphore, #tpu.memory_space<semaphore_mem>>) src(%dma_wait3A_31 : memref<16384xf32, #tpu.memory_space<hbm>>) dst(%arg6 : memref<16384xf32, #tpu.memory_space<vmem>>)
    %min3A = arith.minimumf %scan3A_26#0, %scan3A_26#2 : vector<16xf32>
    %swap3A = arith.constant 0 : index
    %swap3A_32 = tpu.vector_load %arg8[%swap3A] {strides = array<i32>} : memref<16xf32, #tpu.memory_space<vmem>>, vector<16xf32>,
    tpu.vector_store %arg8[%swap3A], %min3A {strides = array<i32>} : memref<16xf32, #tpu.memory_space<vmem>>, vector<16xf32>,
    %mul3A_33 = arith.constant 16 : i32
    %mul3A_34 = arith.muli %add3A, %mul3A_33 : i32
    "tpu.region"() ({
      %run_scoped3A = tpu.sem_alloc : memref<!tpu.dma_semaphore, #tpu.memory_space<semaphore_mem>>
      %dma_start3A_39 = tpu.memref_slice %arg4[%mul3A_34] : memref<512xf32, #tpu.memory_space<hbm>> -> memref<16xf32, #tpu.memory_space<hbm>>
      %dma_start3A_40 = tpu.memref_slice %arg4[%mul3A_34] : memref<512xf32, #tpu.memory_space<hbm>> -> memref<16xf32, #tpu.memory_space<hbm>>
      tpu.enqueue_dma source(%arg8 : memref<16xf32, #tpu.memory_space<vmem>>) target(%dma_start3A_40 : memref<16xf32, #tpu.memory_space<hbm>>) target_semaphore(%run_scoped3A : memref<!tpu.dma_semaphore, #tpu.memory_space<semaphore_mem>>)
      %dma_wait3A_41 = tpu.memref_slice %arg4[%mul3A_34] : memref<512xf32, #tpu.memory_space<hbm>> -> memref<16xf32, #tpu.memory_space<hbm>>
      %dma_wait3A_42 = tpu.memref_slice %arg4[%mul3A_34] : memref<512xf32, #tpu.memory_space<hbm>> -> memref<16xf32, #tpu.memory_space<hbm>>
      tpu.wait_dma2 semaphore(%run_scoped3A : memref<!tpu.dma_semaphore, #tpu.memory_space<semaphore_mem>>) src(%arg8 : memref<16xf32, #tpu.memory_space<vmem>>) dst(%dma_wait3A_42 : memref<16xf32, #tpu.memory_space<hbm>>)
      tpu.yield
    }) : () -> ()
    %max3A = arith.maximumf %scan3A_26#1, %scan3A_26#3 : vector<16xf32>
    %swap3A_35 = arith.constant 0 : index
    %swap3A_36 = tpu.vector_load %arg8[%swap3A_35] {strides = array<i32>} : memref<16xf32, #tpu.memory_space<vmem>>, vector<16xf32>,
    tpu.vector_store %arg8[%swap3A_35], %max3A {strides = array<i32>} : memref<16xf32, #tpu.memory_space<vmem>>, vector<16xf32>,
    %mul3A_37 = arith.constant 16 : i32
    %mul3A_38 = arith.muli %add3A, %mul3A_37 : i32
    "tpu.region"() ({
      %run_scoped3A = tpu.sem_alloc : memref<!tpu.dma_semaphore, #tpu.memory_space<semaphore_mem>>
      %dma_start3A_39 = tpu.memref_slice %arg5[%mul3A_38] : memref<512xf32, #tpu.memory_space<hbm>> -> memref<16xf32, #tpu.memory_space<hbm>>
      %dma_start3A_40 = tpu.memref_slice %arg5[%mul3A_38] : memref<512xf32, #tpu.memory_space<hbm>> -> memref<16xf32, #tpu.memory_space<hbm>>
      tpu.enqueue_dma source(%arg8 : memref<16xf32, #tpu.memory_space<vmem>>) target(%dma_start3A_40 : memref<16xf32, #tpu.memory_space<hbm>>) target_semaphore(%run_scoped3A : memref<!tpu.dma_semaphore, #tpu.memory_space<semaphore_mem>>)
      %dma_wait3A_41 = tpu.memref_slice %arg5[%mul3A_38] : memref<512xf32, #tpu.memory_space<hbm>> -> memref<16xf32, #tpu.memory_space<hbm>>
      %dma_wait3A_42 = tpu.memref_slice %arg5[%mul3A_38] : memref<512xf32, #tpu.memory_space<hbm>> -> memref<16xf32, #tpu.memory_space<hbm>>
      tpu.wait_dma2 semaphore(%run_scoped3A : memref<!tpu.dma_semaphore, #tpu.memory_space<semaphore_mem>>) src(%arg8 : memref<16xf32, #tpu.memory_space<vmem>>) dst(%dma_wait3A_42 : memref<16xf32, #tpu.memory_space<hbm>>)
      tpu.yield
    }) : () -> ()
    return
  }
}

#map = affine_map<(d0, d1) -> (0)>
module attributes {stable_mosaic.version = 14 : i64} {
  func.func @body(%arg0: i32, %arg1: i32, %arg2: memref<4194304xf32, #tpu.memory_space<hbm>>, %arg3: memref<16777216xf32, #tpu.memory_space<hbm>>, %arg4: memref<1024xf32, #tpu.memory_space<hbm>>, %arg5: memref<1024xf32, #tpu.memory_space<hbm>>, %arg6: memref<512xf32, #tpu.memory_space<hbm>>, %arg7: memref<512xf32, #tpu.memory_space<hbm>>, %arg8: memref<16384xf32, #tpu.memory_space<vmem>>, %arg9: memref<16384xf32, #tpu.memory_space<vmem>>, %arg10: memref<1024xf32, #tpu.memory_space<vmem>>, %arg11: memref<1024xf32, #tpu.memory_space<vmem>>, %arg12: memref<256xf32, #tpu.memory_space<vmem>>, %arg13: memref<16xf32, #tpu.memory_space<vmem>>, %arg14: memref<!tpu.dma_semaphore, #tpu.memory_space<semaphore_mem>>, %arg15: memref<!tpu.dma_semaphore, #tpu.memory_space<semaphore_mem>>) attributes {dimension_semantics = [#tpu.dimension_semantics<core_parallel>, #tpu.dimension_semantics<subcore_parallel>], iteration_bounds = array<i64: 2, 16>, scalar_prefetch = 0 : i64, scratch_operands = 8 : i64, tpu.core_type = #tpu.core_type<sc_vector_subcore>, window_params = [{transform_indices = #map}, {transform_indices = #map}, {transform_indices = #map}, {transform_indices = #map}, {transform_indices = #map}, {transform_indices = #map}]} {
    %mul3A = arith.constant 2 : i32
    %mul3A_0 = arith.muli %arg1, %mul3A : i32
    %add3A = arith.addi %mul3A_0, %arg0 : i32
    "tpu.region"() ({
      %run_scoped3A = tpu.sem_alloc : memref<!tpu.dma_semaphore, #tpu.memory_space<semaphore_mem>>
      tpu.enqueue_dma source(%arg4 : memref<1024xf32, #tpu.memory_space<hbm>>) target(%arg10 : memref<1024xf32, #tpu.memory_space<vmem>>) target_semaphore(%run_scoped3A : memref<!tpu.dma_semaphore, #tpu.memory_space<semaphore_mem>>)
      tpu.wait_dma2 semaphore(%run_scoped3A : memref<!tpu.dma_semaphore, #tpu.memory_space<semaphore_mem>>) src(%arg4 : memref<1024xf32, #tpu.memory_space<hbm>>) dst(%arg10 : memref<1024xf32, #tpu.memory_space<vmem>>)
      tpu.yield
    }) : () -> ()
    "tpu.region"() ({
      %run_scoped3A = tpu.sem_alloc : memref<!tpu.dma_semaphore, #tpu.memory_space<semaphore_mem>>
      tpu.enqueue_dma source(%arg5 : memref<1024xf32, #tpu.memory_space<hbm>>) target(%arg11 : memref<1024xf32, #tpu.memory_space<vmem>>) target_semaphore(%run_scoped3A : memref<!tpu.dma_semaphore, #tpu.memory_space<semaphore_mem>>)
      tpu.wait_dma2 semaphore(%run_scoped3A : memref<!tpu.dma_semaphore, #tpu.memory_space<semaphore_mem>>) src(%arg5 : memref<1024xf32, #tpu.memory_space<hbm>>) dst(%arg11 : memref<1024xf32, #tpu.memory_space<vmem>>)
      tpu.yield
    }) : () -> ()
    %broadcast_in_dim3A = arith.constant 0x7F800000 : f32
    %broadcast_in_dim3A_1 = vector.broadcast %broadcast_in_dim3A : f32 to vector<16xf32>
    %broadcast_in_dim3A_2 = arith.constant 0xFF800000 : f32
    %broadcast_in_dim3A_3 = vector.broadcast %broadcast_in_dim3A_2 : f32 to vector<16xf32>
    %scan3A = arith.constant 0 : i32
    %scan3A_4 = arith.constant 64 : i32
    %scan3A_5 = arith.addi %scan3A, %scan3A_4 : i32
    %scan3A_6 = arith.constant 1 : i32
    %scan3A_7:2 = scf.for %scan3A_271 = %scan3A to %scan3A_5 step %scan3A_6 iter_args(%scan3A_272 = %broadcast_in_dim3A_1, %scan3A_273 = %broadcast_in_dim3A_3) -> (vector<16xf32>, vector<16xf32>)  : i32 {
      %mul3A_274 = arith.constant 16 : i32
      %mul3A_275 = arith.muli %scan3A_271, %mul3A_274 : i32
      %get3A_276 = arith.index_cast %mul3A_275 : i32 to index
      %get3A_277 = tpu.vector_load %arg10[%get3A_276] {strides = array<i32>} : memref<1024xf32, #tpu.memory_space<vmem>>, vector<16xf32>,
      %min3A_278 = arith.minimumf %scan3A_272, %get3A_277 : vector<16xf32>
      %mul3A_279 = arith.constant 16 : i32
      %mul3A_280 = arith.muli %scan3A_271, %mul3A_279 : i32
      %get3A_281 = arith.index_cast %mul3A_280 : i32 to index
      %get3A_282 = tpu.vector_load %arg11[%get3A_281] {strides = array<i32>} : memref<1024xf32, #tpu.memory_space<vmem>>, vector<16xf32>,
      %max3A_283 = arith.maximumf %scan3A_273, %get3A_282 : vector<16xf32>
      scf.yield %min3A_278, %max3A_283 : vector<16xf32>, vector<16xf32>
    }
    %scan3A_8 = arith.constant 64 : i32
    %iota3A = tpu.iota {dimensions = array<i32: 0>} : vector<16xi32>
    %swap3A = arith.constant 0 : index
    %swap3A_9 = tpu.vector_load %arg13[%swap3A] {strides = array<i32>} : memref<16xf32, #tpu.memory_space<vmem>>, vector<16xf32>,
    tpu.vector_store %arg13[%swap3A], %scan3A_7#0 {strides = array<i32>} : memref<16xf32, #tpu.memory_space<vmem>>, vector<16xf32>,
    %xor3A = arith.constant 8 : i32
    %xor3A_10 = vector.broadcast %xor3A : i32 to vector<16xi32>
    %xor3A_11 = arith.xori %iota3A, %xor3A_10 : vector<16xi32>
    %gather3A = tpu.vector_load_idx %arg13[%xor3A_11] : memref<16xf32, #tpu.memory_space<vmem>>[vector<16xi32>], vector<16xf32>,
    %min3A = arith.minimumf %scan3A_7#0, %gather3A : vector<16xf32>
    %swap3A_12 = arith.constant 0 : index
    %swap3A_13 = tpu.vector_load %arg13[%swap3A_12] {strides = array<i32>} : memref<16xf32, #tpu.memory_space<vmem>>, vector<16xf32>,
    tpu.vector_store %arg13[%swap3A_12], %min3A {strides = array<i32>} : memref<16xf32, #tpu.memory_space<vmem>>, vector<16xf32>,
    %xor3A_14 = arith.constant 4 : i32
    %xor3A_15 = vector.broadcast %xor3A_14 : i32 to vector<16xi32>
    %xor3A_16 = arith.xori %iota3A, %xor3A_15 : vector<16xi32>
    %gather3A_17 = tpu.vector_load_idx %arg13[%xor3A_16] : memref<16xf32, #tpu.memory_space<vmem>>[vector<16xi32>], vector<16xf32>,
    %min3A_18 = arith.minimumf %min3A, %gather3A_17 : vector<16xf32>
    %swap3A_19 = arith.constant 0 : index
    %swap3A_20 = tpu.vector_load %arg13[%swap3A_19] {strides = array<i32>} : memref<16xf32, #tpu.memory_space<vmem>>, vector<16xf32>,
    tpu.vector_store %arg13[%swap3A_19], %min3A_18 {strides = array<i32>} : memref<16xf32, #tpu.memory_space<vmem>>, vector<16xf32>,
    %xor3A_21 = arith.constant 2 : i32
    %xor3A_22 = vector.broadcast %xor3A_21 : i32 to vector<16xi32>
    %xor3A_23 = arith.xori %iota3A, %xor3A_22 : vector<16xi32>
    %gather3A_24 = tpu.vector_load_idx %arg13[%xor3A_23] : memref<16xf32, #tpu.memory_space<vmem>>[vector<16xi32>], vector<16xf32>,
    %min3A_25 = arith.minimumf %min3A_18, %gather3A_24 : vector<16xf32>
    %swap3A_26 = arith.constant 0 : index
    %swap3A_27 = tpu.vector_load %arg13[%swap3A_26] {strides = array<i32>} : memref<16xf32, #tpu.memory_space<vmem>>, vector<16xf32>,
    tpu.vector_store %arg13[%swap3A_26], %min3A_25 {strides = array<i32>} : memref<16xf32, #tpu.memory_space<vmem>>, vector<16xf32>,
    %xor3A_28 = arith.constant 1 : i32
    %xor3A_29 = vector.broadcast %xor3A_28 : i32 to vector<16xi32>
    %xor3A_30 = arith.xori %iota3A, %xor3A_29 : vector<16xi32>
    %gather3A_31 = tpu.vector_load_idx %arg13[%xor3A_30] : memref<16xf32, #tpu.memory_space<vmem>>[vector<16xi32>], vector<16xf32>,
    %min3A_32 = arith.minimumf %min3A_25, %gather3A_31 : vector<16xf32>
    %iota3A_33 = tpu.iota {dimensions = array<i32: 0>} : vector<16xi32>
    %swap3A_34 = arith.constant 0 : index
    %swap3A_35 = tpu.vector_load %arg13[%swap3A_34] {strides = array<i32>} : memref<16xf32, #tpu.memory_space<vmem>>, vector<16xf32>,
    tpu.vector_store %arg13[%swap3A_34], %scan3A_7#1 {strides = array<i32>} : memref<16xf32, #tpu.memory_space<vmem>>, vector<16xf32>,
    %xor3A_36 = arith.constant 8 : i32
    %xor3A_37 = vector.broadcast %xor3A_36 : i32 to vector<16xi32>
    %xor3A_38 = arith.xori %iota3A_33, %xor3A_37 : vector<16xi32>
    %gather3A_39 = tpu.vector_load_idx %arg13[%xor3A_38] : memref<16xf32, #tpu.memory_space<vmem>>[vector<16xi32>], vector<16xf32>,
    %max3A = arith.maximumf %scan3A_7#1, %gather3A_39 : vector<16xf32>
    %swap3A_40 = arith.constant 0 : index
    %swap3A_41 = tpu.vector_load %arg13[%swap3A_40] {strides = array<i32>} : memref<16xf32, #tpu.memory_space<vmem>>, vector<16xf32>,
    tpu.vector_store %arg13[%swap3A_40], %max3A {strides = array<i32>} : memref<16xf32, #tpu.memory_space<vmem>>, vector<16xf32>,
    %xor3A_42 = arith.constant 4 : i32
    %xor3A_43 = vector.broadcast %xor3A_42 : i32 to vector<16xi32>
    %xor3A_44 = arith.xori %iota3A_33, %xor3A_43 : vector<16xi32>
    %gather3A_45 = tpu.vector_load_idx %arg13[%xor3A_44] : memref<16xf32, #tpu.memory_space<vmem>>[vector<16xi32>], vector<16xf32>,
    %max3A_46 = arith.maximumf %max3A, %gather3A_45 : vector<16xf32>
    %swap3A_47 = arith.constant 0 : index
    %swap3A_48 = tpu.vector_load %arg13[%swap3A_47] {strides = array<i32>} : memref<16xf32, #tpu.memory_space<vmem>>, vector<16xf32>,
    tpu.vector_store %arg13[%swap3A_47], %max3A_46 {strides = array<i32>} : memref<16xf32, #tpu.memory_space<vmem>>, vector<16xf32>,
    %xor3A_49 = arith.constant 2 : i32
    %xor3A_50 = vector.broadcast %xor3A_49 : i32 to vector<16xi32>
    %xor3A_51 = arith.xori %iota3A_33, %xor3A_50 : vector<16xi32>
    %gather3A_52 = tpu.vector_load_idx %arg13[%xor3A_51] : memref<16xf32, #tpu.memory_space<vmem>>[vector<16xi32>], vector<16xf32>,
    %max3A_53 = arith.maximumf %max3A_46, %gather3A_52 : vector<16xf32>
    %swap3A_54 = arith.constant 0 : index
    %swap3A_55 = tpu.vector_load %arg13[%swap3A_54] {strides = array<i32>} : memref<16xf32, #tpu.memory_space<vmem>>, vector<16xf32>,
    tpu.vector_store %arg13[%swap3A_54], %max3A_53 {strides = array<i32>} : memref<16xf32, #tpu.memory_space<vmem>>, vector<16xf32>,
    %xor3A_56 = arith.constant 1 : i32
    %xor3A_57 = vector.broadcast %xor3A_56 : i32 to vector<16xi32>
    %xor3A_58 = arith.xori %iota3A_33, %xor3A_57 : vector<16xi32>
    %gather3A_59 = tpu.vector_load_idx %arg13[%xor3A_58] : memref<16xf32, #tpu.memory_space<vmem>>[vector<16xi32>], vector<16xf32>,
    %max3A_60 = arith.maximumf %max3A_53, %gather3A_59 : vector<16xf32>
    %sub3A = arith.subf %max3A_60, %min3A_32 : vector<16xf32>
    %add3A_61 = arith.constant 1.000000e-01 : f32
    %add3A_62 = vector.broadcast %add3A_61 : f32 to vector<16xf32>
    %add3A_63 = arith.addf %sub3A, %add3A_62 : vector<16xf32>
    %div3A = arith.constant 1.000000e+01 : f32
    %div3A_64 = vector.broadcast %div3A : f32 to vector<16xf32>
    %div3A_65 = arith.divf %div3A_64, %add3A_63 : vector<16xf32>
    %sub3A_66 = arith.constant 5.000000e-02 : f32
    %sub3A_67 = vector.broadcast %sub3A_66 : f32 to vector<16xf32>
    %sub3A_68 = arith.subf %sub3A_67, %min3A_32 : vector<16xf32>
    %mul3A_69 = arith.mulf %sub3A_68, %div3A_65 : vector<16xf32>
    %iota3A_70 = tpu.iota {dimensions = array<i32: 0>} : vector<16xi32>
    %mul3A_71 = arith.constant 16 : i32
    %mul3A_72 = vector.broadcast %mul3A_71 : i32 to vector<16xi32>
    %mul3A_73 = arith.muli %iota3A_70, %mul3A_72 : vector<16xi32>
    %broadcast_in_dim3A_74 = arith.constant 1 : i32
    %broadcast_in_dim3A_75 = vector.broadcast %broadcast_in_dim3A_74 : i32 to vector<16xi32>
    %broadcast_in_dim3A_76 = arith.constant 1.000000e+00 : f32
    %broadcast_in_dim3A_77 = vector.broadcast %broadcast_in_dim3A_76 : f32 to vector<16xf32>
    %broadcast_in_dim3A_78 = arith.constant 0.000000e+00 : f32
    %broadcast_in_dim3A_79 = vector.broadcast %broadcast_in_dim3A_78 : f32 to vector<16xf32>
    %swap3A_80 = arith.constant 0 : index
    %swap3A_81 = tpu.vector_load %arg12[%swap3A_80] {strides = array<i32>} : memref<256xf32, #tpu.memory_space<vmem>>, vector<16xf32>,
    tpu.vector_store %arg12[%swap3A_80], %broadcast_in_dim3A_79 {strides = array<i32>} : memref<256xf32, #tpu.memory_space<vmem>>, vector<16xf32>,
    %swap3A_82 = arith.constant 16 : index
    %swap3A_83 = tpu.vector_load %arg12[%swap3A_82] {strides = array<i32>} : memref<256xf32, #tpu.memory_space<vmem>>, vector<16xf32>,
    tpu.vector_store %arg12[%swap3A_82], %broadcast_in_dim3A_79 {strides = array<i32>} : memref<256xf32, #tpu.memory_space<vmem>>, vector<16xf32>,
    %swap3A_84 = arith.constant 32 : index
    %swap3A_85 = tpu.vector_load %arg12[%swap3A_84] {strides = array<i32>} : memref<256xf32, #tpu.memory_space<vmem>>, vector<16xf32>,
    tpu.vector_store %arg12[%swap3A_84], %broadcast_in_dim3A_79 {strides = array<i32>} : memref<256xf32, #tpu.memory_space<vmem>>, vector<16xf32>,
    %swap3A_86 = arith.constant 48 : index
    %swap3A_87 = tpu.vector_load %arg12[%swap3A_86] {strides = array<i32>} : memref<256xf32, #tpu.memory_space<vmem>>, vector<16xf32>,
    tpu.vector_store %arg12[%swap3A_86], %broadcast_in_dim3A_79 {strides = array<i32>} : memref<256xf32, #tpu.memory_space<vmem>>, vector<16xf32>,
    %swap3A_88 = arith.constant 64 : index
    %swap3A_89 = tpu.vector_load %arg12[%swap3A_88] {strides = array<i32>} : memref<256xf32, #tpu.memory_space<vmem>>, vector<16xf32>,
    tpu.vector_store %arg12[%swap3A_88], %broadcast_in_dim3A_79 {strides = array<i32>} : memref<256xf32, #tpu.memory_space<vmem>>, vector<16xf32>,
    %swap3A_90 = arith.constant 80 : index
    %swap3A_91 = tpu.vector_load %arg12[%swap3A_90] {strides = array<i32>} : memref<256xf32, #tpu.memory_space<vmem>>, vector<16xf32>,
    tpu.vector_store %arg12[%swap3A_90], %broadcast_in_dim3A_79 {strides = array<i32>} : memref<256xf32, #tpu.memory_space<vmem>>, vector<16xf32>,
    %swap3A_92 = arith.constant 96 : index
    %swap3A_93 = tpu.vector_load %arg12[%swap3A_92] {strides = array<i32>} : memref<256xf32, #tpu.memory_space<vmem>>, vector<16xf32>,
    tpu.vector_store %arg12[%swap3A_92], %broadcast_in_dim3A_79 {strides = array<i32>} : memref<256xf32, #tpu.memory_space<vmem>>, vector<16xf32>,
    %swap3A_94 = arith.constant 112 : index
    %swap3A_95 = tpu.vector_load %arg12[%swap3A_94] {strides = array<i32>} : memref<256xf32, #tpu.memory_space<vmem>>, vector<16xf32>,
    tpu.vector_store %arg12[%swap3A_94], %broadcast_in_dim3A_79 {strides = array<i32>} : memref<256xf32, #tpu.memory_space<vmem>>, vector<16xf32>,
    %swap3A_96 = arith.constant 128 : index
    %swap3A_97 = tpu.vector_load %arg12[%swap3A_96] {strides = array<i32>} : memref<256xf32, #tpu.memory_space<vmem>>, vector<16xf32>,
    tpu.vector_store %arg12[%swap3A_96], %broadcast_in_dim3A_79 {strides = array<i32>} : memref<256xf32, #tpu.memory_space<vmem>>, vector<16xf32>,
    %swap3A_98 = arith.constant 144 : index
    %swap3A_99 = tpu.vector_load %arg12[%swap3A_98] {strides = array<i32>} : memref<256xf32, #tpu.memory_space<vmem>>, vector<16xf32>,
    tpu.vector_store %arg12[%swap3A_98], %broadcast_in_dim3A_79 {strides = array<i32>} : memref<256xf32, #tpu.memory_space<vmem>>, vector<16xf32>,
    %swap3A_100 = arith.constant 160 : index
    %swap3A_101 = tpu.vector_load %arg12[%swap3A_100] {strides = array<i32>} : memref<256xf32, #tpu.memory_space<vmem>>, vector<16xf32>,
    tpu.vector_store %arg12[%swap3A_100], %broadcast_in_dim3A_79 {strides = array<i32>} : memref<256xf32, #tpu.memory_space<vmem>>, vector<16xf32>,
    %swap3A_102 = arith.constant 176 : index
    %swap3A_103 = tpu.vector_load %arg12[%swap3A_102] {strides = array<i32>} : memref<256xf32, #tpu.memory_space<vmem>>, vector<16xf32>,
    tpu.vector_store %arg12[%swap3A_102], %broadcast_in_dim3A_79 {strides = array<i32>} : memref<256xf32, #tpu.memory_space<vmem>>, vector<16xf32>,
    %swap3A_104 = arith.constant 192 : index
    %swap3A_105 = tpu.vector_load %arg12[%swap3A_104] {strides = array<i32>} : memref<256xf32, #tpu.memory_space<vmem>>, vector<16xf32>,
    tpu.vector_store %arg12[%swap3A_104], %broadcast_in_dim3A_79 {strides = array<i32>} : memref<256xf32, #tpu.memory_space<vmem>>, vector<16xf32>,
    %swap3A_106 = arith.constant 208 : index
    %swap3A_107 = tpu.vector_load %arg12[%swap3A_106] {strides = array<i32>} : memref<256xf32, #tpu.memory_space<vmem>>, vector<16xf32>,
    tpu.vector_store %arg12[%swap3A_106], %broadcast_in_dim3A_79 {strides = array<i32>} : memref<256xf32, #tpu.memory_space<vmem>>, vector<16xf32>,
    %swap3A_108 = arith.constant 224 : index
    %swap3A_109 = tpu.vector_load %arg12[%swap3A_108] {strides = array<i32>} : memref<256xf32, #tpu.memory_space<vmem>>, vector<16xf32>,
    tpu.vector_store %arg12[%swap3A_108], %broadcast_in_dim3A_79 {strides = array<i32>} : memref<256xf32, #tpu.memory_space<vmem>>, vector<16xf32>,
    %swap3A_110 = arith.constant 240 : index
    %swap3A_111 = tpu.vector_load %arg12[%swap3A_110] {strides = array<i32>} : memref<256xf32, #tpu.memory_space<vmem>>, vector<16xf32>,
    tpu.vector_store %arg12[%swap3A_110], %broadcast_in_dim3A_79 {strides = array<i32>} : memref<256xf32, #tpu.memory_space<vmem>>, vector<16xf32>,
    %mul3A_112 = arith.constant 65536 : i32
    %mul3A_113 = arith.muli %add3A, %mul3A_112 : i32
    %dma_start3A = tpu.memref_slice %arg2[%mul3A_113] : memref<4194304xf32, #tpu.memory_space<hbm>> -> memref<16384xf32, #tpu.memory_space<hbm>>
    %dma_start3A_114 = tpu.memref_slice %arg2[%mul3A_113] : memref<4194304xf32, #tpu.memory_space<hbm>> -> memref<16384xf32, #tpu.memory_space<hbm>>
    tpu.enqueue_dma source(%dma_start3A_114 : memref<16384xf32, #tpu.memory_space<hbm>>) target(%arg8 : memref<16384xf32, #tpu.memory_space<vmem>>) target_semaphore(%arg14 : memref<!tpu.dma_semaphore, #tpu.memory_space<semaphore_mem>>)
    %scan3A_115 = arith.constant 0 : i32
    %scan3A_116 = arith.constant 0 : i32
    %scan3A_117 = arith.constant 2 : i32
    %scan3A_118 = arith.addi %scan3A_116, %scan3A_117 : i32
    %scan3A_119 = arith.constant 1 : i32
    scf.for %scan3A_271 = %scan3A_116 to %scan3A_118 step %scan3A_119  : i32 {
      %mul3A_272 = arith.constant 2 : i32
      %mul3A_273 = arith.muli %scan3A_271, %mul3A_272 : i32
      %add3A_274 = arith.constant 1 : i32
      %add3A_275 = arith.addi %mul3A_273, %add3A_274 : i32
      %mul3A_276 = arith.constant 16384 : i32
      %mul3A_277 = arith.muli %add3A_275, %mul3A_276 : i32
      %add3A_278 = arith.addi %mul3A_113, %mul3A_277 : i32
      %dma_start3A_279 = tpu.memref_slice %arg2[%add3A_278] : memref<4194304xf32, #tpu.memory_space<hbm>> -> memref<16384xf32, #tpu.memory_space<hbm>>
      %dma_start3A_280 = tpu.memref_slice %arg2[%add3A_278] : memref<4194304xf32, #tpu.memory_space<hbm>> -> memref<16384xf32, #tpu.memory_space<hbm>>
      tpu.enqueue_dma source(%dma_start3A_280 : memref<16384xf32, #tpu.memory_space<hbm>>) target(%arg9 : memref<16384xf32, #tpu.memory_space<vmem>>) target_semaphore(%arg15 : memref<!tpu.dma_semaphore, #tpu.memory_space<semaphore_mem>>)
      %dma_wait3A_281 = arith.constant 0 : i32
      %dma_wait3A_282 = tpu.memref_slice %arg2[%dma_wait3A_281] : memref<4194304xf32, #tpu.memory_space<hbm>> -> memref<16384xf32, #tpu.memory_space<hbm>>
      %dma_wait3A_283 = arith.constant 0 : i32
      %dma_wait3A_284 = tpu.memref_slice %arg2[%dma_wait3A_283] : memref<4194304xf32, #tpu.memory_space<hbm>> -> memref<16384xf32, #tpu.memory_space<hbm>>
      tpu.wait_dma2 semaphore(%arg14 : memref<!tpu.dma_semaphore, #tpu.memory_space<semaphore_mem>>) src(%dma_wait3A_284 : memref<16384xf32, #tpu.memory_space<hbm>>) dst(%arg8 : memref<16384xf32, #tpu.memory_space<vmem>>)
      %parallel_loop3A = arith.constant 0 : i32
      %parallel_loop3A_285 = arith.constant 1024 : i32
      %parallel_loop3A_286 = arith.constant 1 : i32
      scf.for %parallel_loop3A_303 = %parallel_loop3A to %parallel_loop3A_285 step %parallel_loop3A_286  : i32 {
        %parallel_loop3A_304 = arith.constant 16 : i32
        %parallel_loop3A_305 = arith.muli %parallel_loop3A_303, %parallel_loop3A_304 : i32
        %parallel_loop3A_306 = arith.index_cast %parallel_loop3A_305 : i32 to index
        %parallel_loop3A_307 = tpu.vector_load %arg8[%parallel_loop3A_306] {strides = array<i32>} : memref<16384xf32, #tpu.memory_space<vmem>>, vector<16xf32>,
        %parallel_loop3A_308 = arith.mulf %parallel_loop3A_307, %div3A_65 : vector<16xf32>
        %parallel_loop3A_309 = arith.addf %parallel_loop3A_308, %mul3A_69 : vector<16xf32>
        %parallel_loop3A_310 = arith.fptosi %parallel_loop3A_309 : vector<16xf32> to vector<16xi32>
        %parallel_loop3A_311 = arith.sitofp %parallel_loop3A_310 : vector<16xi32> to vector<16xf32>
        %parallel_loop3A_312 = arith.subf %parallel_loop3A_309, %parallel_loop3A_311 : vector<16xf32>
        %parallel_loop3A_313 = arith.addi %mul3A_73, %parallel_loop3A_310 : vector<16xi32>
        %parallel_loop3A_314 = arith.subf %broadcast_in_dim3A_77, %parallel_loop3A_312 : vector<16xf32>
        tpu.vector_store_idx %arg12[%parallel_loop3A_313], %parallel_loop3A_314 {add = true} : memref<256xf32, #tpu.memory_space<vmem>>[vector<16xi32>], vector<16xf32>,
        %parallel_loop3A_315 = arith.addi %parallel_loop3A_313, %broadcast_in_dim3A_75 : vector<16xi32>
        tpu.vector_store_idx %arg12[%parallel_loop3A_315], %parallel_loop3A_312 {add = true} : memref<256xf32, #tpu.memory_space<vmem>>[vector<16xi32>], vector<16xf32>,
      } {sc.loop_unroll_factor = 16 : i64, sc.parallel_access}
      %add3A_287 = arith.constant 2 : i32
      %add3A_288 = arith.addi %mul3A_273, %add3A_287 : i32
      %min3A_289 = arith.constant 2 : i32
      %min3A_290 = arith.minsi %add3A_288, %min3A_289 : i32
      %mul3A_291 = arith.constant 16384 : i32
      %mul3A_292 = arith.muli %min3A_290, %mul3A_291 : i32
      %add3A_293 = arith.addi %mul3A_113, %mul3A_292 : i32
      %dma_start3A_294 = tpu.memref_slice %arg2[%add3A_293] : memref<4194304xf32, #tpu.memory_space<hbm>> -> memref<16384xf32, #tpu.memory_space<hbm>>
      %dma_start3A_295 = tpu.memref_slice %arg2[%add3A_293] : memref<4194304xf32, #tpu.memory_space<hbm>> -> memref<16384xf32, #tpu.memory_space<hbm>>
      tpu.enqueue_dma source(%dma_start3A_295 : memref<16384xf32, #tpu.memory_space<hbm>>) target(%arg8 : memref<16384xf32, #tpu.memory_space<vmem>>) target_semaphore(%arg14 : memref<!tpu.dma_semaphore, #tpu.memory_space<semaphore_mem>>)
      %dma_wait3A_296 = arith.constant 0 : i32
      %dma_wait3A_297 = tpu.memref_slice %arg2[%dma_wait3A_296] : memref<4194304xf32, #tpu.memory_space<hbm>> -> memref<16384xf32, #tpu.memory_space<hbm>>
      %dma_wait3A_298 = arith.constant 0 : i32
      %dma_wait3A_299 = tpu.memref_slice %arg2[%dma_wait3A_298] : memref<4194304xf32, #tpu.memory_space<hbm>> -> memref<16384xf32, #tpu.memory_space<hbm>>
      tpu.wait_dma2 semaphore(%arg15 : memref<!tpu.dma_semaphore, #tpu.memory_space<semaphore_mem>>) src(%dma_wait3A_299 : memref<16384xf32, #tpu.memory_space<hbm>>) dst(%arg9 : memref<16384xf32, #tpu.memory_space<vmem>>)
      %parallel_loop3A_300 = arith.constant 0 : i32
      %parallel_loop3A_301 = arith.constant 1024 : i32
      %parallel_loop3A_302 = arith.constant 1 : i32
      scf.for %parallel_loop3A_303 = %parallel_loop3A_300 to %parallel_loop3A_301 step %parallel_loop3A_302  : i32 {
        %parallel_loop3A_304 = arith.constant 16 : i32
        %parallel_loop3A_305 = arith.muli %parallel_loop3A_303, %parallel_loop3A_304 : i32
        %parallel_loop3A_306 = arith.index_cast %parallel_loop3A_305 : i32 to index
        %parallel_loop3A_307 = tpu.vector_load %arg9[%parallel_loop3A_306] {strides = array<i32>} : memref<16384xf32, #tpu.memory_space<vmem>>, vector<16xf32>,
        %parallel_loop3A_308 = arith.mulf %parallel_loop3A_307, %div3A_65 : vector<16xf32>
        %parallel_loop3A_309 = arith.addf %parallel_loop3A_308, %mul3A_69 : vector<16xf32>
        %parallel_loop3A_310 = arith.fptosi %parallel_loop3A_309 : vector<16xf32> to vector<16xi32>
        %parallel_loop3A_311 = arith.sitofp %parallel_loop3A_310 : vector<16xi32> to vector<16xf32>
        %parallel_loop3A_312 = arith.subf %parallel_loop3A_309, %parallel_loop3A_311 : vector<16xf32>
        %parallel_loop3A_313 = arith.addi %mul3A_73, %parallel_loop3A_310 : vector<16xi32>
        %parallel_loop3A_314 = arith.subf %broadcast_in_dim3A_77, %parallel_loop3A_312 : vector<16xf32>
        tpu.vector_store_idx %arg12[%parallel_loop3A_313], %parallel_loop3A_314 {add = true} : memref<256xf32, #tpu.memory_space<vmem>>[vector<16xi32>], vector<16xf32>,
        %parallel_loop3A_315 = arith.addi %parallel_loop3A_313, %broadcast_in_dim3A_75 : vector<16xi32>
        tpu.vector_store_idx %arg12[%parallel_loop3A_315], %parallel_loop3A_312 {add = true} : memref<256xf32, #tpu.memory_space<vmem>>[vector<16xi32>], vector<16xf32>,
      } {sc.loop_unroll_factor = 16 : i64, sc.parallel_access}
    }
    %scan3A_120 = arith.constant 2 : i32
    %dma_wait3A = arith.constant 0 : i32
    %dma_wait3A_121 = tpu.memref_slice %arg2[%dma_wait3A] : memref<4194304xf32, #tpu.memory_space<hbm>> -> memref<16384xf32, #tpu.memory_space<hbm>>
    %dma_wait3A_122 = arith.constant 0 : i32
    %dma_wait3A_123 = tpu.memref_slice %arg2[%dma_wait3A_122] : memref<4194304xf32, #tpu.memory_space<hbm>> -> memref<16384xf32, #tpu.memory_space<hbm>>
    tpu.wait_dma2 semaphore(%arg14 : memref<!tpu.dma_semaphore, #tpu.memory_space<semaphore_mem>>) src(%dma_wait3A_123 : memref<16384xf32, #tpu.memory_space<hbm>>) dst(%arg8 : memref<16384xf32, #tpu.memory_space<vmem>>)
    %get3A = arith.constant 0 : index
    %get3A_124 = tpu.vector_load %arg12[%get3A] {strides = array<i32>} : memref<256xf32, #tpu.memory_space<vmem>>, vector<16xf32>,
    %get3A_125 = arith.constant 16 : index
    %get3A_126 = tpu.vector_load %arg12[%get3A_125] {strides = array<i32>} : memref<256xf32, #tpu.memory_space<vmem>>, vector<16xf32>,
    %add3A_127 = arith.addf %get3A_124, %get3A_126 : vector<16xf32>
    %get3A_128 = arith.constant 32 : index
    %get3A_129 = tpu.vector_load %arg12[%get3A_128] {strides = array<i32>} : memref<256xf32, #tpu.memory_space<vmem>>, vector<16xf32>,
    %add3A_130 = arith.addf %add3A_127, %get3A_129 : vector<16xf32>
    %get3A_131 = arith.constant 48 : index
    %get3A_132 = tpu.vector_load %arg12[%get3A_131] {strides = array<i32>} : memref<256xf32, #tpu.memory_space<vmem>>, vector<16xf32>,
    %add3A_133 = arith.addf %add3A_130, %get3A_132 : vector<16xf32>
    %get3A_134 = arith.constant 64 : index
    %get3A_135 = tpu.vector_load %arg12[%get3A_134] {strides = array<i32>} : memref<256xf32, #tpu.memory_space<vmem>>, vector<16xf32>,
    %add3A_136 = arith.addf %add3A_133, %get3A_135 : vector<16xf32>
    %get3A_137 = arith.constant 80 : index
    %get3A_138 = tpu.vector_load %arg12[%get3A_137] {strides = array<i32>} : memref<256xf32, #tpu.memory_space<vmem>>, vector<16xf32>,
    %add3A_139 = arith.addf %add3A_136, %get3A_138 : vector<16xf32>
    %get3A_140 = arith.constant 96 : index
    %get3A_141 = tpu.vector_load %arg12[%get3A_140] {strides = array<i32>} : memref<256xf32, #tpu.memory_space<vmem>>, vector<16xf32>,
    %add3A_142 = arith.addf %add3A_139, %get3A_141 : vector<16xf32>
    %get3A_143 = arith.constant 112 : index
    %get3A_144 = tpu.vector_load %arg12[%get3A_143] {strides = array<i32>} : memref<256xf32, #tpu.memory_space<vmem>>, vector<16xf32>,
    %add3A_145 = arith.addf %add3A_142, %get3A_144 : vector<16xf32>
    %get3A_146 = arith.constant 128 : index
    %get3A_147 = tpu.vector_load %arg12[%get3A_146] {strides = array<i32>} : memref<256xf32, #tpu.memory_space<vmem>>, vector<16xf32>,
    %add3A_148 = arith.addf %add3A_145, %get3A_147 : vector<16xf32>
    %get3A_149 = arith.constant 144 : index
    %get3A_150 = tpu.vector_load %arg12[%get3A_149] {strides = array<i32>} : memref<256xf32, #tpu.memory_space<vmem>>, vector<16xf32>,
    %add3A_151 = arith.addf %add3A_148, %get3A_150 : vector<16xf32>
    %get3A_152 = arith.constant 160 : index
    %get3A_153 = tpu.vector_load %arg12[%get3A_152] {strides = array<i32>} : memref<256xf32, #tpu.memory_space<vmem>>, vector<16xf32>,
    %add3A_154 = arith.addf %add3A_151, %get3A_153 : vector<16xf32>
    %get3A_155 = arith.constant 176 : index
    %get3A_156 = tpu.vector_load %arg12[%get3A_155] {strides = array<i32>} : memref<256xf32, #tpu.memory_space<vmem>>, vector<16xf32>,
    %add3A_157 = arith.addf %add3A_154, %get3A_156 : vector<16xf32>
    %get3A_158 = arith.constant 192 : index
    %get3A_159 = tpu.vector_load %arg12[%get3A_158] {strides = array<i32>} : memref<256xf32, #tpu.memory_space<vmem>>, vector<16xf32>,
    %add3A_160 = arith.addf %add3A_157, %get3A_159 : vector<16xf32>
    %get3A_161 = arith.constant 208 : index
    %get3A_162 = tpu.vector_load %arg12[%get3A_161] {strides = array<i32>} : memref<256xf32, #tpu.memory_space<vmem>>, vector<16xf32>,
    %add3A_163 = arith.addf %add3A_160, %get3A_162 : vector<16xf32>
    %get3A_164 = arith.constant 224 : index
    %get3A_165 = tpu.vector_load %arg12[%get3A_164] {strides = array<i32>} : memref<256xf32, #tpu.memory_space<vmem>>, vector<16xf32>,
    %add3A_166 = arith.addf %add3A_163, %get3A_165 : vector<16xf32>
    %get3A_167 = arith.constant 240 : index
    %get3A_168 = tpu.vector_load %arg12[%get3A_167] {strides = array<i32>} : memref<256xf32, #tpu.memory_space<vmem>>, vector<16xf32>,
    %add3A_169 = arith.addf %add3A_166, %get3A_168 : vector<16xf32>
    %swap3A_170 = arith.constant 0 : index
    %swap3A_171 = tpu.vector_load %arg13[%swap3A_170] {strides = array<i32>} : memref<16xf32, #tpu.memory_space<vmem>>, vector<16xf32>,
    tpu.vector_store %arg13[%swap3A_170], %add3A_169 {strides = array<i32>} : memref<16xf32, #tpu.memory_space<vmem>>, vector<16xf32>,
    %mul3A_172 = arith.constant 16 : i32
    %mul3A_173 = arith.muli %add3A, %mul3A_172 : i32
    "tpu.region"() ({
      %run_scoped3A = tpu.sem_alloc : memref<!tpu.dma_semaphore, #tpu.memory_space<semaphore_mem>>
      %dma_start3A_271 = tpu.memref_slice %arg6[%mul3A_173] : memref<512xf32, #tpu.memory_space<hbm>> -> memref<16xf32, #tpu.memory_space<hbm>>
      %dma_start3A_272 = tpu.memref_slice %arg6[%mul3A_173] : memref<512xf32, #tpu.memory_space<hbm>> -> memref<16xf32, #tpu.memory_space<hbm>>
      tpu.enqueue_dma source(%arg13 : memref<16xf32, #tpu.memory_space<vmem>>) target(%dma_start3A_272 : memref<16xf32, #tpu.memory_space<hbm>>) target_semaphore(%run_scoped3A : memref<!tpu.dma_semaphore, #tpu.memory_space<semaphore_mem>>)
      %dma_wait3A_273 = tpu.memref_slice %arg6[%mul3A_173] : memref<512xf32, #tpu.memory_space<hbm>> -> memref<16xf32, #tpu.memory_space<hbm>>
      %dma_wait3A_274 = tpu.memref_slice %arg6[%mul3A_173] : memref<512xf32, #tpu.memory_space<hbm>> -> memref<16xf32, #tpu.memory_space<hbm>>
      tpu.wait_dma2 semaphore(%run_scoped3A : memref<!tpu.dma_semaphore, #tpu.memory_space<semaphore_mem>>) src(%arg13 : memref<16xf32, #tpu.memory_space<vmem>>) dst(%dma_wait3A_274 : memref<16xf32, #tpu.memory_space<hbm>>)
      tpu.yield
    }) : () -> ()
    %swap3A_174 = arith.constant 0 : index
    %swap3A_175 = tpu.vector_load %arg12[%swap3A_174] {strides = array<i32>} : memref<256xf32, #tpu.memory_space<vmem>>, vector<16xf32>,
    tpu.vector_store %arg12[%swap3A_174], %broadcast_in_dim3A_79 {strides = array<i32>} : memref<256xf32, #tpu.memory_space<vmem>>, vector<16xf32>,
    %swap3A_176 = arith.constant 16 : index
    %swap3A_177 = tpu.vector_load %arg12[%swap3A_176] {strides = array<i32>} : memref<256xf32, #tpu.memory_space<vmem>>, vector<16xf32>,
    tpu.vector_store %arg12[%swap3A_176], %broadcast_in_dim3A_79 {strides = array<i32>} : memref<256xf32, #tpu.memory_space<vmem>>, vector<16xf32>,
    %swap3A_178 = arith.constant 32 : index
    %swap3A_179 = tpu.vector_load %arg12[%swap3A_178] {strides = array<i32>} : memref<256xf32, #tpu.memory_space<vmem>>, vector<16xf32>,
    tpu.vector_store %arg12[%swap3A_178], %broadcast_in_dim3A_79 {strides = array<i32>} : memref<256xf32, #tpu.memory_space<vmem>>, vector<16xf32>,
    %swap3A_180 = arith.constant 48 : index
    %swap3A_181 = tpu.vector_load %arg12[%swap3A_180] {strides = array<i32>} : memref<256xf32, #tpu.memory_space<vmem>>, vector<16xf32>,
    tpu.vector_store %arg12[%swap3A_180], %broadcast_in_dim3A_79 {strides = array<i32>} : memref<256xf32, #tpu.memory_space<vmem>>, vector<16xf32>,
    %swap3A_182 = arith.constant 64 : index
    %swap3A_183 = tpu.vector_load %arg12[%swap3A_182] {strides = array<i32>} : memref<256xf32, #tpu.memory_space<vmem>>, vector<16xf32>,
    tpu.vector_store %arg12[%swap3A_182], %broadcast_in_dim3A_79 {strides = array<i32>} : memref<256xf32, #tpu.memory_space<vmem>>, vector<16xf32>,
    %swap3A_184 = arith.constant 80 : index
    %swap3A_185 = tpu.vector_load %arg12[%swap3A_184] {strides = array<i32>} : memref<256xf32, #tpu.memory_space<vmem>>, vector<16xf32>,
    tpu.vector_store %arg12[%swap3A_184], %broadcast_in_dim3A_79 {strides = array<i32>} : memref<256xf32, #tpu.memory_space<vmem>>, vector<16xf32>,
    %swap3A_186 = arith.constant 96 : index
    %swap3A_187 = tpu.vector_load %arg12[%swap3A_186] {strides = array<i32>} : memref<256xf32, #tpu.memory_space<vmem>>, vector<16xf32>,
    tpu.vector_store %arg12[%swap3A_186], %broadcast_in_dim3A_79 {strides = array<i32>} : memref<256xf32, #tpu.memory_space<vmem>>, vector<16xf32>,
    %swap3A_188 = arith.constant 112 : index
    %swap3A_189 = tpu.vector_load %arg12[%swap3A_188] {strides = array<i32>} : memref<256xf32, #tpu.memory_space<vmem>>, vector<16xf32>,
    tpu.vector_store %arg12[%swap3A_188], %broadcast_in_dim3A_79 {strides = array<i32>} : memref<256xf32, #tpu.memory_space<vmem>>, vector<16xf32>,
    %swap3A_190 = arith.constant 128 : index
    %swap3A_191 = tpu.vector_load %arg12[%swap3A_190] {strides = array<i32>} : memref<256xf32, #tpu.memory_space<vmem>>, vector<16xf32>,
    tpu.vector_store %arg12[%swap3A_190], %broadcast_in_dim3A_79 {strides = array<i32>} : memref<256xf32, #tpu.memory_space<vmem>>, vector<16xf32>,
    %swap3A_192 = arith.constant 144 : index
    %swap3A_193 = tpu.vector_load %arg12[%swap3A_192] {strides = array<i32>} : memref<256xf32, #tpu.memory_space<vmem>>, vector<16xf32>,
    tpu.vector_store %arg12[%swap3A_192], %broadcast_in_dim3A_79 {strides = array<i32>} : memref<256xf32, #tpu.memory_space<vmem>>, vector<16xf32>,
    %swap3A_194 = arith.constant 160 : index
    %swap3A_195 = tpu.vector_load %arg12[%swap3A_194] {strides = array<i32>} : memref<256xf32, #tpu.memory_space<vmem>>, vector<16xf32>,
    tpu.vector_store %arg12[%swap3A_194], %broadcast_in_dim3A_79 {strides = array<i32>} : memref<256xf32, #tpu.memory_space<vmem>>, vector<16xf32>,
    %swap3A_196 = arith.constant 176 : index
    %swap3A_197 = tpu.vector_load %arg12[%swap3A_196] {strides = array<i32>} : memref<256xf32, #tpu.memory_space<vmem>>, vector<16xf32>,
    tpu.vector_store %arg12[%swap3A_196], %broadcast_in_dim3A_79 {strides = array<i32>} : memref<256xf32, #tpu.memory_space<vmem>>, vector<16xf32>,
    %swap3A_198 = arith.constant 192 : index
    %swap3A_199 = tpu.vector_load %arg12[%swap3A_198] {strides = array<i32>} : memref<256xf32, #tpu.memory_space<vmem>>, vector<16xf32>,
    tpu.vector_store %arg12[%swap3A_198], %broadcast_in_dim3A_79 {strides = array<i32>} : memref<256xf32, #tpu.memory_space<vmem>>, vector<16xf32>,
    %swap3A_200 = arith.constant 208 : index
    %swap3A_201 = tpu.vector_load %arg12[%swap3A_200] {strides = array<i32>} : memref<256xf32, #tpu.memory_space<vmem>>, vector<16xf32>,
    tpu.vector_store %arg12[%swap3A_200], %broadcast_in_dim3A_79 {strides = array<i32>} : memref<256xf32, #tpu.memory_space<vmem>>, vector<16xf32>,
    %swap3A_202 = arith.constant 224 : index
    %swap3A_203 = tpu.vector_load %arg12[%swap3A_202] {strides = array<i32>} : memref<256xf32, #tpu.memory_space<vmem>>, vector<16xf32>,
    tpu.vector_store %arg12[%swap3A_202], %broadcast_in_dim3A_79 {strides = array<i32>} : memref<256xf32, #tpu.memory_space<vmem>>, vector<16xf32>,
    %swap3A_204 = arith.constant 240 : index
    %swap3A_205 = tpu.vector_load %arg12[%swap3A_204] {strides = array<i32>} : memref<256xf32, #tpu.memory_space<vmem>>, vector<16xf32>,
    tpu.vector_store %arg12[%swap3A_204], %broadcast_in_dim3A_79 {strides = array<i32>} : memref<256xf32, #tpu.memory_space<vmem>>, vector<16xf32>,
    %mul3A_206 = arith.constant 196608 : i32
    %mul3A_207 = arith.muli %add3A, %mul3A_206 : i32
    %dma_start3A_208 = tpu.memref_slice %arg3[%mul3A_207] : memref<16777216xf32, #tpu.memory_space<hbm>> -> memref<16384xf32, #tpu.memory_space<hbm>>
    %dma_start3A_209 = tpu.memref_slice %arg3[%mul3A_207] : memref<16777216xf32, #tpu.memory_space<hbm>> -> memref<16384xf32, #tpu.memory_space<hbm>>
    tpu.enqueue_dma source(%dma_start3A_209 : memref<16384xf32, #tpu.memory_space<hbm>>) target(%arg8 : memref<16384xf32, #tpu.memory_space<vmem>>) target_semaphore(%arg14 : memref<!tpu.dma_semaphore, #tpu.memory_space<semaphore_mem>>)
    %scan3A_210 = arith.constant 0 : i32
    %scan3A_211 = arith.constant 0 : i32
    %scan3A_212 = arith.constant 6 : i32
    %scan3A_213 = arith.addi %scan3A_211, %scan3A_212 : i32
    %scan3A_214 = arith.constant 1 : i32
    scf.for %scan3A_271 = %scan3A_211 to %scan3A_213 step %scan3A_214  : i32 {
      %mul3A_272 = arith.constant 2 : i32
      %mul3A_273 = arith.muli %scan3A_271, %mul3A_272 : i32
      %add3A_274 = arith.constant 1 : i32
      %add3A_275 = arith.addi %mul3A_273, %add3A_274 : i32
      %mul3A_276 = arith.constant 16384 : i32
      %mul3A_277 = arith.muli %add3A_275, %mul3A_276 : i32
      %add3A_278 = arith.addi %mul3A_207, %mul3A_277 : i32
      %dma_start3A_279 = tpu.memref_slice %arg3[%add3A_278] : memref<16777216xf32, #tpu.memory_space<hbm>> -> memref<16384xf32, #tpu.memory_space<hbm>>
      %dma_start3A_280 = tpu.memref_slice %arg3[%add3A_278] : memref<16777216xf32, #tpu.memory_space<hbm>> -> memref<16384xf32, #tpu.memory_space<hbm>>
      tpu.enqueue_dma source(%dma_start3A_280 : memref<16384xf32, #tpu.memory_space<hbm>>) target(%arg9 : memref<16384xf32, #tpu.memory_space<vmem>>) target_semaphore(%arg15 : memref<!tpu.dma_semaphore, #tpu.memory_space<semaphore_mem>>)
      %dma_wait3A_281 = arith.constant 0 : i32
      %dma_wait3A_282 = tpu.memref_slice %arg3[%dma_wait3A_281] : memref<16777216xf32, #tpu.memory_space<hbm>> -> memref<16384xf32, #tpu.memory_space<hbm>>
      %dma_wait3A_283 = arith.constant 0 : i32
      %dma_wait3A_284 = tpu.memref_slice %arg3[%dma_wait3A_283] : memref<16777216xf32, #tpu.memory_space<hbm>> -> memref<16384xf32, #tpu.memory_space<hbm>>
      tpu.wait_dma2 semaphore(%arg14 : memref<!tpu.dma_semaphore, #tpu.memory_space<semaphore_mem>>) src(%dma_wait3A_284 : memref<16384xf32, #tpu.memory_space<hbm>>) dst(%arg8 : memref<16384xf32, #tpu.memory_space<vmem>>)
      %parallel_loop3A = arith.constant 0 : i32
      %parallel_loop3A_285 = arith.constant 1024 : i32
      %parallel_loop3A_286 = arith.constant 1 : i32
      scf.for %parallel_loop3A_303 = %parallel_loop3A to %parallel_loop3A_285 step %parallel_loop3A_286  : i32 {
        %parallel_loop3A_304 = arith.constant 16 : i32
        %parallel_loop3A_305 = arith.muli %parallel_loop3A_303, %parallel_loop3A_304 : i32
        %parallel_loop3A_306 = arith.index_cast %parallel_loop3A_305 : i32 to index
        %parallel_loop3A_307 = tpu.vector_load %arg8[%parallel_loop3A_306] {strides = array<i32>} : memref<16384xf32, #tpu.memory_space<vmem>>, vector<16xf32>,
        %parallel_loop3A_308 = arith.mulf %parallel_loop3A_307, %div3A_65 : vector<16xf32>
        %parallel_loop3A_309 = arith.addf %parallel_loop3A_308, %mul3A_69 : vector<16xf32>
        %parallel_loop3A_310 = arith.fptosi %parallel_loop3A_309 : vector<16xf32> to vector<16xi32>
        %parallel_loop3A_311 = arith.sitofp %parallel_loop3A_310 : vector<16xi32> to vector<16xf32>
        %parallel_loop3A_312 = arith.subf %parallel_loop3A_309, %parallel_loop3A_311 : vector<16xf32>
        %parallel_loop3A_313 = arith.addi %mul3A_73, %parallel_loop3A_310 : vector<16xi32>
        %parallel_loop3A_314 = arith.subf %broadcast_in_dim3A_77, %parallel_loop3A_312 : vector<16xf32>
        tpu.vector_store_idx %arg12[%parallel_loop3A_313], %parallel_loop3A_314 {add = true} : memref<256xf32, #tpu.memory_space<vmem>>[vector<16xi32>], vector<16xf32>,
        %parallel_loop3A_315 = arith.addi %parallel_loop3A_313, %broadcast_in_dim3A_75 : vector<16xi32>
        tpu.vector_store_idx %arg12[%parallel_loop3A_315], %parallel_loop3A_312 {add = true} : memref<256xf32, #tpu.memory_space<vmem>>[vector<16xi32>], vector<16xf32>,
      } {sc.loop_unroll_factor = 16 : i64, sc.parallel_access}
      %add3A_287 = arith.constant 2 : i32
      %add3A_288 = arith.addi %mul3A_273, %add3A_287 : i32
      %min3A_289 = arith.constant 10 : i32
      %min3A_290 = arith.minsi %add3A_288, %min3A_289 : i32
      %mul3A_291 = arith.constant 16384 : i32
      %mul3A_292 = arith.muli %min3A_290, %mul3A_291 : i32
      %add3A_293 = arith.addi %mul3A_207, %mul3A_292 : i32
      %dma_start3A_294 = tpu.memref_slice %arg3[%add3A_293] : memref<16777216xf32, #tpu.memory_space<hbm>> -> memref<16384xf32, #tpu.memory_space<hbm>>
      %dma_start3A_295 = tpu.memref_slice %arg3[%add3A_293] : memref<16777216xf32, #tpu.memory_space<hbm>> -> memref<16384xf32, #tpu.memory_space<hbm>>
      tpu.enqueue_dma source(%dma_start3A_295 : memref<16384xf32, #tpu.memory_space<hbm>>) target(%arg8 : memref<16384xf32, #tpu.memory_space<vmem>>) target_semaphore(%arg14 : memref<!tpu.dma_semaphore, #tpu.memory_space<semaphore_mem>>)
      %dma_wait3A_296 = arith.constant 0 : i32
      %dma_wait3A_297 = tpu.memref_slice %arg3[%dma_wait3A_296] : memref<16777216xf32, #tpu.memory_space<hbm>> -> memref<16384xf32, #tpu.memory_space<hbm>>
      %dma_wait3A_298 = arith.constant 0 : i32
      %dma_wait3A_299 = tpu.memref_slice %arg3[%dma_wait3A_298] : memref<16777216xf32, #tpu.memory_space<hbm>> -> memref<16384xf32, #tpu.memory_space<hbm>>
      tpu.wait_dma2 semaphore(%arg15 : memref<!tpu.dma_semaphore, #tpu.memory_space<semaphore_mem>>) src(%dma_wait3A_299 : memref<16384xf32, #tpu.memory_space<hbm>>) dst(%arg9 : memref<16384xf32, #tpu.memory_space<vmem>>)
      %parallel_loop3A_300 = arith.constant 0 : i32
      %parallel_loop3A_301 = arith.constant 1024 : i32
      %parallel_loop3A_302 = arith.constant 1 : i32
      scf.for %parallel_loop3A_303 = %parallel_loop3A_300 to %parallel_loop3A_301 step %parallel_loop3A_302  : i32 {
        %parallel_loop3A_304 = arith.constant 16 : i32
        %parallel_loop3A_305 = arith.muli %parallel_loop3A_303, %parallel_loop3A_304 : i32
        %parallel_loop3A_306 = arith.index_cast %parallel_loop3A_305 : i32 to index
        %parallel_loop3A_307 = tpu.vector_load %arg9[%parallel_loop3A_306] {strides = array<i32>} : memref<16384xf32, #tpu.memory_space<vmem>>, vector<16xf32>,
        %parallel_loop3A_308 = arith.mulf %parallel_loop3A_307, %div3A_65 : vector<16xf32>
        %parallel_loop3A_309 = arith.addf %parallel_loop3A_308, %mul3A_69 : vector<16xf32>
        %parallel_loop3A_310 = arith.fptosi %parallel_loop3A_309 : vector<16xf32> to vector<16xi32>
        %parallel_loop3A_311 = arith.sitofp %parallel_loop3A_310 : vector<16xi32> to vector<16xf32>
        %parallel_loop3A_312 = arith.subf %parallel_loop3A_309, %parallel_loop3A_311 : vector<16xf32>
        %parallel_loop3A_313 = arith.addi %mul3A_73, %parallel_loop3A_310 : vector<16xi32>
        %parallel_loop3A_314 = arith.subf %broadcast_in_dim3A_77, %parallel_loop3A_312 : vector<16xf32>
        tpu.vector_store_idx %arg12[%parallel_loop3A_313], %parallel_loop3A_314 {add = true} : memref<256xf32, #tpu.memory_space<vmem>>[vector<16xi32>], vector<16xf32>,
        %parallel_loop3A_315 = arith.addi %parallel_loop3A_313, %broadcast_in_dim3A_75 : vector<16xi32>
        tpu.vector_store_idx %arg12[%parallel_loop3A_315], %parallel_loop3A_312 {add = true} : memref<256xf32, #tpu.memory_space<vmem>>[vector<16xi32>], vector<16xf32>,
      } {sc.loop_unroll_factor = 16 : i64, sc.parallel_access}
    }
    %scan3A_215 = arith.constant 6 : i32
    %dma_wait3A_216 = arith.constant 0 : i32
    %dma_wait3A_217 = tpu.memref_slice %arg3[%dma_wait3A_216] : memref<16777216xf32, #tpu.memory_space<hbm>> -> memref<16384xf32, #tpu.memory_space<hbm>>
    %dma_wait3A_218 = arith.constant 0 : i32
    %dma_wait3A_219 = tpu.memref_slice %arg3[%dma_wait3A_218] : memref<16777216xf32, #tpu.memory_space<hbm>> -> memref<16384xf32, #tpu.memory_space<hbm>>
    tpu.wait_dma2 semaphore(%arg14 : memref<!tpu.dma_semaphore, #tpu.memory_space<semaphore_mem>>) src(%dma_wait3A_219 : memref<16384xf32, #tpu.memory_space<hbm>>) dst(%arg8 : memref<16384xf32, #tpu.memory_space<vmem>>)
    %get3A_220 = arith.constant 0 : index
    %get3A_221 = tpu.vector_load %arg12[%get3A_220] {strides = array<i32>} : memref<256xf32, #tpu.memory_space<vmem>>, vector<16xf32>,
    %get3A_222 = arith.constant 16 : index
    %get3A_223 = tpu.vector_load %arg12[%get3A_222] {strides = array<i32>} : memref<256xf32, #tpu.memory_space<vmem>>, vector<16xf32>,
    %add3A_224 = arith.addf %get3A_221, %get3A_223 : vector<16xf32>
    %get3A_225 = arith.constant 32 : index
    %get3A_226 = tpu.vector_load %arg12[%get3A_225] {strides = array<i32>} : memref<256xf32, #tpu.memory_space<vmem>>, vector<16xf32>,
    %add3A_227 = arith.addf %add3A_224, %get3A_226 : vector<16xf32>
    %get3A_228 = arith.constant 48 : index
    %get3A_229 = tpu.vector_load %arg12[%get3A_228] {strides = array<i32>} : memref<256xf32, #tpu.memory_space<vmem>>, vector<16xf32>,
    %add3A_230 = arith.addf %add3A_227, %get3A_229 : vector<16xf32>
    %get3A_231 = arith.constant 64 : index
    %get3A_232 = tpu.vector_load %arg12[%get3A_231] {strides = array<i32>} : memref<256xf32, #tpu.memory_space<vmem>>, vector<16xf32>,
    %add3A_233 = arith.addf %add3A_230, %get3A_232 : vector<16xf32>
    %get3A_234 = arith.constant 80 : index
    %get3A_235 = tpu.vector_load %arg12[%get3A_234] {strides = array<i32>} : memref<256xf32, #tpu.memory_space<vmem>>, vector<16xf32>,
    %add3A_236 = arith.addf %add3A_233, %get3A_235 : vector<16xf32>
    %get3A_237 = arith.constant 96 : index
    %get3A_238 = tpu.vector_load %arg12[%get3A_237] {strides = array<i32>} : memref<256xf32, #tpu.memory_space<vmem>>, vector<16xf32>,
    %add3A_239 = arith.addf %add3A_236, %get3A_238 : vector<16xf32>
    %get3A_240 = arith.constant 112 : index
    %get3A_241 = tpu.vector_load %arg12[%get3A_240] {strides = array<i32>} : memref<256xf32, #tpu.memory_space<vmem>>, vector<16xf32>,
    %add3A_242 = arith.addf %add3A_239, %get3A_241 : vector<16xf32>
    %get3A_243 = arith.constant 128 : index
    %get3A_244 = tpu.vector_load %arg12[%get3A_243] {strides = array<i32>} : memref<256xf32, #tpu.memory_space<vmem>>, vector<16xf32>,
    %add3A_245 = arith.addf %add3A_242, %get3A_244 : vector<16xf32>
    %get3A_246 = arith.constant 144 : index
    %get3A_247 = tpu.vector_load %arg12[%get3A_246] {strides = array<i32>} : memref<256xf32, #tpu.memory_space<vmem>>, vector<16xf32>,
    %add3A_248 = arith.addf %add3A_245, %get3A_247 : vector<16xf32>
    %get3A_249 = arith.constant 160 : index
    %get3A_250 = tpu.vector_load %arg12[%get3A_249] {strides = array<i32>} : memref<256xf32, #tpu.memory_space<vmem>>, vector<16xf32>,
    %add3A_251 = arith.addf %add3A_248, %get3A_250 : vector<16xf32>
    %get3A_252 = arith.constant 176 : index
    %get3A_253 = tpu.vector_load %arg12[%get3A_252] {strides = array<i32>} : memref<256xf32, #tpu.memory_space<vmem>>, vector<16xf32>,
    %add3A_254 = arith.addf %add3A_251, %get3A_253 : vector<16xf32>
    %get3A_255 = arith.constant 192 : index
    %get3A_256 = tpu.vector_load %arg12[%get3A_255] {strides = array<i32>} : memref<256xf32, #tpu.memory_space<vmem>>, vector<16xf32>,
    %add3A_257 = arith.addf %add3A_254, %get3A_256 : vector<16xf32>
    %get3A_258 = arith.constant 208 : index
    %get3A_259 = tpu.vector_load %arg12[%get3A_258] {strides = array<i32>} : memref<256xf32, #tpu.memory_space<vmem>>, vector<16xf32>,
    %add3A_260 = arith.addf %add3A_257, %get3A_259 : vector<16xf32>
    %get3A_261 = arith.constant 224 : index
    %get3A_262 = tpu.vector_load %arg12[%get3A_261] {strides = array<i32>} : memref<256xf32, #tpu.memory_space<vmem>>, vector<16xf32>,
    %add3A_263 = arith.addf %add3A_260, %get3A_262 : vector<16xf32>
    %get3A_264 = arith.constant 240 : index
    %get3A_265 = tpu.vector_load %arg12[%get3A_264] {strides = array<i32>} : memref<256xf32, #tpu.memory_space<vmem>>, vector<16xf32>,
    %add3A_266 = arith.addf %add3A_263, %get3A_265 : vector<16xf32>
    %swap3A_267 = arith.constant 0 : index
    %swap3A_268 = tpu.vector_load %arg13[%swap3A_267] {strides = array<i32>} : memref<16xf32, #tpu.memory_space<vmem>>, vector<16xf32>,
    tpu.vector_store %arg13[%swap3A_267], %add3A_266 {strides = array<i32>} : memref<16xf32, #tpu.memory_space<vmem>>, vector<16xf32>,
    %mul3A_269 = arith.constant 16 : i32
    %mul3A_270 = arith.muli %add3A, %mul3A_269 : i32
    "tpu.region"() ({
      %run_scoped3A = tpu.sem_alloc : memref<!tpu.dma_semaphore, #tpu.memory_space<semaphore_mem>>
      %dma_start3A_271 = tpu.memref_slice %arg7[%mul3A_270] : memref<512xf32, #tpu.memory_space<hbm>> -> memref<16xf32, #tpu.memory_space<hbm>>
      %dma_start3A_272 = tpu.memref_slice %arg7[%mul3A_270] : memref<512xf32, #tpu.memory_space<hbm>> -> memref<16xf32, #tpu.memory_space<hbm>>
      tpu.enqueue_dma source(%arg13 : memref<16xf32, #tpu.memory_space<vmem>>) target(%dma_start3A_272 : memref<16xf32, #tpu.memory_space<hbm>>) target_semaphore(%run_scoped3A : memref<!tpu.dma_semaphore, #tpu.memory_space<semaphore_mem>>)
      %dma_wait3A_273 = tpu.memref_slice %arg7[%mul3A_270] : memref<512xf32, #tpu.memory_space<hbm>> -> memref<16xf32, #tpu.memory_space<hbm>>
      %dma_wait3A_274 = tpu.memref_slice %arg7[%mul3A_270] : memref<512xf32, #tpu.memory_space<hbm>> -> memref<16xf32, #tpu.memory_space<hbm>>
      tpu.wait_dma2 semaphore(%run_scoped3A : memref<!tpu.dma_semaphore, #tpu.memory_space<semaphore_mem>>) src(%arg13 : memref<16xf32, #tpu.memory_space<vmem>>) dst(%dma_wait3A_274 : memref<16xf32, #tpu.memory_space<hbm>>)
      tpu.yield
    }) : () -> ()
    return
  }
}

#map = affine_map<(d0, d1) -> (0)>
module attributes {stable_mosaic.version = 14 : i64} {
  func.func @body(%arg0: i32, %arg1: i32, %arg2: memref<512xf32, #tpu.memory_space<hbm>>, %arg3: memref<512xf32, #tpu.memory_space<hbm>>, %arg4: memref<1280xf32, #tpu.memory_space<hbm>>, %arg5: memref<1280xf32, #tpu.memory_space<hbm>>, %arg6: memref<16xf32, #tpu.memory_space<hbm>>, %arg7: memref<512xf32, #tpu.memory_space<vmem>>, %arg8: memref<512xf32, #tpu.memory_space<vmem>>, %arg9: memref<32xf32, #tpu.memory_space<vmem>>, %arg10: memref<16xf32, #tpu.memory_space<vmem>>, %arg11: memref<1280xf32, #tpu.memory_space<vmem>>) attributes {dimension_semantics = [#tpu.dimension_semantics<core_parallel>, #tpu.dimension_semantics<subcore_parallel>], iteration_bounds = array<i64: 2, 16>, scalar_prefetch = 0 : i64, scratch_operands = 5 : i64, tpu.core_type = #tpu.core_type<sc_vector_subcore>, window_params = [{transform_indices = #map}, {transform_indices = #map}, {transform_indices = #map}, {transform_indices = #map}, {transform_indices = #map}]} {
    %mul3A = arith.constant 2 : i32
    %mul3A_0 = arith.muli %arg1, %mul3A : i32
    %add3A = arith.addi %mul3A_0, %arg0 : i32
    %eq3A = arith.constant 0 : i32
    %eq3A_1 = arith.cmpi eq, %add3A, %eq3A : i32
    %convert_element_type3A = arith.extui %eq3A_1 : i1 to i32
    %cond3A = arith.constant 0 : i32
    %cond3A_2 = arith.cmpi ne, %convert_element_type3A, %cond3A : i32
    scf.if %cond3A_2 {
      %iota3A = tpu.iota {dimensions = array<i32: 0>} : vector<16xi32>
      %broadcast_in_dim3A = arith.constant 0.000000e+00 : f32
      %broadcast_in_dim3A_3 = vector.broadcast %broadcast_in_dim3A : f32 to vector<16xf32>
      "tpu.region"() ({
        %run_scoped3A = tpu.sem_alloc : memref<!tpu.dma_semaphore, #tpu.memory_space<semaphore_mem>>
        tpu.enqueue_dma source(%arg2 : memref<512xf32, #tpu.memory_space<hbm>>) target(%arg7 : memref<512xf32, #tpu.memory_space<vmem>>) target_semaphore(%run_scoped3A : memref<!tpu.dma_semaphore, #tpu.memory_space<semaphore_mem>>)
        tpu.wait_dma2 semaphore(%run_scoped3A : memref<!tpu.dma_semaphore, #tpu.memory_space<semaphore_mem>>) src(%arg2 : memref<512xf32, #tpu.memory_space<hbm>>) dst(%arg7 : memref<512xf32, #tpu.memory_space<vmem>>)
        tpu.yield
      }) : () -> ()
      "tpu.region"() ({
        %run_scoped3A = tpu.sem_alloc : memref<!tpu.dma_semaphore, #tpu.memory_space<semaphore_mem>>
        tpu.enqueue_dma source(%arg3 : memref<512xf32, #tpu.memory_space<hbm>>) target(%arg8 : memref<512xf32, #tpu.memory_space<vmem>>) target_semaphore(%run_scoped3A : memref<!tpu.dma_semaphore, #tpu.memory_space<semaphore_mem>>)
        tpu.wait_dma2 semaphore(%run_scoped3A : memref<!tpu.dma_semaphore, #tpu.memory_space<semaphore_mem>>) src(%arg3 : memref<512xf32, #tpu.memory_space<hbm>>) dst(%arg8 : memref<512xf32, #tpu.memory_space<vmem>>)
        tpu.yield
      }) : () -> ()
      %eq3A_4 = arith.constant 10 : i32
      %eq3A_5 = vector.broadcast %eq3A_4 : i32 to vector<16xi32>
      %eq3A_6 = arith.cmpi eq, %iota3A, %eq3A_5 : vector<16xi32>
      %broadcast_in_dim3A_7 = arith.constant 0x4A000000 : f32
      %broadcast_in_dim3A_8 = vector.broadcast %broadcast_in_dim3A_7 : f32 to vector<16xf32>
      %select_n3A = arith.select %eq3A_6, %broadcast_in_dim3A_8, %broadcast_in_dim3A_3 : vector<16xi1>, vector<16xf32>
      "tpu.region"() ({
        %run_scoped3A = tpu.sem_alloc : memref<!tpu.dma_semaphore, #tpu.memory_space<semaphore_mem>>
        tpu.enqueue_dma source(%arg4 : memref<1280xf32, #tpu.memory_space<hbm>>) target(%arg11 : memref<1280xf32, #tpu.memory_space<vmem>>) target_semaphore(%run_scoped3A : memref<!tpu.dma_semaphore, #tpu.memory_space<semaphore_mem>>)
        tpu.wait_dma2 semaphore(%run_scoped3A : memref<!tpu.dma_semaphore, #tpu.memory_space<semaphore_mem>>) src(%arg4 : memref<1280xf32, #tpu.memory_space<hbm>>) dst(%arg11 : memref<1280xf32, #tpu.memory_space<vmem>>)
        tpu.yield
      }) : () -> ()
      %get3A = arith.constant 0 : index
      %get3A_9 = tpu.vector_load %arg11[%get3A] {strides = array<i32>} : memref<1280xf32, #tpu.memory_space<vmem>>, vector<16xf32>,
      %get3A_10 = arith.constant 16 : index
      %get3A_11 = tpu.vector_load %arg11[%get3A_10] {strides = array<i32>} : memref<1280xf32, #tpu.memory_space<vmem>>, vector<16xf32>,
      %add3A_12 = arith.addf %get3A_9, %get3A_11 : vector<16xf32>
      %get3A_13 = arith.constant 32 : index
      %get3A_14 = tpu.vector_load %arg11[%get3A_13] {strides = array<i32>} : memref<1280xf32, #tpu.memory_space<vmem>>, vector<16xf32>,
      %add3A_15 = arith.addf %add3A_12, %get3A_14 : vector<16xf32>
      %get3A_16 = arith.constant 48 : index
      %get3A_17 = tpu.vector_load %arg11[%get3A_16] {strides = array<i32>} : memref<1280xf32, #tpu.memory_space<vmem>>, vector<16xf32>,
      %add3A_18 = arith.addf %add3A_15, %get3A_17 : vector<16xf32>
      %get3A_19 = arith.constant 64 : index
      %get3A_20 = tpu.vector_load %arg11[%get3A_19] {strides = array<i32>} : memref<1280xf32, #tpu.memory_space<vmem>>, vector<16xf32>,
      %add3A_21 = arith.addf %add3A_18, %get3A_20 : vector<16xf32>
      %get3A_22 = arith.constant 80 : index
      %get3A_23 = tpu.vector_load %arg11[%get3A_22] {strides = array<i32>} : memref<1280xf32, #tpu.memory_space<vmem>>, vector<16xf32>,
      %add3A_24 = arith.addf %add3A_21, %get3A_23 : vector<16xf32>
      %get3A_25 = arith.constant 96 : index
      %get3A_26 = tpu.vector_load %arg11[%get3A_25] {strides = array<i32>} : memref<1280xf32, #tpu.memory_space<vmem>>, vector<16xf32>,
      %add3A_27 = arith.addf %add3A_24, %get3A_26 : vector<16xf32>
      %get3A_28 = arith.constant 112 : index
      %get3A_29 = tpu.vector_load %arg11[%get3A_28] {strides = array<i32>} : memref<1280xf32, #tpu.memory_space<vmem>>, vector<16xf32>,
      %add3A_30 = arith.addf %add3A_27, %get3A_29 : vector<16xf32>
      %iota3A_31 = tpu.iota {dimensions = array<i32: 0>} : vector<16xi32>
      %swap3A = arith.constant 0 : index
      %swap3A_32 = tpu.vector_load %arg10[%swap3A] {strides = array<i32>} : memref<16xf32, #tpu.memory_space<vmem>>, vector<16xf32>,
      tpu.vector_store %arg10[%swap3A], %add3A_30 {strides = array<i32>} : memref<16xf32, #tpu.memory_space<vmem>>, vector<16xf32>,
      %xor3A = arith.constant 8 : i32
      %xor3A_33 = vector.broadcast %xor3A : i32 to vector<16xi32>
      %xor3A_34 = arith.xori %iota3A_31, %xor3A_33 : vector<16xi32>
      %gather3A = tpu.vector_load_idx %arg10[%xor3A_34] : memref<16xf32, #tpu.memory_space<vmem>>[vector<16xi32>], vector<16xf32>,
      %add3A_35 = arith.addf %add3A_30, %gather3A : vector<16xf32>
      %swap3A_36 = arith.constant 0 : index
      %swap3A_37 = tpu.vector_load %arg10[%swap3A_36] {strides = array<i32>} : memref<16xf32, #tpu.memory_space<vmem>>, vector<16xf32>,
      tpu.vector_store %arg10[%swap3A_36], %add3A_35 {strides = array<i32>} : memref<16xf32, #tpu.memory_space<vmem>>, vector<16xf32>,
      %xor3A_38 = arith.constant 4 : i32
      %xor3A_39 = vector.broadcast %xor3A_38 : i32 to vector<16xi32>
      %xor3A_40 = arith.xori %iota3A_31, %xor3A_39 : vector<16xi32>
      %gather3A_41 = tpu.vector_load_idx %arg10[%xor3A_40] : memref<16xf32, #tpu.memory_space<vmem>>[vector<16xi32>], vector<16xf32>,
      %add3A_42 = arith.addf %add3A_35, %gather3A_41 : vector<16xf32>
      %swap3A_43 = arith.constant 0 : index
      %swap3A_44 = tpu.vector_load %arg10[%swap3A_43] {strides = array<i32>} : memref<16xf32, #tpu.memory_space<vmem>>, vector<16xf32>,
      tpu.vector_store %arg10[%swap3A_43], %add3A_42 {strides = array<i32>} : memref<16xf32, #tpu.memory_space<vmem>>, vector<16xf32>,
      %xor3A_45 = arith.constant 2 : i32
      %xor3A_46 = vector.broadcast %xor3A_45 : i32 to vector<16xi32>
      %xor3A_47 = arith.xori %iota3A_31, %xor3A_46 : vector<16xi32>
      %gather3A_48 = tpu.vector_load_idx %arg10[%xor3A_47] : memref<16xf32, #tpu.memory_space<vmem>>[vector<16xi32>], vector<16xf32>,
      %add3A_49 = arith.addf %add3A_42, %gather3A_48 : vector<16xf32>
      %swap3A_50 = arith.constant 0 : index
      %swap3A_51 = tpu.vector_load %arg10[%swap3A_50] {strides = array<i32>} : memref<16xf32, #tpu.memory_space<vmem>>, vector<16xf32>,
      tpu.vector_store %arg10[%swap3A_50], %add3A_49 {strides = array<i32>} : memref<16xf32, #tpu.memory_space<vmem>>, vector<16xf32>,
      %xor3A_52 = arith.constant 1 : i32
      %xor3A_53 = vector.broadcast %xor3A_52 : i32 to vector<16xi32>
      %xor3A_54 = arith.xori %iota3A_31, %xor3A_53 : vector<16xi32>
      %gather3A_55 = tpu.vector_load_idx %arg10[%xor3A_54] : memref<16xf32, #tpu.memory_space<vmem>>[vector<16xi32>], vector<16xf32>,
      %add3A_56 = arith.addf %add3A_49, %gather3A_55 : vector<16xf32>
      %eq3A_57 = arith.constant 0 : i32
      %eq3A_58 = vector.broadcast %eq3A_57 : i32 to vector<16xi32>
      %eq3A_59 = arith.cmpi eq, %iota3A, %eq3A_58 : vector<16xi32>
      %select_n3A_60 = arith.select %eq3A_59, %add3A_56, %select_n3A : vector<16xi1>, vector<16xf32>
      %get3A_61 = arith.constant 128 : index
      %get3A_62 = tpu.vector_load %arg11[%get3A_61] {strides = array<i32>} : memref<1280xf32, #tpu.memory_space<vmem>>, vector<16xf32>,
      %get3A_63 = arith.constant 144 : index
      %get3A_64 = tpu.vector_load %arg11[%get3A_63] {strides = array<i32>} : memref<1280xf32, #tpu.memory_space<vmem>>, vector<16xf32>,
      %add3A_65 = arith.addf %get3A_62, %get3A_64 : vector<16xf32>
      %get3A_66 = arith.constant 160 : index
      %get3A_67 = tpu.vector_load %arg11[%get3A_66] {strides = array<i32>} : memref<1280xf32, #tpu.memory_space<vmem>>, vector<16xf32>,
      %add3A_68 = arith.addf %add3A_65, %get3A_67 : vector<16xf32>
      %get3A_69 = arith.constant 176 : index
      %get3A_70 = tpu.vector_load %arg11[%get3A_69] {strides = array<i32>} : memref<1280xf32, #tpu.memory_space<vmem>>, vector<16xf32>,
      %add3A_71 = arith.addf %add3A_68, %get3A_70 : vector<16xf32>
      %get3A_72 = arith.constant 192 : index
      %get3A_73 = tpu.vector_load %arg11[%get3A_72] {strides = array<i32>} : memref<1280xf32, #tpu.memory_space<vmem>>, vector<16xf32>,
      %add3A_74 = arith.addf %add3A_71, %get3A_73 : vector<16xf32>
      %get3A_75 = arith.constant 208 : index
      %get3A_76 = tpu.vector_load %arg11[%get3A_75] {strides = array<i32>} : memref<1280xf32, #tpu.memory_space<vmem>>, vector<16xf32>,
      %add3A_77 = arith.addf %add3A_74, %get3A_76 : vector<16xf32>
      %get3A_78 = arith.constant 224 : index
      %get3A_79 = tpu.vector_load %arg11[%get3A_78] {strides = array<i32>} : memref<1280xf32, #tpu.memory_space<vmem>>, vector<16xf32>,
      %add3A_80 = arith.addf %add3A_77, %get3A_79 : vector<16xf32>
      %get3A_81 = arith.constant 240 : index
      %get3A_82 = tpu.vector_load %arg11[%get3A_81] {strides = array<i32>} : memref<1280xf32, #tpu.memory_space<vmem>>, vector<16xf32>,
      %add3A_83 = arith.addf %add3A_80, %get3A_82 : vector<16xf32>
      %iota3A_84 = tpu.iota {dimensions = array<i32: 0>} : vector<16xi32>
      %swap3A_85 = arith.constant 0 : index
      %swap3A_86 = tpu.vector_load %arg10[%swap3A_85] {strides = array<i32>} : memref<16xf32, #tpu.memory_space<vmem>>, vector<16xf32>,
      tpu.vector_store %arg10[%swap3A_85], %add3A_83 {strides = array<i32>} : memref<16xf32, #tpu.memory_space<vmem>>, vector<16xf32>,
      %xor3A_87 = arith.constant 8 : i32
      %xor3A_88 = vector.broadcast %xor3A_87 : i32 to vector<16xi32>
      %xor3A_89 = arith.xori %iota3A_84, %xor3A_88 : vector<16xi32>
      %gather3A_90 = tpu.vector_load_idx %arg10[%xor3A_89] : memref<16xf32, #tpu.memory_space<vmem>>[vector<16xi32>], vector<16xf32>,
      %add3A_91 = arith.addf %add3A_83, %gather3A_90 : vector<16xf32>
      %swap3A_92 = arith.constant 0 : index
      %swap3A_93 = tpu.vector_load %arg10[%swap3A_92] {strides = array<i32>} : memref<16xf32, #tpu.memory_space<vmem>>, vector<16xf32>,
      tpu.vector_store %arg10[%swap3A_92], %add3A_91 {strides = array<i32>} : memref<16xf32, #tpu.memory_space<vmem>>, vector<16xf32>,
      %xor3A_94 = arith.constant 4 : i32
      %xor3A_95 = vector.broadcast %xor3A_94 : i32 to vector<16xi32>
      %xor3A_96 = arith.xori %iota3A_84, %xor3A_95 : vector<16xi32>
      %gather3A_97 = tpu.vector_load_idx %arg10[%xor3A_96] : memref<16xf32, #tpu.memory_space<vmem>>[vector<16xi32>], vector<16xf32>,
      %add3A_98 = arith.addf %add3A_91, %gather3A_97 : vector<16xf32>
      %swap3A_99 = arith.constant 0 : index
      %swap3A_100 = tpu.vector_load %arg10[%swap3A_99] {strides = array<i32>} : memref<16xf32, #tpu.memory_space<vmem>>, vector<16xf32>,
      tpu.vector_store %arg10[%swap3A_99], %add3A_98 {strides = array<i32>} : memref<16xf32, #tpu.memory_space<vmem>>, vector<16xf32>,
      %xor3A_101 = arith.constant 2 : i32
      %xor3A_102 = vector.broadcast %xor3A_101 : i32 to vector<16xi32>
      %xor3A_103 = arith.xori %iota3A_84, %xor3A_102 : vector<16xi32>
      %gather3A_104 = tpu.vector_load_idx %arg10[%xor3A_103] : memref<16xf32, #tpu.memory_space<vmem>>[vector<16xi32>], vector<16xf32>,
      %add3A_105 = arith.addf %add3A_98, %gather3A_104 : vector<16xf32>
      %swap3A_106 = arith.constant 0 : index
      %swap3A_107 = tpu.vector_load %arg10[%swap3A_106] {strides = array<i32>} : memref<16xf32, #tpu.memory_space<vmem>>, vector<16xf32>,
      tpu.vector_store %arg10[%swap3A_106], %add3A_105 {strides = array<i32>} : memref<16xf32, #tpu.memory_space<vmem>>, vector<16xf32>,
      %xor3A_108 = arith.constant 1 : i32
      %xor3A_109 = vector.broadcast %xor3A_108 : i32 to vector<16xi32>
      %xor3A_110 = arith.xori %iota3A_84, %xor3A_109 : vector<16xi32>
      %gather3A_111 = tpu.vector_load_idx %arg10[%xor3A_110] : memref<16xf32, #tpu.memory_space<vmem>>[vector<16xi32>], vector<16xf32>,
      %add3A_112 = arith.addf %add3A_105, %gather3A_111 : vector<16xf32>
      %eq3A_113 = arith.constant 1 : i32
      %eq3A_114 = vector.broadcast %eq3A_113 : i32 to vector<16xi32>
      %eq3A_115 = arith.cmpi eq, %iota3A, %eq3A_114 : vector<16xi32>
      %select_n3A_116 = arith.select %eq3A_115, %add3A_112, %select_n3A_60 : vector<16xi1>, vector<16xf32>
      %get3A_117 = arith.constant 256 : index
      %get3A_118 = tpu.vector_load %arg11[%get3A_117] {strides = array<i32>} : memref<1280xf32, #tpu.memory_space<vmem>>, vector<16xf32>,
      %get3A_119 = arith.constant 272 : index
      %get3A_120 = tpu.vector_load %arg11[%get3A_119] {strides = array<i32>} : memref<1280xf32, #tpu.memory_space<vmem>>, vector<16xf32>,
      %add3A_121 = arith.addf %get3A_118, %get3A_120 : vector<16xf32>
      %get3A_122 = arith.constant 288 : index
      %get3A_123 = tpu.vector_load %arg11[%get3A_122] {strides = array<i32>} : memref<1280xf32, #tpu.memory_space<vmem>>, vector<16xf32>,
      %add3A_124 = arith.addf %add3A_121, %get3A_123 : vector<16xf32>
      %get3A_125 = arith.constant 304 : index
      %get3A_126 = tpu.vector_load %arg11[%get3A_125] {strides = array<i32>} : memref<1280xf32, #tpu.memory_space<vmem>>, vector<16xf32>,
      %add3A_127 = arith.addf %add3A_124, %get3A_126 : vector<16xf32>
      %get3A_128 = arith.constant 320 : index
      %get3A_129 = tpu.vector_load %arg11[%get3A_128] {strides = array<i32>} : memref<1280xf32, #tpu.memory_space<vmem>>, vector<16xf32>,
      %add3A_130 = arith.addf %add3A_127, %get3A_129 : vector<16xf32>
      %get3A_131 = arith.constant 336 : index
      %get3A_132 = tpu.vector_load %arg11[%get3A_131] {strides = array<i32>} : memref<1280xf32, #tpu.memory_space<vmem>>, vector<16xf32>,
      %add3A_133 = arith.addf %add3A_130, %get3A_132 : vector<16xf32>
      %get3A_134 = arith.constant 352 : index
      %get3A_135 = tpu.vector_load %arg11[%get3A_134] {strides = array<i32>} : memref<1280xf32, #tpu.memory_space<vmem>>, vector<16xf32>,
      %add3A_136 = arith.addf %add3A_133, %get3A_135 : vector<16xf32>
      %get3A_137 = arith.constant 368 : index
      %get3A_138 = tpu.vector_load %arg11[%get3A_137] {strides = array<i32>} : memref<1280xf32, #tpu.memory_space<vmem>>, vector<16xf32>,
      %add3A_139 = arith.addf %add3A_136, %get3A_138 : vector<16xf32>
      %iota3A_140 = tpu.iota {dimensions = array<i32: 0>} : vector<16xi32>
      %swap3A_141 = arith.constant 0 : index
      %swap3A_142 = tpu.vector_load %arg10[%swap3A_141] {strides = array<i32>} : memref<16xf32, #tpu.memory_space<vmem>>, vector<16xf32>,
      tpu.vector_store %arg10[%swap3A_141], %add3A_139 {strides = array<i32>} : memref<16xf32, #tpu.memory_space<vmem>>, vector<16xf32>,
      %xor3A_143 = arith.constant 8 : i32
      %xor3A_144 = vector.broadcast %xor3A_143 : i32 to vector<16xi32>
      %xor3A_145 = arith.xori %iota3A_140, %xor3A_144 : vector<16xi32>
      %gather3A_146 = tpu.vector_load_idx %arg10[%xor3A_145] : memref<16xf32, #tpu.memory_space<vmem>>[vector<16xi32>], vector<16xf32>,
      %add3A_147 = arith.addf %add3A_139, %gather3A_146 : vector<16xf32>
      %swap3A_148 = arith.constant 0 : index
      %swap3A_149 = tpu.vector_load %arg10[%swap3A_148] {strides = array<i32>} : memref<16xf32, #tpu.memory_space<vmem>>, vector<16xf32>,
      tpu.vector_store %arg10[%swap3A_148], %add3A_147 {strides = array<i32>} : memref<16xf32, #tpu.memory_space<vmem>>, vector<16xf32>,
      %xor3A_150 = arith.constant 4 : i32
      %xor3A_151 = vector.broadcast %xor3A_150 : i32 to vector<16xi32>
      %xor3A_152 = arith.xori %iota3A_140, %xor3A_151 : vector<16xi32>
      %gather3A_153 = tpu.vector_load_idx %arg10[%xor3A_152] : memref<16xf32, #tpu.memory_space<vmem>>[vector<16xi32>], vector<16xf32>,
      %add3A_154 = arith.addf %add3A_147, %gather3A_153 : vector<16xf32>
      %swap3A_155 = arith.constant 0 : index
      %swap3A_156 = tpu.vector_load %arg10[%swap3A_155] {strides = array<i32>} : memref<16xf32, #tpu.memory_space<vmem>>, vector<16xf32>,
      tpu.vector_store %arg10[%swap3A_155], %add3A_154 {strides = array<i32>} : memref<16xf32, #tpu.memory_space<vmem>>, vector<16xf32>,
      %xor3A_157 = arith.constant 2 : i32
      %xor3A_158 = vector.broadcast %xor3A_157 : i32 to vector<16xi32>
      %xor3A_159 = arith.xori %iota3A_140, %xor3A_158 : vector<16xi32>
      %gather3A_160 = tpu.vector_load_idx %arg10[%xor3A_159] : memref<16xf32, #tpu.memory_space<vmem>>[vector<16xi32>], vector<16xf32>,
      %add3A_161 = arith.addf %add3A_154, %gather3A_160 : vector<16xf32>
      %swap3A_162 = arith.constant 0 : index
      %swap3A_163 = tpu.vector_load %arg10[%swap3A_162] {strides = array<i32>} : memref<16xf32, #tpu.memory_space<vmem>>, vector<16xf32>,
      tpu.vector_store %arg10[%swap3A_162], %add3A_161 {strides = array<i32>} : memref<16xf32, #tpu.memory_space<vmem>>, vector<16xf32>,
      %xor3A_164 = arith.constant 1 : i32
      %xor3A_165 = vector.broadcast %xor3A_164 : i32 to vector<16xi32>
      %xor3A_166 = arith.xori %iota3A_140, %xor3A_165 : vector<16xi32>
      %gather3A_167 = tpu.vector_load_idx %arg10[%xor3A_166] : memref<16xf32, #tpu.memory_space<vmem>>[vector<16xi32>], vector<16xf32>,
      %add3A_168 = arith.addf %add3A_161, %gather3A_167 : vector<16xf32>
      %eq3A_169 = arith.constant 2 : i32
      %eq3A_170 = vector.broadcast %eq3A_169 : i32 to vector<16xi32>
      %eq3A_171 = arith.cmpi eq, %iota3A, %eq3A_170 : vector<16xi32>
      %select_n3A_172 = arith.select %eq3A_171, %add3A_168, %select_n3A_116 : vector<16xi1>, vector<16xf32>
      %get3A_173 = arith.constant 384 : index
      %get3A_174 = tpu.vector_load %arg11[%get3A_173] {strides = array<i32>} : memref<1280xf32, #tpu.memory_space<vmem>>, vector<16xf32>,
      %get3A_175 = arith.constant 400 : index
      %get3A_176 = tpu.vector_load %arg11[%get3A_175] {strides = array<i32>} : memref<1280xf32, #tpu.memory_space<vmem>>, vector<16xf32>,
      %add3A_177 = arith.addf %get3A_174, %get3A_176 : vector<16xf32>
      %get3A_178 = arith.constant 416 : index
      %get3A_179 = tpu.vector_load %arg11[%get3A_178] {strides = array<i32>} : memref<1280xf32, #tpu.memory_space<vmem>>, vector<16xf32>,
      %add3A_180 = arith.addf %add3A_177, %get3A_179 : vector<16xf32>
      %get3A_181 = arith.constant 432 : index
      %get3A_182 = tpu.vector_load %arg11[%get3A_181] {strides = array<i32>} : memref<1280xf32, #tpu.memory_space<vmem>>, vector<16xf32>,
      %add3A_183 = arith.addf %add3A_180, %get3A_182 : vector<16xf32>
      %get3A_184 = arith.constant 448 : index
      %get3A_185 = tpu.vector_load %arg11[%get3A_184] {strides = array<i32>} : memref<1280xf32, #tpu.memory_space<vmem>>, vector<16xf32>,
      %add3A_186 = arith.addf %add3A_183, %get3A_185 : vector<16xf32>
      %get3A_187 = arith.constant 464 : index
      %get3A_188 = tpu.vector_load %arg11[%get3A_187] {strides = array<i32>} : memref<1280xf32, #tpu.memory_space<vmem>>, vector<16xf32>,
      %add3A_189 = arith.addf %add3A_186, %get3A_188 : vector<16xf32>
      %get3A_190 = arith.constant 480 : index
      %get3A_191 = tpu.vector_load %arg11[%get3A_190] {strides = array<i32>} : memref<1280xf32, #tpu.memory_space<vmem>>, vector<16xf32>,
      %add3A_192 = arith.addf %add3A_189, %get3A_191 : vector<16xf32>
      %get3A_193 = arith.constant 496 : index
      %get3A_194 = tpu.vector_load %arg11[%get3A_193] {strides = array<i32>} : memref<1280xf32, #tpu.memory_space<vmem>>, vector<16xf32>,
      %add3A_195 = arith.addf %add3A_192, %get3A_194 : vector<16xf32>
      %iota3A_196 = tpu.iota {dimensions = array<i32: 0>} : vector<16xi32>
      %swap3A_197 = arith.constant 0 : index
      %swap3A_198 = tpu.vector_load %arg10[%swap3A_197] {strides = array<i32>} : memref<16xf32, #tpu.memory_space<vmem>>, vector<16xf32>,
      tpu.vector_store %arg10[%swap3A_197], %add3A_195 {strides = array<i32>} : memref<16xf32, #tpu.memory_space<vmem>>, vector<16xf32>,
      %xor3A_199 = arith.constant 8 : i32
      %xor3A_200 = vector.broadcast %xor3A_199 : i32 to vector<16xi32>
      %xor3A_201 = arith.xori %iota3A_196, %xor3A_200 : vector<16xi32>
      %gather3A_202 = tpu.vector_load_idx %arg10[%xor3A_201] : memref<16xf32, #tpu.memory_space<vmem>>[vector<16xi32>], vector<16xf32>,
      %add3A_203 = arith.addf %add3A_195, %gather3A_202 : vector<16xf32>
      %swap3A_204 = arith.constant 0 : index
      %swap3A_205 = tpu.vector_load %arg10[%swap3A_204] {strides = array<i32>} : memref<16xf32, #tpu.memory_space<vmem>>, vector<16xf32>,
      tpu.vector_store %arg10[%swap3A_204], %add3A_203 {strides = array<i32>} : memref<16xf32, #tpu.memory_space<vmem>>, vector<16xf32>,
      %xor3A_206 = arith.constant 4 : i32
      %xor3A_207 = vector.broadcast %xor3A_206 : i32 to vector<16xi32>
      %xor3A_208 = arith.xori %iota3A_196, %xor3A_207 : vector<16xi32>
      %gather3A_209 = tpu.vector_load_idx %arg10[%xor3A_208] : memref<16xf32, #tpu.memory_space<vmem>>[vector<16xi32>], vector<16xf32>,
      %add3A_210 = arith.addf %add3A_203, %gather3A_209 : vector<16xf32>
      %swap3A_211 = arith.constant 0 : index
      %swap3A_212 = tpu.vector_load %arg10[%swap3A_211] {strides = array<i32>} : memref<16xf32, #tpu.memory_space<vmem>>, vector<16xf32>,
      tpu.vector_store %arg10[%swap3A_211], %add3A_210 {strides = array<i32>} : memref<16xf32, #tpu.memory_space<vmem>>, vector<16xf32>,
      %xor3A_213 = arith.constant 2 : i32
      %xor3A_214 = vector.broadcast %xor3A_213 : i32 to vector<16xi32>
      %xor3A_215 = arith.xori %iota3A_196, %xor3A_214 : vector<16xi32>
      %gather3A_216 = tpu.vector_load_idx %arg10[%xor3A_215] : memref<16xf32, #tpu.memory_space<vmem>>[vector<16xi32>], vector<16xf32>,
      %add3A_217 = arith.addf %add3A_210, %gather3A_216 : vector<16xf32>
      %swap3A_218 = arith.constant 0 : index
      %swap3A_219 = tpu.vector_load %arg10[%swap3A_218] {strides = array<i32>} : memref<16xf32, #tpu.memory_space<vmem>>, vector<16xf32>,
      tpu.vector_store %arg10[%swap3A_218], %add3A_217 {strides = array<i32>} : memref<16xf32, #tpu.memory_space<vmem>>, vector<16xf32>,
      %xor3A_220 = arith.constant 1 : i32
      %xor3A_221 = vector.broadcast %xor3A_220 : i32 to vector<16xi32>
      %xor3A_222 = arith.xori %iota3A_196, %xor3A_221 : vector<16xi32>
      %gather3A_223 = tpu.vector_load_idx %arg10[%xor3A_222] : memref<16xf32, #tpu.memory_space<vmem>>[vector<16xi32>], vector<16xf32>,
      %add3A_224 = arith.addf %add3A_217, %gather3A_223 : vector<16xf32>
      %eq3A_225 = arith.constant 3 : i32
      %eq3A_226 = vector.broadcast %eq3A_225 : i32 to vector<16xi32>
      %eq3A_227 = arith.cmpi eq, %iota3A, %eq3A_226 : vector<16xi32>
      %select_n3A_228 = arith.select %eq3A_227, %add3A_224, %select_n3A_172 : vector<16xi1>, vector<16xf32>
      %get3A_229 = arith.constant 512 : index
      %get3A_230 = tpu.vector_load %arg11[%get3A_229] {strides = array<i32>} : memref<1280xf32, #tpu.memory_space<vmem>>, vector<16xf32>,
      %get3A_231 = arith.constant 528 : index
      %get3A_232 = tpu.vector_load %arg11[%get3A_231] {strides = array<i32>} : memref<1280xf32, #tpu.memory_space<vmem>>, vector<16xf32>,
      %add3A_233 = arith.addf %get3A_230, %get3A_232 : vector<16xf32>
      %get3A_234 = arith.constant 544 : index
      %get3A_235 = tpu.vector_load %arg11[%get3A_234] {strides = array<i32>} : memref<1280xf32, #tpu.memory_space<vmem>>, vector<16xf32>,
      %add3A_236 = arith.addf %add3A_233, %get3A_235 : vector<16xf32>
      %get3A_237 = arith.constant 560 : index
      %get3A_238 = tpu.vector_load %arg11[%get3A_237] {strides = array<i32>} : memref<1280xf32, #tpu.memory_space<vmem>>, vector<16xf32>,
      %add3A_239 = arith.addf %add3A_236, %get3A_238 : vector<16xf32>
      %get3A_240 = arith.constant 576 : index
      %get3A_241 = tpu.vector_load %arg11[%get3A_240] {strides = array<i32>} : memref<1280xf32, #tpu.memory_space<vmem>>, vector<16xf32>,
      %add3A_242 = arith.addf %add3A_239, %get3A_241 : vector<16xf32>
      %get3A_243 = arith.constant 592 : index
      %get3A_244 = tpu.vector_load %arg11[%get3A_243] {strides = array<i32>} : memref<1280xf32, #tpu.memory_space<vmem>>, vector<16xf32>,
      %add3A_245 = arith.addf %add3A_242, %get3A_244 : vector<16xf32>
      %get3A_246 = arith.constant 608 : index
      %get3A_247 = tpu.vector_load %arg11[%get3A_246] {strides = array<i32>} : memref<1280xf32, #tpu.memory_space<vmem>>, vector<16xf32>,
      %add3A_248 = arith.addf %add3A_245, %get3A_247 : vector<16xf32>
      %get3A_249 = arith.constant 624 : index
      %get3A_250 = tpu.vector_load %arg11[%get3A_249] {strides = array<i32>} : memref<1280xf32, #tpu.memory_space<vmem>>, vector<16xf32>,
      %add3A_251 = arith.addf %add3A_248, %get3A_250 : vector<16xf32>
      %iota3A_252 = tpu.iota {dimensions = array<i32: 0>} : vector<16xi32>
      %swap3A_253 = arith.constant 0 : index
      %swap3A_254 = tpu.vector_load %arg10[%swap3A_253] {strides = array<i32>} : memref<16xf32, #tpu.memory_space<vmem>>, vector<16xf32>,
      tpu.vector_store %arg10[%swap3A_253], %add3A_251 {strides = array<i32>} : memref<16xf32, #tpu.memory_space<vmem>>, vector<16xf32>,
      %xor3A_255 = arith.constant 8 : i32
      %xor3A_256 = vector.broadcast %xor3A_255 : i32 to vector<16xi32>
      %xor3A_257 = arith.xori %iota3A_252, %xor3A_256 : vector<16xi32>
      %gather3A_258 = tpu.vector_load_idx %arg10[%xor3A_257] : memref<16xf32, #tpu.memory_space<vmem>>[vector<16xi32>], vector<16xf32>,
      %add3A_259 = arith.addf %add3A_251, %gather3A_258 : vector<16xf32>
      %swap3A_260 = arith.constant 0 : index
      %swap3A_261 = tpu.vector_load %arg10[%swap3A_260] {strides = array<i32>} : memref<16xf32, #tpu.memory_space<vmem>>, vector<16xf32>,
      tpu.vector_store %arg10[%swap3A_260], %add3A_259 {strides = array<i32>} : memref<16xf32, #tpu.memory_space<vmem>>, vector<16xf32>,
      %xor3A_262 = arith.constant 4 : i32
      %xor3A_263 = vector.broadcast %xor3A_262 : i32 to vector<16xi32>
      %xor3A_264 = arith.xori %iota3A_252, %xor3A_263 : vector<16xi32>
      %gather3A_265 = tpu.vector_load_idx %arg10[%xor3A_264] : memref<16xf32, #tpu.memory_space<vmem>>[vector<16xi32>], vector<16xf32>,
      %add3A_266 = arith.addf %add3A_259, %gather3A_265 : vector<16xf32>
      %swap3A_267 = arith.constant 0 : index
      %swap3A_268 = tpu.vector_load %arg10[%swap3A_267] {strides = array<i32>} : memref<16xf32, #tpu.memory_space<vmem>>, vector<16xf32>,
      tpu.vector_store %arg10[%swap3A_267], %add3A_266 {strides = array<i32>} : memref<16xf32, #tpu.memory_space<vmem>>, vector<16xf32>,
      %xor3A_269 = arith.constant 2 : i32
      %xor3A_270 = vector.broadcast %xor3A_269 : i32 to vector<16xi32>
      %xor3A_271 = arith.xori %iota3A_252, %xor3A_270 : vector<16xi32>
      %gather3A_272 = tpu.vector_load_idx %arg10[%xor3A_271] : memref<16xf32, #tpu.memory_space<vmem>>[vector<16xi32>], vector<16xf32>,
      %add3A_273 = arith.addf %add3A_266, %gather3A_272 : vector<16xf32>
      %swap3A_274 = arith.constant 0 : index
      %swap3A_275 = tpu.vector_load %arg10[%swap3A_274] {strides = array<i32>} : memref<16xf32, #tpu.memory_space<vmem>>, vector<16xf32>,
      tpu.vector_store %arg10[%swap3A_274], %add3A_273 {strides = array<i32>} : memref<16xf32, #tpu.memory_space<vmem>>, vector<16xf32>,
      %xor3A_276 = arith.constant 1 : i32
      %xor3A_277 = vector.broadcast %xor3A_276 : i32 to vector<16xi32>
      %xor3A_278 = arith.xori %iota3A_252, %xor3A_277 : vector<16xi32>
      %gather3A_279 = tpu.vector_load_idx %arg10[%xor3A_278] : memref<16xf32, #tpu.memory_space<vmem>>[vector<16xi32>], vector<16xf32>,
      %add3A_280 = arith.addf %add3A_273, %gather3A_279 : vector<16xf32>
      %eq3A_281 = arith.constant 4 : i32
      %eq3A_282 = vector.broadcast %eq3A_281 : i32 to vector<16xi32>
      %eq3A_283 = arith.cmpi eq, %iota3A, %eq3A_282 : vector<16xi32>
      %select_n3A_284 = arith.select %eq3A_283, %add3A_280, %select_n3A_228 : vector<16xi1>, vector<16xf32>
      %get3A_285 = arith.constant 640 : index
      %get3A_286 = tpu.vector_load %arg11[%get3A_285] {strides = array<i32>} : memref<1280xf32, #tpu.memory_space<vmem>>, vector<16xf32>,
      %get3A_287 = arith.constant 656 : index
      %get3A_288 = tpu.vector_load %arg11[%get3A_287] {strides = array<i32>} : memref<1280xf32, #tpu.memory_space<vmem>>, vector<16xf32>,
      %add3A_289 = arith.addf %get3A_286, %get3A_288 : vector<16xf32>
      %get3A_290 = arith.constant 672 : index
      %get3A_291 = tpu.vector_load %arg11[%get3A_290] {strides = array<i32>} : memref<1280xf32, #tpu.memory_space<vmem>>, vector<16xf32>,
      %add3A_292 = arith.addf %add3A_289, %get3A_291 : vector<16xf32>
      %get3A_293 = arith.constant 688 : index
      %get3A_294 = tpu.vector_load %arg11[%get3A_293] {strides = array<i32>} : memref<1280xf32, #tpu.memory_space<vmem>>, vector<16xf32>,
      %add3A_295 = arith.addf %add3A_292, %get3A_294 : vector<16xf32>
      %get3A_296 = arith.constant 704 : index
      %get3A_297 = tpu.vector_load %arg11[%get3A_296] {strides = array<i32>} : memref<1280xf32, #tpu.memory_space<vmem>>, vector<16xf32>,
      %add3A_298 = arith.addf %add3A_295, %get3A_297 : vector<16xf32>
      %get3A_299 = arith.constant 720 : index
      %get3A_300 = tpu.vector_load %arg11[%get3A_299] {strides = array<i32>} : memref<1280xf32, #tpu.memory_space<vmem>>, vector<16xf32>,
      %add3A_301 = arith.addf %add3A_298, %get3A_300 : vector<16xf32>
      %get3A_302 = arith.constant 736 : index
      %get3A_303 = tpu.vector_load %arg11[%get3A_302] {strides = array<i32>} : memref<1280xf32, #tpu.memory_space<vmem>>, vector<16xf32>,
      %add3A_304 = arith.addf %add3A_301, %get3A_303 : vector<16xf32>
      %get3A_305 = arith.constant 752 : index
      %get3A_306 = tpu.vector_load %arg11[%get3A_305] {strides = array<i32>} : memref<1280xf32, #tpu.memory_space<vmem>>, vector<16xf32>,
      %add3A_307 = arith.addf %add3A_304, %get3A_306 : vector<16xf32>
      %iota3A_308 = tpu.iota {dimensions = array<i32: 0>} : vector<16xi32>
      %swap3A_309 = arith.constant 0 : index
      %swap3A_310 = tpu.vector_load %arg10[%swap3A_309] {strides = array<i32>} : memref<16xf32, #tpu.memory_space<vmem>>, vector<16xf32>,
      tpu.vector_store %arg10[%swap3A_309], %add3A_307 {strides = array<i32>} : memref<16xf32, #tpu.memory_space<vmem>>, vector<16xf32>,
      %xor3A_311 = arith.constant 8 : i32
      %xor3A_312 = vector.broadcast %xor3A_311 : i32 to vector<16xi32>
      %xor3A_313 = arith.xori %iota3A_308, %xor3A_312 : vector<16xi32>
      %gather3A_314 = tpu.vector_load_idx %arg10[%xor3A_313] : memref<16xf32, #tpu.memory_space<vmem>>[vector<16xi32>], vector<16xf32>,
      %add3A_315 = arith.addf %add3A_307, %gather3A_314 : vector<16xf32>
      %swap3A_316 = arith.constant 0 : index
      %swap3A_317 = tpu.vector_load %arg10[%swap3A_316] {strides = array<i32>} : memref<16xf32, #tpu.memory_space<vmem>>, vector<16xf32>,
      tpu.vector_store %arg10[%swap3A_316], %add3A_315 {strides = array<i32>} : memref<16xf32, #tpu.memory_space<vmem>>, vector<16xf32>,
      %xor3A_318 = arith.constant 4 : i32
      %xor3A_319 = vector.broadcast %xor3A_318 : i32 to vector<16xi32>
      %xor3A_320 = arith.xori %iota3A_308, %xor3A_319 : vector<16xi32>
      %gather3A_321 = tpu.vector_load_idx %arg10[%xor3A_320] : memref<16xf32, #tpu.memory_space<vmem>>[vector<16xi32>], vector<16xf32>,
      %add3A_322 = arith.addf %add3A_315, %gather3A_321 : vector<16xf32>
      %swap3A_323 = arith.constant 0 : index
      %swap3A_324 = tpu.vector_load %arg10[%swap3A_323] {strides = array<i32>} : memref<16xf32, #tpu.memory_space<vmem>>, vector<16xf32>,
      tpu.vector_store %arg10[%swap3A_323], %add3A_322 {strides = array<i32>} : memref<16xf32, #tpu.memory_space<vmem>>, vector<16xf32>,
      %xor3A_325 = arith.constant 2 : i32
      %xor3A_326 = vector.broadcast %xor3A_325 : i32 to vector<16xi32>
      %xor3A_327 = arith.xori %iota3A_308, %xor3A_326 : vector<16xi32>
      %gather3A_328 = tpu.vector_load_idx %arg10[%xor3A_327] : memref<16xf32, #tpu.memory_space<vmem>>[vector<16xi32>], vector<16xf32>,
      %add3A_329 = arith.addf %add3A_322, %gather3A_328 : vector<16xf32>
      %swap3A_330 = arith.constant 0 : index
      %swap3A_331 = tpu.vector_load %arg10[%swap3A_330] {strides = array<i32>} : memref<16xf32, #tpu.memory_space<vmem>>, vector<16xf32>,
      tpu.vector_store %arg10[%swap3A_330], %add3A_329 {strides = array<i32>} : memref<16xf32, #tpu.memory_space<vmem>>, vector<16xf32>,
      %xor3A_332 = arith.constant 1 : i32
      %xor3A_333 = vector.broadcast %xor3A_332 : i32 to vector<16xi32>
      %xor3A_334 = arith.xori %iota3A_308, %xor3A_333 : vector<16xi32>
      %gather3A_335 = tpu.vector_load_idx %arg10[%xor3A_334] : memref<16xf32, #tpu.memory_space<vmem>>[vector<16xi32>], vector<16xf32>,
      %add3A_336 = arith.addf %add3A_329, %gather3A_335 : vector<16xf32>
      %eq3A_337 = arith.constant 5 : i32
      %eq3A_338 = vector.broadcast %eq3A_337 : i32 to vector<16xi32>
      %eq3A_339 = arith.cmpi eq, %iota3A, %eq3A_338 : vector<16xi32>
      %select_n3A_340 = arith.select %eq3A_339, %add3A_336, %select_n3A_284 : vector<16xi1>, vector<16xf32>
      %get3A_341 = arith.constant 768 : index
      %get3A_342 = tpu.vector_load %arg11[%get3A_341] {strides = array<i32>} : memref<1280xf32, #tpu.memory_space<vmem>>, vector<16xf32>,
      %get3A_343 = arith.constant 784 : index
      %get3A_344 = tpu.vector_load %arg11[%get3A_343] {strides = array<i32>} : memref<1280xf32, #tpu.memory_space<vmem>>, vector<16xf32>,
      %add3A_345 = arith.addf %get3A_342, %get3A_344 : vector<16xf32>
      %get3A_346 = arith.constant 800 : index
      %get3A_347 = tpu.vector_load %arg11[%get3A_346] {strides = array<i32>} : memref<1280xf32, #tpu.memory_space<vmem>>, vector<16xf32>,
      %add3A_348 = arith.addf %add3A_345, %get3A_347 : vector<16xf32>
      %get3A_349 = arith.constant 816 : index
      %get3A_350 = tpu.vector_load %arg11[%get3A_349] {strides = array<i32>} : memref<1280xf32, #tpu.memory_space<vmem>>, vector<16xf32>,
      %add3A_351 = arith.addf %add3A_348, %get3A_350 : vector<16xf32>
      %get3A_352 = arith.constant 832 : index
      %get3A_353 = tpu.vector_load %arg11[%get3A_352] {strides = array<i32>} : memref<1280xf32, #tpu.memory_space<vmem>>, vector<16xf32>,
      %add3A_354 = arith.addf %add3A_351, %get3A_353 : vector<16xf32>
      %get3A_355 = arith.constant 848 : index
      %get3A_356 = tpu.vector_load %arg11[%get3A_355] {strides = array<i32>} : memref<1280xf32, #tpu.memory_space<vmem>>, vector<16xf32>,
      %add3A_357 = arith.addf %add3A_354, %get3A_356 : vector<16xf32>
      %get3A_358 = arith.constant 864 : index
      %get3A_359 = tpu.vector_load %arg11[%get3A_358] {strides = array<i32>} : memref<1280xf32, #tpu.memory_space<vmem>>, vector<16xf32>,
      %add3A_360 = arith.addf %add3A_357, %get3A_359 : vector<16xf32>
      %get3A_361 = arith.constant 880 : index
      %get3A_362 = tpu.vector_load %arg11[%get3A_361] {strides = array<i32>} : memref<1280xf32, #tpu.memory_space<vmem>>, vector<16xf32>,
      %add3A_363 = arith.addf %add3A_360, %get3A_362 : vector<16xf32>
      %iota3A_364 = tpu.iota {dimensions = array<i32: 0>} : vector<16xi32>
      %swap3A_365 = arith.constant 0 : index
      %swap3A_366 = tpu.vector_load %arg10[%swap3A_365] {strides = array<i32>} : memref<16xf32, #tpu.memory_space<vmem>>, vector<16xf32>,
      tpu.vector_store %arg10[%swap3A_365], %add3A_363 {strides = array<i32>} : memref<16xf32, #tpu.memory_space<vmem>>, vector<16xf32>,
      %xor3A_367 = arith.constant 8 : i32
      %xor3A_368 = vector.broadcast %xor3A_367 : i32 to vector<16xi32>
      %xor3A_369 = arith.xori %iota3A_364, %xor3A_368 : vector<16xi32>
      %gather3A_370 = tpu.vector_load_idx %arg10[%xor3A_369] : memref<16xf32, #tpu.memory_space<vmem>>[vector<16xi32>], vector<16xf32>,
      %add3A_371 = arith.addf %add3A_363, %gather3A_370 : vector<16xf32>
      %swap3A_372 = arith.constant 0 : index
      %swap3A_373 = tpu.vector_load %arg10[%swap3A_372] {strides = array<i32>} : memref<16xf32, #tpu.memory_space<vmem>>, vector<16xf32>,
      tpu.vector_store %arg10[%swap3A_372], %add3A_371 {strides = array<i32>} : memref<16xf32, #tpu.memory_space<vmem>>, vector<16xf32>,
      %xor3A_374 = arith.constant 4 : i32
      %xor3A_375 = vector.broadcast %xor3A_374 : i32 to vector<16xi32>
      %xor3A_376 = arith.xori %iota3A_364, %xor3A_375 : vector<16xi32>
      %gather3A_377 = tpu.vector_load_idx %arg10[%xor3A_376] : memref<16xf32, #tpu.memory_space<vmem>>[vector<16xi32>], vector<16xf32>,
      %add3A_378 = arith.addf %add3A_371, %gather3A_377 : vector<16xf32>
      %swap3A_379 = arith.constant 0 : index
      %swap3A_380 = tpu.vector_load %arg10[%swap3A_379] {strides = array<i32>} : memref<16xf32, #tpu.memory_space<vmem>>, vector<16xf32>,
      tpu.vector_store %arg10[%swap3A_379], %add3A_378 {strides = array<i32>} : memref<16xf32, #tpu.memory_space<vmem>>, vector<16xf32>,
      %xor3A_381 = arith.constant 2 : i32
      %xor3A_382 = vector.broadcast %xor3A_381 : i32 to vector<16xi32>
      %xor3A_383 = arith.xori %iota3A_364, %xor3A_382 : vector<16xi32>
      %gather3A_384 = tpu.vector_load_idx %arg10[%xor3A_383] : memref<16xf32, #tpu.memory_space<vmem>>[vector<16xi32>], vector<16xf32>,
      %add3A_385 = arith.addf %add3A_378, %gather3A_384 : vector<16xf32>
      %swap3A_386 = arith.constant 0 : index
      %swap3A_387 = tpu.vector_load %arg10[%swap3A_386] {strides = array<i32>} : memref<16xf32, #tpu.memory_space<vmem>>, vector<16xf32>,
      tpu.vector_store %arg10[%swap3A_386], %add3A_385 {strides = array<i32>} : memref<16xf32, #tpu.memory_space<vmem>>, vector<16xf32>,
      %xor3A_388 = arith.constant 1 : i32
      %xor3A_389 = vector.broadcast %xor3A_388 : i32 to vector<16xi32>
      %xor3A_390 = arith.xori %iota3A_364, %xor3A_389 : vector<16xi32>
      %gather3A_391 = tpu.vector_load_idx %arg10[%xor3A_390] : memref<16xf32, #tpu.memory_space<vmem>>[vector<16xi32>], vector<16xf32>,
      %add3A_392 = arith.addf %add3A_385, %gather3A_391 : vector<16xf32>
      %eq3A_393 = arith.constant 6 : i32
      %eq3A_394 = vector.broadcast %eq3A_393 : i32 to vector<16xi32>
      %eq3A_395 = arith.cmpi eq, %iota3A, %eq3A_394 : vector<16xi32>
      %select_n3A_396 = arith.select %eq3A_395, %add3A_392, %select_n3A_340 : vector<16xi1>, vector<16xf32>
      %get3A_397 = arith.constant 896 : index
      %get3A_398 = tpu.vector_load %arg11[%get3A_397] {strides = array<i32>} : memref<1280xf32, #tpu.memory_space<vmem>>, vector<16xf32>,
      %get3A_399 = arith.constant 912 : index
      %get3A_400 = tpu.vector_load %arg11[%get3A_399] {strides = array<i32>} : memref<1280xf32, #tpu.memory_space<vmem>>, vector<16xf32>,
      %add3A_401 = arith.addf %get3A_398, %get3A_400 : vector<16xf32>
      %get3A_402 = arith.constant 928 : index
      %get3A_403 = tpu.vector_load %arg11[%get3A_402] {strides = array<i32>} : memref<1280xf32, #tpu.memory_space<vmem>>, vector<16xf32>,
      %add3A_404 = arith.addf %add3A_401, %get3A_403 : vector<16xf32>
      %get3A_405 = arith.constant 944 : index
      %get3A_406 = tpu.vector_load %arg11[%get3A_405] {strides = array<i32>} : memref<1280xf32, #tpu.memory_space<vmem>>, vector<16xf32>,
      %add3A_407 = arith.addf %add3A_404, %get3A_406 : vector<16xf32>
      %get3A_408 = arith.constant 960 : index
      %get3A_409 = tpu.vector_load %arg11[%get3A_408] {strides = array<i32>} : memref<1280xf32, #tpu.memory_space<vmem>>, vector<16xf32>,
      %add3A_410 = arith.addf %add3A_407, %get3A_409 : vector<16xf32>
      %get3A_411 = arith.constant 976 : index
      %get3A_412 = tpu.vector_load %arg11[%get3A_411] {strides = array<i32>} : memref<1280xf32, #tpu.memory_space<vmem>>, vector<16xf32>,
      %add3A_413 = arith.addf %add3A_410, %get3A_412 : vector<16xf32>
      %get3A_414 = arith.constant 992 : index
      %get3A_415 = tpu.vector_load %arg11[%get3A_414] {strides = array<i32>} : memref<1280xf32, #tpu.memory_space<vmem>>, vector<16xf32>,
      %add3A_416 = arith.addf %add3A_413, %get3A_415 : vector<16xf32>
      %get3A_417 = arith.constant 1008 : index
      %get3A_418 = tpu.vector_load %arg11[%get3A_417] {strides = array<i32>} : memref<1280xf32, #tpu.memory_space<vmem>>, vector<16xf32>,
      %add3A_419 = arith.addf %add3A_416, %get3A_418 : vector<16xf32>
      %iota3A_420 = tpu.iota {dimensions = array<i32: 0>} : vector<16xi32>
      %swap3A_421 = arith.constant 0 : index
      %swap3A_422 = tpu.vector_load %arg10[%swap3A_421] {strides = array<i32>} : memref<16xf32, #tpu.memory_space<vmem>>, vector<16xf32>,
      tpu.vector_store %arg10[%swap3A_421], %add3A_419 {strides = array<i32>} : memref<16xf32, #tpu.memory_space<vmem>>, vector<16xf32>,
      %xor3A_423 = arith.constant 8 : i32
      %xor3A_424 = vector.broadcast %xor3A_423 : i32 to vector<16xi32>
      %xor3A_425 = arith.xori %iota3A_420, %xor3A_424 : vector<16xi32>
      %gather3A_426 = tpu.vector_load_idx %arg10[%xor3A_425] : memref<16xf32, #tpu.memory_space<vmem>>[vector<16xi32>], vector<16xf32>,
      %add3A_427 = arith.addf %add3A_419, %gather3A_426 : vector<16xf32>
      %swap3A_428 = arith.constant 0 : index
      %swap3A_429 = tpu.vector_load %arg10[%swap3A_428] {strides = array<i32>} : memref<16xf32, #tpu.memory_space<vmem>>, vector<16xf32>,
      tpu.vector_store %arg10[%swap3A_428], %add3A_427 {strides = array<i32>} : memref<16xf32, #tpu.memory_space<vmem>>, vector<16xf32>,
      %xor3A_430 = arith.constant 4 : i32
      %xor3A_431 = vector.broadcast %xor3A_430 : i32 to vector<16xi32>
      %xor3A_432 = arith.xori %iota3A_420, %xor3A_431 : vector<16xi32>
      %gather3A_433 = tpu.vector_load_idx %arg10[%xor3A_432] : memref<16xf32, #tpu.memory_space<vmem>>[vector<16xi32>], vector<16xf32>,
      %add3A_434 = arith.addf %add3A_427, %gather3A_433 : vector<16xf32>
      %swap3A_435 = arith.constant 0 : index
      %swap3A_436 = tpu.vector_load %arg10[%swap3A_435] {strides = array<i32>} : memref<16xf32, #tpu.memory_space<vmem>>, vector<16xf32>,
      tpu.vector_store %arg10[%swap3A_435], %add3A_434 {strides = array<i32>} : memref<16xf32, #tpu.memory_space<vmem>>, vector<16xf32>,
      %xor3A_437 = arith.constant 2 : i32
      %xor3A_438 = vector.broadcast %xor3A_437 : i32 to vector<16xi32>
      %xor3A_439 = arith.xori %iota3A_420, %xor3A_438 : vector<16xi32>
      %gather3A_440 = tpu.vector_load_idx %arg10[%xor3A_439] : memref<16xf32, #tpu.memory_space<vmem>>[vector<16xi32>], vector<16xf32>,
      %add3A_441 = arith.addf %add3A_434, %gather3A_440 : vector<16xf32>
      %swap3A_442 = arith.constant 0 : index
      %swap3A_443 = tpu.vector_load %arg10[%swap3A_442] {strides = array<i32>} : memref<16xf32, #tpu.memory_space<vmem>>, vector<16xf32>,
      tpu.vector_store %arg10[%swap3A_442], %add3A_441 {strides = array<i32>} : memref<16xf32, #tpu.memory_space<vmem>>, vector<16xf32>,
      %xor3A_444 = arith.constant 1 : i32
      %xor3A_445 = vector.broadcast %xor3A_444 : i32 to vector<16xi32>
      %xor3A_446 = arith.xori %iota3A_420, %xor3A_445 : vector<16xi32>
      %gather3A_447 = tpu.vector_load_idx %arg10[%xor3A_446] : memref<16xf32, #tpu.memory_space<vmem>>[vector<16xi32>], vector<16xf32>,
      %add3A_448 = arith.addf %add3A_441, %gather3A_447 : vector<16xf32>
      %eq3A_449 = arith.constant 7 : i32
      %eq3A_450 = vector.broadcast %eq3A_449 : i32 to vector<16xi32>
      %eq3A_451 = arith.cmpi eq, %iota3A, %eq3A_450 : vector<16xi32>
      %select_n3A_452 = arith.select %eq3A_451, %add3A_448, %select_n3A_396 : vector<16xi1>, vector<16xf32>
      %get3A_453 = arith.constant 1024 : index
      %get3A_454 = tpu.vector_load %arg11[%get3A_453] {strides = array<i32>} : memref<1280xf32, #tpu.memory_space<vmem>>, vector<16xf32>,
      %get3A_455 = arith.constant 1040 : index
      %get3A_456 = tpu.vector_load %arg11[%get3A_455] {strides = array<i32>} : memref<1280xf32, #tpu.memory_space<vmem>>, vector<16xf32>,
      %add3A_457 = arith.addf %get3A_454, %get3A_456 : vector<16xf32>
      %get3A_458 = arith.constant 1056 : index
      %get3A_459 = tpu.vector_load %arg11[%get3A_458] {strides = array<i32>} : memref<1280xf32, #tpu.memory_space<vmem>>, vector<16xf32>,
      %add3A_460 = arith.addf %add3A_457, %get3A_459 : vector<16xf32>
      %get3A_461 = arith.constant 1072 : index
      %get3A_462 = tpu.vector_load %arg11[%get3A_461] {strides = array<i32>} : memref<1280xf32, #tpu.memory_space<vmem>>, vector<16xf32>,
      %add3A_463 = arith.addf %add3A_460, %get3A_462 : vector<16xf32>
      %get3A_464 = arith.constant 1088 : index
      %get3A_465 = tpu.vector_load %arg11[%get3A_464] {strides = array<i32>} : memref<1280xf32, #tpu.memory_space<vmem>>, vector<16xf32>,
      %add3A_466 = arith.addf %add3A_463, %get3A_465 : vector<16xf32>
      %get3A_467 = arith.constant 1104 : index
      %get3A_468 = tpu.vector_load %arg11[%get3A_467] {strides = array<i32>} : memref<1280xf32, #tpu.memory_space<vmem>>, vector<16xf32>,
      %add3A_469 = arith.addf %add3A_466, %get3A_468 : vector<16xf32>
      %get3A_470 = arith.constant 1120 : index
      %get3A_471 = tpu.vector_load %arg11[%get3A_470] {strides = array<i32>} : memref<1280xf32, #tpu.memory_space<vmem>>, vector<16xf32>,
      %add3A_472 = arith.addf %add3A_469, %get3A_471 : vector<16xf32>
      %get3A_473 = arith.constant 1136 : index
      %get3A_474 = tpu.vector_load %arg11[%get3A_473] {strides = array<i32>} : memref<1280xf32, #tpu.memory_space<vmem>>, vector<16xf32>,
      %add3A_475 = arith.addf %add3A_472, %get3A_474 : vector<16xf32>
      %iota3A_476 = tpu.iota {dimensions = array<i32: 0>} : vector<16xi32>
      %swap3A_477 = arith.constant 0 : index
      %swap3A_478 = tpu.vector_load %arg10[%swap3A_477] {strides = array<i32>} : memref<16xf32, #tpu.memory_space<vmem>>, vector<16xf32>,
      tpu.vector_store %arg10[%swap3A_477], %add3A_475 {strides = array<i32>} : memref<16xf32, #tpu.memory_space<vmem>>, vector<16xf32>,
      %xor3A_479 = arith.constant 8 : i32
      %xor3A_480 = vector.broadcast %xor3A_479 : i32 to vector<16xi32>
      %xor3A_481 = arith.xori %iota3A_476, %xor3A_480 : vector<16xi32>
      %gather3A_482 = tpu.vector_load_idx %arg10[%xor3A_481] : memref<16xf32, #tpu.memory_space<vmem>>[vector<16xi32>], vector<16xf32>,
      %add3A_483 = arith.addf %add3A_475, %gather3A_482 : vector<16xf32>
      %swap3A_484 = arith.constant 0 : index
      %swap3A_485 = tpu.vector_load %arg10[%swap3A_484] {strides = array<i32>} : memref<16xf32, #tpu.memory_space<vmem>>, vector<16xf32>,
      tpu.vector_store %arg10[%swap3A_484], %add3A_483 {strides = array<i32>} : memref<16xf32, #tpu.memory_space<vmem>>, vector<16xf32>,
      %xor3A_486 = arith.constant 4 : i32
      %xor3A_487 = vector.broadcast %xor3A_486 : i32 to vector<16xi32>
      %xor3A_488 = arith.xori %iota3A_476, %xor3A_487 : vector<16xi32>
      %gather3A_489 = tpu.vector_load_idx %arg10[%xor3A_488] : memref<16xf32, #tpu.memory_space<vmem>>[vector<16xi32>], vector<16xf32>,
      %add3A_490 = arith.addf %add3A_483, %gather3A_489 : vector<16xf32>
      %swap3A_491 = arith.constant 0 : index
      %swap3A_492 = tpu.vector_load %arg10[%swap3A_491] {strides = array<i32>} : memref<16xf32, #tpu.memory_space<vmem>>, vector<16xf32>,
      tpu.vector_store %arg10[%swap3A_491], %add3A_490 {strides = array<i32>} : memref<16xf32, #tpu.memory_space<vmem>>, vector<16xf32>,
      %xor3A_493 = arith.constant 2 : i32
      %xor3A_494 = vector.broadcast %xor3A_493 : i32 to vector<16xi32>
      %xor3A_495 = arith.xori %iota3A_476, %xor3A_494 : vector<16xi32>
      %gather3A_496 = tpu.vector_load_idx %arg10[%xor3A_495] : memref<16xf32, #tpu.memory_space<vmem>>[vector<16xi32>], vector<16xf32>,
      %add3A_497 = arith.addf %add3A_490, %gather3A_496 : vector<16xf32>
      %swap3A_498 = arith.constant 0 : index
      %swap3A_499 = tpu.vector_load %arg10[%swap3A_498] {strides = array<i32>} : memref<16xf32, #tpu.memory_space<vmem>>, vector<16xf32>,
      tpu.vector_store %arg10[%swap3A_498], %add3A_497 {strides = array<i32>} : memref<16xf32, #tpu.memory_space<vmem>>, vector<16xf32>,
      %xor3A_500 = arith.constant 1 : i32
      %xor3A_501 = vector.broadcast %xor3A_500 : i32 to vector<16xi32>
      %xor3A_502 = arith.xori %iota3A_476, %xor3A_501 : vector<16xi32>
      %gather3A_503 = tpu.vector_load_idx %arg10[%xor3A_502] : memref<16xf32, #tpu.memory_space<vmem>>[vector<16xi32>], vector<16xf32>,
      %add3A_504 = arith.addf %add3A_497, %gather3A_503 : vector<16xf32>
      %eq3A_505 = arith.constant 8 : i32
      %eq3A_506 = vector.broadcast %eq3A_505 : i32 to vector<16xi32>
      %eq3A_507 = arith.cmpi eq, %iota3A, %eq3A_506 : vector<16xi32>
      %select_n3A_508 = arith.select %eq3A_507, %add3A_504, %select_n3A_452 : vector<16xi1>, vector<16xf32>
      %get3A_509 = arith.constant 1152 : index
      %get3A_510 = tpu.vector_load %arg11[%get3A_509] {strides = array<i32>} : memref<1280xf32, #tpu.memory_space<vmem>>, vector<16xf32>,
      %get3A_511 = arith.constant 1168 : index
      %get3A_512 = tpu.vector_load %arg11[%get3A_511] {strides = array<i32>} : memref<1280xf32, #tpu.memory_space<vmem>>, vector<16xf32>,
      %add3A_513 = arith.addf %get3A_510, %get3A_512 : vector<16xf32>
      %get3A_514 = arith.constant 1184 : index
      %get3A_515 = tpu.vector_load %arg11[%get3A_514] {strides = array<i32>} : memref<1280xf32, #tpu.memory_space<vmem>>, vector<16xf32>,
      %add3A_516 = arith.addf %add3A_513, %get3A_515 : vector<16xf32>
      %get3A_517 = arith.constant 1200 : index
      %get3A_518 = tpu.vector_load %arg11[%get3A_517] {strides = array<i32>} : memref<1280xf32, #tpu.memory_space<vmem>>, vector<16xf32>,
      %add3A_519 = arith.addf %add3A_516, %get3A_518 : vector<16xf32>
      %get3A_520 = arith.constant 1216 : index
      %get3A_521 = tpu.vector_load %arg11[%get3A_520] {strides = array<i32>} : memref<1280xf32, #tpu.memory_space<vmem>>, vector<16xf32>,
      %add3A_522 = arith.addf %add3A_519, %get3A_521 : vector<16xf32>
      %get3A_523 = arith.constant 1232 : index
      %get3A_524 = tpu.vector_load %arg11[%get3A_523] {strides = array<i32>} : memref<1280xf32, #tpu.memory_space<vmem>>, vector<16xf32>,
      %add3A_525 = arith.addf %add3A_522, %get3A_524 : vector<16xf32>
      %get3A_526 = arith.constant 1248 : index
      %get3A_527 = tpu.vector_load %arg11[%get3A_526] {strides = array<i32>} : memref<1280xf32, #tpu.memory_space<vmem>>, vector<16xf32>,
      %add3A_528 = arith.addf %add3A_525, %get3A_527 : vector<16xf32>
      %get3A_529 = arith.constant 1264 : index
      %get3A_530 = tpu.vector_load %arg11[%get3A_529] {strides = array<i32>} : memref<1280xf32, #tpu.memory_space<vmem>>, vector<16xf32>,
      %add3A_531 = arith.addf %add3A_528, %get3A_530 : vector<16xf32>
      %iota3A_532 = tpu.iota {dimensions = array<i32: 0>} : vector<16xi32>
      %swap3A_533 = arith.constant 0 : index
      %swap3A_534 = tpu.vector_load %arg10[%swap3A_533] {strides = array<i32>} : memref<16xf32, #tpu.memory_space<vmem>>, vector<16xf32>,
      tpu.vector_store %arg10[%swap3A_533], %add3A_531 {strides = array<i32>} : memref<16xf32, #tpu.memory_space<vmem>>, vector<16xf32>,
      %xor3A_535 = arith.constant 8 : i32
      %xor3A_536 = vector.broadcast %xor3A_535 : i32 to vector<16xi32>
      %xor3A_537 = arith.xori %iota3A_532, %xor3A_536 : vector<16xi32>
      %gather3A_538 = tpu.vector_load_idx %arg10[%xor3A_537] : memref<16xf32, #tpu.memory_space<vmem>>[vector<16xi32>], vector<16xf32>,
      %add3A_539 = arith.addf %add3A_531, %gather3A_538 : vector<16xf32>
      %swap3A_540 = arith.constant 0 : index
      %swap3A_541 = tpu.vector_load %arg10[%swap3A_540] {strides = array<i32>} : memref<16xf32, #tpu.memory_space<vmem>>, vector<16xf32>,
      tpu.vector_store %arg10[%swap3A_540], %add3A_539 {strides = array<i32>} : memref<16xf32, #tpu.memory_space<vmem>>, vector<16xf32>,
      %xor3A_542 = arith.constant 4 : i32
      %xor3A_543 = vector.broadcast %xor3A_542 : i32 to vector<16xi32>
      %xor3A_544 = arith.xori %iota3A_532, %xor3A_543 : vector<16xi32>
      %gather3A_545 = tpu.vector_load_idx %arg10[%xor3A_544] : memref<16xf32, #tpu.memory_space<vmem>>[vector<16xi32>], vector<16xf32>,
      %add3A_546 = arith.addf %add3A_539, %gather3A_545 : vector<16xf32>
      %swap3A_547 = arith.constant 0 : index
      %swap3A_548 = tpu.vector_load %arg10[%swap3A_547] {strides = array<i32>} : memref<16xf32, #tpu.memory_space<vmem>>, vector<16xf32>,
      tpu.vector_store %arg10[%swap3A_547], %add3A_546 {strides = array<i32>} : memref<16xf32, #tpu.memory_space<vmem>>, vector<16xf32>,
      %xor3A_549 = arith.constant 2 : i32
      %xor3A_550 = vector.broadcast %xor3A_549 : i32 to vector<16xi32>
      %xor3A_551 = arith.xori %iota3A_532, %xor3A_550 : vector<16xi32>
      %gather3A_552 = tpu.vector_load_idx %arg10[%xor3A_551] : memref<16xf32, #tpu.memory_space<vmem>>[vector<16xi32>], vector<16xf32>,
      %add3A_553 = arith.addf %add3A_546, %gather3A_552 : vector<16xf32>
      %swap3A_554 = arith.constant 0 : index
      %swap3A_555 = tpu.vector_load %arg10[%swap3A_554] {strides = array<i32>} : memref<16xf32, #tpu.memory_space<vmem>>, vector<16xf32>,
      tpu.vector_store %arg10[%swap3A_554], %add3A_553 {strides = array<i32>} : memref<16xf32, #tpu.memory_space<vmem>>, vector<16xf32>,
      %xor3A_556 = arith.constant 1 : i32
      %xor3A_557 = vector.broadcast %xor3A_556 : i32 to vector<16xi32>
      %xor3A_558 = arith.xori %iota3A_532, %xor3A_557 : vector<16xi32>
      %gather3A_559 = tpu.vector_load_idx %arg10[%xor3A_558] : memref<16xf32, #tpu.memory_space<vmem>>[vector<16xi32>], vector<16xf32>,
      %add3A_560 = arith.addf %add3A_553, %gather3A_559 : vector<16xf32>
      %eq3A_561 = arith.constant 9 : i32
      %eq3A_562 = vector.broadcast %eq3A_561 : i32 to vector<16xi32>
      %eq3A_563 = arith.cmpi eq, %iota3A, %eq3A_562 : vector<16xi32>
      %select_n3A_564 = arith.select %eq3A_563, %add3A_560, %select_n3A_508 : vector<16xi1>, vector<16xf32>
      %swap3A_565 = arith.constant 0 : index
      %swap3A_566 = tpu.vector_load %arg9[%swap3A_565] {strides = array<i32>} : memref<32xf32, #tpu.memory_space<vmem>>, vector<16xf32>,
      tpu.vector_store %arg9[%swap3A_565], %broadcast_in_dim3A_3 {strides = array<i32>} : memref<32xf32, #tpu.memory_space<vmem>>, vector<16xf32>,
      %swap3A_567 = arith.constant 16 : index
      %swap3A_568 = tpu.vector_load %arg9[%swap3A_567] {strides = array<i32>} : memref<32xf32, #tpu.memory_space<vmem>>, vector<16xf32>,
      tpu.vector_store %arg9[%swap3A_567], %select_n3A_564 {strides = array<i32>} : memref<32xf32, #tpu.memory_space<vmem>>, vector<16xf32>,
      %add3A_569 = arith.constant 15 : i32
      %add3A_570 = vector.broadcast %add3A_569 : i32 to vector<16xi32>
      %add3A_571 = arith.addi %iota3A, %add3A_570 : vector<16xi32>
      %gather3A_572 = tpu.vector_load_idx %arg9[%add3A_571] : memref<32xf32, #tpu.memory_space<vmem>>[vector<16xi32>], vector<16xf32>,
      %le3A = arith.constant 10 : i32
      %le3A_573 = vector.broadcast %le3A : i32 to vector<16xi32>
      %le3A_574 = arith.cmpi sle, %iota3A, %le3A_573 : vector<16xi32>
      %sub3A = arith.subf %select_n3A_564, %gather3A_572 : vector<16xf32>
      %select_n3A_575 = arith.select %le3A_574, %sub3A, %broadcast_in_dim3A_3 : vector<16xi1>, vector<16xf32>
      %eq3A_576 = arith.constant 10 : i32
      %eq3A_577 = vector.broadcast %eq3A_576 : i32 to vector<16xi32>
      %eq3A_578 = arith.cmpi eq, %iota3A, %eq3A_577 : vector<16xi32>
      %broadcast_in_dim3A_579 = arith.constant 0x4B200000 : f32
      %broadcast_in_dim3A_580 = vector.broadcast %broadcast_in_dim3A_579 : f32 to vector<16xf32>
      %select_n3A_581 = arith.select %eq3A_578, %broadcast_in_dim3A_580, %broadcast_in_dim3A_3 : vector<16xi1>, vector<16xf32>
      "tpu.region"() ({
        %run_scoped3A = tpu.sem_alloc : memref<!tpu.dma_semaphore, #tpu.memory_space<semaphore_mem>>
        tpu.enqueue_dma source(%arg5 : memref<1280xf32, #tpu.memory_space<hbm>>) target(%arg11 : memref<1280xf32, #tpu.memory_space<vmem>>) target_semaphore(%run_scoped3A : memref<!tpu.dma_semaphore, #tpu.memory_space<semaphore_mem>>)
        tpu.wait_dma2 semaphore(%run_scoped3A : memref<!tpu.dma_semaphore, #tpu.memory_space<semaphore_mem>>) src(%arg5 : memref<1280xf32, #tpu.memory_space<hbm>>) dst(%arg11 : memref<1280xf32, #tpu.memory_space<vmem>>)
        tpu.yield
      }) : () -> ()
      %get3A_582 = arith.constant 0 : index
      %get3A_583 = tpu.vector_load %arg11[%get3A_582] {strides = array<i32>} : memref<1280xf32, #tpu.memory_space<vmem>>, vector<16xf32>,
      %get3A_584 = arith.constant 16 : index
      %get3A_585 = tpu.vector_load %arg11[%get3A_584] {strides = array<i32>} : memref<1280xf32, #tpu.memory_space<vmem>>, vector<16xf32>,
      %add3A_586 = arith.addf %get3A_583, %get3A_585 : vector<16xf32>
      %get3A_587 = arith.constant 32 : index
      %get3A_588 = tpu.vector_load %arg11[%get3A_587] {strides = array<i32>} : memref<1280xf32, #tpu.memory_space<vmem>>, vector<16xf32>,
      %add3A_589 = arith.addf %add3A_586, %get3A_588 : vector<16xf32>
      %get3A_590 = arith.constant 48 : index
      %get3A_591 = tpu.vector_load %arg11[%get3A_590] {strides = array<i32>} : memref<1280xf32, #tpu.memory_space<vmem>>, vector<16xf32>,
      %add3A_592 = arith.addf %add3A_589, %get3A_591 : vector<16xf32>
      %get3A_593 = arith.constant 64 : index
      %get3A_594 = tpu.vector_load %arg11[%get3A_593] {strides = array<i32>} : memref<1280xf32, #tpu.memory_space<vmem>>, vector<16xf32>,
      %add3A_595 = arith.addf %add3A_592, %get3A_594 : vector<16xf32>
      %get3A_596 = arith.constant 80 : index
      %get3A_597 = tpu.vector_load %arg11[%get3A_596] {strides = array<i32>} : memref<1280xf32, #tpu.memory_space<vmem>>, vector<16xf32>,
      %add3A_598 = arith.addf %add3A_595, %get3A_597 : vector<16xf32>
      %get3A_599 = arith.constant 96 : index
      %get3A_600 = tpu.vector_load %arg11[%get3A_599] {strides = array<i32>} : memref<1280xf32, #tpu.memory_space<vmem>>, vector<16xf32>,
      %add3A_601 = arith.addf %add3A_598, %get3A_600 : vector<16xf32>
      %get3A_602 = arith.constant 112 : index
      %get3A_603 = tpu.vector_load %arg11[%get3A_602] {strides = array<i32>} : memref<1280xf32, #tpu.memory_space<vmem>>, vector<16xf32>,
      %add3A_604 = arith.addf %add3A_601, %get3A_603 : vector<16xf32>
      %iota3A_605 = tpu.iota {dimensions = array<i32: 0>} : vector<16xi32>
      %swap3A_606 = arith.constant 0 : index
      %swap3A_607 = tpu.vector_load %arg10[%swap3A_606] {strides = array<i32>} : memref<16xf32, #tpu.memory_space<vmem>>, vector<16xf32>,
      tpu.vector_store %arg10[%swap3A_606], %add3A_604 {strides = array<i32>} : memref<16xf32, #tpu.memory_space<vmem>>, vector<16xf32>,
      %xor3A_608 = arith.constant 8 : i32
      %xor3A_609 = vector.broadcast %xor3A_608 : i32 to vector<16xi32>
      %xor3A_610 = arith.xori %iota3A_605, %xor3A_609 : vector<16xi32>
      %gather3A_611 = tpu.vector_load_idx %arg10[%xor3A_610] : memref<16xf32, #tpu.memory_space<vmem>>[vector<16xi32>], vector<16xf32>,
      %add3A_612 = arith.addf %add3A_604, %gather3A_611 : vector<16xf32>
      %swap3A_613 = arith.constant 0 : index
      %swap3A_614 = tpu.vector_load %arg10[%swap3A_613] {strides = array<i32>} : memref<16xf32, #tpu.memory_space<vmem>>, vector<16xf32>,
      tpu.vector_store %arg10[%swap3A_613], %add3A_612 {strides = array<i32>} : memref<16xf32, #tpu.memory_space<vmem>>, vector<16xf32>,
      %xor3A_615 = arith.constant 4 : i32
      %xor3A_616 = vector.broadcast %xor3A_615 : i32 to vector<16xi32>
      %xor3A_617 = arith.xori %iota3A_605, %xor3A_616 : vector<16xi32>
      %gather3A_618 = tpu.vector_load_idx %arg10[%xor3A_617] : memref<16xf32, #tpu.memory_space<vmem>>[vector<16xi32>], vector<16xf32>,
      %add3A_619 = arith.addf %add3A_612, %gather3A_618 : vector<16xf32>
      %swap3A_620 = arith.constant 0 : index
      %swap3A_621 = tpu.vector_load %arg10[%swap3A_620] {strides = array<i32>} : memref<16xf32, #tpu.memory_space<vmem>>, vector<16xf32>,
      tpu.vector_store %arg10[%swap3A_620], %add3A_619 {strides = array<i32>} : memref<16xf32, #tpu.memory_space<vmem>>, vector<16xf32>,
      %xor3A_622 = arith.constant 2 : i32
      %xor3A_623 = vector.broadcast %xor3A_622 : i32 to vector<16xi32>
      %xor3A_624 = arith.xori %iota3A_605, %xor3A_623 : vector<16xi32>
      %gather3A_625 = tpu.vector_load_idx %arg10[%xor3A_624] : memref<16xf32, #tpu.memory_space<vmem>>[vector<16xi32>], vector<16xf32>,
      %add3A_626 = arith.addf %add3A_619, %gather3A_625 : vector<16xf32>
      %swap3A_627 = arith.constant 0 : index
      %swap3A_628 = tpu.vector_load %arg10[%swap3A_627] {strides = array<i32>} : memref<16xf32, #tpu.memory_space<vmem>>, vector<16xf32>,
      tpu.vector_store %arg10[%swap3A_627], %add3A_626 {strides = array<i32>} : memref<16xf32, #tpu.memory_space<vmem>>, vector<16xf32>,
      %xor3A_629 = arith.constant 1 : i32
      %xor3A_630 = vector.broadcast %xor3A_629 : i32 to vector<16xi32>
      %xor3A_631 = arith.xori %iota3A_605, %xor3A_630 : vector<16xi32>
      %gather3A_632 = tpu.vector_load_idx %arg10[%xor3A_631] : memref<16xf32, #tpu.memory_space<vmem>>[vector<16xi32>], vector<16xf32>,
      %add3A_633 = arith.addf %add3A_626, %gather3A_632 : vector<16xf32>
      %eq3A_634 = arith.constant 0 : i32
      %eq3A_635 = vector.broadcast %eq3A_634 : i32 to vector<16xi32>
      %eq3A_636 = arith.cmpi eq, %iota3A, %eq3A_635 : vector<16xi32>
      %select_n3A_637 = arith.select %eq3A_636, %add3A_633, %select_n3A_581 : vector<16xi1>, vector<16xf32>
      %get3A_638 = arith.constant 128 : index
      %get3A_639 = tpu.vector_load %arg11[%get3A_638] {strides = array<i32>} : memref<1280xf32, #tpu.memory_space<vmem>>, vector<16xf32>,
      %get3A_640 = arith.constant 144 : index
      %get3A_641 = tpu.vector_load %arg11[%get3A_640] {strides = array<i32>} : memref<1280xf32, #tpu.memory_space<vmem>>, vector<16xf32>,
      %add3A_642 = arith.addf %get3A_639, %get3A_641 : vector<16xf32>
      %get3A_643 = arith.constant 160 : index
      %get3A_644 = tpu.vector_load %arg11[%get3A_643] {strides = array<i32>} : memref<1280xf32, #tpu.memory_space<vmem>>, vector<16xf32>,
      %add3A_645 = arith.addf %add3A_642, %get3A_644 : vector<16xf32>
      %get3A_646 = arith.constant 176 : index
      %get3A_647 = tpu.vector_load %arg11[%get3A_646] {strides = array<i32>} : memref<1280xf32, #tpu.memory_space<vmem>>, vector<16xf32>,
      %add3A_648 = arith.addf %add3A_645, %get3A_647 : vector<16xf32>
      %get3A_649 = arith.constant 192 : index
      %get3A_650 = tpu.vector_load %arg11[%get3A_649] {strides = array<i32>} : memref<1280xf32, #tpu.memory_space<vmem>>, vector<16xf32>,
      %add3A_651 = arith.addf %add3A_648, %get3A_650 : vector<16xf32>
      %get3A_652 = arith.constant 208 : index
      %get3A_653 = tpu.vector_load %arg11[%get3A_652] {strides = array<i32>} : memref<1280xf32, #tpu.memory_space<vmem>>, vector<16xf32>,
      %add3A_654 = arith.addf %add3A_651, %get3A_653 : vector<16xf32>
      %get3A_655 = arith.constant 224 : index
      %get3A_656 = tpu.vector_load %arg11[%get3A_655] {strides = array<i32>} : memref<1280xf32, #tpu.memory_space<vmem>>, vector<16xf32>,
      %add3A_657 = arith.addf %add3A_654, %get3A_656 : vector<16xf32>
      %get3A_658 = arith.constant 240 : index
      %get3A_659 = tpu.vector_load %arg11[%get3A_658] {strides = array<i32>} : memref<1280xf32, #tpu.memory_space<vmem>>, vector<16xf32>,
      %add3A_660 = arith.addf %add3A_657, %get3A_659 : vector<16xf32>
      %iota3A_661 = tpu.iota {dimensions = array<i32: 0>} : vector<16xi32>
      %swap3A_662 = arith.constant 0 : index
      %swap3A_663 = tpu.vector_load %arg10[%swap3A_662] {strides = array<i32>} : memref<16xf32, #tpu.memory_space<vmem>>, vector<16xf32>,
      tpu.vector_store %arg10[%swap3A_662], %add3A_660 {strides = array<i32>} : memref<16xf32, #tpu.memory_space<vmem>>, vector<16xf32>,
      %xor3A_664 = arith.constant 8 : i32
      %xor3A_665 = vector.broadcast %xor3A_664 : i32 to vector<16xi32>
      %xor3A_666 = arith.xori %iota3A_661, %xor3A_665 : vector<16xi32>
      %gather3A_667 = tpu.vector_load_idx %arg10[%xor3A_666] : memref<16xf32, #tpu.memory_space<vmem>>[vector<16xi32>], vector<16xf32>,
      %add3A_668 = arith.addf %add3A_660, %gather3A_667 : vector<16xf32>
      %swap3A_669 = arith.constant 0 : index
      %swap3A_670 = tpu.vector_load %arg10[%swap3A_669] {strides = array<i32>} : memref<16xf32, #tpu.memory_space<vmem>>, vector<16xf32>,
      tpu.vector_store %arg10[%swap3A_669], %add3A_668 {strides = array<i32>} : memref<16xf32, #tpu.memory_space<vmem>>, vector<16xf32>,
      %xor3A_671 = arith.constant 4 : i32
      %xor3A_672 = vector.broadcast %xor3A_671 : i32 to vector<16xi32>
      %xor3A_673 = arith.xori %iota3A_661, %xor3A_672 : vector<16xi32>
      %gather3A_674 = tpu.vector_load_idx %arg10[%xor3A_673] : memref<16xf32, #tpu.memory_space<vmem>>[vector<16xi32>], vector<16xf32>,
      %add3A_675 = arith.addf %add3A_668, %gather3A_674 : vector<16xf32>
      %swap3A_676 = arith.constant 0 : index
      %swap3A_677 = tpu.vector_load %arg10[%swap3A_676] {strides = array<i32>} : memref<16xf32, #tpu.memory_space<vmem>>, vector<16xf32>,
      tpu.vector_store %arg10[%swap3A_676], %add3A_675 {strides = array<i32>} : memref<16xf32, #tpu.memory_space<vmem>>, vector<16xf32>,
      %xor3A_678 = arith.constant 2 : i32
      %xor3A_679 = vector.broadcast %xor3A_678 : i32 to vector<16xi32>
      %xor3A_680 = arith.xori %iota3A_661, %xor3A_679 : vector<16xi32>
      %gather3A_681 = tpu.vector_load_idx %arg10[%xor3A_680] : memref<16xf32, #tpu.memory_space<vmem>>[vector<16xi32>], vector<16xf32>,
      %add3A_682 = arith.addf %add3A_675, %gather3A_681 : vector<16xf32>
      %swap3A_683 = arith.constant 0 : index
      %swap3A_684 = tpu.vector_load %arg10[%swap3A_683] {strides = array<i32>} : memref<16xf32, #tpu.memory_space<vmem>>, vector<16xf32>,
      tpu.vector_store %arg10[%swap3A_683], %add3A_682 {strides = array<i32>} : memref<16xf32, #tpu.memory_space<vmem>>, vector<16xf32>,
      %xor3A_685 = arith.constant 1 : i32
      %xor3A_686 = vector.broadcast %xor3A_685 : i32 to vector<16xi32>
      %xor3A_687 = arith.xori %iota3A_661, %xor3A_686 : vector<16xi32>
      %gather3A_688 = tpu.vector_load_idx %arg10[%xor3A_687] : memref<16xf32, #tpu.memory_space<vmem>>[vector<16xi32>], vector<16xf32>,
      %add3A_689 = arith.addf %add3A_682, %gather3A_688 : vector<16xf32>
      %eq3A_690 = arith.constant 1 : i32
      %eq3A_691 = vector.broadcast %eq3A_690 : i32 to vector<16xi32>
      %eq3A_692 = arith.cmpi eq, %iota3A, %eq3A_691 : vector<16xi32>
      %select_n3A_693 = arith.select %eq3A_692, %add3A_689, %select_n3A_637 : vector<16xi1>, vector<16xf32>
      %get3A_694 = arith.constant 256 : index
      %get3A_695 = tpu.vector_load %arg11[%get3A_694] {strides = array<i32>} : memref<1280xf32, #tpu.memory_space<vmem>>, vector<16xf32>,
      %get3A_696 = arith.constant 272 : index
      %get3A_697 = tpu.vector_load %arg11[%get3A_696] {strides = array<i32>} : memref<1280xf32, #tpu.memory_space<vmem>>, vector<16xf32>,
      %add3A_698 = arith.addf %get3A_695, %get3A_697 : vector<16xf32>
      %get3A_699 = arith.constant 288 : index
      %get3A_700 = tpu.vector_load %arg11[%get3A_699] {strides = array<i32>} : memref<1280xf32, #tpu.memory_space<vmem>>, vector<16xf32>,
      %add3A_701 = arith.addf %add3A_698, %get3A_700 : vector<16xf32>
      %get3A_702 = arith.constant 304 : index
      %get3A_703 = tpu.vector_load %arg11[%get3A_702] {strides = array<i32>} : memref<1280xf32, #tpu.memory_space<vmem>>, vector<16xf32>,
      %add3A_704 = arith.addf %add3A_701, %get3A_703 : vector<16xf32>
      %get3A_705 = arith.constant 320 : index
      %get3A_706 = tpu.vector_load %arg11[%get3A_705] {strides = array<i32>} : memref<1280xf32, #tpu.memory_space<vmem>>, vector<16xf32>,
      %add3A_707 = arith.addf %add3A_704, %get3A_706 : vector<16xf32>
      %get3A_708 = arith.constant 336 : index
      %get3A_709 = tpu.vector_load %arg11[%get3A_708] {strides = array<i32>} : memref<1280xf32, #tpu.memory_space<vmem>>, vector<16xf32>,
      %add3A_710 = arith.addf %add3A_707, %get3A_709 : vector<16xf32>
      %get3A_711 = arith.constant 352 : index
      %get3A_712 = tpu.vector_load %arg11[%get3A_711] {strides = array<i32>} : memref<1280xf32, #tpu.memory_space<vmem>>, vector<16xf32>,
      %add3A_713 = arith.addf %add3A_710, %get3A_712 : vector<16xf32>
      %get3A_714 = arith.constant 368 : index
      %get3A_715 = tpu.vector_load %arg11[%get3A_714] {strides = array<i32>} : memref<1280xf32, #tpu.memory_space<vmem>>, vector<16xf32>,
      %add3A_716 = arith.addf %add3A_713, %get3A_715 : vector<16xf32>
      %iota3A_717 = tpu.iota {dimensions = array<i32: 0>} : vector<16xi32>
      %swap3A_718 = arith.constant 0 : index
      %swap3A_719 = tpu.vector_load %arg10[%swap3A_718] {strides = array<i32>} : memref<16xf32, #tpu.memory_space<vmem>>, vector<16xf32>,
      tpu.vector_store %arg10[%swap3A_718], %add3A_716 {strides = array<i32>} : memref<16xf32, #tpu.memory_space<vmem>>, vector<16xf32>,
      %xor3A_720 = arith.constant 8 : i32
      %xor3A_721 = vector.broadcast %xor3A_720 : i32 to vector<16xi32>
      %xor3A_722 = arith.xori %iota3A_717, %xor3A_721 : vector<16xi32>
      %gather3A_723 = tpu.vector_load_idx %arg10[%xor3A_722] : memref<16xf32, #tpu.memory_space<vmem>>[vector<16xi32>], vector<16xf32>,
      %add3A_724 = arith.addf %add3A_716, %gather3A_723 : vector<16xf32>
      %swap3A_725 = arith.constant 0 : index
      %swap3A_726 = tpu.vector_load %arg10[%swap3A_725] {strides = array<i32>} : memref<16xf32, #tpu.memory_space<vmem>>, vector<16xf32>,
      tpu.vector_store %arg10[%swap3A_725], %add3A_724 {strides = array<i32>} : memref<16xf32, #tpu.memory_space<vmem>>, vector<16xf32>,
      %xor3A_727 = arith.constant 4 : i32
      %xor3A_728 = vector.broadcast %xor3A_727 : i32 to vector<16xi32>
      %xor3A_729 = arith.xori %iota3A_717, %xor3A_728 : vector<16xi32>
      %gather3A_730 = tpu.vector_load_idx %arg10[%xor3A_729] : memref<16xf32, #tpu.memory_space<vmem>>[vector<16xi32>], vector<16xf32>,
      %add3A_731 = arith.addf %add3A_724, %gather3A_730 : vector<16xf32>
      %swap3A_732 = arith.constant 0 : index
      %swap3A_733 = tpu.vector_load %arg10[%swap3A_732] {strides = array<i32>} : memref<16xf32, #tpu.memory_space<vmem>>, vector<16xf32>,
      tpu.vector_store %arg10[%swap3A_732], %add3A_731 {strides = array<i32>} : memref<16xf32, #tpu.memory_space<vmem>>, vector<16xf32>,
      %xor3A_734 = arith.constant 2 : i32
      %xor3A_735 = vector.broadcast %xor3A_734 : i32 to vector<16xi32>
      %xor3A_736 = arith.xori %iota3A_717, %xor3A_735 : vector<16xi32>
      %gather3A_737 = tpu.vector_load_idx %arg10[%xor3A_736] : memref<16xf32, #tpu.memory_space<vmem>>[vector<16xi32>], vector<16xf32>,
      %add3A_738 = arith.addf %add3A_731, %gather3A_737 : vector<16xf32>
      %swap3A_739 = arith.constant 0 : index
      %swap3A_740 = tpu.vector_load %arg10[%swap3A_739] {strides = array<i32>} : memref<16xf32, #tpu.memory_space<vmem>>, vector<16xf32>,
      tpu.vector_store %arg10[%swap3A_739], %add3A_738 {strides = array<i32>} : memref<16xf32, #tpu.memory_space<vmem>>, vector<16xf32>,
      %xor3A_741 = arith.constant 1 : i32
      %xor3A_742 = vector.broadcast %xor3A_741 : i32 to vector<16xi32>
      %xor3A_743 = arith.xori %iota3A_717, %xor3A_742 : vector<16xi32>
      %gather3A_744 = tpu.vector_load_idx %arg10[%xor3A_743] : memref<16xf32, #tpu.memory_space<vmem>>[vector<16xi32>], vector<16xf32>,
      %add3A_745 = arith.addf %add3A_738, %gather3A_744 : vector<16xf32>
      %eq3A_746 = arith.constant 2 : i32
      %eq3A_747 = vector.broadcast %eq3A_746 : i32 to vector<16xi32>
      %eq3A_748 = arith.cmpi eq, %iota3A, %eq3A_747 : vector<16xi32>
      %select_n3A_749 = arith.select %eq3A_748, %add3A_745, %select_n3A_693 : vector<16xi1>, vector<16xf32>
      %get3A_750 = arith.constant 384 : index
      %get3A_751 = tpu.vector_load %arg11[%get3A_750] {strides = array<i32>} : memref<1280xf32, #tpu.memory_space<vmem>>, vector<16xf32>,
      %get3A_752 = arith.constant 400 : index
      %get3A_753 = tpu.vector_load %arg11[%get3A_752] {strides = array<i32>} : memref<1280xf32, #tpu.memory_space<vmem>>, vector<16xf32>,
      %add3A_754 = arith.addf %get3A_751, %get3A_753 : vector<16xf32>
      %get3A_755 = arith.constant 416 : index
      %get3A_756 = tpu.vector_load %arg11[%get3A_755] {strides = array<i32>} : memref<1280xf32, #tpu.memory_space<vmem>>, vector<16xf32>,
      %add3A_757 = arith.addf %add3A_754, %get3A_756 : vector<16xf32>
      %get3A_758 = arith.constant 432 : index
      %get3A_759 = tpu.vector_load %arg11[%get3A_758] {strides = array<i32>} : memref<1280xf32, #tpu.memory_space<vmem>>, vector<16xf32>,
      %add3A_760 = arith.addf %add3A_757, %get3A_759 : vector<16xf32>
      %get3A_761 = arith.constant 448 : index
      %get3A_762 = tpu.vector_load %arg11[%get3A_761] {strides = array<i32>} : memref<1280xf32, #tpu.memory_space<vmem>>, vector<16xf32>,
      %add3A_763 = arith.addf %add3A_760, %get3A_762 : vector<16xf32>
      %get3A_764 = arith.constant 464 : index
      %get3A_765 = tpu.vector_load %arg11[%get3A_764] {strides = array<i32>} : memref<1280xf32, #tpu.memory_space<vmem>>, vector<16xf32>,
      %add3A_766 = arith.addf %add3A_763, %get3A_765 : vector<16xf32>
      %get3A_767 = arith.constant 480 : index
      %get3A_768 = tpu.vector_load %arg11[%get3A_767] {strides = array<i32>} : memref<1280xf32, #tpu.memory_space<vmem>>, vector<16xf32>,
      %add3A_769 = arith.addf %add3A_766, %get3A_768 : vector<16xf32>
      %get3A_770 = arith.constant 496 : index
      %get3A_771 = tpu.vector_load %arg11[%get3A_770] {strides = array<i32>} : memref<1280xf32, #tpu.memory_space<vmem>>, vector<16xf32>,
      %add3A_772 = arith.addf %add3A_769, %get3A_771 : vector<16xf32>
      %iota3A_773 = tpu.iota {dimensions = array<i32: 0>} : vector<16xi32>
      %swap3A_774 = arith.constant 0 : index
      %swap3A_775 = tpu.vector_load %arg10[%swap3A_774] {strides = array<i32>} : memref<16xf32, #tpu.memory_space<vmem>>, vector<16xf32>,
      tpu.vector_store %arg10[%swap3A_774], %add3A_772 {strides = array<i32>} : memref<16xf32, #tpu.memory_space<vmem>>, vector<16xf32>,
      %xor3A_776 = arith.constant 8 : i32
      %xor3A_777 = vector.broadcast %xor3A_776 : i32 to vector<16xi32>
      %xor3A_778 = arith.xori %iota3A_773, %xor3A_777 : vector<16xi32>
      %gather3A_779 = tpu.vector_load_idx %arg10[%xor3A_778] : memref<16xf32, #tpu.memory_space<vmem>>[vector<16xi32>], vector<16xf32>,
      %add3A_780 = arith.addf %add3A_772, %gather3A_779 : vector<16xf32>
      %swap3A_781 = arith.constant 0 : index
      %swap3A_782 = tpu.vector_load %arg10[%swap3A_781] {strides = array<i32>} : memref<16xf32, #tpu.memory_space<vmem>>, vector<16xf32>,
      tpu.vector_store %arg10[%swap3A_781], %add3A_780 {strides = array<i32>} : memref<16xf32, #tpu.memory_space<vmem>>, vector<16xf32>,
      %xor3A_783 = arith.constant 4 : i32
      %xor3A_784 = vector.broadcast %xor3A_783 : i32 to vector<16xi32>
      %xor3A_785 = arith.xori %iota3A_773, %xor3A_784 : vector<16xi32>
      %gather3A_786 = tpu.vector_load_idx %arg10[%xor3A_785] : memref<16xf32, #tpu.memory_space<vmem>>[vector<16xi32>], vector<16xf32>,
      %add3A_787 = arith.addf %add3A_780, %gather3A_786 : vector<16xf32>
      %swap3A_788 = arith.constant 0 : index
      %swap3A_789 = tpu.vector_load %arg10[%swap3A_788] {strides = array<i32>} : memref<16xf32, #tpu.memory_space<vmem>>, vector<16xf32>,
      tpu.vector_store %arg10[%swap3A_788], %add3A_787 {strides = array<i32>} : memref<16xf32, #tpu.memory_space<vmem>>, vector<16xf32>,
      %xor3A_790 = arith.constant 2 : i32
      %xor3A_791 = vector.broadcast %xor3A_790 : i32 to vector<16xi32>
      %xor3A_792 = arith.xori %iota3A_773, %xor3A_791 : vector<16xi32>
      %gather3A_793 = tpu.vector_load_idx %arg10[%xor3A_792] : memref<16xf32, #tpu.memory_space<vmem>>[vector<16xi32>], vector<16xf32>,
      %add3A_794 = arith.addf %add3A_787, %gather3A_793 : vector<16xf32>
      %swap3A_795 = arith.constant 0 : index
      %swap3A_796 = tpu.vector_load %arg10[%swap3A_795] {strides = array<i32>} : memref<16xf32, #tpu.memory_space<vmem>>, vector<16xf32>,
      tpu.vector_store %arg10[%swap3A_795], %add3A_794 {strides = array<i32>} : memref<16xf32, #tpu.memory_space<vmem>>, vector<16xf32>,
      %xor3A_797 = arith.constant 1 : i32
      %xor3A_798 = vector.broadcast %xor3A_797 : i32 to vector<16xi32>
      %xor3A_799 = arith.xori %iota3A_773, %xor3A_798 : vector<16xi32>
      %gather3A_800 = tpu.vector_load_idx %arg10[%xor3A_799] : memref<16xf32, #tpu.memory_space<vmem>>[vector<16xi32>], vector<16xf32>,
      %add3A_801 = arith.addf %add3A_794, %gather3A_800 : vector<16xf32>
      %eq3A_802 = arith.constant 3 : i32
      %eq3A_803 = vector.broadcast %eq3A_802 : i32 to vector<16xi32>
      %eq3A_804 = arith.cmpi eq, %iota3A, %eq3A_803 : vector<16xi32>
      %select_n3A_805 = arith.select %eq3A_804, %add3A_801, %select_n3A_749 : vector<16xi1>, vector<16xf32>
      %get3A_806 = arith.constant 512 : index
      %get3A_807 = tpu.vector_load %arg11[%get3A_806] {strides = array<i32>} : memref<1280xf32, #tpu.memory_space<vmem>>, vector<16xf32>,
      %get3A_808 = arith.constant 528 : index
      %get3A_809 = tpu.vector_load %arg11[%get3A_808] {strides = array<i32>} : memref<1280xf32, #tpu.memory_space<vmem>>, vector<16xf32>,
      %add3A_810 = arith.addf %get3A_807, %get3A_809 : vector<16xf32>
      %get3A_811 = arith.constant 544 : index
      %get3A_812 = tpu.vector_load %arg11[%get3A_811] {strides = array<i32>} : memref<1280xf32, #tpu.memory_space<vmem>>, vector<16xf32>,
      %add3A_813 = arith.addf %add3A_810, %get3A_812 : vector<16xf32>
      %get3A_814 = arith.constant 560 : index
      %get3A_815 = tpu.vector_load %arg11[%get3A_814] {strides = array<i32>} : memref<1280xf32, #tpu.memory_space<vmem>>, vector<16xf32>,
      %add3A_816 = arith.addf %add3A_813, %get3A_815 : vector<16xf32>
      %get3A_817 = arith.constant 576 : index
      %get3A_818 = tpu.vector_load %arg11[%get3A_817] {strides = array<i32>} : memref<1280xf32, #tpu.memory_space<vmem>>, vector<16xf32>,
      %add3A_819 = arith.addf %add3A_816, %get3A_818 : vector<16xf32>
      %get3A_820 = arith.constant 592 : index
      %get3A_821 = tpu.vector_load %arg11[%get3A_820] {strides = array<i32>} : memref<1280xf32, #tpu.memory_space<vmem>>, vector<16xf32>,
      %add3A_822 = arith.addf %add3A_819, %get3A_821 : vector<16xf32>
      %get3A_823 = arith.constant 608 : index
      %get3A_824 = tpu.vector_load %arg11[%get3A_823] {strides = array<i32>} : memref<1280xf32, #tpu.memory_space<vmem>>, vector<16xf32>,
      %add3A_825 = arith.addf %add3A_822, %get3A_824 : vector<16xf32>
      %get3A_826 = arith.constant 624 : index
      %get3A_827 = tpu.vector_load %arg11[%get3A_826] {strides = array<i32>} : memref<1280xf32, #tpu.memory_space<vmem>>, vector<16xf32>,
      %add3A_828 = arith.addf %add3A_825, %get3A_827 : vector<16xf32>
      %iota3A_829 = tpu.iota {dimensions = array<i32: 0>} : vector<16xi32>
      %swap3A_830 = arith.constant 0 : index
      %swap3A_831 = tpu.vector_load %arg10[%swap3A_830] {strides = array<i32>} : memref<16xf32, #tpu.memory_space<vmem>>, vector<16xf32>,
      tpu.vector_store %arg10[%swap3A_830], %add3A_828 {strides = array<i32>} : memref<16xf32, #tpu.memory_space<vmem>>, vector<16xf32>,
      %xor3A_832 = arith.constant 8 : i32
      %xor3A_833 = vector.broadcast %xor3A_832 : i32 to vector<16xi32>
      %xor3A_834 = arith.xori %iota3A_829, %xor3A_833 : vector<16xi32>
      %gather3A_835 = tpu.vector_load_idx %arg10[%xor3A_834] : memref<16xf32, #tpu.memory_space<vmem>>[vector<16xi32>], vector<16xf32>,
      %add3A_836 = arith.addf %add3A_828, %gather3A_835 : vector<16xf32>
      %swap3A_837 = arith.constant 0 : index
      %swap3A_838 = tpu.vector_load %arg10[%swap3A_837] {strides = array<i32>} : memref<16xf32, #tpu.memory_space<vmem>>, vector<16xf32>,
      tpu.vector_store %arg10[%swap3A_837], %add3A_836 {strides = array<i32>} : memref<16xf32, #tpu.memory_space<vmem>>, vector<16xf32>,
      %xor3A_839 = arith.constant 4 : i32
      %xor3A_840 = vector.broadcast %xor3A_839 : i32 to vector<16xi32>
      %xor3A_841 = arith.xori %iota3A_829, %xor3A_840 : vector<16xi32>
      %gather3A_842 = tpu.vector_load_idx %arg10[%xor3A_841] : memref<16xf32, #tpu.memory_space<vmem>>[vector<16xi32>], vector<16xf32>,
      %add3A_843 = arith.addf %add3A_836, %gather3A_842 : vector<16xf32>
      %swap3A_844 = arith.constant 0 : index
      %swap3A_845 = tpu.vector_load %arg10[%swap3A_844] {strides = array<i32>} : memref<16xf32, #tpu.memory_space<vmem>>, vector<16xf32>,
      tpu.vector_store %arg10[%swap3A_844], %add3A_843 {strides = array<i32>} : memref<16xf32, #tpu.memory_space<vmem>>, vector<16xf32>,
      %xor3A_846 = arith.constant 2 : i32
      %xor3A_847 = vector.broadcast %xor3A_846 : i32 to vector<16xi32>
      %xor3A_848 = arith.xori %iota3A_829, %xor3A_847 : vector<16xi32>
      %gather3A_849 = tpu.vector_load_idx %arg10[%xor3A_848] : memref<16xf32, #tpu.memory_space<vmem>>[vector<16xi32>], vector<16xf32>,
      %add3A_850 = arith.addf %add3A_843, %gather3A_849 : vector<16xf32>
      %swap3A_851 = arith.constant 0 : index
      %swap3A_852 = tpu.vector_load %arg10[%swap3A_851] {strides = array<i32>} : memref<16xf32, #tpu.memory_space<vmem>>, vector<16xf32>,
      tpu.vector_store %arg10[%swap3A_851], %add3A_850 {strides = array<i32>} : memref<16xf32, #tpu.memory_space<vmem>>, vector<16xf32>,
      %xor3A_853 = arith.constant 1 : i32
      %xor3A_854 = vector.broadcast %xor3A_853 : i32 to vector<16xi32>
      %xor3A_855 = arith.xori %iota3A_829, %xor3A_854 : vector<16xi32>
      %gather3A_856 = tpu.vector_load_idx %arg10[%xor3A_855] : memref<16xf32, #tpu.memory_space<vmem>>[vector<16xi32>], vector<16xf32>,
      %add3A_857 = arith.addf %add3A_850, %gather3A_856 : vector<16xf32>
      %eq3A_858 = arith.constant 4 : i32
      %eq3A_859 = vector.broadcast %eq3A_858 : i32 to vector<16xi32>
      %eq3A_860 = arith.cmpi eq, %iota3A, %eq3A_859 : vector<16xi32>
      %select_n3A_861 = arith.select %eq3A_860, %add3A_857, %select_n3A_805 : vector<16xi1>, vector<16xf32>
      %get3A_862 = arith.constant 640 : index
      %get3A_863 = tpu.vector_load %arg11[%get3A_862] {strides = array<i32>} : memref<1280xf32, #tpu.memory_space<vmem>>, vector<16xf32>,
      %get3A_864 = arith.constant 656 : index
      %get3A_865 = tpu.vector_load %arg11[%get3A_864] {strides = array<i32>} : memref<1280xf32, #tpu.memory_space<vmem>>, vector<16xf32>,
      %add3A_866 = arith.addf %get3A_863, %get3A_865 : vector<16xf32>
      %get3A_867 = arith.constant 672 : index
      %get3A_868 = tpu.vector_load %arg11[%get3A_867] {strides = array<i32>} : memref<1280xf32, #tpu.memory_space<vmem>>, vector<16xf32>,
      %add3A_869 = arith.addf %add3A_866, %get3A_868 : vector<16xf32>
      %get3A_870 = arith.constant 688 : index
      %get3A_871 = tpu.vector_load %arg11[%get3A_870] {strides = array<i32>} : memref<1280xf32, #tpu.memory_space<vmem>>, vector<16xf32>,
      %add3A_872 = arith.addf %add3A_869, %get3A_871 : vector<16xf32>
      %get3A_873 = arith.constant 704 : index
      %get3A_874 = tpu.vector_load %arg11[%get3A_873] {strides = array<i32>} : memref<1280xf32, #tpu.memory_space<vmem>>, vector<16xf32>,
      %add3A_875 = arith.addf %add3A_872, %get3A_874 : vector<16xf32>
      %get3A_876 = arith.constant 720 : index
      %get3A_877 = tpu.vector_load %arg11[%get3A_876] {strides = array<i32>} : memref<1280xf32, #tpu.memory_space<vmem>>, vector<16xf32>,
      %add3A_878 = arith.addf %add3A_875, %get3A_877 : vector<16xf32>
      %get3A_879 = arith.constant 736 : index
      %get3A_880 = tpu.vector_load %arg11[%get3A_879] {strides = array<i32>} : memref<1280xf32, #tpu.memory_space<vmem>>, vector<16xf32>,
      %add3A_881 = arith.addf %add3A_878, %get3A_880 : vector<16xf32>
      %get3A_882 = arith.constant 752 : index
      %get3A_883 = tpu.vector_load %arg11[%get3A_882] {strides = array<i32>} : memref<1280xf32, #tpu.memory_space<vmem>>, vector<16xf32>,
      %add3A_884 = arith.addf %add3A_881, %get3A_883 : vector<16xf32>
      %iota3A_885 = tpu.iota {dimensions = array<i32: 0>} : vector<16xi32>
      %swap3A_886 = arith.constant 0 : index
      %swap3A_887 = tpu.vector_load %arg10[%swap3A_886] {strides = array<i32>} : memref<16xf32, #tpu.memory_space<vmem>>, vector<16xf32>,
      tpu.vector_store %arg10[%swap3A_886], %add3A_884 {strides = array<i32>} : memref<16xf32, #tpu.memory_space<vmem>>, vector<16xf32>,
      %xor3A_888 = arith.constant 8 : i32
      %xor3A_889 = vector.broadcast %xor3A_888 : i32 to vector<16xi32>
      %xor3A_890 = arith.xori %iota3A_885, %xor3A_889 : vector<16xi32>
      %gather3A_891 = tpu.vector_load_idx %arg10[%xor3A_890] : memref<16xf32, #tpu.memory_space<vmem>>[vector<16xi32>], vector<16xf32>,
      %add3A_892 = arith.addf %add3A_884, %gather3A_891 : vector<16xf32>
      %swap3A_893 = arith.constant 0 : index
      %swap3A_894 = tpu.vector_load %arg10[%swap3A_893] {strides = array<i32>} : memref<16xf32, #tpu.memory_space<vmem>>, vector<16xf32>,
      tpu.vector_store %arg10[%swap3A_893], %add3A_892 {strides = array<i32>} : memref<16xf32, #tpu.memory_space<vmem>>, vector<16xf32>,
      %xor3A_895 = arith.constant 4 : i32
      %xor3A_896 = vector.broadcast %xor3A_895 : i32 to vector<16xi32>
      %xor3A_897 = arith.xori %iota3A_885, %xor3A_896 : vector<16xi32>
      %gather3A_898 = tpu.vector_load_idx %arg10[%xor3A_897] : memref<16xf32, #tpu.memory_space<vmem>>[vector<16xi32>], vector<16xf32>,
      %add3A_899 = arith.addf %add3A_892, %gather3A_898 : vector<16xf32>
      %swap3A_900 = arith.constant 0 : index
      %swap3A_901 = tpu.vector_load %arg10[%swap3A_900] {strides = array<i32>} : memref<16xf32, #tpu.memory_space<vmem>>, vector<16xf32>,
      tpu.vector_store %arg10[%swap3A_900], %add3A_899 {strides = array<i32>} : memref<16xf32, #tpu.memory_space<vmem>>, vector<16xf32>,
      %xor3A_902 = arith.constant 2 : i32
      %xor3A_903 = vector.broadcast %xor3A_902 : i32 to vector<16xi32>
      %xor3A_904 = arith.xori %iota3A_885, %xor3A_903 : vector<16xi32>
      %gather3A_905 = tpu.vector_load_idx %arg10[%xor3A_904] : memref<16xf32, #tpu.memory_space<vmem>>[vector<16xi32>], vector<16xf32>,
      %add3A_906 = arith.addf %add3A_899, %gather3A_905 : vector<16xf32>
      %swap3A_907 = arith.constant 0 : index
      %swap3A_908 = tpu.vector_load %arg10[%swap3A_907] {strides = array<i32>} : memref<16xf32, #tpu.memory_space<vmem>>, vector<16xf32>,
      tpu.vector_store %arg10[%swap3A_907], %add3A_906 {strides = array<i32>} : memref<16xf32, #tpu.memory_space<vmem>>, vector<16xf32>,
      %xor3A_909 = arith.constant 1 : i32
      %xor3A_910 = vector.broadcast %xor3A_909 : i32 to vector<16xi32>
      %xor3A_911 = arith.xori %iota3A_885, %xor3A_910 : vector<16xi32>
      %gather3A_912 = tpu.vector_load_idx %arg10[%xor3A_911] : memref<16xf32, #tpu.memory_space<vmem>>[vector<16xi32>], vector<16xf32>,
      %add3A_913 = arith.addf %add3A_906, %gather3A_912 : vector<16xf32>
      %eq3A_914 = arith.constant 5 : i32
      %eq3A_915 = vector.broadcast %eq3A_914 : i32 to vector<16xi32>
      %eq3A_916 = arith.cmpi eq, %iota3A, %eq3A_915 : vector<16xi32>
      %select_n3A_917 = arith.select %eq3A_916, %add3A_913, %select_n3A_861 : vector<16xi1>, vector<16xf32>
      %get3A_918 = arith.constant 768 : index
      %get3A_919 = tpu.vector_load %arg11[%get3A_918] {strides = array<i32>} : memref<1280xf32, #tpu.memory_space<vmem>>, vector<16xf32>,
      %get3A_920 = arith.constant 784 : index
      %get3A_921 = tpu.vector_load %arg11[%get3A_920] {strides = array<i32>} : memref<1280xf32, #tpu.memory_space<vmem>>, vector<16xf32>,
      %add3A_922 = arith.addf %get3A_919, %get3A_921 : vector<16xf32>
      %get3A_923 = arith.constant 800 : index
      %get3A_924 = tpu.vector_load %arg11[%get3A_923] {strides = array<i32>} : memref<1280xf32, #tpu.memory_space<vmem>>, vector<16xf32>,
      %add3A_925 = arith.addf %add3A_922, %get3A_924 : vector<16xf32>
      %get3A_926 = arith.constant 816 : index
      %get3A_927 = tpu.vector_load %arg11[%get3A_926] {strides = array<i32>} : memref<1280xf32, #tpu.memory_space<vmem>>, vector<16xf32>,
      %add3A_928 = arith.addf %add3A_925, %get3A_927 : vector<16xf32>
      %get3A_929 = arith.constant 832 : index
      %get3A_930 = tpu.vector_load %arg11[%get3A_929] {strides = array<i32>} : memref<1280xf32, #tpu.memory_space<vmem>>, vector<16xf32>,
      %add3A_931 = arith.addf %add3A_928, %get3A_930 : vector<16xf32>
      %get3A_932 = arith.constant 848 : index
      %get3A_933 = tpu.vector_load %arg11[%get3A_932] {strides = array<i32>} : memref<1280xf32, #tpu.memory_space<vmem>>, vector<16xf32>,
      %add3A_934 = arith.addf %add3A_931, %get3A_933 : vector<16xf32>
      %get3A_935 = arith.constant 864 : index
      %get3A_936 = tpu.vector_load %arg11[%get3A_935] {strides = array<i32>} : memref<1280xf32, #tpu.memory_space<vmem>>, vector<16xf32>,
      %add3A_937 = arith.addf %add3A_934, %get3A_936 : vector<16xf32>
      %get3A_938 = arith.constant 880 : index
      %get3A_939 = tpu.vector_load %arg11[%get3A_938] {strides = array<i32>} : memref<1280xf32, #tpu.memory_space<vmem>>, vector<16xf32>,
      %add3A_940 = arith.addf %add3A_937, %get3A_939 : vector<16xf32>
      %iota3A_941 = tpu.iota {dimensions = array<i32: 0>} : vector<16xi32>
      %swap3A_942 = arith.constant 0 : index
      %swap3A_943 = tpu.vector_load %arg10[%swap3A_942] {strides = array<i32>} : memref<16xf32, #tpu.memory_space<vmem>>, vector<16xf32>,
      tpu.vector_store %arg10[%swap3A_942], %add3A_940 {strides = array<i32>} : memref<16xf32, #tpu.memory_space<vmem>>, vector<16xf32>,
      %xor3A_944 = arith.constant 8 : i32
      %xor3A_945 = vector.broadcast %xor3A_944 : i32 to vector<16xi32>
      %xor3A_946 = arith.xori %iota3A_941, %xor3A_945 : vector<16xi32>
      %gather3A_947 = tpu.vector_load_idx %arg10[%xor3A_946] : memref<16xf32, #tpu.memory_space<vmem>>[vector<16xi32>], vector<16xf32>,
      %add3A_948 = arith.addf %add3A_940, %gather3A_947 : vector<16xf32>
      %swap3A_949 = arith.constant 0 : index
      %swap3A_950 = tpu.vector_load %arg10[%swap3A_949] {strides = array<i32>} : memref<16xf32, #tpu.memory_space<vmem>>, vector<16xf32>,
      tpu.vector_store %arg10[%swap3A_949], %add3A_948 {strides = array<i32>} : memref<16xf32, #tpu.memory_space<vmem>>, vector<16xf32>,
      %xor3A_951 = arith.constant 4 : i32
      %xor3A_952 = vector.broadcast %xor3A_951 : i32 to vector<16xi32>
      %xor3A_953 = arith.xori %iota3A_941, %xor3A_952 : vector<16xi32>
      %gather3A_954 = tpu.vector_load_idx %arg10[%xor3A_953] : memref<16xf32, #tpu.memory_space<vmem>>[vector<16xi32>], vector<16xf32>,
      %add3A_955 = arith.addf %add3A_948, %gather3A_954 : vector<16xf32>
      %swap3A_956 = arith.constant 0 : index
      %swap3A_957 = tpu.vector_load %arg10[%swap3A_956] {strides = array<i32>} : memref<16xf32, #tpu.memory_space<vmem>>, vector<16xf32>,
      tpu.vector_store %arg10[%swap3A_956], %add3A_955 {strides = array<i32>} : memref<16xf32, #tpu.memory_space<vmem>>, vector<16xf32>,
      %xor3A_958 = arith.constant 2 : i32
      %xor3A_959 = vector.broadcast %xor3A_958 : i32 to vector<16xi32>
      %xor3A_960 = arith.xori %iota3A_941, %xor3A_959 : vector<16xi32>
      %gather3A_961 = tpu.vector_load_idx %arg10[%xor3A_960] : memref<16xf32, #tpu.memory_space<vmem>>[vector<16xi32>], vector<16xf32>,
      %add3A_962 = arith.addf %add3A_955, %gather3A_961 : vector<16xf32>
      %swap3A_963 = arith.constant 0 : index
      %swap3A_964 = tpu.vector_load %arg10[%swap3A_963] {strides = array<i32>} : memref<16xf32, #tpu.memory_space<vmem>>, vector<16xf32>,
      tpu.vector_store %arg10[%swap3A_963], %add3A_962 {strides = array<i32>} : memref<16xf32, #tpu.memory_space<vmem>>, vector<16xf32>,
      %xor3A_965 = arith.constant 1 : i32
      %xor3A_966 = vector.broadcast %xor3A_965 : i32 to vector<16xi32>
      %xor3A_967 = arith.xori %iota3A_941, %xor3A_966 : vector<16xi32>
      %gather3A_968 = tpu.vector_load_idx %arg10[%xor3A_967] : memref<16xf32, #tpu.memory_space<vmem>>[vector<16xi32>], vector<16xf32>,
      %add3A_969 = arith.addf %add3A_962, %gather3A_968 : vector<16xf32>
      %eq3A_970 = arith.constant 6 : i32
      %eq3A_971 = vector.broadcast %eq3A_970 : i32 to vector<16xi32>
      %eq3A_972 = arith.cmpi eq, %iota3A, %eq3A_971 : vector<16xi32>
      %select_n3A_973 = arith.select %eq3A_972, %add3A_969, %select_n3A_917 : vector<16xi1>, vector<16xf32>
      %get3A_974 = arith.constant 896 : index
      %get3A_975 = tpu.vector_load %arg11[%get3A_974] {strides = array<i32>} : memref<1280xf32, #tpu.memory_space<vmem>>, vector<16xf32>,
      %get3A_976 = arith.constant 912 : index
      %get3A_977 = tpu.vector_load %arg11[%get3A_976] {strides = array<i32>} : memref<1280xf32, #tpu.memory_space<vmem>>, vector<16xf32>,
      %add3A_978 = arith.addf %get3A_975, %get3A_977 : vector<16xf32>
      %get3A_979 = arith.constant 928 : index
      %get3A_980 = tpu.vector_load %arg11[%get3A_979] {strides = array<i32>} : memref<1280xf32, #tpu.memory_space<vmem>>, vector<16xf32>,
      %add3A_981 = arith.addf %add3A_978, %get3A_980 : vector<16xf32>
      %get3A_982 = arith.constant 944 : index
      %get3A_983 = tpu.vector_load %arg11[%get3A_982] {strides = array<i32>} : memref<1280xf32, #tpu.memory_space<vmem>>, vector<16xf32>,
      %add3A_984 = arith.addf %add3A_981, %get3A_983 : vector<16xf32>
      %get3A_985 = arith.constant 960 : index
      %get3A_986 = tpu.vector_load %arg11[%get3A_985] {strides = array<i32>} : memref<1280xf32, #tpu.memory_space<vmem>>, vector<16xf32>,
      %add3A_987 = arith.addf %add3A_984, %get3A_986 : vector<16xf32>
      %get3A_988 = arith.constant 976 : index
      %get3A_989 = tpu.vector_load %arg11[%get3A_988] {strides = array<i32>} : memref<1280xf32, #tpu.memory_space<vmem>>, vector<16xf32>,
      %add3A_990 = arith.addf %add3A_987, %get3A_989 : vector<16xf32>
      %get3A_991 = arith.constant 992 : index
      %get3A_992 = tpu.vector_load %arg11[%get3A_991] {strides = array<i32>} : memref<1280xf32, #tpu.memory_space<vmem>>, vector<16xf32>,
      %add3A_993 = arith.addf %add3A_990, %get3A_992 : vector<16xf32>
      %get3A_994 = arith.constant 1008 : index
      %get3A_995 = tpu.vector_load %arg11[%get3A_994] {strides = array<i32>} : memref<1280xf32, #tpu.memory_space<vmem>>, vector<16xf32>,
      %add3A_996 = arith.addf %add3A_993, %get3A_995 : vector<16xf32>
      %iota3A_997 = tpu.iota {dimensions = array<i32: 0>} : vector<16xi32>
      %swap3A_998 = arith.constant 0 : index
      %swap3A_999 = tpu.vector_load %arg10[%swap3A_998] {strides = array<i32>} : memref<16xf32, #tpu.memory_space<vmem>>, vector<16xf32>,
      tpu.vector_store %arg10[%swap3A_998], %add3A_996 {strides = array<i32>} : memref<16xf32, #tpu.memory_space<vmem>>, vector<16xf32>,
      %xor3A_1000 = arith.constant 8 : i32
      %xor3A_1001 = vector.broadcast %xor3A_1000 : i32 to vector<16xi32>
      %xor3A_1002 = arith.xori %iota3A_997, %xor3A_1001 : vector<16xi32>
      %gather3A_1003 = tpu.vector_load_idx %arg10[%xor3A_1002] : memref<16xf32, #tpu.memory_space<vmem>>[vector<16xi32>], vector<16xf32>,
      %add3A_1004 = arith.addf %add3A_996, %gather3A_1003 : vector<16xf32>
      %swap3A_1005 = arith.constant 0 : index
      %swap3A_1006 = tpu.vector_load %arg10[%swap3A_1005] {strides = array<i32>} : memref<16xf32, #tpu.memory_space<vmem>>, vector<16xf32>,
      tpu.vector_store %arg10[%swap3A_1005], %add3A_1004 {strides = array<i32>} : memref<16xf32, #tpu.memory_space<vmem>>, vector<16xf32>,
      %xor3A_1007 = arith.constant 4 : i32
      %xor3A_1008 = vector.broadcast %xor3A_1007 : i32 to vector<16xi32>
      %xor3A_1009 = arith.xori %iota3A_997, %xor3A_1008 : vector<16xi32>
      %gather3A_1010 = tpu.vector_load_idx %arg10[%xor3A_1009] : memref<16xf32, #tpu.memory_space<vmem>>[vector<16xi32>], vector<16xf32>,
      %add3A_1011 = arith.addf %add3A_1004, %gather3A_1010 : vector<16xf32>
      %swap3A_1012 = arith.constant 0 : index
      %swap3A_1013 = tpu.vector_load %arg10[%swap3A_1012] {strides = array<i32>} : memref<16xf32, #tpu.memory_space<vmem>>, vector<16xf32>,
      tpu.vector_store %arg10[%swap3A_1012], %add3A_1011 {strides = array<i32>} : memref<16xf32, #tpu.memory_space<vmem>>, vector<16xf32>,
      %xor3A_1014 = arith.constant 2 : i32
      %xor3A_1015 = vector.broadcast %xor3A_1014 : i32 to vector<16xi32>
      %xor3A_1016 = arith.xori %iota3A_997, %xor3A_1015 : vector<16xi32>
      %gather3A_1017 = tpu.vector_load_idx %arg10[%xor3A_1016] : memref<16xf32, #tpu.memory_space<vmem>>[vector<16xi32>], vector<16xf32>,
      %add3A_1018 = arith.addf %add3A_1011, %gather3A_1017 : vector<16xf32>
      %swap3A_1019 = arith.constant 0 : index
      %swap3A_1020 = tpu.vector_load %arg10[%swap3A_1019] {strides = array<i32>} : memref<16xf32, #tpu.memory_space<vmem>>, vector<16xf32>,
      tpu.vector_store %arg10[%swap3A_1019], %add3A_1018 {strides = array<i32>} : memref<16xf32, #tpu.memory_space<vmem>>, vector<16xf32>,
      %xor3A_1021 = arith.constant 1 : i32
      %xor3A_1022 = vector.broadcast %xor3A_1021 : i32 to vector<16xi32>
      %xor3A_1023 = arith.xori %iota3A_997, %xor3A_1022 : vector<16xi32>
      %gather3A_1024 = tpu.vector_load_idx %arg10[%xor3A_1023] : memref<16xf32, #tpu.memory_space<vmem>>[vector<16xi32>], vector<16xf32>,
      %add3A_1025 = arith.addf %add3A_1018, %gather3A_1024 : vector<16xf32>
      %eq3A_1026 = arith.constant 7 : i32
      %eq3A_1027 = vector.broadcast %eq3A_1026 : i32 to vector<16xi32>
      %eq3A_1028 = arith.cmpi eq, %iota3A, %eq3A_1027 : vector<16xi32>
      %select_n3A_1029 = arith.select %eq3A_1028, %add3A_1025, %select_n3A_973 : vector<16xi1>, vector<16xf32>
      %get3A_1030 = arith.constant 1024 : index
      %get3A_1031 = tpu.vector_load %arg11[%get3A_1030] {strides = array<i32>} : memref<1280xf32, #tpu.memory_space<vmem>>, vector<16xf32>,
      %get3A_1032 = arith.constant 1040 : index
      %get3A_1033 = tpu.vector_load %arg11[%get3A_1032] {strides = array<i32>} : memref<1280xf32, #tpu.memory_space<vmem>>, vector<16xf32>,
      %add3A_1034 = arith.addf %get3A_1031, %get3A_1033 : vector<16xf32>
      %get3A_1035 = arith.constant 1056 : index
      %get3A_1036 = tpu.vector_load %arg11[%get3A_1035] {strides = array<i32>} : memref<1280xf32, #tpu.memory_space<vmem>>, vector<16xf32>,
      %add3A_1037 = arith.addf %add3A_1034, %get3A_1036 : vector<16xf32>
      %get3A_1038 = arith.constant 1072 : index
      %get3A_1039 = tpu.vector_load %arg11[%get3A_1038] {strides = array<i32>} : memref<1280xf32, #tpu.memory_space<vmem>>, vector<16xf32>,
      %add3A_1040 = arith.addf %add3A_1037, %get3A_1039 : vector<16xf32>
      %get3A_1041 = arith.constant 1088 : index
      %get3A_1042 = tpu.vector_load %arg11[%get3A_1041] {strides = array<i32>} : memref<1280xf32, #tpu.memory_space<vmem>>, vector<16xf32>,
      %add3A_1043 = arith.addf %add3A_1040, %get3A_1042 : vector<16xf32>
      %get3A_1044 = arith.constant 1104 : index
      %get3A_1045 = tpu.vector_load %arg11[%get3A_1044] {strides = array<i32>} : memref<1280xf32, #tpu.memory_space<vmem>>, vector<16xf32>,
      %add3A_1046 = arith.addf %add3A_1043, %get3A_1045 : vector<16xf32>
      %get3A_1047 = arith.constant 1120 : index
      %get3A_1048 = tpu.vector_load %arg11[%get3A_1047] {strides = array<i32>} : memref<1280xf32, #tpu.memory_space<vmem>>, vector<16xf32>,
      %add3A_1049 = arith.addf %add3A_1046, %get3A_1048 : vector<16xf32>
      %get3A_1050 = arith.constant 1136 : index
      %get3A_1051 = tpu.vector_load %arg11[%get3A_1050] {strides = array<i32>} : memref<1280xf32, #tpu.memory_space<vmem>>, vector<16xf32>,
      %add3A_1052 = arith.addf %add3A_1049, %get3A_1051 : vector<16xf32>
      %iota3A_1053 = tpu.iota {dimensions = array<i32: 0>} : vector<16xi32>
      %swap3A_1054 = arith.constant 0 : index
      %swap3A_1055 = tpu.vector_load %arg10[%swap3A_1054] {strides = array<i32>} : memref<16xf32, #tpu.memory_space<vmem>>, vector<16xf32>,
      tpu.vector_store %arg10[%swap3A_1054], %add3A_1052 {strides = array<i32>} : memref<16xf32, #tpu.memory_space<vmem>>, vector<16xf32>,
      %xor3A_1056 = arith.constant 8 : i32
      %xor3A_1057 = vector.broadcast %xor3A_1056 : i32 to vector<16xi32>
      %xor3A_1058 = arith.xori %iota3A_1053, %xor3A_1057 : vector<16xi32>
      %gather3A_1059 = tpu.vector_load_idx %arg10[%xor3A_1058] : memref<16xf32, #tpu.memory_space<vmem>>[vector<16xi32>], vector<16xf32>,
      %add3A_1060 = arith.addf %add3A_1052, %gather3A_1059 : vector<16xf32>
      %swap3A_1061 = arith.constant 0 : index
      %swap3A_1062 = tpu.vector_load %arg10[%swap3A_1061] {strides = array<i32>} : memref<16xf32, #tpu.memory_space<vmem>>, vector<16xf32>,
      tpu.vector_store %arg10[%swap3A_1061], %add3A_1060 {strides = array<i32>} : memref<16xf32, #tpu.memory_space<vmem>>, vector<16xf32>,
      %xor3A_1063 = arith.constant 4 : i32
      %xor3A_1064 = vector.broadcast %xor3A_1063 : i32 to vector<16xi32>
      %xor3A_1065 = arith.xori %iota3A_1053, %xor3A_1064 : vector<16xi32>
      %gather3A_1066 = tpu.vector_load_idx %arg10[%xor3A_1065] : memref<16xf32, #tpu.memory_space<vmem>>[vector<16xi32>], vector<16xf32>,
      %add3A_1067 = arith.addf %add3A_1060, %gather3A_1066 : vector<16xf32>
      %swap3A_1068 = arith.constant 0 : index
      %swap3A_1069 = tpu.vector_load %arg10[%swap3A_1068] {strides = array<i32>} : memref<16xf32, #tpu.memory_space<vmem>>, vector<16xf32>,
      tpu.vector_store %arg10[%swap3A_1068], %add3A_1067 {strides = array<i32>} : memref<16xf32, #tpu.memory_space<vmem>>, vector<16xf32>,
      %xor3A_1070 = arith.constant 2 : i32
      %xor3A_1071 = vector.broadcast %xor3A_1070 : i32 to vector<16xi32>
      %xor3A_1072 = arith.xori %iota3A_1053, %xor3A_1071 : vector<16xi32>
      %gather3A_1073 = tpu.vector_load_idx %arg10[%xor3A_1072] : memref<16xf32, #tpu.memory_space<vmem>>[vector<16xi32>], vector<16xf32>,
      %add3A_1074 = arith.addf %add3A_1067, %gather3A_1073 : vector<16xf32>
      %swap3A_1075 = arith.constant 0 : index
      %swap3A_1076 = tpu.vector_load %arg10[%swap3A_1075] {strides = array<i32>} : memref<16xf32, #tpu.memory_space<vmem>>, vector<16xf32>,
      tpu.vector_store %arg10[%swap3A_1075], %add3A_1074 {strides = array<i32>} : memref<16xf32, #tpu.memory_space<vmem>>, vector<16xf32>,
      %xor3A_1077 = arith.constant 1 : i32
      %xor3A_1078 = vector.broadcast %xor3A_1077 : i32 to vector<16xi32>
      %xor3A_1079 = arith.xori %iota3A_1053, %xor3A_1078 : vector<16xi32>
      %gather3A_1080 = tpu.vector_load_idx %arg10[%xor3A_1079] : memref<16xf32, #tpu.memory_space<vmem>>[vector<16xi32>], vector<16xf32>,
      %add3A_1081 = arith.addf %add3A_1074, %gather3A_1080 : vector<16xf32>
      %eq3A_1082 = arith.constant 8 : i32
      %eq3A_1083 = vector.broadcast %eq3A_1082 : i32 to vector<16xi32>
      %eq3A_1084 = arith.cmpi eq, %iota3A, %eq3A_1083 : vector<16xi32>
      %select_n3A_1085 = arith.select %eq3A_1084, %add3A_1081, %select_n3A_1029 : vector<16xi1>, vector<16xf32>
      %get3A_1086 = arith.constant 1152 : index
      %get3A_1087 = tpu.vector_load %arg11[%get3A_1086] {strides = array<i32>} : memref<1280xf32, #tpu.memory_space<vmem>>, vector<16xf32>,
      %get3A_1088 = arith.constant 1168 : index
      %get3A_1089 = tpu.vector_load %arg11[%get3A_1088] {strides = array<i32>} : memref<1280xf32, #tpu.memory_space<vmem>>, vector<16xf32>,
      %add3A_1090 = arith.addf %get3A_1087, %get3A_1089 : vector<16xf32>
      %get3A_1091 = arith.constant 1184 : index
      %get3A_1092 = tpu.vector_load %arg11[%get3A_1091] {strides = array<i32>} : memref<1280xf32, #tpu.memory_space<vmem>>, vector<16xf32>,
      %add3A_1093 = arith.addf %add3A_1090, %get3A_1092 : vector<16xf32>
      %get3A_1094 = arith.constant 1200 : index
      %get3A_1095 = tpu.vector_load %arg11[%get3A_1094] {strides = array<i32>} : memref<1280xf32, #tpu.memory_space<vmem>>, vector<16xf32>,
      %add3A_1096 = arith.addf %add3A_1093, %get3A_1095 : vector<16xf32>
      %get3A_1097 = arith.constant 1216 : index
      %get3A_1098 = tpu.vector_load %arg11[%get3A_1097] {strides = array<i32>} : memref<1280xf32, #tpu.memory_space<vmem>>, vector<16xf32>,
      %add3A_1099 = arith.addf %add3A_1096, %get3A_1098 : vector<16xf32>
      %get3A_1100 = arith.constant 1232 : index
      %get3A_1101 = tpu.vector_load %arg11[%get3A_1100] {strides = array<i32>} : memref<1280xf32, #tpu.memory_space<vmem>>, vector<16xf32>,
      %add3A_1102 = arith.addf %add3A_1099, %get3A_1101 : vector<16xf32>
      %get3A_1103 = arith.constant 1248 : index
      %get3A_1104 = tpu.vector_load %arg11[%get3A_1103] {strides = array<i32>} : memref<1280xf32, #tpu.memory_space<vmem>>, vector<16xf32>,
      %add3A_1105 = arith.addf %add3A_1102, %get3A_1104 : vector<16xf32>
      %get3A_1106 = arith.constant 1264 : index
      %get3A_1107 = tpu.vector_load %arg11[%get3A_1106] {strides = array<i32>} : memref<1280xf32, #tpu.memory_space<vmem>>, vector<16xf32>,
      %add3A_1108 = arith.addf %add3A_1105, %get3A_1107 : vector<16xf32>
      %iota3A_1109 = tpu.iota {dimensions = array<i32: 0>} : vector<16xi32>
      %swap3A_1110 = arith.constant 0 : index
      %swap3A_1111 = tpu.vector_load %arg10[%swap3A_1110] {strides = array<i32>} : memref<16xf32, #tpu.memory_space<vmem>>, vector<16xf32>,
      tpu.vector_store %arg10[%swap3A_1110], %add3A_1108 {strides = array<i32>} : memref<16xf32, #tpu.memory_space<vmem>>, vector<16xf32>,
      %xor3A_1112 = arith.constant 8 : i32
      %xor3A_1113 = vector.broadcast %xor3A_1112 : i32 to vector<16xi32>
      %xor3A_1114 = arith.xori %iota3A_1109, %xor3A_1113 : vector<16xi32>
      %gather3A_1115 = tpu.vector_load_idx %arg10[%xor3A_1114] : memref<16xf32, #tpu.memory_space<vmem>>[vector<16xi32>], vector<16xf32>,
      %add3A_1116 = arith.addf %add3A_1108, %gather3A_1115 : vector<16xf32>
      %swap3A_1117 = arith.constant 0 : index
      %swap3A_1118 = tpu.vector_load %arg10[%swap3A_1117] {strides = array<i32>} : memref<16xf32, #tpu.memory_space<vmem>>, vector<16xf32>,
      tpu.vector_store %arg10[%swap3A_1117], %add3A_1116 {strides = array<i32>} : memref<16xf32, #tpu.memory_space<vmem>>, vector<16xf32>,
      %xor3A_1119 = arith.constant 4 : i32
      %xor3A_1120 = vector.broadcast %xor3A_1119 : i32 to vector<16xi32>
      %xor3A_1121 = arith.xori %iota3A_1109, %xor3A_1120 : vector<16xi32>
      %gather3A_1122 = tpu.vector_load_idx %arg10[%xor3A_1121] : memref<16xf32, #tpu.memory_space<vmem>>[vector<16xi32>], vector<16xf32>,
      %add3A_1123 = arith.addf %add3A_1116, %gather3A_1122 : vector<16xf32>
      %swap3A_1124 = arith.constant 0 : index
      %swap3A_1125 = tpu.vector_load %arg10[%swap3A_1124] {strides = array<i32>} : memref<16xf32, #tpu.memory_space<vmem>>, vector<16xf32>,
      tpu.vector_store %arg10[%swap3A_1124], %add3A_1123 {strides = array<i32>} : memref<16xf32, #tpu.memory_space<vmem>>, vector<16xf32>,
      %xor3A_1126 = arith.constant 2 : i32
      %xor3A_1127 = vector.broadcast %xor3A_1126 : i32 to vector<16xi32>
      %xor3A_1128 = arith.xori %iota3A_1109, %xor3A_1127 : vector<16xi32>
      %gather3A_1129 = tpu.vector_load_idx %arg10[%xor3A_1128] : memref<16xf32, #tpu.memory_space<vmem>>[vector<16xi32>], vector<16xf32>,
      %add3A_1130 = arith.addf %add3A_1123, %gather3A_1129 : vector<16xf32>
      %swap3A_1131 = arith.constant 0 : index
      %swap3A_1132 = tpu.vector_load %arg10[%swap3A_1131] {strides = array<i32>} : memref<16xf32, #tpu.memory_space<vmem>>, vector<16xf32>,
      tpu.vector_store %arg10[%swap3A_1131], %add3A_1130 {strides = array<i32>} : memref<16xf32, #tpu.memory_space<vmem>>, vector<16xf32>,
      %xor3A_1133 = arith.constant 1 : i32
      %xor3A_1134 = vector.broadcast %xor3A_1133 : i32 to vector<16xi32>
      %xor3A_1135 = arith.xori %iota3A_1109, %xor3A_1134 : vector<16xi32>
      %gather3A_1136 = tpu.vector_load_idx %arg10[%xor3A_1135] : memref<16xf32, #tpu.memory_space<vmem>>[vector<16xi32>], vector<16xf32>,
      %add3A_1137 = arith.addf %add3A_1130, %gather3A_1136 : vector<16xf32>
      %eq3A_1138 = arith.constant 9 : i32
      %eq3A_1139 = vector.broadcast %eq3A_1138 : i32 to vector<16xi32>
      %eq3A_1140 = arith.cmpi eq, %iota3A, %eq3A_1139 : vector<16xi32>
      %select_n3A_1141 = arith.select %eq3A_1140, %add3A_1137, %select_n3A_1085 : vector<16xi1>, vector<16xf32>
      %swap3A_1142 = arith.constant 0 : index
      %swap3A_1143 = tpu.vector_load %arg9[%swap3A_1142] {strides = array<i32>} : memref<32xf32, #tpu.memory_space<vmem>>, vector<16xf32>,
      tpu.vector_store %arg9[%swap3A_1142], %broadcast_in_dim3A_3 {strides = array<i32>} : memref<32xf32, #tpu.memory_space<vmem>>, vector<16xf32>,
      %swap3A_1144 = arith.constant 16 : index
      %swap3A_1145 = tpu.vector_load %arg9[%swap3A_1144] {strides = array<i32>} : memref<32xf32, #tpu.memory_space<vmem>>, vector<16xf32>,
      tpu.vector_store %arg9[%swap3A_1144], %select_n3A_1141 {strides = array<i32>} : memref<32xf32, #tpu.memory_space<vmem>>, vector<16xf32>,
      %add3A_1146 = arith.constant 15 : i32
      %add3A_1147 = vector.broadcast %add3A_1146 : i32 to vector<16xi32>
      %add3A_1148 = arith.addi %iota3A, %add3A_1147 : vector<16xi32>
      %gather3A_1149 = tpu.vector_load_idx %arg9[%add3A_1148] : memref<32xf32, #tpu.memory_space<vmem>>[vector<16xi32>], vector<16xf32>,
      %le3A_1150 = arith.constant 10 : i32
      %le3A_1151 = vector.broadcast %le3A_1150 : i32 to vector<16xi32>
      %le3A_1152 = arith.cmpi sle, %iota3A, %le3A_1151 : vector<16xi32>
      %sub3A_1153 = arith.subf %select_n3A_1141, %gather3A_1149 : vector<16xf32>
      %select_n3A_1154 = arith.select %le3A_1152, %sub3A_1153, %broadcast_in_dim3A_3 : vector<16xi1>, vector<16xf32>
      %get3A_1155 = arith.constant 0 : index
      %get3A_1156 = tpu.vector_load %arg7[%get3A_1155] {strides = array<i32>} : memref<512xf32, #tpu.memory_space<vmem>>, vector<16xf32>,
      %add3A_1157 = arith.addf %select_n3A_575, %get3A_1156 : vector<16xf32>
      %get3A_1158 = arith.constant 0 : index
      %get3A_1159 = tpu.vector_load %arg8[%get3A_1158] {strides = array<i32>} : memref<512xf32, #tpu.memory_space<vmem>>, vector<16xf32>,
      %add3A_1160 = arith.addf %select_n3A_1154, %get3A_1159 : vector<16xf32>
      %get3A_1161 = arith.constant 16 : index
      %get3A_1162 = tpu.vector_load %arg7[%get3A_1161] {strides = array<i32>} : memref<512xf32, #tpu.memory_space<vmem>>, vector<16xf32>,
      %add3A_1163 = arith.addf %add3A_1157, %get3A_1162 : vector<16xf32>
      %get3A_1164 = arith.constant 16 : index
      %get3A_1165 = tpu.vector_load %arg8[%get3A_1164] {strides = array<i32>} : memref<512xf32, #tpu.memory_space<vmem>>, vector<16xf32>,
      %add3A_1166 = arith.addf %add3A_1160, %get3A_1165 : vector<16xf32>
      %get3A_1167 = arith.constant 32 : index
      %get3A_1168 = tpu.vector_load %arg7[%get3A_1167] {strides = array<i32>} : memref<512xf32, #tpu.memory_space<vmem>>, vector<16xf32>,
      %add3A_1169 = arith.addf %add3A_1163, %get3A_1168 : vector<16xf32>
      %get3A_1170 = arith.constant 32 : index
      %get3A_1171 = tpu.vector_load %arg8[%get3A_1170] {strides = array<i32>} : memref<512xf32, #tpu.memory_space<vmem>>, vector<16xf32>,
      %add3A_1172 = arith.addf %add3A_1166, %get3A_1171 : vector<16xf32>
      %get3A_1173 = arith.constant 48 : index
      %get3A_1174 = tpu.vector_load %arg7[%get3A_1173] {strides = array<i32>} : memref<512xf32, #tpu.memory_space<vmem>>, vector<16xf32>,
      %add3A_1175 = arith.addf %add3A_1169, %get3A_1174 : vector<16xf32>
      %get3A_1176 = arith.constant 48 : index
      %get3A_1177 = tpu.vector_load %arg8[%get3A_1176] {strides = array<i32>} : memref<512xf32, #tpu.memory_space<vmem>>, vector<16xf32>,
      %add3A_1178 = arith.addf %add3A_1172, %get3A_1177 : vector<16xf32>
      %get3A_1179 = arith.constant 64 : index
      %get3A_1180 = tpu.vector_load %arg7[%get3A_1179] {strides = array<i32>} : memref<512xf32, #tpu.memory_space<vmem>>, vector<16xf32>,
      %add3A_1181 = arith.addf %add3A_1175, %get3A_1180 : vector<16xf32>
      %get3A_1182 = arith.constant 64 : index
      %get3A_1183 = tpu.vector_load %arg8[%get3A_1182] {strides = array<i32>} : memref<512xf32, #tpu.memory_space<vmem>>, vector<16xf32>,
      %add3A_1184 = arith.addf %add3A_1178, %get3A_1183 : vector<16xf32>
      %get3A_1185 = arith.constant 80 : index
      %get3A_1186 = tpu.vector_load %arg7[%get3A_1185] {strides = array<i32>} : memref<512xf32, #tpu.memory_space<vmem>>, vector<16xf32>,
      %add3A_1187 = arith.addf %add3A_1181, %get3A_1186 : vector<16xf32>
      %get3A_1188 = arith.constant 80 : index
      %get3A_1189 = tpu.vector_load %arg8[%get3A_1188] {strides = array<i32>} : memref<512xf32, #tpu.memory_space<vmem>>, vector<16xf32>,
      %add3A_1190 = arith.addf %add3A_1184, %get3A_1189 : vector<16xf32>
      %get3A_1191 = arith.constant 96 : index
      %get3A_1192 = tpu.vector_load %arg7[%get3A_1191] {strides = array<i32>} : memref<512xf32, #tpu.memory_space<vmem>>, vector<16xf32>,
      %add3A_1193 = arith.addf %add3A_1187, %get3A_1192 : vector<16xf32>
      %get3A_1194 = arith.constant 96 : index
      %get3A_1195 = tpu.vector_load %arg8[%get3A_1194] {strides = array<i32>} : memref<512xf32, #tpu.memory_space<vmem>>, vector<16xf32>,
      %add3A_1196 = arith.addf %add3A_1190, %get3A_1195 : vector<16xf32>
      %get3A_1197 = arith.constant 112 : index
      %get3A_1198 = tpu.vector_load %arg7[%get3A_1197] {strides = array<i32>} : memref<512xf32, #tpu.memory_space<vmem>>, vector<16xf32>,
      %add3A_1199 = arith.addf %add3A_1193, %get3A_1198 : vector<16xf32>
      %get3A_1200 = arith.constant 112 : index
      %get3A_1201 = tpu.vector_load %arg8[%get3A_1200] {strides = array<i32>} : memref<512xf32, #tpu.memory_space<vmem>>, vector<16xf32>,
      %add3A_1202 = arith.addf %add3A_1196, %get3A_1201 : vector<16xf32>
      %get3A_1203 = arith.constant 128 : index
      %get3A_1204 = tpu.vector_load %arg7[%get3A_1203] {strides = array<i32>} : memref<512xf32, #tpu.memory_space<vmem>>, vector<16xf32>,
      %add3A_1205 = arith.addf %add3A_1199, %get3A_1204 : vector<16xf32>
      %get3A_1206 = arith.constant 128 : index
      %get3A_1207 = tpu.vector_load %arg8[%get3A_1206] {strides = array<i32>} : memref<512xf32, #tpu.memory_space<vmem>>, vector<16xf32>,
      %add3A_1208 = arith.addf %add3A_1202, %get3A_1207 : vector<16xf32>
      %get3A_1209 = arith.constant 144 : index
      %get3A_1210 = tpu.vector_load %arg7[%get3A_1209] {strides = array<i32>} : memref<512xf32, #tpu.memory_space<vmem>>, vector<16xf32>,
      %add3A_1211 = arith.addf %add3A_1205, %get3A_1210 : vector<16xf32>
      %get3A_1212 = arith.constant 144 : index
      %get3A_1213 = tpu.vector_load %arg8[%get3A_1212] {strides = array<i32>} : memref<512xf32, #tpu.memory_space<vmem>>, vector<16xf32>,
      %add3A_1214 = arith.addf %add3A_1208, %get3A_1213 : vector<16xf32>
      %get3A_1215 = arith.constant 160 : index
      %get3A_1216 = tpu.vector_load %arg7[%get3A_1215] {strides = array<i32>} : memref<512xf32, #tpu.memory_space<vmem>>, vector<16xf32>,
      %add3A_1217 = arith.addf %add3A_1211, %get3A_1216 : vector<16xf32>
      %get3A_1218 = arith.constant 160 : index
      %get3A_1219 = tpu.vector_load %arg8[%get3A_1218] {strides = array<i32>} : memref<512xf32, #tpu.memory_space<vmem>>, vector<16xf32>,
      %add3A_1220 = arith.addf %add3A_1214, %get3A_1219 : vector<16xf32>
      %get3A_1221 = arith.constant 176 : index
      %get3A_1222 = tpu.vector_load %arg7[%get3A_1221] {strides = array<i32>} : memref<512xf32, #tpu.memory_space<vmem>>, vector<16xf32>,
      %add3A_1223 = arith.addf %add3A_1217, %get3A_1222 : vector<16xf32>
      %get3A_1224 = arith.constant 176 : index
      %get3A_1225 = tpu.vector_load %arg8[%get3A_1224] {strides = array<i32>} : memref<512xf32, #tpu.memory_space<vmem>>, vector<16xf32>,
      %add3A_1226 = arith.addf %add3A_1220, %get3A_1225 : vector<16xf32>
      %get3A_1227 = arith.constant 192 : index
      %get3A_1228 = tpu.vector_load %arg7[%get3A_1227] {strides = array<i32>} : memref<512xf32, #tpu.memory_space<vmem>>, vector<16xf32>,
      %add3A_1229 = arith.addf %add3A_1223, %get3A_1228 : vector<16xf32>
      %get3A_1230 = arith.constant 192 : index
      %get3A_1231 = tpu.vector_load %arg8[%get3A_1230] {strides = array<i32>} : memref<512xf32, #tpu.memory_space<vmem>>, vector<16xf32>,
      %add3A_1232 = arith.addf %add3A_1226, %get3A_1231 : vector<16xf32>
      %get3A_1233 = arith.constant 208 : index
      %get3A_1234 = tpu.vector_load %arg7[%get3A_1233] {strides = array<i32>} : memref<512xf32, #tpu.memory_space<vmem>>, vector<16xf32>,
      %add3A_1235 = arith.addf %add3A_1229, %get3A_1234 : vector<16xf32>
      %get3A_1236 = arith.constant 208 : index
      %get3A_1237 = tpu.vector_load %arg8[%get3A_1236] {strides = array<i32>} : memref<512xf32, #tpu.memory_space<vmem>>, vector<16xf32>,
      %add3A_1238 = arith.addf %add3A_1232, %get3A_1237 : vector<16xf32>
      %get3A_1239 = arith.constant 224 : index
      %get3A_1240 = tpu.vector_load %arg7[%get3A_1239] {strides = array<i32>} : memref<512xf32, #tpu.memory_space<vmem>>, vector<16xf32>,
      %add3A_1241 = arith.addf %add3A_1235, %get3A_1240 : vector<16xf32>
      %get3A_1242 = arith.constant 224 : index
      %get3A_1243 = tpu.vector_load %arg8[%get3A_1242] {strides = array<i32>} : memref<512xf32, #tpu.memory_space<vmem>>, vector<16xf32>,
      %add3A_1244 = arith.addf %add3A_1238, %get3A_1243 : vector<16xf32>
      %get3A_1245 = arith.constant 240 : index
      %get3A_1246 = tpu.vector_load %arg7[%get3A_1245] {strides = array<i32>} : memref<512xf32, #tpu.memory_space<vmem>>, vector<16xf32>,
      %add3A_1247 = arith.addf %add3A_1241, %get3A_1246 : vector<16xf32>
      %get3A_1248 = arith.constant 240 : index
      %get3A_1249 = tpu.vector_load %arg8[%get3A_1248] {strides = array<i32>} : memref<512xf32, #tpu.memory_space<vmem>>, vector<16xf32>,
      %add3A_1250 = arith.addf %add3A_1244, %get3A_1249 : vector<16xf32>
      %get3A_1251 = arith.constant 256 : index
      %get3A_1252 = tpu.vector_load %arg7[%get3A_1251] {strides = array<i32>} : memref<512xf32, #tpu.memory_space<vmem>>, vector<16xf32>,
      %add3A_1253 = arith.addf %add3A_1247, %get3A_1252 : vector<16xf32>
      %get3A_1254 = arith.constant 256 : index
      %get3A_1255 = tpu.vector_load %arg8[%get3A_1254] {strides = array<i32>} : memref<512xf32, #tpu.memory_space<vmem>>, vector<16xf32>,
      %add3A_1256 = arith.addf %add3A_1250, %get3A_1255 : vector<16xf32>
      %get3A_1257 = arith.constant 272 : index
      %get3A_1258 = tpu.vector_load %arg7[%get3A_1257] {strides = array<i32>} : memref<512xf32, #tpu.memory_space<vmem>>, vector<16xf32>,
      %add3A_1259 = arith.addf %add3A_1253, %get3A_1258 : vector<16xf32>
      %get3A_1260 = arith.constant 272 : index
      %get3A_1261 = tpu.vector_load %arg8[%get3A_1260] {strides = array<i32>} : memref<512xf32, #tpu.memory_space<vmem>>, vector<16xf32>,
      %add3A_1262 = arith.addf %add3A_1256, %get3A_1261 : vector<16xf32>
      %get3A_1263 = arith.constant 288 : index
      %get3A_1264 = tpu.vector_load %arg7[%get3A_1263] {strides = array<i32>} : memref<512xf32, #tpu.memory_space<vmem>>, vector<16xf32>,
      %add3A_1265 = arith.addf %add3A_1259, %get3A_1264 : vector<16xf32>
      %get3A_1266 = arith.constant 288 : index
      %get3A_1267 = tpu.vector_load %arg8[%get3A_1266] {strides = array<i32>} : memref<512xf32, #tpu.memory_space<vmem>>, vector<16xf32>,
      %add3A_1268 = arith.addf %add3A_1262, %get3A_1267 : vector<16xf32>
      %get3A_1269 = arith.constant 304 : index
      %get3A_1270 = tpu.vector_load %arg7[%get3A_1269] {strides = array<i32>} : memref<512xf32, #tpu.memory_space<vmem>>, vector<16xf32>,
      %add3A_1271 = arith.addf %add3A_1265, %get3A_1270 : vector<16xf32>
      %get3A_1272 = arith.constant 304 : index
      %get3A_1273 = tpu.vector_load %arg8[%get3A_1272] {strides = array<i32>} : memref<512xf32, #tpu.memory_space<vmem>>, vector<16xf32>,
      %add3A_1274 = arith.addf %add3A_1268, %get3A_1273 : vector<16xf32>
      %get3A_1275 = arith.constant 320 : index
      %get3A_1276 = tpu.vector_load %arg7[%get3A_1275] {strides = array<i32>} : memref<512xf32, #tpu.memory_space<vmem>>, vector<16xf32>,
      %add3A_1277 = arith.addf %add3A_1271, %get3A_1276 : vector<16xf32>
      %get3A_1278 = arith.constant 320 : index
      %get3A_1279 = tpu.vector_load %arg8[%get3A_1278] {strides = array<i32>} : memref<512xf32, #tpu.memory_space<vmem>>, vector<16xf32>,
      %add3A_1280 = arith.addf %add3A_1274, %get3A_1279 : vector<16xf32>
      %get3A_1281 = arith.constant 336 : index
      %get3A_1282 = tpu.vector_load %arg7[%get3A_1281] {strides = array<i32>} : memref<512xf32, #tpu.memory_space<vmem>>, vector<16xf32>,
      %add3A_1283 = arith.addf %add3A_1277, %get3A_1282 : vector<16xf32>
      %get3A_1284 = arith.constant 336 : index
      %get3A_1285 = tpu.vector_load %arg8[%get3A_1284] {strides = array<i32>} : memref<512xf32, #tpu.memory_space<vmem>>, vector<16xf32>,
      %add3A_1286 = arith.addf %add3A_1280, %get3A_1285 : vector<16xf32>
      %get3A_1287 = arith.constant 352 : index
      %get3A_1288 = tpu.vector_load %arg7[%get3A_1287] {strides = array<i32>} : memref<512xf32, #tpu.memory_space<vmem>>, vector<16xf32>,
      %add3A_1289 = arith.addf %add3A_1283, %get3A_1288 : vector<16xf32>
      %get3A_1290 = arith.constant 352 : index
      %get3A_1291 = tpu.vector_load %arg8[%get3A_1290] {strides = array<i32>} : memref<512xf32, #tpu.memory_space<vmem>>, vector<16xf32>,
      %add3A_1292 = arith.addf %add3A_1286, %get3A_1291 : vector<16xf32>
      %get3A_1293 = arith.constant 368 : index
      %get3A_1294 = tpu.vector_load %arg7[%get3A_1293] {strides = array<i32>} : memref<512xf32, #tpu.memory_space<vmem>>, vector<16xf32>,
      %add3A_1295 = arith.addf %add3A_1289, %get3A_1294 : vector<16xf32>
      %get3A_1296 = arith.constant 368 : index
      %get3A_1297 = tpu.vector_load %arg8[%get3A_1296] {strides = array<i32>} : memref<512xf32, #tpu.memory_space<vmem>>, vector<16xf32>,
      %add3A_1298 = arith.addf %add3A_1292, %get3A_1297 : vector<16xf32>
      %get3A_1299 = arith.constant 384 : index
      %get3A_1300 = tpu.vector_load %arg7[%get3A_1299] {strides = array<i32>} : memref<512xf32, #tpu.memory_space<vmem>>, vector<16xf32>,
      %add3A_1301 = arith.addf %add3A_1295, %get3A_1300 : vector<16xf32>
      %get3A_1302 = arith.constant 384 : index
      %get3A_1303 = tpu.vector_load %arg8[%get3A_1302] {strides = array<i32>} : memref<512xf32, #tpu.memory_space<vmem>>, vector<16xf32>,
      %add3A_1304 = arith.addf %add3A_1298, %get3A_1303 : vector<16xf32>
      %get3A_1305 = arith.constant 400 : index
      %get3A_1306 = tpu.vector_load %arg7[%get3A_1305] {strides = array<i32>} : memref<512xf32, #tpu.memory_space<vmem>>, vector<16xf32>,
      %add3A_1307 = arith.addf %add3A_1301, %get3A_1306 : vector<16xf32>
      %get3A_1308 = arith.constant 400 : index
      %get3A_1309 = tpu.vector_load %arg8[%get3A_1308] {strides = array<i32>} : memref<512xf32, #tpu.memory_space<vmem>>, vector<16xf32>,
      %add3A_1310 = arith.addf %add3A_1304, %get3A_1309 : vector<16xf32>
      %get3A_1311 = arith.constant 416 : index
      %get3A_1312 = tpu.vector_load %arg7[%get3A_1311] {strides = array<i32>} : memref<512xf32, #tpu.memory_space<vmem>>, vector<16xf32>,
      %add3A_1313 = arith.addf %add3A_1307, %get3A_1312 : vector<16xf32>
      %get3A_1314 = arith.constant 416 : index
      %get3A_1315 = tpu.vector_load %arg8[%get3A_1314] {strides = array<i32>} : memref<512xf32, #tpu.memory_space<vmem>>, vector<16xf32>,
      %add3A_1316 = arith.addf %add3A_1310, %get3A_1315 : vector<16xf32>
      %get3A_1317 = arith.constant 432 : index
      %get3A_1318 = tpu.vector_load %arg7[%get3A_1317] {strides = array<i32>} : memref<512xf32, #tpu.memory_space<vmem>>, vector<16xf32>,
      %add3A_1319 = arith.addf %add3A_1313, %get3A_1318 : vector<16xf32>
      %get3A_1320 = arith.constant 432 : index
      %get3A_1321 = tpu.vector_load %arg8[%get3A_1320] {strides = array<i32>} : memref<512xf32, #tpu.memory_space<vmem>>, vector<16xf32>,
      %add3A_1322 = arith.addf %add3A_1316, %get3A_1321 : vector<16xf32>
      %get3A_1323 = arith.constant 448 : index
      %get3A_1324 = tpu.vector_load %arg7[%get3A_1323] {strides = array<i32>} : memref<512xf32, #tpu.memory_space<vmem>>, vector<16xf32>,
      %add3A_1325 = arith.addf %add3A_1319, %get3A_1324 : vector<16xf32>
      %get3A_1326 = arith.constant 448 : index
      %get3A_1327 = tpu.vector_load %arg8[%get3A_1326] {strides = array<i32>} : memref<512xf32, #tpu.memory_space<vmem>>, vector<16xf32>,
      %add3A_1328 = arith.addf %add3A_1322, %get3A_1327 : vector<16xf32>
      %get3A_1329 = arith.constant 464 : index
      %get3A_1330 = tpu.vector_load %arg7[%get3A_1329] {strides = array<i32>} : memref<512xf32, #tpu.memory_space<vmem>>, vector<16xf32>,
      %add3A_1331 = arith.addf %add3A_1325, %get3A_1330 : vector<16xf32>
      %get3A_1332 = arith.constant 464 : index
      %get3A_1333 = tpu.vector_load %arg8[%get3A_1332] {strides = array<i32>} : memref<512xf32, #tpu.memory_space<vmem>>, vector<16xf32>,
      %add3A_1334 = arith.addf %add3A_1328, %get3A_1333 : vector<16xf32>
      %get3A_1335 = arith.constant 480 : index
      %get3A_1336 = tpu.vector_load %arg7[%get3A_1335] {strides = array<i32>} : memref<512xf32, #tpu.memory_space<vmem>>, vector<16xf32>,
      %add3A_1337 = arith.addf %add3A_1331, %get3A_1336 : vector<16xf32>
      %get3A_1338 = arith.constant 480 : index
      %get3A_1339 = tpu.vector_load %arg8[%get3A_1338] {strides = array<i32>} : memref<512xf32, #tpu.memory_space<vmem>>, vector<16xf32>,
      %add3A_1340 = arith.addf %add3A_1334, %get3A_1339 : vector<16xf32>
      %get3A_1341 = arith.constant 496 : index
      %get3A_1342 = tpu.vector_load %arg7[%get3A_1341] {strides = array<i32>} : memref<512xf32, #tpu.memory_space<vmem>>, vector<16xf32>,
      %add3A_1343 = arith.addf %add3A_1337, %get3A_1342 : vector<16xf32>
      %get3A_1344 = arith.constant 496 : index
      %get3A_1345 = tpu.vector_load %arg8[%get3A_1344] {strides = array<i32>} : memref<512xf32, #tpu.memory_space<vmem>>, vector<16xf32>,
      %add3A_1346 = arith.addf %add3A_1340, %get3A_1345 : vector<16xf32>
      %iota3A_1347 = tpu.iota {dimensions = array<i32: 0>} : vector<16xi32>
      %broadcast_in_dim3A_1348 = arith.constant 0.000000e+00 : f32
      %broadcast_in_dim3A_1349 = vector.broadcast %broadcast_in_dim3A_1348 : f32 to vector<16xf32>
      %swap3A_1350 = arith.constant 0 : index
      %swap3A_1351 = tpu.vector_load %arg9[%swap3A_1350] {strides = array<i32>} : memref<32xf32, #tpu.memory_space<vmem>>, vector<16xf32>,
      tpu.vector_store %arg9[%swap3A_1350], %broadcast_in_dim3A_1349 {strides = array<i32>} : memref<32xf32, #tpu.memory_space<vmem>>, vector<16xf32>,
      %swap3A_1352 = arith.constant 16 : index
      %swap3A_1353 = tpu.vector_load %arg9[%swap3A_1352] {strides = array<i32>} : memref<32xf32, #tpu.memory_space<vmem>>, vector<16xf32>,
      tpu.vector_store %arg9[%swap3A_1352], %add3A_1343 {strides = array<i32>} : memref<32xf32, #tpu.memory_space<vmem>>, vector<16xf32>,
      %add3A_1354 = arith.constant 15 : i32
      %add3A_1355 = vector.broadcast %add3A_1354 : i32 to vector<16xi32>
      %add3A_1356 = arith.addi %iota3A_1347, %add3A_1355 : vector<16xi32>
      %gather3A_1357 = tpu.vector_load_idx %arg9[%add3A_1356] : memref<32xf32, #tpu.memory_space<vmem>>[vector<16xi32>], vector<16xf32>,
      %add3A_1358 = arith.addf %add3A_1343, %gather3A_1357 : vector<16xf32>
      %swap3A_1359 = arith.constant 16 : index
      %swap3A_1360 = tpu.vector_load %arg9[%swap3A_1359] {strides = array<i32>} : memref<32xf32, #tpu.memory_space<vmem>>, vector<16xf32>,
      tpu.vector_store %arg9[%swap3A_1359], %add3A_1358 {strides = array<i32>} : memref<32xf32, #tpu.memory_space<vmem>>, vector<16xf32>,
      %add3A_1361 = arith.constant 14 : i32
      %add3A_1362 = vector.broadcast %add3A_1361 : i32 to vector<16xi32>
      %add3A_1363 = arith.addi %iota3A_1347, %add3A_1362 : vector<16xi32>
      %gather3A_1364 = tpu.vector_load_idx %arg9[%add3A_1363] : memref<32xf32, #tpu.memory_space<vmem>>[vector<16xi32>], vector<16xf32>,
      %add3A_1365 = arith.addf %add3A_1358, %gather3A_1364 : vector<16xf32>
      %swap3A_1366 = arith.constant 16 : index
      %swap3A_1367 = tpu.vector_load %arg9[%swap3A_1366] {strides = array<i32>} : memref<32xf32, #tpu.memory_space<vmem>>, vector<16xf32>,
      tpu.vector_store %arg9[%swap3A_1366], %add3A_1365 {strides = array<i32>} : memref<32xf32, #tpu.memory_space<vmem>>, vector<16xf32>,
      %add3A_1368 = arith.constant 12 : i32
      %add3A_1369 = vector.broadcast %add3A_1368 : i32 to vector<16xi32>
      %add3A_1370 = arith.addi %iota3A_1347, %add3A_1369 : vector<16xi32>
      %gather3A_1371 = tpu.vector_load_idx %arg9[%add3A_1370] : memref<32xf32, #tpu.memory_space<vmem>>[vector<16xi32>], vector<16xf32>,
      %add3A_1372 = arith.addf %add3A_1365, %gather3A_1371 : vector<16xf32>
      %swap3A_1373 = arith.constant 16 : index
      %swap3A_1374 = tpu.vector_load %arg9[%swap3A_1373] {strides = array<i32>} : memref<32xf32, #tpu.memory_space<vmem>>, vector<16xf32>,
      tpu.vector_store %arg9[%swap3A_1373], %add3A_1372 {strides = array<i32>} : memref<32xf32, #tpu.memory_space<vmem>>, vector<16xf32>,
      %add3A_1375 = arith.constant 8 : i32
      %add3A_1376 = vector.broadcast %add3A_1375 : i32 to vector<16xi32>
      %add3A_1377 = arith.addi %iota3A_1347, %add3A_1376 : vector<16xi32>
      %gather3A_1378 = tpu.vector_load_idx %arg9[%add3A_1377] : memref<32xf32, #tpu.memory_space<vmem>>[vector<16xi32>], vector<16xf32>,
      %add3A_1379 = arith.addf %add3A_1372, %gather3A_1378 : vector<16xf32>
      %mul3A_1380 = arith.mulf %add3A_1379, %add3A_1346 : vector<16xf32>
      %iota3A_1381 = tpu.iota {dimensions = array<i32: 0>} : vector<16xi32>
      %swap3A_1382 = arith.constant 0 : index
      %swap3A_1383 = tpu.vector_load %arg10[%swap3A_1382] {strides = array<i32>} : memref<16xf32, #tpu.memory_space<vmem>>, vector<16xf32>,
      tpu.vector_store %arg10[%swap3A_1382], %mul3A_1380 {strides = array<i32>} : memref<16xf32, #tpu.memory_space<vmem>>, vector<16xf32>,
      %xor3A_1384 = arith.constant 8 : i32
      %xor3A_1385 = vector.broadcast %xor3A_1384 : i32 to vector<16xi32>
      %xor3A_1386 = arith.xori %iota3A_1381, %xor3A_1385 : vector<16xi32>
      %gather3A_1387 = tpu.vector_load_idx %arg10[%xor3A_1386] : memref<16xf32, #tpu.memory_space<vmem>>[vector<16xi32>], vector<16xf32>,
      %add3A_1388 = arith.addf %mul3A_1380, %gather3A_1387 : vector<16xf32>
      %swap3A_1389 = arith.constant 0 : index
      %swap3A_1390 = tpu.vector_load %arg10[%swap3A_1389] {strides = array<i32>} : memref<16xf32, #tpu.memory_space<vmem>>, vector<16xf32>,
      tpu.vector_store %arg10[%swap3A_1389], %add3A_1388 {strides = array<i32>} : memref<16xf32, #tpu.memory_space<vmem>>, vector<16xf32>,
      %xor3A_1391 = arith.constant 4 : i32
      %xor3A_1392 = vector.broadcast %xor3A_1391 : i32 to vector<16xi32>
      %xor3A_1393 = arith.xori %iota3A_1381, %xor3A_1392 : vector<16xi32>
      %gather3A_1394 = tpu.vector_load_idx %arg10[%xor3A_1393] : memref<16xf32, #tpu.memory_space<vmem>>[vector<16xi32>], vector<16xf32>,
      %add3A_1395 = arith.addf %add3A_1388, %gather3A_1394 : vector<16xf32>
      %swap3A_1396 = arith.constant 0 : index
      %swap3A_1397 = tpu.vector_load %arg10[%swap3A_1396] {strides = array<i32>} : memref<16xf32, #tpu.memory_space<vmem>>, vector<16xf32>,
      tpu.vector_store %arg10[%swap3A_1396], %add3A_1395 {strides = array<i32>} : memref<16xf32, #tpu.memory_space<vmem>>, vector<16xf32>,
      %xor3A_1398 = arith.constant 2 : i32
      %xor3A_1399 = vector.broadcast %xor3A_1398 : i32 to vector<16xi32>
      %xor3A_1400 = arith.xori %iota3A_1381, %xor3A_1399 : vector<16xi32>
      %gather3A_1401 = tpu.vector_load_idx %arg10[%xor3A_1400] : memref<16xf32, #tpu.memory_space<vmem>>[vector<16xi32>], vector<16xf32>,
      %add3A_1402 = arith.addf %add3A_1395, %gather3A_1401 : vector<16xf32>
      %swap3A_1403 = arith.constant 0 : index
      %swap3A_1404 = tpu.vector_load %arg10[%swap3A_1403] {strides = array<i32>} : memref<16xf32, #tpu.memory_space<vmem>>, vector<16xf32>,
      tpu.vector_store %arg10[%swap3A_1403], %add3A_1402 {strides = array<i32>} : memref<16xf32, #tpu.memory_space<vmem>>, vector<16xf32>,
      %xor3A_1405 = arith.constant 1 : i32
      %xor3A_1406 = vector.broadcast %xor3A_1405 : i32 to vector<16xi32>
      %xor3A_1407 = arith.xori %iota3A_1381, %xor3A_1406 : vector<16xi32>
      %gather3A_1408 = tpu.vector_load_idx %arg10[%xor3A_1407] : memref<16xf32, #tpu.memory_space<vmem>>[vector<16xi32>], vector<16xf32>,
      %add3A_1409 = arith.addf %add3A_1402, %gather3A_1408 : vector<16xf32>
      %mul3A_1410 = arith.constant 1.42108547E-14 : f32
      %mul3A_1411 = vector.broadcast %mul3A_1410 : f32 to vector<16xf32>
      %mul3A_1412 = arith.mulf %add3A_1409, %mul3A_1411 : vector<16xf32>
      %swap3A_1413 = arith.constant 0 : index
      %swap3A_1414 = tpu.vector_load %arg10[%swap3A_1413] {strides = array<i32>} : memref<16xf32, #tpu.memory_space<vmem>>, vector<16xf32>,
      tpu.vector_store %arg10[%swap3A_1413], %mul3A_1412 {strides = array<i32>} : memref<16xf32, #tpu.memory_space<vmem>>, vector<16xf32>,
      "tpu.region"() ({
        %run_scoped3A = tpu.sem_alloc : memref<!tpu.dma_semaphore, #tpu.memory_space<semaphore_mem>>
        tpu.enqueue_dma source(%arg10 : memref<16xf32, #tpu.memory_space<vmem>>) target(%arg6 : memref<16xf32, #tpu.memory_space<hbm>>) target_semaphore(%run_scoped3A : memref<!tpu.dma_semaphore, #tpu.memory_space<semaphore_mem>>)
        tpu.wait_dma2 semaphore(%run_scoped3A : memref<!tpu.dma_semaphore, #tpu.memory_space<semaphore_mem>>) src(%arg10 : memref<16xf32, #tpu.memory_space<vmem>>) dst(%arg6 : memref<16xf32, #tpu.memory_space<hbm>>)
        tpu.yield
      }) : () -> ()
    } else {
    }
    return
  }
}

module attributes {stable_mosaic.version = 14 : i64} {
  func.func @body(%arg0: i32, %arg1: memref<8x128xf32, #tpu.memory_space<vmem>>, %arg2: memref<8x128xf32, #tpu.memory_space<vmem>>, %arg3: memref<256x1024xf32, #tpu.memory_space<vmem>>, %arg4: memref<10x128xf32, #tpu.memory_space<vmem>>, %arg5: memref<80x1024xf32, #tpu.memory_space<vmem>>) attributes {dimension_semantics = [#tpu.dimension_semantics<arbitrary>], iteration_bounds = array<i64: 40>, scalar_prefetch = 0 : i64, scratch_operands = 1 : i64, tpu.core_type = #tpu.core_type<tc>, window_params = [{pipeline_mode = #tpu.pipeline_mode<synchronous>, transform_indices = @transform_0, window_bounds = array<i64: 8, 128>}, {pipeline_mode = #tpu.pipeline_mode<synchronous>, transform_indices = @transform_1, window_bounds = array<i64: 8, 128>}, {transform_indices = @transform_2, window_bounds = array<i64: 256, 1024>}, {pipeline_mode = #tpu.pipeline_mode<synchronous>, transform_indices = @transform_3, window_bounds = array<i64: 10, 128>}]} {
    %eq3A = arith.constant 0 : i32
    %eq3A_0 = arith.cmpi eq, %arg0, %eq3A : i32
    %convert_element_type3A = arith.extui %eq3A_0 : i1 to i32
    %cond3A = arith.constant 0 : i32
    %cond3A_1 = arith.cmpi ne, %convert_element_type3A, %cond3A : i32
    scf.if %cond3A_1 {
      %broadcast_in_dim3A = arith.constant 0.000000e+00 : f32
      %broadcast_in_dim3A_206 = vector.broadcast %broadcast_in_dim3A : f32 to vector<80x1024xf32>
      %swap3A_207 = arith.constant 0 : index
      %swap3A_208 = arith.constant 0 : index
      %swap3A_209 = vector.load %arg5[%swap3A_207, %swap3A_208] : memref<80x1024xf32, #tpu.memory_space<vmem>>, vector<80x1024xf32>
      tpu.vector_store %arg5[%swap3A_207, %swap3A_208], %broadcast_in_dim3A_206 {strides = array<i32>} : memref<80x1024xf32, #tpu.memory_space<vmem>>, vector<80x1024xf32>,
    } else {
    }
    %get3A = arith.constant 0 : index
    %get3A_2 = arith.constant 0 : index
    %get3A_3 = vector.load %arg1[%get3A, %get3A_2] : memref<8x128xf32, #tpu.memory_space<vmem>>, vector<8x128xf32>
    %reduce_min3A = vector.shape_cast %get3A_3 : vector<8x128xf32> to vector<1x8x128xf32>
    %reduce_min3A_4 = arith.constant dense<0x7F800000> : vector<1xf32>
    %reduce_min3A_5 = vector.multi_reduction <minimumf>, %reduce_min3A, %reduce_min3A_4 [1, 2] : vector<1x8x128xf32> to vector<1xf32>
    %reduce_min3A_6 = vector.shape_cast %reduce_min3A_5 : vector<1xf32> to vector<1x1x1xf32>
    %reduce_min3A_7 = vector.extract %reduce_min3A_6[0, 0, 0] : f32 from vector<1x1x1xf32>
    %get3A_8 = arith.constant 0 : index
    %get3A_9 = arith.constant 0 : index
    %get3A_10 = vector.load %arg2[%get3A_8, %get3A_9] : memref<8x128xf32, #tpu.memory_space<vmem>>, vector<8x128xf32>
    %reduce_max3A = vector.shape_cast %get3A_10 : vector<8x128xf32> to vector<1x8x128xf32>
    %reduce_max3A_11 = arith.constant dense<0xFF800000> : vector<1xf32>
    %reduce_max3A_12 = vector.multi_reduction <maximumf>, %reduce_max3A, %reduce_max3A_11 [1, 2] : vector<1x8x128xf32> to vector<1xf32>
    %reduce_max3A_13 = vector.shape_cast %reduce_max3A_12 : vector<1xf32> to vector<1x1x1xf32>
    %reduce_max3A_14 = vector.extract %reduce_max3A_13[0, 0, 0] : f32 from vector<1x1x1xf32>
    %sub3A = arith.subf %reduce_max3A_14, %reduce_min3A_7 : f32
    %add3A = arith.constant 1.000000e-01 : f32
    %add3A_15 = arith.addf %sub3A, %add3A : f32
    %div3A = arith.constant 1.000000e+01 : f32
    %div3A_16 = arith.divf %div3A, %add3A_15 : f32
    %sub3A_17 = arith.constant 5.000000e-02 : f32
    %sub3A_18 = arith.subf %sub3A_17, %reduce_min3A_7 : f32
    %mul3A = arith.mulf %sub3A_18, %div3A_16 : f32
    %get3A_19 = arith.constant 0 : index
    %get3A_20 = arith.constant 0 : index
    %get3A_21 = vector.load %arg3[%get3A_19, %get3A_20] : memref<256x1024xf32, #tpu.memory_space<vmem>>, vector<256x1024xf32>
    %reshape3A = vector.shape_cast %get3A_21 : vector<256x1024xf32> to vector<32x8x1024xf32>
    %mul3A_22 = vector.broadcast %div3A_16 : f32 to vector<32x8x1024xf32>
    %mul3A_23 = arith.mulf %reshape3A, %mul3A_22 : vector<32x8x1024xf32>
    %add3A_24 = vector.broadcast %mul3A : f32 to vector<32x8x1024xf32>
    %add3A_25 = arith.addf %mul3A_23, %add3A_24 : vector<32x8x1024xf32>
    %sub3A_26 = arith.constant 1.000000e+00 : f32
    %sub3A_27 = vector.broadcast %sub3A_26 : f32 to vector<32x8x1024xf32>
    %sub3A_28 = arith.subf %sub3A_27, %add3A_25 : vector<32x8x1024xf32>
    %jit3A = arith.constant 0.000000e+00 : f32
    %jit3A_29 = arith.constant 1.000000e+00 : f32
    %max3A = vector.broadcast %jit3A : f32 to vector<32x8x1024xf32>
    %max3A_30 = arith.maximumf %max3A, %sub3A_28 : vector<32x8x1024xf32>
    %min3A = vector.broadcast %jit3A_29 : f32 to vector<32x8x1024xf32>
    %min3A_31 = arith.minimumf %min3A, %max3A_30 : vector<32x8x1024xf32>
    %get3A_32 = arith.constant 0 : index
    %get3A_33 = arith.constant 0 : index
    %get3A_34 = vector.load %arg5[%get3A_32, %get3A_33] : memref<80x1024xf32, #tpu.memory_space<vmem>>, vector<8x1024xf32>
    %reduce_sum3A = arith.constant dense<0.000000e+00> : vector<8x1024xf32>
    %reduce_sum3A_35 = vector.multi_reduction <add>, %min3A_31, %reduce_sum3A [0] : vector<32x8x1024xf32> to vector<8x1024xf32>
    %add3A_36 = arith.addf %get3A_34, %reduce_sum3A_35 : vector<8x1024xf32>
    %swap3A = arith.constant 0 : index
    %swap3A_37 = arith.constant 0 : index
    %swap3A_38 = vector.load %arg5[%swap3A, %swap3A_37] : memref<80x1024xf32, #tpu.memory_space<vmem>>, vector<8x1024xf32>
    tpu.vector_store %arg5[%swap3A, %swap3A_37], %add3A_36 {strides = array<i32>} : memref<80x1024xf32, #tpu.memory_space<vmem>>, vector<8x1024xf32>,
    %sub3A_39 = arith.constant 2.000000e+00 : f32
    %sub3A_40 = vector.broadcast %sub3A_39 : f32 to vector<32x8x1024xf32>
    %sub3A_41 = arith.subf %sub3A_40, %add3A_25 : vector<32x8x1024xf32>
    %jit3A_42 = arith.constant 0.000000e+00 : f32
    %jit3A_43 = arith.constant 1.000000e+00 : f32
    %max3A_44 = vector.broadcast %jit3A_42 : f32 to vector<32x8x1024xf32>
    %max3A_45 = arith.maximumf %max3A_44, %sub3A_41 : vector<32x8x1024xf32>
    %min3A_46 = vector.broadcast %jit3A_43 : f32 to vector<32x8x1024xf32>
    %min3A_47 = arith.minimumf %min3A_46, %max3A_45 : vector<32x8x1024xf32>
    %get3A_48 = arith.constant 8 : index
    %get3A_49 = arith.constant 0 : index
    %get3A_50 = vector.load %arg5[%get3A_48, %get3A_49] : memref<80x1024xf32, #tpu.memory_space<vmem>>, vector<8x1024xf32>
    %reduce_sum3A_51 = arith.constant dense<0.000000e+00> : vector<8x1024xf32>
    %reduce_sum3A_52 = vector.multi_reduction <add>, %min3A_47, %reduce_sum3A_51 [0] : vector<32x8x1024xf32> to vector<8x1024xf32>
    %add3A_53 = arith.addf %get3A_50, %reduce_sum3A_52 : vector<8x1024xf32>
    %swap3A_54 = arith.constant 8 : index
    %swap3A_55 = arith.constant 0 : index
    %swap3A_56 = vector.load %arg5[%swap3A_54, %swap3A_55] : memref<80x1024xf32, #tpu.memory_space<vmem>>, vector<8x1024xf32>
    tpu.vector_store %arg5[%swap3A_54, %swap3A_55], %add3A_53 {strides = array<i32>} : memref<80x1024xf32, #tpu.memory_space<vmem>>, vector<8x1024xf32>,
    %sub3A_57 = arith.constant 3.000000e+00 : f32
    %sub3A_58 = vector.broadcast %sub3A_57 : f32 to vector<32x8x1024xf32>
    %sub3A_59 = arith.subf %sub3A_58, %add3A_25 : vector<32x8x1024xf32>
    %jit3A_60 = arith.constant 0.000000e+00 : f32
    %jit3A_61 = arith.constant 1.000000e+00 : f32
    %max3A_62 = vector.broadcast %jit3A_60 : f32 to vector<32x8x1024xf32>
    %max3A_63 = arith.maximumf %max3A_62, %sub3A_59 : vector<32x8x1024xf32>
    %min3A_64 = vector.broadcast %jit3A_61 : f32 to vector<32x8x1024xf32>
    %min3A_65 = arith.minimumf %min3A_64, %max3A_63 : vector<32x8x1024xf32>
    %get3A_66 = arith.constant 16 : index
    %get3A_67 = arith.constant 0 : index
    %get3A_68 = vector.load %arg5[%get3A_66, %get3A_67] : memref<80x1024xf32, #tpu.memory_space<vmem>>, vector<8x1024xf32>
    %reduce_sum3A_69 = arith.constant dense<0.000000e+00> : vector<8x1024xf32>
    %reduce_sum3A_70 = vector.multi_reduction <add>, %min3A_65, %reduce_sum3A_69 [0] : vector<32x8x1024xf32> to vector<8x1024xf32>
    %add3A_71 = arith.addf %get3A_68, %reduce_sum3A_70 : vector<8x1024xf32>
    %swap3A_72 = arith.constant 16 : index
    %swap3A_73 = arith.constant 0 : index
    %swap3A_74 = vector.load %arg5[%swap3A_72, %swap3A_73] : memref<80x1024xf32, #tpu.memory_space<vmem>>, vector<8x1024xf32>
    tpu.vector_store %arg5[%swap3A_72, %swap3A_73], %add3A_71 {strides = array<i32>} : memref<80x1024xf32, #tpu.memory_space<vmem>>, vector<8x1024xf32>,
    %sub3A_75 = arith.constant 4.000000e+00 : f32
    %sub3A_76 = vector.broadcast %sub3A_75 : f32 to vector<32x8x1024xf32>
    %sub3A_77 = arith.subf %sub3A_76, %add3A_25 : vector<32x8x1024xf32>
    %jit3A_78 = arith.constant 0.000000e+00 : f32
    %jit3A_79 = arith.constant 1.000000e+00 : f32
    %max3A_80 = vector.broadcast %jit3A_78 : f32 to vector<32x8x1024xf32>
    %max3A_81 = arith.maximumf %max3A_80, %sub3A_77 : vector<32x8x1024xf32>
    %min3A_82 = vector.broadcast %jit3A_79 : f32 to vector<32x8x1024xf32>
    %min3A_83 = arith.minimumf %min3A_82, %max3A_81 : vector<32x8x1024xf32>
    %get3A_84 = arith.constant 24 : index
    %get3A_85 = arith.constant 0 : index
    %get3A_86 = vector.load %arg5[%get3A_84, %get3A_85] : memref<80x1024xf32, #tpu.memory_space<vmem>>, vector<8x1024xf32>
    %reduce_sum3A_87 = arith.constant dense<0.000000e+00> : vector<8x1024xf32>
    %reduce_sum3A_88 = vector.multi_reduction <add>, %min3A_83, %reduce_sum3A_87 [0] : vector<32x8x1024xf32> to vector<8x1024xf32>
    %add3A_89 = arith.addf %get3A_86, %reduce_sum3A_88 : vector<8x1024xf32>
    %swap3A_90 = arith.constant 24 : index
    %swap3A_91 = arith.constant 0 : index
    %swap3A_92 = vector.load %arg5[%swap3A_90, %swap3A_91] : memref<80x1024xf32, #tpu.memory_space<vmem>>, vector<8x1024xf32>
    tpu.vector_store %arg5[%swap3A_90, %swap3A_91], %add3A_89 {strides = array<i32>} : memref<80x1024xf32, #tpu.memory_space<vmem>>, vector<8x1024xf32>,
    %sub3A_93 = arith.constant 5.000000e+00 : f32
    %sub3A_94 = vector.broadcast %sub3A_93 : f32 to vector<32x8x1024xf32>
    %sub3A_95 = arith.subf %sub3A_94, %add3A_25 : vector<32x8x1024xf32>
    %jit3A_96 = arith.constant 0.000000e+00 : f32
    %jit3A_97 = arith.constant 1.000000e+00 : f32
    %max3A_98 = vector.broadcast %jit3A_96 : f32 to vector<32x8x1024xf32>
    %max3A_99 = arith.maximumf %max3A_98, %sub3A_95 : vector<32x8x1024xf32>
    %min3A_100 = vector.broadcast %jit3A_97 : f32 to vector<32x8x1024xf32>
    %min3A_101 = arith.minimumf %min3A_100, %max3A_99 : vector<32x8x1024xf32>
    %get3A_102 = arith.constant 32 : index
    %get3A_103 = arith.constant 0 : index
    %get3A_104 = vector.load %arg5[%get3A_102, %get3A_103] : memref<80x1024xf32, #tpu.memory_space<vmem>>, vector<8x1024xf32>
    %reduce_sum3A_105 = arith.constant dense<0.000000e+00> : vector<8x1024xf32>
    %reduce_sum3A_106 = vector.multi_reduction <add>, %min3A_101, %reduce_sum3A_105 [0] : vector<32x8x1024xf32> to vector<8x1024xf32>
    %add3A_107 = arith.addf %get3A_104, %reduce_sum3A_106 : vector<8x1024xf32>
    %swap3A_108 = arith.constant 32 : index
    %swap3A_109 = arith.constant 0 : index
    %swap3A_110 = vector.load %arg5[%swap3A_108, %swap3A_109] : memref<80x1024xf32, #tpu.memory_space<vmem>>, vector<8x1024xf32>
    tpu.vector_store %arg5[%swap3A_108, %swap3A_109], %add3A_107 {strides = array<i32>} : memref<80x1024xf32, #tpu.memory_space<vmem>>, vector<8x1024xf32>,
    %sub3A_111 = arith.constant 6.000000e+00 : f32
    %sub3A_112 = vector.broadcast %sub3A_111 : f32 to vector<32x8x1024xf32>
    %sub3A_113 = arith.subf %sub3A_112, %add3A_25 : vector<32x8x1024xf32>
    %jit3A_114 = arith.constant 0.000000e+00 : f32
    %jit3A_115 = arith.constant 1.000000e+00 : f32
    %max3A_116 = vector.broadcast %jit3A_114 : f32 to vector<32x8x1024xf32>
    %max3A_117 = arith.maximumf %max3A_116, %sub3A_113 : vector<32x8x1024xf32>
    %min3A_118 = vector.broadcast %jit3A_115 : f32 to vector<32x8x1024xf32>
    %min3A_119 = arith.minimumf %min3A_118, %max3A_117 : vector<32x8x1024xf32>
    %get3A_120 = arith.constant 40 : index
    %get3A_121 = arith.constant 0 : index
    %get3A_122 = vector.load %arg5[%get3A_120, %get3A_121] : memref<80x1024xf32, #tpu.memory_space<vmem>>, vector<8x1024xf32>
    %reduce_sum3A_123 = arith.constant dense<0.000000e+00> : vector<8x1024xf32>
    %reduce_sum3A_124 = vector.multi_reduction <add>, %min3A_119, %reduce_sum3A_123 [0] : vector<32x8x1024xf32> to vector<8x1024xf32>
    %add3A_125 = arith.addf %get3A_122, %reduce_sum3A_124 : vector<8x1024xf32>
    %swap3A_126 = arith.constant 40 : index
    %swap3A_127 = arith.constant 0 : index
    %swap3A_128 = vector.load %arg5[%swap3A_126, %swap3A_127] : memref<80x1024xf32, #tpu.memory_space<vmem>>, vector<8x1024xf32>
    tpu.vector_store %arg5[%swap3A_126, %swap3A_127], %add3A_125 {strides = array<i32>} : memref<80x1024xf32, #tpu.memory_space<vmem>>, vector<8x1024xf32>,
    %sub3A_129 = arith.constant 7.000000e+00 : f32
    %sub3A_130 = vector.broadcast %sub3A_129 : f32 to vector<32x8x1024xf32>
    %sub3A_131 = arith.subf %sub3A_130, %add3A_25 : vector<32x8x1024xf32>
    %jit3A_132 = arith.constant 0.000000e+00 : f32
    %jit3A_133 = arith.constant 1.000000e+00 : f32
    %max3A_134 = vector.broadcast %jit3A_132 : f32 to vector<32x8x1024xf32>
    %max3A_135 = arith.maximumf %max3A_134, %sub3A_131 : vector<32x8x1024xf32>
    %min3A_136 = vector.broadcast %jit3A_133 : f32 to vector<32x8x1024xf32>
    %min3A_137 = arith.minimumf %min3A_136, %max3A_135 : vector<32x8x1024xf32>
    %get3A_138 = arith.constant 48 : index
    %get3A_139 = arith.constant 0 : index
    %get3A_140 = vector.load %arg5[%get3A_138, %get3A_139] : memref<80x1024xf32, #tpu.memory_space<vmem>>, vector<8x1024xf32>
    %reduce_sum3A_141 = arith.constant dense<0.000000e+00> : vector<8x1024xf32>
    %reduce_sum3A_142 = vector.multi_reduction <add>, %min3A_137, %reduce_sum3A_141 [0] : vector<32x8x1024xf32> to vector<8x1024xf32>
    %add3A_143 = arith.addf %get3A_140, %reduce_sum3A_142 : vector<8x1024xf32>
    %swap3A_144 = arith.constant 48 : index
    %swap3A_145 = arith.constant 0 : index
    %swap3A_146 = vector.load %arg5[%swap3A_144, %swap3A_145] : memref<80x1024xf32, #tpu.memory_space<vmem>>, vector<8x1024xf32>
    tpu.vector_store %arg5[%swap3A_144, %swap3A_145], %add3A_143 {strides = array<i32>} : memref<80x1024xf32, #tpu.memory_space<vmem>>, vector<8x1024xf32>,
    %sub3A_147 = arith.constant 8.000000e+00 : f32
    %sub3A_148 = vector.broadcast %sub3A_147 : f32 to vector<32x8x1024xf32>
    %sub3A_149 = arith.subf %sub3A_148, %add3A_25 : vector<32x8x1024xf32>
    %jit3A_150 = arith.constant 0.000000e+00 : f32
    %jit3A_151 = arith.constant 1.000000e+00 : f32
    %max3A_152 = vector.broadcast %jit3A_150 : f32 to vector<32x8x1024xf32>
    %max3A_153 = arith.maximumf %max3A_152, %sub3A_149 : vector<32x8x1024xf32>
    %min3A_154 = vector.broadcast %jit3A_151 : f32 to vector<32x8x1024xf32>
    %min3A_155 = arith.minimumf %min3A_154, %max3A_153 : vector<32x8x1024xf32>
    %get3A_156 = arith.constant 56 : index
    %get3A_157 = arith.constant 0 : index
    %get3A_158 = vector.load %arg5[%get3A_156, %get3A_157] : memref<80x1024xf32, #tpu.memory_space<vmem>>, vector<8x1024xf32>
    %reduce_sum3A_159 = arith.constant dense<0.000000e+00> : vector<8x1024xf32>
    %reduce_sum3A_160 = vector.multi_reduction <add>, %min3A_155, %reduce_sum3A_159 [0] : vector<32x8x1024xf32> to vector<8x1024xf32>
    %add3A_161 = arith.addf %get3A_158, %reduce_sum3A_160 : vector<8x1024xf32>
    %swap3A_162 = arith.constant 56 : index
    %swap3A_163 = arith.constant 0 : index
    %swap3A_164 = vector.load %arg5[%swap3A_162, %swap3A_163] : memref<80x1024xf32, #tpu.memory_space<vmem>>, vector<8x1024xf32>
    tpu.vector_store %arg5[%swap3A_162, %swap3A_163], %add3A_161 {strides = array<i32>} : memref<80x1024xf32, #tpu.memory_space<vmem>>, vector<8x1024xf32>,
    %sub3A_165 = arith.constant 9.000000e+00 : f32
    %sub3A_166 = vector.broadcast %sub3A_165 : f32 to vector<32x8x1024xf32>
    %sub3A_167 = arith.subf %sub3A_166, %add3A_25 : vector<32x8x1024xf32>
    %jit3A_168 = arith.constant 0.000000e+00 : f32
    %jit3A_169 = arith.constant 1.000000e+00 : f32
    %max3A_170 = vector.broadcast %jit3A_168 : f32 to vector<32x8x1024xf32>
    %max3A_171 = arith.maximumf %max3A_170, %sub3A_167 : vector<32x8x1024xf32>
    %min3A_172 = vector.broadcast %jit3A_169 : f32 to vector<32x8x1024xf32>
    %min3A_173 = arith.minimumf %min3A_172, %max3A_171 : vector<32x8x1024xf32>
    %get3A_174 = arith.constant 64 : index
    %get3A_175 = arith.constant 0 : index
    %get3A_176 = vector.load %arg5[%get3A_174, %get3A_175] : memref<80x1024xf32, #tpu.memory_space<vmem>>, vector<8x1024xf32>
    %reduce_sum3A_177 = arith.constant dense<0.000000e+00> : vector<8x1024xf32>
    %reduce_sum3A_178 = vector.multi_reduction <add>, %min3A_173, %reduce_sum3A_177 [0] : vector<32x8x1024xf32> to vector<8x1024xf32>
    %add3A_179 = arith.addf %get3A_176, %reduce_sum3A_178 : vector<8x1024xf32>
    %swap3A_180 = arith.constant 64 : index
    %swap3A_181 = arith.constant 0 : index
    %swap3A_182 = vector.load %arg5[%swap3A_180, %swap3A_181] : memref<80x1024xf32, #tpu.memory_space<vmem>>, vector<8x1024xf32>
    tpu.vector_store %arg5[%swap3A_180, %swap3A_181], %add3A_179 {strides = array<i32>} : memref<80x1024xf32, #tpu.memory_space<vmem>>, vector<8x1024xf32>,
    %sub3A_183 = arith.constant 1.000000e+01 : f32
    %sub3A_184 = vector.broadcast %sub3A_183 : f32 to vector<32x8x1024xf32>
    %sub3A_185 = arith.subf %sub3A_184, %add3A_25 : vector<32x8x1024xf32>
    %jit3A_186 = arith.constant 0.000000e+00 : f32
    %jit3A_187 = arith.constant 1.000000e+00 : f32
    %max3A_188 = vector.broadcast %jit3A_186 : f32 to vector<32x8x1024xf32>
    %max3A_189 = arith.maximumf %max3A_188, %sub3A_185 : vector<32x8x1024xf32>
    %min3A_190 = vector.broadcast %jit3A_187 : f32 to vector<32x8x1024xf32>
    %min3A_191 = arith.minimumf %min3A_190, %max3A_189 : vector<32x8x1024xf32>
    %get3A_192 = arith.constant 72 : index
    %get3A_193 = arith.constant 0 : index
    %get3A_194 = vector.load %arg5[%get3A_192, %get3A_193] : memref<80x1024xf32, #tpu.memory_space<vmem>>, vector<8x1024xf32>
    %reduce_sum3A_195 = arith.constant dense<0.000000e+00> : vector<8x1024xf32>
    %reduce_sum3A_196 = vector.multi_reduction <add>, %min3A_191, %reduce_sum3A_195 [0] : vector<32x8x1024xf32> to vector<8x1024xf32>
    %add3A_197 = arith.addf %get3A_194, %reduce_sum3A_196 : vector<8x1024xf32>
    %swap3A_198 = arith.constant 72 : index
    %swap3A_199 = arith.constant 0 : index
    %swap3A_200 = vector.load %arg5[%swap3A_198, %swap3A_199] : memref<80x1024xf32, #tpu.memory_space<vmem>>, vector<8x1024xf32>
    tpu.vector_store %arg5[%swap3A_198, %swap3A_199], %add3A_197 {strides = array<i32>} : memref<80x1024xf32, #tpu.memory_space<vmem>>, vector<8x1024xf32>,
    %eq3A_201 = arith.constant 39 : i32
    %eq3A_202 = arith.cmpi eq, %arg0, %eq3A_201 : i32
    %convert_element_type3A_203 = arith.extui %eq3A_202 : i1 to i32
    %cond3A_204 = arith.constant 0 : i32
    %cond3A_205 = arith.cmpi ne, %convert_element_type3A_203, %cond3A_204 : i32
    scf.if %cond3A_205 {
      %get3A_206 = arith.constant 0 : index
      %get3A_207 = arith.constant 0 : index
      %get3A_208 = vector.load %arg5[%get3A_206, %get3A_207] : memref<80x1024xf32, #tpu.memory_space<vmem>>, vector<8x1024xf32>
      %slice3A = vector.extract_strided_slice %get3A_208 {offsets = [0, 0], sizes = [8, 512], strides = [1, 1]} : vector<8x1024xf32> to vector<8x512xf32>
      %slice3A_209 = vector.extract_strided_slice %get3A_208 {offsets = [0, 512], sizes = [8, 512], strides = [1, 1]} : vector<8x1024xf32> to vector<8x512xf32>
      %add3A_210 = arith.addf %slice3A, %slice3A_209 : vector<8x512xf32>
      %slice3A_211 = vector.extract_strided_slice %add3A_210 {offsets = [0, 0], sizes = [8, 256], strides = [1, 1]} : vector<8x512xf32> to vector<8x256xf32>
      %slice3A_212 = vector.extract_strided_slice %add3A_210 {offsets = [0, 256], sizes = [8, 256], strides = [1, 1]} : vector<8x512xf32> to vector<8x256xf32>
      %add3A_213 = arith.addf %slice3A_211, %slice3A_212 : vector<8x256xf32>
      %slice3A_214 = vector.extract_strided_slice %add3A_213 {offsets = [0, 0], sizes = [8, 128], strides = [1, 1]} : vector<8x256xf32> to vector<8x128xf32>
      %slice3A_215 = vector.extract_strided_slice %add3A_213 {offsets = [0, 128], sizes = [8, 128], strides = [1, 1]} : vector<8x256xf32> to vector<8x128xf32>
      %add3A_216 = arith.addf %slice3A_214, %slice3A_215 : vector<8x128xf32>
      %reduce_sum3A_217 = arith.constant dense<0.000000e+00> : vector<128xf32>
      %reduce_sum3A_218 = vector.multi_reduction <add>, %add3A_216, %reduce_sum3A_217 [0] : vector<8x128xf32> to vector<128xf32>
      %swap3A_219 = arith.constant 0 : index
      %swap3A_220 = arith.constant 0 : index
      %swap3A_221 = vector.load %arg4[%swap3A_219, %swap3A_220] : memref<10x128xf32, #tpu.memory_space<vmem>>, vector<1x128xf32>
      %swap3A_222 = vector.shape_cast %swap3A_221 : vector<1x128xf32> to vector<128xf32>
      %swap3A_223 = vector.shape_cast %reduce_sum3A_218 : vector<128xf32> to vector<1x128xf32>
      tpu.vector_store %arg4[%swap3A_219, %swap3A_220], %swap3A_223 {strides = array<i32>} : memref<10x128xf32, #tpu.memory_space<vmem>>, vector<1x128xf32>,
      %get3A_224 = arith.constant 8 : index
      %get3A_225 = arith.constant 0 : index
      %get3A_226 = vector.load %arg5[%get3A_224, %get3A_225] : memref<80x1024xf32, #tpu.memory_space<vmem>>, vector<8x1024xf32>
      %slice3A_227 = vector.extract_strided_slice %get3A_226 {offsets = [0, 0], sizes = [8, 512], strides = [1, 1]} : vector<8x1024xf32> to vector<8x512xf32>
      %slice3A_228 = vector.extract_strided_slice %get3A_226 {offsets = [0, 512], sizes = [8, 512], strides = [1, 1]} : vector<8x1024xf32> to vector<8x512xf32>
      %add3A_229 = arith.addf %slice3A_227, %slice3A_228 : vector<8x512xf32>
      %slice3A_230 = vector.extract_strided_slice %add3A_229 {offsets = [0, 0], sizes = [8, 256], strides = [1, 1]} : vector<8x512xf32> to vector<8x256xf32>
      %slice3A_231 = vector.extract_strided_slice %add3A_229 {offsets = [0, 256], sizes = [8, 256], strides = [1, 1]} : vector<8x512xf32> to vector<8x256xf32>
      %add3A_232 = arith.addf %slice3A_230, %slice3A_231 : vector<8x256xf32>
      %slice3A_233 = vector.extract_strided_slice %add3A_232 {offsets = [0, 0], sizes = [8, 128], strides = [1, 1]} : vector<8x256xf32> to vector<8x128xf32>
      %slice3A_234 = vector.extract_strided_slice %add3A_232 {offsets = [0, 128], sizes = [8, 128], strides = [1, 1]} : vector<8x256xf32> to vector<8x128xf32>
      %add3A_235 = arith.addf %slice3A_233, %slice3A_234 : vector<8x128xf32>
      %reduce_sum3A_236 = arith.constant dense<0.000000e+00> : vector<128xf32>
      %reduce_sum3A_237 = vector.multi_reduction <add>, %add3A_235, %reduce_sum3A_236 [0] : vector<8x128xf32> to vector<128xf32>
      %swap3A_238 = arith.constant 1 : index
      %swap3A_239 = arith.constant 0 : index
      %swap3A_240 = vector.load %arg4[%swap3A_238, %swap3A_239] : memref<10x128xf32, #tpu.memory_space<vmem>>, vector<1x128xf32>
      %swap3A_241 = vector.shape_cast %swap3A_240 : vector<1x128xf32> to vector<128xf32>
      %swap3A_242 = vector.shape_cast %reduce_sum3A_237 : vector<128xf32> to vector<1x128xf32>
      tpu.vector_store %arg4[%swap3A_238, %swap3A_239], %swap3A_242 {strides = array<i32>} : memref<10x128xf32, #tpu.memory_space<vmem>>, vector<1x128xf32>,
      %get3A_243 = arith.constant 16 : index
      %get3A_244 = arith.constant 0 : index
      %get3A_245 = vector.load %arg5[%get3A_243, %get3A_244] : memref<80x1024xf32, #tpu.memory_space<vmem>>, vector<8x1024xf32>
      %slice3A_246 = vector.extract_strided_slice %get3A_245 {offsets = [0, 0], sizes = [8, 512], strides = [1, 1]} : vector<8x1024xf32> to vector<8x512xf32>
      %slice3A_247 = vector.extract_strided_slice %get3A_245 {offsets = [0, 512], sizes = [8, 512], strides = [1, 1]} : vector<8x1024xf32> to vector<8x512xf32>
      %add3A_248 = arith.addf %slice3A_246, %slice3A_247 : vector<8x512xf32>
      %slice3A_249 = vector.extract_strided_slice %add3A_248 {offsets = [0, 0], sizes = [8, 256], strides = [1, 1]} : vector<8x512xf32> to vector<8x256xf32>
      %slice3A_250 = vector.extract_strided_slice %add3A_248 {offsets = [0, 256], sizes = [8, 256], strides = [1, 1]} : vector<8x512xf32> to vector<8x256xf32>
      %add3A_251 = arith.addf %slice3A_249, %slice3A_250 : vector<8x256xf32>
      %slice3A_252 = vector.extract_strided_slice %add3A_251 {offsets = [0, 0], sizes = [8, 128], strides = [1, 1]} : vector<8x256xf32> to vector<8x128xf32>
      %slice3A_253 = vector.extract_strided_slice %add3A_251 {offsets = [0, 128], sizes = [8, 128], strides = [1, 1]} : vector<8x256xf32> to vector<8x128xf32>
      %add3A_254 = arith.addf %slice3A_252, %slice3A_253 : vector<8x128xf32>
      %reduce_sum3A_255 = arith.constant dense<0.000000e+00> : vector<128xf32>
      %reduce_sum3A_256 = vector.multi_reduction <add>, %add3A_254, %reduce_sum3A_255 [0] : vector<8x128xf32> to vector<128xf32>
      %swap3A_257 = arith.constant 2 : index
      %swap3A_258 = arith.constant 0 : index
      %swap3A_259 = vector.load %arg4[%swap3A_257, %swap3A_258] : memref<10x128xf32, #tpu.memory_space<vmem>>, vector<1x128xf32>
      %swap3A_260 = vector.shape_cast %swap3A_259 : vector<1x128xf32> to vector<128xf32>
      %swap3A_261 = vector.shape_cast %reduce_sum3A_256 : vector<128xf32> to vector<1x128xf32>
      tpu.vector_store %arg4[%swap3A_257, %swap3A_258], %swap3A_261 {strides = array<i32>} : memref<10x128xf32, #tpu.memory_space<vmem>>, vector<1x128xf32>,
      %get3A_262 = arith.constant 24 : index
      %get3A_263 = arith.constant 0 : index
      %get3A_264 = vector.load %arg5[%get3A_262, %get3A_263] : memref<80x1024xf32, #tpu.memory_space<vmem>>, vector<8x1024xf32>
      %slice3A_265 = vector.extract_strided_slice %get3A_264 {offsets = [0, 0], sizes = [8, 512], strides = [1, 1]} : vector<8x1024xf32> to vector<8x512xf32>
      %slice3A_266 = vector.extract_strided_slice %get3A_264 {offsets = [0, 512], sizes = [8, 512], strides = [1, 1]} : vector<8x1024xf32> to vector<8x512xf32>
      %add3A_267 = arith.addf %slice3A_265, %slice3A_266 : vector<8x512xf32>
      %slice3A_268 = vector.extract_strided_slice %add3A_267 {offsets = [0, 0], sizes = [8, 256], strides = [1, 1]} : vector<8x512xf32> to vector<8x256xf32>
      %slice3A_269 = vector.extract_strided_slice %add3A_267 {offsets = [0, 256], sizes = [8, 256], strides = [1, 1]} : vector<8x512xf32> to vector<8x256xf32>
      %add3A_270 = arith.addf %slice3A_268, %slice3A_269 : vector<8x256xf32>
      %slice3A_271 = vector.extract_strided_slice %add3A_270 {offsets = [0, 0], sizes = [8, 128], strides = [1, 1]} : vector<8x256xf32> to vector<8x128xf32>
      %slice3A_272 = vector.extract_strided_slice %add3A_270 {offsets = [0, 128], sizes = [8, 128], strides = [1, 1]} : vector<8x256xf32> to vector<8x128xf32>
      %add3A_273 = arith.addf %slice3A_271, %slice3A_272 : vector<8x128xf32>
      %reduce_sum3A_274 = arith.constant dense<0.000000e+00> : vector<128xf32>
      %reduce_sum3A_275 = vector.multi_reduction <add>, %add3A_273, %reduce_sum3A_274 [0] : vector<8x128xf32> to vector<128xf32>
      %swap3A_276 = arith.constant 3 : index
      %swap3A_277 = arith.constant 0 : index
      %swap3A_278 = vector.load %arg4[%swap3A_276, %swap3A_277] : memref<10x128xf32, #tpu.memory_space<vmem>>, vector<1x128xf32>
      %swap3A_279 = vector.shape_cast %swap3A_278 : vector<1x128xf32> to vector<128xf32>
      %swap3A_280 = vector.shape_cast %reduce_sum3A_275 : vector<128xf32> to vector<1x128xf32>
      tpu.vector_store %arg4[%swap3A_276, %swap3A_277], %swap3A_280 {strides = array<i32>} : memref<10x128xf32, #tpu.memory_space<vmem>>, vector<1x128xf32>,
      %get3A_281 = arith.constant 32 : index
      %get3A_282 = arith.constant 0 : index
      %get3A_283 = vector.load %arg5[%get3A_281, %get3A_282] : memref<80x1024xf32, #tpu.memory_space<vmem>>, vector<8x1024xf32>
      %slice3A_284 = vector.extract_strided_slice %get3A_283 {offsets = [0, 0], sizes = [8, 512], strides = [1, 1]} : vector<8x1024xf32> to vector<8x512xf32>
      %slice3A_285 = vector.extract_strided_slice %get3A_283 {offsets = [0, 512], sizes = [8, 512], strides = [1, 1]} : vector<8x1024xf32> to vector<8x512xf32>
      %add3A_286 = arith.addf %slice3A_284, %slice3A_285 : vector<8x512xf32>
      %slice3A_287 = vector.extract_strided_slice %add3A_286 {offsets = [0, 0], sizes = [8, 256], strides = [1, 1]} : vector<8x512xf32> to vector<8x256xf32>
      %slice3A_288 = vector.extract_strided_slice %add3A_286 {offsets = [0, 256], sizes = [8, 256], strides = [1, 1]} : vector<8x512xf32> to vector<8x256xf32>
      %add3A_289 = arith.addf %slice3A_287, %slice3A_288 : vector<8x256xf32>
      %slice3A_290 = vector.extract_strided_slice %add3A_289 {offsets = [0, 0], sizes = [8, 128], strides = [1, 1]} : vector<8x256xf32> to vector<8x128xf32>
      %slice3A_291 = vector.extract_strided_slice %add3A_289 {offsets = [0, 128], sizes = [8, 128], strides = [1, 1]} : vector<8x256xf32> to vector<8x128xf32>
      %add3A_292 = arith.addf %slice3A_290, %slice3A_291 : vector<8x128xf32>
      %reduce_sum3A_293 = arith.constant dense<0.000000e+00> : vector<128xf32>
      %reduce_sum3A_294 = vector.multi_reduction <add>, %add3A_292, %reduce_sum3A_293 [0] : vector<8x128xf32> to vector<128xf32>
      %swap3A_295 = arith.constant 4 : index
      %swap3A_296 = arith.constant 0 : index
      %swap3A_297 = vector.load %arg4[%swap3A_295, %swap3A_296] : memref<10x128xf32, #tpu.memory_space<vmem>>, vector<1x128xf32>
      %swap3A_298 = vector.shape_cast %swap3A_297 : vector<1x128xf32> to vector<128xf32>
      %swap3A_299 = vector.shape_cast %reduce_sum3A_294 : vector<128xf32> to vector<1x128xf32>
      tpu.vector_store %arg4[%swap3A_295, %swap3A_296], %swap3A_299 {strides = array<i32>} : memref<10x128xf32, #tpu.memory_space<vmem>>, vector<1x128xf32>,
      %get3A_300 = arith.constant 40 : index
      %get3A_301 = arith.constant 0 : index
      %get3A_302 = vector.load %arg5[%get3A_300, %get3A_301] : memref<80x1024xf32, #tpu.memory_space<vmem>>, vector<8x1024xf32>
      %slice3A_303 = vector.extract_strided_slice %get3A_302 {offsets = [0, 0], sizes = [8, 512], strides = [1, 1]} : vector<8x1024xf32> to vector<8x512xf32>
      %slice3A_304 = vector.extract_strided_slice %get3A_302 {offsets = [0, 512], sizes = [8, 512], strides = [1, 1]} : vector<8x1024xf32> to vector<8x512xf32>
      %add3A_305 = arith.addf %slice3A_303, %slice3A_304 : vector<8x512xf32>
      %slice3A_306 = vector.extract_strided_slice %add3A_305 {offsets = [0, 0], sizes = [8, 256], strides = [1, 1]} : vector<8x512xf32> to vector<8x256xf32>
      %slice3A_307 = vector.extract_strided_slice %add3A_305 {offsets = [0, 256], sizes = [8, 256], strides = [1, 1]} : vector<8x512xf32> to vector<8x256xf32>
      %add3A_308 = arith.addf %slice3A_306, %slice3A_307 : vector<8x256xf32>
      %slice3A_309 = vector.extract_strided_slice %add3A_308 {offsets = [0, 0], sizes = [8, 128], strides = [1, 1]} : vector<8x256xf32> to vector<8x128xf32>
      %slice3A_310 = vector.extract_strided_slice %add3A_308 {offsets = [0, 128], sizes = [8, 128], strides = [1, 1]} : vector<8x256xf32> to vector<8x128xf32>
      %add3A_311 = arith.addf %slice3A_309, %slice3A_310 : vector<8x128xf32>
      %reduce_sum3A_312 = arith.constant dense<0.000000e+00> : vector<128xf32>
      %reduce_sum3A_313 = vector.multi_reduction <add>, %add3A_311, %reduce_sum3A_312 [0] : vector<8x128xf32> to vector<128xf32>
      %swap3A_314 = arith.constant 5 : index
      %swap3A_315 = arith.constant 0 : index
      %swap3A_316 = vector.load %arg4[%swap3A_314, %swap3A_315] : memref<10x128xf32, #tpu.memory_space<vmem>>, vector<1x128xf32>
      %swap3A_317 = vector.shape_cast %swap3A_316 : vector<1x128xf32> to vector<128xf32>
      %swap3A_318 = vector.shape_cast %reduce_sum3A_313 : vector<128xf32> to vector<1x128xf32>
      tpu.vector_store %arg4[%swap3A_314, %swap3A_315], %swap3A_318 {strides = array<i32>} : memref<10x128xf32, #tpu.memory_space<vmem>>, vector<1x128xf32>,
      %get3A_319 = arith.constant 48 : index
      %get3A_320 = arith.constant 0 : index
      %get3A_321 = vector.load %arg5[%get3A_319, %get3A_320] : memref<80x1024xf32, #tpu.memory_space<vmem>>, vector<8x1024xf32>
      %slice3A_322 = vector.extract_strided_slice %get3A_321 {offsets = [0, 0], sizes = [8, 512], strides = [1, 1]} : vector<8x1024xf32> to vector<8x512xf32>
      %slice3A_323 = vector.extract_strided_slice %get3A_321 {offsets = [0, 512], sizes = [8, 512], strides = [1, 1]} : vector<8x1024xf32> to vector<8x512xf32>
      %add3A_324 = arith.addf %slice3A_322, %slice3A_323 : vector<8x512xf32>
      %slice3A_325 = vector.extract_strided_slice %add3A_324 {offsets = [0, 0], sizes = [8, 256], strides = [1, 1]} : vector<8x512xf32> to vector<8x256xf32>
      %slice3A_326 = vector.extract_strided_slice %add3A_324 {offsets = [0, 256], sizes = [8, 256], strides = [1, 1]} : vector<8x512xf32> to vector<8x256xf32>
      %add3A_327 = arith.addf %slice3A_325, %slice3A_326 : vector<8x256xf32>
      %slice3A_328 = vector.extract_strided_slice %add3A_327 {offsets = [0, 0], sizes = [8, 128], strides = [1, 1]} : vector<8x256xf32> to vector<8x128xf32>
      %slice3A_329 = vector.extract_strided_slice %add3A_327 {offsets = [0, 128], sizes = [8, 128], strides = [1, 1]} : vector<8x256xf32> to vector<8x128xf32>
      %add3A_330 = arith.addf %slice3A_328, %slice3A_329 : vector<8x128xf32>
      %reduce_sum3A_331 = arith.constant dense<0.000000e+00> : vector<128xf32>
      %reduce_sum3A_332 = vector.multi_reduction <add>, %add3A_330, %reduce_sum3A_331 [0] : vector<8x128xf32> to vector<128xf32>
      %swap3A_333 = arith.constant 6 : index
      %swap3A_334 = arith.constant 0 : index
      %swap3A_335 = vector.load %arg4[%swap3A_333, %swap3A_334] : memref<10x128xf32, #tpu.memory_space<vmem>>, vector<1x128xf32>
      %swap3A_336 = vector.shape_cast %swap3A_335 : vector<1x128xf32> to vector<128xf32>
      %swap3A_337 = vector.shape_cast %reduce_sum3A_332 : vector<128xf32> to vector<1x128xf32>
      tpu.vector_store %arg4[%swap3A_333, %swap3A_334], %swap3A_337 {strides = array<i32>} : memref<10x128xf32, #tpu.memory_space<vmem>>, vector<1x128xf32>,
      %get3A_338 = arith.constant 56 : index
      %get3A_339 = arith.constant 0 : index
      %get3A_340 = vector.load %arg5[%get3A_338, %get3A_339] : memref<80x1024xf32, #tpu.memory_space<vmem>>, vector<8x1024xf32>
      %slice3A_341 = vector.extract_strided_slice %get3A_340 {offsets = [0, 0], sizes = [8, 512], strides = [1, 1]} : vector<8x1024xf32> to vector<8x512xf32>
      %slice3A_342 = vector.extract_strided_slice %get3A_340 {offsets = [0, 512], sizes = [8, 512], strides = [1, 1]} : vector<8x1024xf32> to vector<8x512xf32>
      %add3A_343 = arith.addf %slice3A_341, %slice3A_342 : vector<8x512xf32>
      %slice3A_344 = vector.extract_strided_slice %add3A_343 {offsets = [0, 0], sizes = [8, 256], strides = [1, 1]} : vector<8x512xf32> to vector<8x256xf32>
      %slice3A_345 = vector.extract_strided_slice %add3A_343 {offsets = [0, 256], sizes = [8, 256], strides = [1, 1]} : vector<8x512xf32> to vector<8x256xf32>
      %add3A_346 = arith.addf %slice3A_344, %slice3A_345 : vector<8x256xf32>
      %slice3A_347 = vector.extract_strided_slice %add3A_346 {offsets = [0, 0], sizes = [8, 128], strides = [1, 1]} : vector<8x256xf32> to vector<8x128xf32>
      %slice3A_348 = vector.extract_strided_slice %add3A_346 {offsets = [0, 128], sizes = [8, 128], strides = [1, 1]} : vector<8x256xf32> to vector<8x128xf32>
      %add3A_349 = arith.addf %slice3A_347, %slice3A_348 : vector<8x128xf32>
      %reduce_sum3A_350 = arith.constant dense<0.000000e+00> : vector<128xf32>
      %reduce_sum3A_351 = vector.multi_reduction <add>, %add3A_349, %reduce_sum3A_350 [0] : vector<8x128xf32> to vector<128xf32>
      %swap3A_352 = arith.constant 7 : index
      %swap3A_353 = arith.constant 0 : index
      %swap3A_354 = vector.load %arg4[%swap3A_352, %swap3A_353] : memref<10x128xf32, #tpu.memory_space<vmem>>, vector<1x128xf32>
      %swap3A_355 = vector.shape_cast %swap3A_354 : vector<1x128xf32> to vector<128xf32>
      %swap3A_356 = vector.shape_cast %reduce_sum3A_351 : vector<128xf32> to vector<1x128xf32>
      tpu.vector_store %arg4[%swap3A_352, %swap3A_353], %swap3A_356 {strides = array<i32>} : memref<10x128xf32, #tpu.memory_space<vmem>>, vector<1x128xf32>,
      %get3A_357 = arith.constant 64 : index
      %get3A_358 = arith.constant 0 : index
      %get3A_359 = vector.load %arg5[%get3A_357, %get3A_358] : memref<80x1024xf32, #tpu.memory_space<vmem>>, vector<8x1024xf32>
      %slice3A_360 = vector.extract_strided_slice %get3A_359 {offsets = [0, 0], sizes = [8, 512], strides = [1, 1]} : vector<8x1024xf32> to vector<8x512xf32>
      %slice3A_361 = vector.extract_strided_slice %get3A_359 {offsets = [0, 512], sizes = [8, 512], strides = [1, 1]} : vector<8x1024xf32> to vector<8x512xf32>
      %add3A_362 = arith.addf %slice3A_360, %slice3A_361 : vector<8x512xf32>
      %slice3A_363 = vector.extract_strided_slice %add3A_362 {offsets = [0, 0], sizes = [8, 256], strides = [1, 1]} : vector<8x512xf32> to vector<8x256xf32>
      %slice3A_364 = vector.extract_strided_slice %add3A_362 {offsets = [0, 256], sizes = [8, 256], strides = [1, 1]} : vector<8x512xf32> to vector<8x256xf32>
      %add3A_365 = arith.addf %slice3A_363, %slice3A_364 : vector<8x256xf32>
      %slice3A_366 = vector.extract_strided_slice %add3A_365 {offsets = [0, 0], sizes = [8, 128], strides = [1, 1]} : vector<8x256xf32> to vector<8x128xf32>
      %slice3A_367 = vector.extract_strided_slice %add3A_365 {offsets = [0, 128], sizes = [8, 128], strides = [1, 1]} : vector<8x256xf32> to vector<8x128xf32>
      %add3A_368 = arith.addf %slice3A_366, %slice3A_367 : vector<8x128xf32>
      %reduce_sum3A_369 = arith.constant dense<0.000000e+00> : vector<128xf32>
      %reduce_sum3A_370 = vector.multi_reduction <add>, %add3A_368, %reduce_sum3A_369 [0] : vector<8x128xf32> to vector<128xf32>
      %swap3A_371 = arith.constant 8 : index
      %swap3A_372 = arith.constant 0 : index
      %swap3A_373 = vector.load %arg4[%swap3A_371, %swap3A_372] : memref<10x128xf32, #tpu.memory_space<vmem>>, vector<1x128xf32>
      %swap3A_374 = vector.shape_cast %swap3A_373 : vector<1x128xf32> to vector<128xf32>
      %swap3A_375 = vector.shape_cast %reduce_sum3A_370 : vector<128xf32> to vector<1x128xf32>
      tpu.vector_store %arg4[%swap3A_371, %swap3A_372], %swap3A_375 {strides = array<i32>} : memref<10x128xf32, #tpu.memory_space<vmem>>, vector<1x128xf32>,
      %get3A_376 = arith.constant 72 : index
      %get3A_377 = arith.constant 0 : index
      %get3A_378 = vector.load %arg5[%get3A_376, %get3A_377] : memref<80x1024xf32, #tpu.memory_space<vmem>>, vector<8x1024xf32>
      %slice3A_379 = vector.extract_strided_slice %get3A_378 {offsets = [0, 0], sizes = [8, 512], strides = [1, 1]} : vector<8x1024xf32> to vector<8x512xf32>
      %slice3A_380 = vector.extract_strided_slice %get3A_378 {offsets = [0, 512], sizes = [8, 512], strides = [1, 1]} : vector<8x1024xf32> to vector<8x512xf32>
      %add3A_381 = arith.addf %slice3A_379, %slice3A_380 : vector<8x512xf32>
      %slice3A_382 = vector.extract_strided_slice %add3A_381 {offsets = [0, 0], sizes = [8, 256], strides = [1, 1]} : vector<8x512xf32> to vector<8x256xf32>
      %slice3A_383 = vector.extract_strided_slice %add3A_381 {offsets = [0, 256], sizes = [8, 256], strides = [1, 1]} : vector<8x512xf32> to vector<8x256xf32>
      %add3A_384 = arith.addf %slice3A_382, %slice3A_383 : vector<8x256xf32>
      %slice3A_385 = vector.extract_strided_slice %add3A_384 {offsets = [0, 0], sizes = [8, 128], strides = [1, 1]} : vector<8x256xf32> to vector<8x128xf32>
      %slice3A_386 = vector.extract_strided_slice %add3A_384 {offsets = [0, 128], sizes = [8, 128], strides = [1, 1]} : vector<8x256xf32> to vector<8x128xf32>
      %add3A_387 = arith.addf %slice3A_385, %slice3A_386 : vector<8x128xf32>
      %reduce_sum3A_388 = arith.constant dense<0.000000e+00> : vector<128xf32>
      %reduce_sum3A_389 = vector.multi_reduction <add>, %add3A_387, %reduce_sum3A_388 [0] : vector<8x128xf32> to vector<128xf32>
      %swap3A_390 = arith.constant 9 : index
      %swap3A_391 = arith.constant 0 : index
      %swap3A_392 = vector.load %arg4[%swap3A_390, %swap3A_391] : memref<10x128xf32, #tpu.memory_space<vmem>>, vector<1x128xf32>
      %swap3A_393 = vector.shape_cast %swap3A_392 : vector<1x128xf32> to vector<128xf32>
      %swap3A_394 = vector.shape_cast %reduce_sum3A_389 : vector<128xf32> to vector<1x128xf32>
      tpu.vector_store %arg4[%swap3A_390, %swap3A_391], %swap3A_394 {strides = array<i32>} : memref<10x128xf32, #tpu.memory_space<vmem>>, vector<1x128xf32>,
    } else {
    }
    return
  }
  func.func @transform_0(%arg0: i32) -> (i32, i32) {
    %c0_i32 = arith.constant 0 : i32
    %c0_i32_0 = arith.constant 0 : i32
    %c0_i32_1 = arith.constant 0 : i32
    return %c0_i32, %c0_i32_0 : i32, i32
  }
  func.func @transform_1(%arg0: i32) -> (i32, i32) {
    %c0_i32 = arith.constant 0 : i32
    %c0_i32_0 = arith.constant 0 : i32
    %c0_i32_1 = arith.constant 0 : i32
    return %c0_i32, %c0_i32_0 : i32, i32
  }
  func.func @transform_2(%arg0: i32) -> (i32, i32) {
    %add3A = arith.constant 24 : i32
    %add3A_0 = arith.addi %arg0, %add3A : i32
    %c0_i32 = arith.constant 0 : i32
    %c0_i32_1 = arith.constant 0 : i32
    return %add3A_0, %c0_i32 : i32, i32
  }
  func.func @transform_3(%arg0: i32) -> (i32, i32) {
    %c0_i32 = arith.constant 0 : i32
    %c0_i32_0 = arith.constant 0 : i32
    %c0_i32_1 = arith.constant 0 : i32
    return %c0_i32, %c0_i32_0 : i32, i32
  }
}

module attributes {stable_mosaic.version = 14 : i64} {
  func.func @body(%arg0: i32, %arg1: memref<8x128xf32, #tpu.memory_space<vmem>>, %arg2: memref<8x128xf32, #tpu.memory_space<vmem>>, %arg3: memref<256x1024xf32, #tpu.memory_space<vmem>>, %arg4: memref<10x128xf32, #tpu.memory_space<vmem>>, %arg5: memref<80x1024xf32, #tpu.memory_space<vmem>>) attributes {dimension_semantics = [#tpu.dimension_semantics<arbitrary>], iteration_bounds = array<i64: 8>, scalar_prefetch = 0 : i64, scratch_operands = 1 : i64, tpu.core_type = #tpu.core_type<tc>, window_params = [{pipeline_mode = #tpu.pipeline_mode<synchronous>, transform_indices = @transform_0, window_bounds = array<i64: 8, 128>}, {pipeline_mode = #tpu.pipeline_mode<synchronous>, transform_indices = @transform_1, window_bounds = array<i64: 8, 128>}, {transform_indices = @transform_2, window_bounds = array<i64: 256, 1024>}, {pipeline_mode = #tpu.pipeline_mode<synchronous>, transform_indices = @transform_3, window_bounds = array<i64: 10, 128>}]} {
    %eq3A = arith.constant 0 : i32
    %eq3A_0 = arith.cmpi eq, %arg0, %eq3A : i32
    %convert_element_type3A = arith.extui %eq3A_0 : i1 to i32
    %cond3A = arith.constant 0 : i32
    %cond3A_1 = arith.cmpi ne, %convert_element_type3A, %cond3A : i32
    scf.if %cond3A_1 {
      %broadcast_in_dim3A = arith.constant 0.000000e+00 : f32
      %broadcast_in_dim3A_206 = vector.broadcast %broadcast_in_dim3A : f32 to vector<80x1024xf32>
      %swap3A_207 = arith.constant 0 : index
      %swap3A_208 = arith.constant 0 : index
      %swap3A_209 = vector.load %arg5[%swap3A_207, %swap3A_208] : memref<80x1024xf32, #tpu.memory_space<vmem>>, vector<80x1024xf32>
      tpu.vector_store %arg5[%swap3A_207, %swap3A_208], %broadcast_in_dim3A_206 {strides = array<i32>} : memref<80x1024xf32, #tpu.memory_space<vmem>>, vector<80x1024xf32>,
    } else {
    }
    %get3A = arith.constant 0 : index
    %get3A_2 = arith.constant 0 : index
    %get3A_3 = vector.load %arg1[%get3A, %get3A_2] : memref<8x128xf32, #tpu.memory_space<vmem>>, vector<8x128xf32>
    %reduce_min3A = vector.shape_cast %get3A_3 : vector<8x128xf32> to vector<1x8x128xf32>
    %reduce_min3A_4 = arith.constant dense<0x7F800000> : vector<1xf32>
    %reduce_min3A_5 = vector.multi_reduction <minimumf>, %reduce_min3A, %reduce_min3A_4 [1, 2] : vector<1x8x128xf32> to vector<1xf32>
    %reduce_min3A_6 = vector.shape_cast %reduce_min3A_5 : vector<1xf32> to vector<1x1x1xf32>
    %reduce_min3A_7 = vector.extract %reduce_min3A_6[0, 0, 0] : f32 from vector<1x1x1xf32>
    %get3A_8 = arith.constant 0 : index
    %get3A_9 = arith.constant 0 : index
    %get3A_10 = vector.load %arg2[%get3A_8, %get3A_9] : memref<8x128xf32, #tpu.memory_space<vmem>>, vector<8x128xf32>
    %reduce_max3A = vector.shape_cast %get3A_10 : vector<8x128xf32> to vector<1x8x128xf32>
    %reduce_max3A_11 = arith.constant dense<0xFF800000> : vector<1xf32>
    %reduce_max3A_12 = vector.multi_reduction <maximumf>, %reduce_max3A, %reduce_max3A_11 [1, 2] : vector<1x8x128xf32> to vector<1xf32>
    %reduce_max3A_13 = vector.shape_cast %reduce_max3A_12 : vector<1xf32> to vector<1x1x1xf32>
    %reduce_max3A_14 = vector.extract %reduce_max3A_13[0, 0, 0] : f32 from vector<1x1x1xf32>
    %sub3A = arith.subf %reduce_max3A_14, %reduce_min3A_7 : f32
    %add3A = arith.constant 1.000000e-01 : f32
    %add3A_15 = arith.addf %sub3A, %add3A : f32
    %div3A = arith.constant 1.000000e+01 : f32
    %div3A_16 = arith.divf %div3A, %add3A_15 : f32
    %sub3A_17 = arith.constant 5.000000e-02 : f32
    %sub3A_18 = arith.subf %sub3A_17, %reduce_min3A_7 : f32
    %mul3A = arith.mulf %sub3A_18, %div3A_16 : f32
    %get3A_19 = arith.constant 0 : index
    %get3A_20 = arith.constant 0 : index
    %get3A_21 = vector.load %arg3[%get3A_19, %get3A_20] : memref<256x1024xf32, #tpu.memory_space<vmem>>, vector<256x1024xf32>
    %reshape3A = vector.shape_cast %get3A_21 : vector<256x1024xf32> to vector<32x8x1024xf32>
    %mul3A_22 = vector.broadcast %div3A_16 : f32 to vector<32x8x1024xf32>
    %mul3A_23 = arith.mulf %reshape3A, %mul3A_22 : vector<32x8x1024xf32>
    %add3A_24 = vector.broadcast %mul3A : f32 to vector<32x8x1024xf32>
    %add3A_25 = arith.addf %mul3A_23, %add3A_24 : vector<32x8x1024xf32>
    %sub3A_26 = arith.constant 1.000000e+00 : f32
    %sub3A_27 = vector.broadcast %sub3A_26 : f32 to vector<32x8x1024xf32>
    %sub3A_28 = arith.subf %sub3A_27, %add3A_25 : vector<32x8x1024xf32>
    %jit3A = arith.constant 0.000000e+00 : f32
    %jit3A_29 = arith.constant 1.000000e+00 : f32
    %max3A = vector.broadcast %jit3A : f32 to vector<32x8x1024xf32>
    %max3A_30 = arith.maximumf %max3A, %sub3A_28 : vector<32x8x1024xf32>
    %min3A = vector.broadcast %jit3A_29 : f32 to vector<32x8x1024xf32>
    %min3A_31 = arith.minimumf %min3A, %max3A_30 : vector<32x8x1024xf32>
    %get3A_32 = arith.constant 0 : index
    %get3A_33 = arith.constant 0 : index
    %get3A_34 = vector.load %arg5[%get3A_32, %get3A_33] : memref<80x1024xf32, #tpu.memory_space<vmem>>, vector<8x1024xf32>
    %reduce_sum3A = arith.constant dense<0.000000e+00> : vector<8x1024xf32>
    %reduce_sum3A_35 = vector.multi_reduction <add>, %min3A_31, %reduce_sum3A [0] : vector<32x8x1024xf32> to vector<8x1024xf32>
    %add3A_36 = arith.addf %get3A_34, %reduce_sum3A_35 : vector<8x1024xf32>
    %swap3A = arith.constant 0 : index
    %swap3A_37 = arith.constant 0 : index
    %swap3A_38 = vector.load %arg5[%swap3A, %swap3A_37] : memref<80x1024xf32, #tpu.memory_space<vmem>>, vector<8x1024xf32>
    tpu.vector_store %arg5[%swap3A, %swap3A_37], %add3A_36 {strides = array<i32>} : memref<80x1024xf32, #tpu.memory_space<vmem>>, vector<8x1024xf32>,
    %sub3A_39 = arith.constant 2.000000e+00 : f32
    %sub3A_40 = vector.broadcast %sub3A_39 : f32 to vector<32x8x1024xf32>
    %sub3A_41 = arith.subf %sub3A_40, %add3A_25 : vector<32x8x1024xf32>
    %jit3A_42 = arith.constant 0.000000e+00 : f32
    %jit3A_43 = arith.constant 1.000000e+00 : f32
    %max3A_44 = vector.broadcast %jit3A_42 : f32 to vector<32x8x1024xf32>
    %max3A_45 = arith.maximumf %max3A_44, %sub3A_41 : vector<32x8x1024xf32>
    %min3A_46 = vector.broadcast %jit3A_43 : f32 to vector<32x8x1024xf32>
    %min3A_47 = arith.minimumf %min3A_46, %max3A_45 : vector<32x8x1024xf32>
    %get3A_48 = arith.constant 8 : index
    %get3A_49 = arith.constant 0 : index
    %get3A_50 = vector.load %arg5[%get3A_48, %get3A_49] : memref<80x1024xf32, #tpu.memory_space<vmem>>, vector<8x1024xf32>
    %reduce_sum3A_51 = arith.constant dense<0.000000e+00> : vector<8x1024xf32>
    %reduce_sum3A_52 = vector.multi_reduction <add>, %min3A_47, %reduce_sum3A_51 [0] : vector<32x8x1024xf32> to vector<8x1024xf32>
    %add3A_53 = arith.addf %get3A_50, %reduce_sum3A_52 : vector<8x1024xf32>
    %swap3A_54 = arith.constant 8 : index
    %swap3A_55 = arith.constant 0 : index
    %swap3A_56 = vector.load %arg5[%swap3A_54, %swap3A_55] : memref<80x1024xf32, #tpu.memory_space<vmem>>, vector<8x1024xf32>
    tpu.vector_store %arg5[%swap3A_54, %swap3A_55], %add3A_53 {strides = array<i32>} : memref<80x1024xf32, #tpu.memory_space<vmem>>, vector<8x1024xf32>,
    %sub3A_57 = arith.constant 3.000000e+00 : f32
    %sub3A_58 = vector.broadcast %sub3A_57 : f32 to vector<32x8x1024xf32>
    %sub3A_59 = arith.subf %sub3A_58, %add3A_25 : vector<32x8x1024xf32>
    %jit3A_60 = arith.constant 0.000000e+00 : f32
    %jit3A_61 = arith.constant 1.000000e+00 : f32
    %max3A_62 = vector.broadcast %jit3A_60 : f32 to vector<32x8x1024xf32>
    %max3A_63 = arith.maximumf %max3A_62, %sub3A_59 : vector<32x8x1024xf32>
    %min3A_64 = vector.broadcast %jit3A_61 : f32 to vector<32x8x1024xf32>
    %min3A_65 = arith.minimumf %min3A_64, %max3A_63 : vector<32x8x1024xf32>
    %get3A_66 = arith.constant 16 : index
    %get3A_67 = arith.constant 0 : index
    %get3A_68 = vector.load %arg5[%get3A_66, %get3A_67] : memref<80x1024xf32, #tpu.memory_space<vmem>>, vector<8x1024xf32>
    %reduce_sum3A_69 = arith.constant dense<0.000000e+00> : vector<8x1024xf32>
    %reduce_sum3A_70 = vector.multi_reduction <add>, %min3A_65, %reduce_sum3A_69 [0] : vector<32x8x1024xf32> to vector<8x1024xf32>
    %add3A_71 = arith.addf %get3A_68, %reduce_sum3A_70 : vector<8x1024xf32>
    %swap3A_72 = arith.constant 16 : index
    %swap3A_73 = arith.constant 0 : index
    %swap3A_74 = vector.load %arg5[%swap3A_72, %swap3A_73] : memref<80x1024xf32, #tpu.memory_space<vmem>>, vector<8x1024xf32>
    tpu.vector_store %arg5[%swap3A_72, %swap3A_73], %add3A_71 {strides = array<i32>} : memref<80x1024xf32, #tpu.memory_space<vmem>>, vector<8x1024xf32>,
    %sub3A_75 = arith.constant 4.000000e+00 : f32
    %sub3A_76 = vector.broadcast %sub3A_75 : f32 to vector<32x8x1024xf32>
    %sub3A_77 = arith.subf %sub3A_76, %add3A_25 : vector<32x8x1024xf32>
    %jit3A_78 = arith.constant 0.000000e+00 : f32
    %jit3A_79 = arith.constant 1.000000e+00 : f32
    %max3A_80 = vector.broadcast %jit3A_78 : f32 to vector<32x8x1024xf32>
    %max3A_81 = arith.maximumf %max3A_80, %sub3A_77 : vector<32x8x1024xf32>
    %min3A_82 = vector.broadcast %jit3A_79 : f32 to vector<32x8x1024xf32>
    %min3A_83 = arith.minimumf %min3A_82, %max3A_81 : vector<32x8x1024xf32>
    %get3A_84 = arith.constant 24 : index
    %get3A_85 = arith.constant 0 : index
    %get3A_86 = vector.load %arg5[%get3A_84, %get3A_85] : memref<80x1024xf32, #tpu.memory_space<vmem>>, vector<8x1024xf32>
    %reduce_sum3A_87 = arith.constant dense<0.000000e+00> : vector<8x1024xf32>
    %reduce_sum3A_88 = vector.multi_reduction <add>, %min3A_83, %reduce_sum3A_87 [0] : vector<32x8x1024xf32> to vector<8x1024xf32>
    %add3A_89 = arith.addf %get3A_86, %reduce_sum3A_88 : vector<8x1024xf32>
    %swap3A_90 = arith.constant 24 : index
    %swap3A_91 = arith.constant 0 : index
    %swap3A_92 = vector.load %arg5[%swap3A_90, %swap3A_91] : memref<80x1024xf32, #tpu.memory_space<vmem>>, vector<8x1024xf32>
    tpu.vector_store %arg5[%swap3A_90, %swap3A_91], %add3A_89 {strides = array<i32>} : memref<80x1024xf32, #tpu.memory_space<vmem>>, vector<8x1024xf32>,
    %sub3A_93 = arith.constant 5.000000e+00 : f32
    %sub3A_94 = vector.broadcast %sub3A_93 : f32 to vector<32x8x1024xf32>
    %sub3A_95 = arith.subf %sub3A_94, %add3A_25 : vector<32x8x1024xf32>
    %jit3A_96 = arith.constant 0.000000e+00 : f32
    %jit3A_97 = arith.constant 1.000000e+00 : f32
    %max3A_98 = vector.broadcast %jit3A_96 : f32 to vector<32x8x1024xf32>
    %max3A_99 = arith.maximumf %max3A_98, %sub3A_95 : vector<32x8x1024xf32>
    %min3A_100 = vector.broadcast %jit3A_97 : f32 to vector<32x8x1024xf32>
    %min3A_101 = arith.minimumf %min3A_100, %max3A_99 : vector<32x8x1024xf32>
    %get3A_102 = arith.constant 32 : index
    %get3A_103 = arith.constant 0 : index
    %get3A_104 = vector.load %arg5[%get3A_102, %get3A_103] : memref<80x1024xf32, #tpu.memory_space<vmem>>, vector<8x1024xf32>
    %reduce_sum3A_105 = arith.constant dense<0.000000e+00> : vector<8x1024xf32>
    %reduce_sum3A_106 = vector.multi_reduction <add>, %min3A_101, %reduce_sum3A_105 [0] : vector<32x8x1024xf32> to vector<8x1024xf32>
    %add3A_107 = arith.addf %get3A_104, %reduce_sum3A_106 : vector<8x1024xf32>
    %swap3A_108 = arith.constant 32 : index
    %swap3A_109 = arith.constant 0 : index
    %swap3A_110 = vector.load %arg5[%swap3A_108, %swap3A_109] : memref<80x1024xf32, #tpu.memory_space<vmem>>, vector<8x1024xf32>
    tpu.vector_store %arg5[%swap3A_108, %swap3A_109], %add3A_107 {strides = array<i32>} : memref<80x1024xf32, #tpu.memory_space<vmem>>, vector<8x1024xf32>,
    %sub3A_111 = arith.constant 6.000000e+00 : f32
    %sub3A_112 = vector.broadcast %sub3A_111 : f32 to vector<32x8x1024xf32>
    %sub3A_113 = arith.subf %sub3A_112, %add3A_25 : vector<32x8x1024xf32>
    %jit3A_114 = arith.constant 0.000000e+00 : f32
    %jit3A_115 = arith.constant 1.000000e+00 : f32
    %max3A_116 = vector.broadcast %jit3A_114 : f32 to vector<32x8x1024xf32>
    %max3A_117 = arith.maximumf %max3A_116, %sub3A_113 : vector<32x8x1024xf32>
    %min3A_118 = vector.broadcast %jit3A_115 : f32 to vector<32x8x1024xf32>
    %min3A_119 = arith.minimumf %min3A_118, %max3A_117 : vector<32x8x1024xf32>
    %get3A_120 = arith.constant 40 : index
    %get3A_121 = arith.constant 0 : index
    %get3A_122 = vector.load %arg5[%get3A_120, %get3A_121] : memref<80x1024xf32, #tpu.memory_space<vmem>>, vector<8x1024xf32>
    %reduce_sum3A_123 = arith.constant dense<0.000000e+00> : vector<8x1024xf32>
    %reduce_sum3A_124 = vector.multi_reduction <add>, %min3A_119, %reduce_sum3A_123 [0] : vector<32x8x1024xf32> to vector<8x1024xf32>
    %add3A_125 = arith.addf %get3A_122, %reduce_sum3A_124 : vector<8x1024xf32>
    %swap3A_126 = arith.constant 40 : index
    %swap3A_127 = arith.constant 0 : index
    %swap3A_128 = vector.load %arg5[%swap3A_126, %swap3A_127] : memref<80x1024xf32, #tpu.memory_space<vmem>>, vector<8x1024xf32>
    tpu.vector_store %arg5[%swap3A_126, %swap3A_127], %add3A_125 {strides = array<i32>} : memref<80x1024xf32, #tpu.memory_space<vmem>>, vector<8x1024xf32>,
    %sub3A_129 = arith.constant 7.000000e+00 : f32
    %sub3A_130 = vector.broadcast %sub3A_129 : f32 to vector<32x8x1024xf32>
    %sub3A_131 = arith.subf %sub3A_130, %add3A_25 : vector<32x8x1024xf32>
    %jit3A_132 = arith.constant 0.000000e+00 : f32
    %jit3A_133 = arith.constant 1.000000e+00 : f32
    %max3A_134 = vector.broadcast %jit3A_132 : f32 to vector<32x8x1024xf32>
    %max3A_135 = arith.maximumf %max3A_134, %sub3A_131 : vector<32x8x1024xf32>
    %min3A_136 = vector.broadcast %jit3A_133 : f32 to vector<32x8x1024xf32>
    %min3A_137 = arith.minimumf %min3A_136, %max3A_135 : vector<32x8x1024xf32>
    %get3A_138 = arith.constant 48 : index
    %get3A_139 = arith.constant 0 : index
    %get3A_140 = vector.load %arg5[%get3A_138, %get3A_139] : memref<80x1024xf32, #tpu.memory_space<vmem>>, vector<8x1024xf32>
    %reduce_sum3A_141 = arith.constant dense<0.000000e+00> : vector<8x1024xf32>
    %reduce_sum3A_142 = vector.multi_reduction <add>, %min3A_137, %reduce_sum3A_141 [0] : vector<32x8x1024xf32> to vector<8x1024xf32>
    %add3A_143 = arith.addf %get3A_140, %reduce_sum3A_142 : vector<8x1024xf32>
    %swap3A_144 = arith.constant 48 : index
    %swap3A_145 = arith.constant 0 : index
    %swap3A_146 = vector.load %arg5[%swap3A_144, %swap3A_145] : memref<80x1024xf32, #tpu.memory_space<vmem>>, vector<8x1024xf32>
    tpu.vector_store %arg5[%swap3A_144, %swap3A_145], %add3A_143 {strides = array<i32>} : memref<80x1024xf32, #tpu.memory_space<vmem>>, vector<8x1024xf32>,
    %sub3A_147 = arith.constant 8.000000e+00 : f32
    %sub3A_148 = vector.broadcast %sub3A_147 : f32 to vector<32x8x1024xf32>
    %sub3A_149 = arith.subf %sub3A_148, %add3A_25 : vector<32x8x1024xf32>
    %jit3A_150 = arith.constant 0.000000e+00 : f32
    %jit3A_151 = arith.constant 1.000000e+00 : f32
    %max3A_152 = vector.broadcast %jit3A_150 : f32 to vector<32x8x1024xf32>
    %max3A_153 = arith.maximumf %max3A_152, %sub3A_149 : vector<32x8x1024xf32>
    %min3A_154 = vector.broadcast %jit3A_151 : f32 to vector<32x8x1024xf32>
    %min3A_155 = arith.minimumf %min3A_154, %max3A_153 : vector<32x8x1024xf32>
    %get3A_156 = arith.constant 56 : index
    %get3A_157 = arith.constant 0 : index
    %get3A_158 = vector.load %arg5[%get3A_156, %get3A_157] : memref<80x1024xf32, #tpu.memory_space<vmem>>, vector<8x1024xf32>
    %reduce_sum3A_159 = arith.constant dense<0.000000e+00> : vector<8x1024xf32>
    %reduce_sum3A_160 = vector.multi_reduction <add>, %min3A_155, %reduce_sum3A_159 [0] : vector<32x8x1024xf32> to vector<8x1024xf32>
    %add3A_161 = arith.addf %get3A_158, %reduce_sum3A_160 : vector<8x1024xf32>
    %swap3A_162 = arith.constant 56 : index
    %swap3A_163 = arith.constant 0 : index
    %swap3A_164 = vector.load %arg5[%swap3A_162, %swap3A_163] : memref<80x1024xf32, #tpu.memory_space<vmem>>, vector<8x1024xf32>
    tpu.vector_store %arg5[%swap3A_162, %swap3A_163], %add3A_161 {strides = array<i32>} : memref<80x1024xf32, #tpu.memory_space<vmem>>, vector<8x1024xf32>,
    %sub3A_165 = arith.constant 9.000000e+00 : f32
    %sub3A_166 = vector.broadcast %sub3A_165 : f32 to vector<32x8x1024xf32>
    %sub3A_167 = arith.subf %sub3A_166, %add3A_25 : vector<32x8x1024xf32>
    %jit3A_168 = arith.constant 0.000000e+00 : f32
    %jit3A_169 = arith.constant 1.000000e+00 : f32
    %max3A_170 = vector.broadcast %jit3A_168 : f32 to vector<32x8x1024xf32>
    %max3A_171 = arith.maximumf %max3A_170, %sub3A_167 : vector<32x8x1024xf32>
    %min3A_172 = vector.broadcast %jit3A_169 : f32 to vector<32x8x1024xf32>
    %min3A_173 = arith.minimumf %min3A_172, %max3A_171 : vector<32x8x1024xf32>
    %get3A_174 = arith.constant 64 : index
    %get3A_175 = arith.constant 0 : index
    %get3A_176 = vector.load %arg5[%get3A_174, %get3A_175] : memref<80x1024xf32, #tpu.memory_space<vmem>>, vector<8x1024xf32>
    %reduce_sum3A_177 = arith.constant dense<0.000000e+00> : vector<8x1024xf32>
    %reduce_sum3A_178 = vector.multi_reduction <add>, %min3A_173, %reduce_sum3A_177 [0] : vector<32x8x1024xf32> to vector<8x1024xf32>
    %add3A_179 = arith.addf %get3A_176, %reduce_sum3A_178 : vector<8x1024xf32>
    %swap3A_180 = arith.constant 64 : index
    %swap3A_181 = arith.constant 0 : index
    %swap3A_182 = vector.load %arg5[%swap3A_180, %swap3A_181] : memref<80x1024xf32, #tpu.memory_space<vmem>>, vector<8x1024xf32>
    tpu.vector_store %arg5[%swap3A_180, %swap3A_181], %add3A_179 {strides = array<i32>} : memref<80x1024xf32, #tpu.memory_space<vmem>>, vector<8x1024xf32>,
    %sub3A_183 = arith.constant 1.000000e+01 : f32
    %sub3A_184 = vector.broadcast %sub3A_183 : f32 to vector<32x8x1024xf32>
    %sub3A_185 = arith.subf %sub3A_184, %add3A_25 : vector<32x8x1024xf32>
    %jit3A_186 = arith.constant 0.000000e+00 : f32
    %jit3A_187 = arith.constant 1.000000e+00 : f32
    %max3A_188 = vector.broadcast %jit3A_186 : f32 to vector<32x8x1024xf32>
    %max3A_189 = arith.maximumf %max3A_188, %sub3A_185 : vector<32x8x1024xf32>
    %min3A_190 = vector.broadcast %jit3A_187 : f32 to vector<32x8x1024xf32>
    %min3A_191 = arith.minimumf %min3A_190, %max3A_189 : vector<32x8x1024xf32>
    %get3A_192 = arith.constant 72 : index
    %get3A_193 = arith.constant 0 : index
    %get3A_194 = vector.load %arg5[%get3A_192, %get3A_193] : memref<80x1024xf32, #tpu.memory_space<vmem>>, vector<8x1024xf32>
    %reduce_sum3A_195 = arith.constant dense<0.000000e+00> : vector<8x1024xf32>
    %reduce_sum3A_196 = vector.multi_reduction <add>, %min3A_191, %reduce_sum3A_195 [0] : vector<32x8x1024xf32> to vector<8x1024xf32>
    %add3A_197 = arith.addf %get3A_194, %reduce_sum3A_196 : vector<8x1024xf32>
    %swap3A_198 = arith.constant 72 : index
    %swap3A_199 = arith.constant 0 : index
    %swap3A_200 = vector.load %arg5[%swap3A_198, %swap3A_199] : memref<80x1024xf32, #tpu.memory_space<vmem>>, vector<8x1024xf32>
    tpu.vector_store %arg5[%swap3A_198, %swap3A_199], %add3A_197 {strides = array<i32>} : memref<80x1024xf32, #tpu.memory_space<vmem>>, vector<8x1024xf32>,
    %eq3A_201 = arith.constant 7 : i32
    %eq3A_202 = arith.cmpi eq, %arg0, %eq3A_201 : i32
    %convert_element_type3A_203 = arith.extui %eq3A_202 : i1 to i32
    %cond3A_204 = arith.constant 0 : i32
    %cond3A_205 = arith.cmpi ne, %convert_element_type3A_203, %cond3A_204 : i32
    scf.if %cond3A_205 {
      %get3A_206 = arith.constant 0 : index
      %get3A_207 = arith.constant 0 : index
      %get3A_208 = vector.load %arg5[%get3A_206, %get3A_207] : memref<80x1024xf32, #tpu.memory_space<vmem>>, vector<8x1024xf32>
      %slice3A = vector.extract_strided_slice %get3A_208 {offsets = [0, 0], sizes = [8, 512], strides = [1, 1]} : vector<8x1024xf32> to vector<8x512xf32>
      %slice3A_209 = vector.extract_strided_slice %get3A_208 {offsets = [0, 512], sizes = [8, 512], strides = [1, 1]} : vector<8x1024xf32> to vector<8x512xf32>
      %add3A_210 = arith.addf %slice3A, %slice3A_209 : vector<8x512xf32>
      %slice3A_211 = vector.extract_strided_slice %add3A_210 {offsets = [0, 0], sizes = [8, 256], strides = [1, 1]} : vector<8x512xf32> to vector<8x256xf32>
      %slice3A_212 = vector.extract_strided_slice %add3A_210 {offsets = [0, 256], sizes = [8, 256], strides = [1, 1]} : vector<8x512xf32> to vector<8x256xf32>
      %add3A_213 = arith.addf %slice3A_211, %slice3A_212 : vector<8x256xf32>
      %slice3A_214 = vector.extract_strided_slice %add3A_213 {offsets = [0, 0], sizes = [8, 128], strides = [1, 1]} : vector<8x256xf32> to vector<8x128xf32>
      %slice3A_215 = vector.extract_strided_slice %add3A_213 {offsets = [0, 128], sizes = [8, 128], strides = [1, 1]} : vector<8x256xf32> to vector<8x128xf32>
      %add3A_216 = arith.addf %slice3A_214, %slice3A_215 : vector<8x128xf32>
      %reduce_sum3A_217 = arith.constant dense<0.000000e+00> : vector<128xf32>
      %reduce_sum3A_218 = vector.multi_reduction <add>, %add3A_216, %reduce_sum3A_217 [0] : vector<8x128xf32> to vector<128xf32>
      %swap3A_219 = arith.constant 0 : index
      %swap3A_220 = arith.constant 0 : index
      %swap3A_221 = vector.load %arg4[%swap3A_219, %swap3A_220] : memref<10x128xf32, #tpu.memory_space<vmem>>, vector<1x128xf32>
      %swap3A_222 = vector.shape_cast %swap3A_221 : vector<1x128xf32> to vector<128xf32>
      %swap3A_223 = vector.shape_cast %reduce_sum3A_218 : vector<128xf32> to vector<1x128xf32>
      tpu.vector_store %arg4[%swap3A_219, %swap3A_220], %swap3A_223 {strides = array<i32>} : memref<10x128xf32, #tpu.memory_space<vmem>>, vector<1x128xf32>,
      %get3A_224 = arith.constant 8 : index
      %get3A_225 = arith.constant 0 : index
      %get3A_226 = vector.load %arg5[%get3A_224, %get3A_225] : memref<80x1024xf32, #tpu.memory_space<vmem>>, vector<8x1024xf32>
      %slice3A_227 = vector.extract_strided_slice %get3A_226 {offsets = [0, 0], sizes = [8, 512], strides = [1, 1]} : vector<8x1024xf32> to vector<8x512xf32>
      %slice3A_228 = vector.extract_strided_slice %get3A_226 {offsets = [0, 512], sizes = [8, 512], strides = [1, 1]} : vector<8x1024xf32> to vector<8x512xf32>
      %add3A_229 = arith.addf %slice3A_227, %slice3A_228 : vector<8x512xf32>
      %slice3A_230 = vector.extract_strided_slice %add3A_229 {offsets = [0, 0], sizes = [8, 256], strides = [1, 1]} : vector<8x512xf32> to vector<8x256xf32>
      %slice3A_231 = vector.extract_strided_slice %add3A_229 {offsets = [0, 256], sizes = [8, 256], strides = [1, 1]} : vector<8x512xf32> to vector<8x256xf32>
      %add3A_232 = arith.addf %slice3A_230, %slice3A_231 : vector<8x256xf32>
      %slice3A_233 = vector.extract_strided_slice %add3A_232 {offsets = [0, 0], sizes = [8, 128], strides = [1, 1]} : vector<8x256xf32> to vector<8x128xf32>
      %slice3A_234 = vector.extract_strided_slice %add3A_232 {offsets = [0, 128], sizes = [8, 128], strides = [1, 1]} : vector<8x256xf32> to vector<8x128xf32>
      %add3A_235 = arith.addf %slice3A_233, %slice3A_234 : vector<8x128xf32>
      %reduce_sum3A_236 = arith.constant dense<0.000000e+00> : vector<128xf32>
      %reduce_sum3A_237 = vector.multi_reduction <add>, %add3A_235, %reduce_sum3A_236 [0] : vector<8x128xf32> to vector<128xf32>
      %swap3A_238 = arith.constant 1 : index
      %swap3A_239 = arith.constant 0 : index
      %swap3A_240 = vector.load %arg4[%swap3A_238, %swap3A_239] : memref<10x128xf32, #tpu.memory_space<vmem>>, vector<1x128xf32>
      %swap3A_241 = vector.shape_cast %swap3A_240 : vector<1x128xf32> to vector<128xf32>
      %swap3A_242 = vector.shape_cast %reduce_sum3A_237 : vector<128xf32> to vector<1x128xf32>
      tpu.vector_store %arg4[%swap3A_238, %swap3A_239], %swap3A_242 {strides = array<i32>} : memref<10x128xf32, #tpu.memory_space<vmem>>, vector<1x128xf32>,
      %get3A_243 = arith.constant 16 : index
      %get3A_244 = arith.constant 0 : index
      %get3A_245 = vector.load %arg5[%get3A_243, %get3A_244] : memref<80x1024xf32, #tpu.memory_space<vmem>>, vector<8x1024xf32>
      %slice3A_246 = vector.extract_strided_slice %get3A_245 {offsets = [0, 0], sizes = [8, 512], strides = [1, 1]} : vector<8x1024xf32> to vector<8x512xf32>
      %slice3A_247 = vector.extract_strided_slice %get3A_245 {offsets = [0, 512], sizes = [8, 512], strides = [1, 1]} : vector<8x1024xf32> to vector<8x512xf32>
      %add3A_248 = arith.addf %slice3A_246, %slice3A_247 : vector<8x512xf32>
      %slice3A_249 = vector.extract_strided_slice %add3A_248 {offsets = [0, 0], sizes = [8, 256], strides = [1, 1]} : vector<8x512xf32> to vector<8x256xf32>
      %slice3A_250 = vector.extract_strided_slice %add3A_248 {offsets = [0, 256], sizes = [8, 256], strides = [1, 1]} : vector<8x512xf32> to vector<8x256xf32>
      %add3A_251 = arith.addf %slice3A_249, %slice3A_250 : vector<8x256xf32>
      %slice3A_252 = vector.extract_strided_slice %add3A_251 {offsets = [0, 0], sizes = [8, 128], strides = [1, 1]} : vector<8x256xf32> to vector<8x128xf32>
      %slice3A_253 = vector.extract_strided_slice %add3A_251 {offsets = [0, 128], sizes = [8, 128], strides = [1, 1]} : vector<8x256xf32> to vector<8x128xf32>
      %add3A_254 = arith.addf %slice3A_252, %slice3A_253 : vector<8x128xf32>
      %reduce_sum3A_255 = arith.constant dense<0.000000e+00> : vector<128xf32>
      %reduce_sum3A_256 = vector.multi_reduction <add>, %add3A_254, %reduce_sum3A_255 [0] : vector<8x128xf32> to vector<128xf32>
      %swap3A_257 = arith.constant 2 : index
      %swap3A_258 = arith.constant 0 : index
      %swap3A_259 = vector.load %arg4[%swap3A_257, %swap3A_258] : memref<10x128xf32, #tpu.memory_space<vmem>>, vector<1x128xf32>
      %swap3A_260 = vector.shape_cast %swap3A_259 : vector<1x128xf32> to vector<128xf32>
      %swap3A_261 = vector.shape_cast %reduce_sum3A_256 : vector<128xf32> to vector<1x128xf32>
      tpu.vector_store %arg4[%swap3A_257, %swap3A_258], %swap3A_261 {strides = array<i32>} : memref<10x128xf32, #tpu.memory_space<vmem>>, vector<1x128xf32>,
      %get3A_262 = arith.constant 24 : index
      %get3A_263 = arith.constant 0 : index
      %get3A_264 = vector.load %arg5[%get3A_262, %get3A_263] : memref<80x1024xf32, #tpu.memory_space<vmem>>, vector<8x1024xf32>
      %slice3A_265 = vector.extract_strided_slice %get3A_264 {offsets = [0, 0], sizes = [8, 512], strides = [1, 1]} : vector<8x1024xf32> to vector<8x512xf32>
      %slice3A_266 = vector.extract_strided_slice %get3A_264 {offsets = [0, 512], sizes = [8, 512], strides = [1, 1]} : vector<8x1024xf32> to vector<8x512xf32>
      %add3A_267 = arith.addf %slice3A_265, %slice3A_266 : vector<8x512xf32>
      %slice3A_268 = vector.extract_strided_slice %add3A_267 {offsets = [0, 0], sizes = [8, 256], strides = [1, 1]} : vector<8x512xf32> to vector<8x256xf32>
      %slice3A_269 = vector.extract_strided_slice %add3A_267 {offsets = [0, 256], sizes = [8, 256], strides = [1, 1]} : vector<8x512xf32> to vector<8x256xf32>
      %add3A_270 = arith.addf %slice3A_268, %slice3A_269 : vector<8x256xf32>
      %slice3A_271 = vector.extract_strided_slice %add3A_270 {offsets = [0, 0], sizes = [8, 128], strides = [1, 1]} : vector<8x256xf32> to vector<8x128xf32>
      %slice3A_272 = vector.extract_strided_slice %add3A_270 {offsets = [0, 128], sizes = [8, 128], strides = [1, 1]} : vector<8x256xf32> to vector<8x128xf32>
      %add3A_273 = arith.addf %slice3A_271, %slice3A_272 : vector<8x128xf32>
      %reduce_sum3A_274 = arith.constant dense<0.000000e+00> : vector<128xf32>
      %reduce_sum3A_275 = vector.multi_reduction <add>, %add3A_273, %reduce_sum3A_274 [0] : vector<8x128xf32> to vector<128xf32>
      %swap3A_276 = arith.constant 3 : index
      %swap3A_277 = arith.constant 0 : index
      %swap3A_278 = vector.load %arg4[%swap3A_276, %swap3A_277] : memref<10x128xf32, #tpu.memory_space<vmem>>, vector<1x128xf32>
      %swap3A_279 = vector.shape_cast %swap3A_278 : vector<1x128xf32> to vector<128xf32>
      %swap3A_280 = vector.shape_cast %reduce_sum3A_275 : vector<128xf32> to vector<1x128xf32>
      tpu.vector_store %arg4[%swap3A_276, %swap3A_277], %swap3A_280 {strides = array<i32>} : memref<10x128xf32, #tpu.memory_space<vmem>>, vector<1x128xf32>,
      %get3A_281 = arith.constant 32 : index
      %get3A_282 = arith.constant 0 : index
      %get3A_283 = vector.load %arg5[%get3A_281, %get3A_282] : memref<80x1024xf32, #tpu.memory_space<vmem>>, vector<8x1024xf32>
      %slice3A_284 = vector.extract_strided_slice %get3A_283 {offsets = [0, 0], sizes = [8, 512], strides = [1, 1]} : vector<8x1024xf32> to vector<8x512xf32>
      %slice3A_285 = vector.extract_strided_slice %get3A_283 {offsets = [0, 512], sizes = [8, 512], strides = [1, 1]} : vector<8x1024xf32> to vector<8x512xf32>
      %add3A_286 = arith.addf %slice3A_284, %slice3A_285 : vector<8x512xf32>
      %slice3A_287 = vector.extract_strided_slice %add3A_286 {offsets = [0, 0], sizes = [8, 256], strides = [1, 1]} : vector<8x512xf32> to vector<8x256xf32>
      %slice3A_288 = vector.extract_strided_slice %add3A_286 {offsets = [0, 256], sizes = [8, 256], strides = [1, 1]} : vector<8x512xf32> to vector<8x256xf32>
      %add3A_289 = arith.addf %slice3A_287, %slice3A_288 : vector<8x256xf32>
      %slice3A_290 = vector.extract_strided_slice %add3A_289 {offsets = [0, 0], sizes = [8, 128], strides = [1, 1]} : vector<8x256xf32> to vector<8x128xf32>
      %slice3A_291 = vector.extract_strided_slice %add3A_289 {offsets = [0, 128], sizes = [8, 128], strides = [1, 1]} : vector<8x256xf32> to vector<8x128xf32>
      %add3A_292 = arith.addf %slice3A_290, %slice3A_291 : vector<8x128xf32>
      %reduce_sum3A_293 = arith.constant dense<0.000000e+00> : vector<128xf32>
      %reduce_sum3A_294 = vector.multi_reduction <add>, %add3A_292, %reduce_sum3A_293 [0] : vector<8x128xf32> to vector<128xf32>
      %swap3A_295 = arith.constant 4 : index
      %swap3A_296 = arith.constant 0 : index
      %swap3A_297 = vector.load %arg4[%swap3A_295, %swap3A_296] : memref<10x128xf32, #tpu.memory_space<vmem>>, vector<1x128xf32>
      %swap3A_298 = vector.shape_cast %swap3A_297 : vector<1x128xf32> to vector<128xf32>
      %swap3A_299 = vector.shape_cast %reduce_sum3A_294 : vector<128xf32> to vector<1x128xf32>
      tpu.vector_store %arg4[%swap3A_295, %swap3A_296], %swap3A_299 {strides = array<i32>} : memref<10x128xf32, #tpu.memory_space<vmem>>, vector<1x128xf32>,
      %get3A_300 = arith.constant 40 : index
      %get3A_301 = arith.constant 0 : index
      %get3A_302 = vector.load %arg5[%get3A_300, %get3A_301] : memref<80x1024xf32, #tpu.memory_space<vmem>>, vector<8x1024xf32>
      %slice3A_303 = vector.extract_strided_slice %get3A_302 {offsets = [0, 0], sizes = [8, 512], strides = [1, 1]} : vector<8x1024xf32> to vector<8x512xf32>
      %slice3A_304 = vector.extract_strided_slice %get3A_302 {offsets = [0, 512], sizes = [8, 512], strides = [1, 1]} : vector<8x1024xf32> to vector<8x512xf32>
      %add3A_305 = arith.addf %slice3A_303, %slice3A_304 : vector<8x512xf32>
      %slice3A_306 = vector.extract_strided_slice %add3A_305 {offsets = [0, 0], sizes = [8, 256], strides = [1, 1]} : vector<8x512xf32> to vector<8x256xf32>
      %slice3A_307 = vector.extract_strided_slice %add3A_305 {offsets = [0, 256], sizes = [8, 256], strides = [1, 1]} : vector<8x512xf32> to vector<8x256xf32>
      %add3A_308 = arith.addf %slice3A_306, %slice3A_307 : vector<8x256xf32>
      %slice3A_309 = vector.extract_strided_slice %add3A_308 {offsets = [0, 0], sizes = [8, 128], strides = [1, 1]} : vector<8x256xf32> to vector<8x128xf32>
      %slice3A_310 = vector.extract_strided_slice %add3A_308 {offsets = [0, 128], sizes = [8, 128], strides = [1, 1]} : vector<8x256xf32> to vector<8x128xf32>
      %add3A_311 = arith.addf %slice3A_309, %slice3A_310 : vector<8x128xf32>
      %reduce_sum3A_312 = arith.constant dense<0.000000e+00> : vector<128xf32>
      %reduce_sum3A_313 = vector.multi_reduction <add>, %add3A_311, %reduce_sum3A_312 [0] : vector<8x128xf32> to vector<128xf32>
      %swap3A_314 = arith.constant 5 : index
      %swap3A_315 = arith.constant 0 : index
      %swap3A_316 = vector.load %arg4[%swap3A_314, %swap3A_315] : memref<10x128xf32, #tpu.memory_space<vmem>>, vector<1x128xf32>
      %swap3A_317 = vector.shape_cast %swap3A_316 : vector<1x128xf32> to vector<128xf32>
      %swap3A_318 = vector.shape_cast %reduce_sum3A_313 : vector<128xf32> to vector<1x128xf32>
      tpu.vector_store %arg4[%swap3A_314, %swap3A_315], %swap3A_318 {strides = array<i32>} : memref<10x128xf32, #tpu.memory_space<vmem>>, vector<1x128xf32>,
      %get3A_319 = arith.constant 48 : index
      %get3A_320 = arith.constant 0 : index
      %get3A_321 = vector.load %arg5[%get3A_319, %get3A_320] : memref<80x1024xf32, #tpu.memory_space<vmem>>, vector<8x1024xf32>
      %slice3A_322 = vector.extract_strided_slice %get3A_321 {offsets = [0, 0], sizes = [8, 512], strides = [1, 1]} : vector<8x1024xf32> to vector<8x512xf32>
      %slice3A_323 = vector.extract_strided_slice %get3A_321 {offsets = [0, 512], sizes = [8, 512], strides = [1, 1]} : vector<8x1024xf32> to vector<8x512xf32>
      %add3A_324 = arith.addf %slice3A_322, %slice3A_323 : vector<8x512xf32>
      %slice3A_325 = vector.extract_strided_slice %add3A_324 {offsets = [0, 0], sizes = [8, 256], strides = [1, 1]} : vector<8x512xf32> to vector<8x256xf32>
      %slice3A_326 = vector.extract_strided_slice %add3A_324 {offsets = [0, 256], sizes = [8, 256], strides = [1, 1]} : vector<8x512xf32> to vector<8x256xf32>
      %add3A_327 = arith.addf %slice3A_325, %slice3A_326 : vector<8x256xf32>
      %slice3A_328 = vector.extract_strided_slice %add3A_327 {offsets = [0, 0], sizes = [8, 128], strides = [1, 1]} : vector<8x256xf32> to vector<8x128xf32>
      %slice3A_329 = vector.extract_strided_slice %add3A_327 {offsets = [0, 128], sizes = [8, 128], strides = [1, 1]} : vector<8x256xf32> to vector<8x128xf32>
      %add3A_330 = arith.addf %slice3A_328, %slice3A_329 : vector<8x128xf32>
      %reduce_sum3A_331 = arith.constant dense<0.000000e+00> : vector<128xf32>
      %reduce_sum3A_332 = vector.multi_reduction <add>, %add3A_330, %reduce_sum3A_331 [0] : vector<8x128xf32> to vector<128xf32>
      %swap3A_333 = arith.constant 6 : index
      %swap3A_334 = arith.constant 0 : index
      %swap3A_335 = vector.load %arg4[%swap3A_333, %swap3A_334] : memref<10x128xf32, #tpu.memory_space<vmem>>, vector<1x128xf32>
      %swap3A_336 = vector.shape_cast %swap3A_335 : vector<1x128xf32> to vector<128xf32>
      %swap3A_337 = vector.shape_cast %reduce_sum3A_332 : vector<128xf32> to vector<1x128xf32>
      tpu.vector_store %arg4[%swap3A_333, %swap3A_334], %swap3A_337 {strides = array<i32>} : memref<10x128xf32, #tpu.memory_space<vmem>>, vector<1x128xf32>,
      %get3A_338 = arith.constant 56 : index
      %get3A_339 = arith.constant 0 : index
      %get3A_340 = vector.load %arg5[%get3A_338, %get3A_339] : memref<80x1024xf32, #tpu.memory_space<vmem>>, vector<8x1024xf32>
      %slice3A_341 = vector.extract_strided_slice %get3A_340 {offsets = [0, 0], sizes = [8, 512], strides = [1, 1]} : vector<8x1024xf32> to vector<8x512xf32>
      %slice3A_342 = vector.extract_strided_slice %get3A_340 {offsets = [0, 512], sizes = [8, 512], strides = [1, 1]} : vector<8x1024xf32> to vector<8x512xf32>
      %add3A_343 = arith.addf %slice3A_341, %slice3A_342 : vector<8x512xf32>
      %slice3A_344 = vector.extract_strided_slice %add3A_343 {offsets = [0, 0], sizes = [8, 256], strides = [1, 1]} : vector<8x512xf32> to vector<8x256xf32>
      %slice3A_345 = vector.extract_strided_slice %add3A_343 {offsets = [0, 256], sizes = [8, 256], strides = [1, 1]} : vector<8x512xf32> to vector<8x256xf32>
      %add3A_346 = arith.addf %slice3A_344, %slice3A_345 : vector<8x256xf32>
      %slice3A_347 = vector.extract_strided_slice %add3A_346 {offsets = [0, 0], sizes = [8, 128], strides = [1, 1]} : vector<8x256xf32> to vector<8x128xf32>
      %slice3A_348 = vector.extract_strided_slice %add3A_346 {offsets = [0, 128], sizes = [8, 128], strides = [1, 1]} : vector<8x256xf32> to vector<8x128xf32>
      %add3A_349 = arith.addf %slice3A_347, %slice3A_348 : vector<8x128xf32>
      %reduce_sum3A_350 = arith.constant dense<0.000000e+00> : vector<128xf32>
      %reduce_sum3A_351 = vector.multi_reduction <add>, %add3A_349, %reduce_sum3A_350 [0] : vector<8x128xf32> to vector<128xf32>
      %swap3A_352 = arith.constant 7 : index
      %swap3A_353 = arith.constant 0 : index
      %swap3A_354 = vector.load %arg4[%swap3A_352, %swap3A_353] : memref<10x128xf32, #tpu.memory_space<vmem>>, vector<1x128xf32>
      %swap3A_355 = vector.shape_cast %swap3A_354 : vector<1x128xf32> to vector<128xf32>
      %swap3A_356 = vector.shape_cast %reduce_sum3A_351 : vector<128xf32> to vector<1x128xf32>
      tpu.vector_store %arg4[%swap3A_352, %swap3A_353], %swap3A_356 {strides = array<i32>} : memref<10x128xf32, #tpu.memory_space<vmem>>, vector<1x128xf32>,
      %get3A_357 = arith.constant 64 : index
      %get3A_358 = arith.constant 0 : index
      %get3A_359 = vector.load %arg5[%get3A_357, %get3A_358] : memref<80x1024xf32, #tpu.memory_space<vmem>>, vector<8x1024xf32>
      %slice3A_360 = vector.extract_strided_slice %get3A_359 {offsets = [0, 0], sizes = [8, 512], strides = [1, 1]} : vector<8x1024xf32> to vector<8x512xf32>
      %slice3A_361 = vector.extract_strided_slice %get3A_359 {offsets = [0, 512], sizes = [8, 512], strides = [1, 1]} : vector<8x1024xf32> to vector<8x512xf32>
      %add3A_362 = arith.addf %slice3A_360, %slice3A_361 : vector<8x512xf32>
      %slice3A_363 = vector.extract_strided_slice %add3A_362 {offsets = [0, 0], sizes = [8, 256], strides = [1, 1]} : vector<8x512xf32> to vector<8x256xf32>
      %slice3A_364 = vector.extract_strided_slice %add3A_362 {offsets = [0, 256], sizes = [8, 256], strides = [1, 1]} : vector<8x512xf32> to vector<8x256xf32>
      %add3A_365 = arith.addf %slice3A_363, %slice3A_364 : vector<8x256xf32>
      %slice3A_366 = vector.extract_strided_slice %add3A_365 {offsets = [0, 0], sizes = [8, 128], strides = [1, 1]} : vector<8x256xf32> to vector<8x128xf32>
      %slice3A_367 = vector.extract_strided_slice %add3A_365 {offsets = [0, 128], sizes = [8, 128], strides = [1, 1]} : vector<8x256xf32> to vector<8x128xf32>
      %add3A_368 = arith.addf %slice3A_366, %slice3A_367 : vector<8x128xf32>
      %reduce_sum3A_369 = arith.constant dense<0.000000e+00> : vector<128xf32>
      %reduce_sum3A_370 = vector.multi_reduction <add>, %add3A_368, %reduce_sum3A_369 [0] : vector<8x128xf32> to vector<128xf32>
      %swap3A_371 = arith.constant 8 : index
      %swap3A_372 = arith.constant 0 : index
      %swap3A_373 = vector.load %arg4[%swap3A_371, %swap3A_372] : memref<10x128xf32, #tpu.memory_space<vmem>>, vector<1x128xf32>
      %swap3A_374 = vector.shape_cast %swap3A_373 : vector<1x128xf32> to vector<128xf32>
      %swap3A_375 = vector.shape_cast %reduce_sum3A_370 : vector<128xf32> to vector<1x128xf32>
      tpu.vector_store %arg4[%swap3A_371, %swap3A_372], %swap3A_375 {strides = array<i32>} : memref<10x128xf32, #tpu.memory_space<vmem>>, vector<1x128xf32>,
      %get3A_376 = arith.constant 72 : index
      %get3A_377 = arith.constant 0 : index
      %get3A_378 = vector.load %arg5[%get3A_376, %get3A_377] : memref<80x1024xf32, #tpu.memory_space<vmem>>, vector<8x1024xf32>
      %slice3A_379 = vector.extract_strided_slice %get3A_378 {offsets = [0, 0], sizes = [8, 512], strides = [1, 1]} : vector<8x1024xf32> to vector<8x512xf32>
      %slice3A_380 = vector.extract_strided_slice %get3A_378 {offsets = [0, 512], sizes = [8, 512], strides = [1, 1]} : vector<8x1024xf32> to vector<8x512xf32>
      %add3A_381 = arith.addf %slice3A_379, %slice3A_380 : vector<8x512xf32>
      %slice3A_382 = vector.extract_strided_slice %add3A_381 {offsets = [0, 0], sizes = [8, 256], strides = [1, 1]} : vector<8x512xf32> to vector<8x256xf32>
      %slice3A_383 = vector.extract_strided_slice %add3A_381 {offsets = [0, 256], sizes = [8, 256], strides = [1, 1]} : vector<8x512xf32> to vector<8x256xf32>
      %add3A_384 = arith.addf %slice3A_382, %slice3A_383 : vector<8x256xf32>
      %slice3A_385 = vector.extract_strided_slice %add3A_384 {offsets = [0, 0], sizes = [8, 128], strides = [1, 1]} : vector<8x256xf32> to vector<8x128xf32>
      %slice3A_386 = vector.extract_strided_slice %add3A_384 {offsets = [0, 128], sizes = [8, 128], strides = [1, 1]} : vector<8x256xf32> to vector<8x128xf32>
      %add3A_387 = arith.addf %slice3A_385, %slice3A_386 : vector<8x128xf32>
      %reduce_sum3A_388 = arith.constant dense<0.000000e+00> : vector<128xf32>
      %reduce_sum3A_389 = vector.multi_reduction <add>, %add3A_387, %reduce_sum3A_388 [0] : vector<8x128xf32> to vector<128xf32>
      %swap3A_390 = arith.constant 9 : index
      %swap3A_391 = arith.constant 0 : index
      %swap3A_392 = vector.load %arg4[%swap3A_390, %swap3A_391] : memref<10x128xf32, #tpu.memory_space<vmem>>, vector<1x128xf32>
      %swap3A_393 = vector.shape_cast %swap3A_392 : vector<1x128xf32> to vector<128xf32>
      %swap3A_394 = vector.shape_cast %reduce_sum3A_389 : vector<128xf32> to vector<1x128xf32>
      tpu.vector_store %arg4[%swap3A_390, %swap3A_391], %swap3A_394 {strides = array<i32>} : memref<10x128xf32, #tpu.memory_space<vmem>>, vector<1x128xf32>,
    } else {
    }
    return
  }
  func.func @transform_0(%arg0: i32) -> (i32, i32) {
    %c0_i32 = arith.constant 0 : i32
    %c0_i32_0 = arith.constant 0 : i32
    %c0_i32_1 = arith.constant 0 : i32
    return %c0_i32, %c0_i32_0 : i32, i32
  }
  func.func @transform_1(%arg0: i32) -> (i32, i32) {
    %c0_i32 = arith.constant 0 : i32
    %c0_i32_0 = arith.constant 0 : i32
    %c0_i32_1 = arith.constant 0 : i32
    return %c0_i32, %c0_i32_0 : i32, i32
  }
  func.func @transform_2(%arg0: i32) -> (i32, i32) {
    %add3A = arith.constant 8 : i32
    %add3A_0 = arith.addi %arg0, %add3A : i32
    %c0_i32 = arith.constant 0 : i32
    %c0_i32_1 = arith.constant 0 : i32
    return %add3A_0, %c0_i32 : i32, i32
  }
  func.func @transform_3(%arg0: i32) -> (i32, i32) {
    %c0_i32 = arith.constant 0 : i32
    %c0_i32_0 = arith.constant 0 : i32
    %c0_i32_1 = arith.constant 0 : i32
    return %c0_i32, %c0_i32_0 : i32, i32
  }
}

</mosaic_0001>

<sc_bundles>
// kernel: _run.10.cloned.1.call-start
scs
__scs_entry_jumppad:
0x0: {  	(pc) =	sbr.rel $0x88, $3  }
0x1: {  	(tag) =	ssettag $0x0;
	lr =	simm.s32 $0x1  }
0x2: {  	[smem:$0x3F9F] =	sst lr;
	_ =	strace $0xD0000000  }
0x3: {  	_ = 	snop  }
0x4: {  	_ = 	snop  }
0x5: {  	_ = 	snop  }
0x6: {  	_ = 	snop  }
0x7: {  	_ = 	snop  }
__scs_overlays_trampoline_lowered:
0x8: {  	[smem:$0x3FAE] =	sst s0  }
0x9: {  	[smem:$0x3FAF] =	sst s1  }
0xa: {  	[smem:$0x3FB0] =	sst s2  }
0xb: {  	[smem:$0x3FB1] =	sst s3  }
0xc: {  	[smem:$0x3FB2] =	sst s4  }
0xd: {  	[smem:$0x3FB3] =	sst s5  }
0xe: {  	[smem:$0x3FB4] =	sst s6  }
0xf: {  	[smem:$0x3FB5] =	sst s7  }
0x10: {  	[smem:$0x3FB6] =	sst s8  }
0x11: {  	[smem:$0x3FB7] =	sst s9;
	s0 =	simm.s32 @!p0 $0x0  }
0x12: {  	s1 =	sld [smem:$0x3F9D];
	s0 =	simm.s32 @p0 $0x1  }
0x13: {  	[smem:$0x3FB8] =	sst s0;
	s0 =	simm.s32 @!p1 $0x0  }
0x14: {  	s2 =	sld [smem:$0x3F9C];
	s0 =	simm.s32 @p1 $0x1  }
0x15: {  	[smem:$0x3FB9] =	sst s0;
	s0 =	simm.s32 @!p2 $0x0  }
0x16: {  	s3 =	sld [smem:$0x3FDB];
	s0 =	simm.s32 @p2 $0x1  }
0x17: {  	s4 =	simm.s32 $0x1BF5;
	[smem:$0x3FBB] =	sst s0  }
0x18: {  	s0 =	sld [smem:$0x3F9E];
	_ =	swait.ge [sflag:s4], $0x0  }
0x19: {  	s7 =	sld [smem:$0x3F9F]  }
0x1a: {  	s8 =	sadd.s32 $0xFFFFE003, lr  }
0x1b: {  	s9 =	sadd.s32 $0xFFFFFEF7, lr;
	s5 =	simm.s32 $0xFFFFFFFF;
	p2 =	slt.u32 s8, $0xFFFFF086  }
0x1c: {  	p1 =	slt.u32 s9, $0xF7A;
	s5 =	simm.s32 @!p2 $0x0  }
0x1d: {  	s5 =	simm.s32 @p1 $0x1;
	p0 =	seq.s32 s7, s2  }
0x1e: {  	s7 =	smul.u32 @!p0 $0xF7A, s2;
	p2 =	seq.s32 @!p0 s5, $0x0  }
0x1f: {  	s9 =	smul.u32 $0xF7A, s1;
	s8 =	simm.s32 @!p0 $0x1BF5;
	p2 =	por !p2, p0  }
0x20: {  	[sflag:s8] =	ssyncset.s32 @!p0 $0xFFFFF086;
	s6 =	sadd.s32 @!p0 s3, s7;
	s7 =	simm.s32 @!p0 $0x108  }
0x21: {  	s3 =	sadd.s32 s3, s9;
	s6 =	sadd.s32 @!p0 $0x88, s6;
	s7 =	simm.s32 @p2 $0x1082  }
0x22: {  	[simem:s7], [sflag:s8] =	dma.local @!p0 [hbm:s6], $0xF7A  }
0x23: {  	s9 =	sor.u32 $0xD0000000, s2;
	s6 =	simm.s32 $0x108;
	_ =	swait.ge @!p0 [sflag:s8], $0x0  }
0x24: {  	s3 =	sadd.s32 $0x88, s3;
	s6 =	simm.s32 @!p1 $0x1082;
	[sflag:s4] =	ssyncset.s32 $0xFFFFF086  }
0x25: {  	[simem:s6], [sflag:s4] =	dma.local [hbm:s3], $0xF7A  }
0x26: {  	[smem:$0x3F9F] =	sst s1;
	(tag) =	ssettag s2;
	_ =	strace s9  }
0x27: {  	s1 =	sld [smem:$0x3FAF]  }
0x28: {  	s2 =	sld [smem:$0x3FB0]  }
0x29: {  	s4 =	sld [smem:$0x3FB2]  }
0x2a: {  	p0 =	seq.s32 s5, $0x0;
	s5 =	sld [smem:$0x3FB3]  }
0x2b: {  	s6 =	sld [smem:$0x3FB4]  }
0x2c: {  	s7 =	sld [smem:$0x3FB5]  }
0x2d: {  	s3 =	simm.s32 $0x108;
	s8 =	sld [smem:$0x3FB6]  }
0x2e: {  	s3 =	simm.s32 @!p0 $0x1082;
	s9 =	sld [smem:$0x3FB7]  }
0x2f: {  	lr =	sadd.s32 s0, s3;
	s0 =	sld [smem:$0x3FAE]  }
0x30: {  	s3 =	sld [smem:$0x3FB1]  }
0x31: {  	[smem:$0x3FBA] =	sst s10  }
0x32: {  	s10 =	sld [smem:$0x3FB8];
	_ =	sdelay $0x3  }
0x33: {  	p0 =	seq.s32 s10, $0x1;
	s10 =	sld [smem:$0x3FBA];
	_ =	sdelay $0x3  }
0x34: {  	[smem:$0x3FBA] =	sst s10  }
0x35: {  	s10 =	sld [smem:$0x3FB9];
	_ =	sdelay $0x3  }
0x36: {  	p1 =	seq.s32 s10, $0x1;
	s10 =	sld [smem:$0x3FBA];
	_ =	sdelay $0x3  }
0x37: {  	[smem:$0x3FBA] =	sst s10  }
0x38: {  	s10 =	sld [smem:$0x3FBB]  }
0x39: {  	_ = 	snop;
	(pc) =	sbr.ind lr, $3  }
0x3a: {  	_ = 	snop  }
0x3b: {  	_ = 	snop  }
0x3c: {  	p2 =	seq.s32 s10, $0x1;
	s10 =	sld [smem:$0x3FBA]  }
0x3d: {  	_ =	shalt  }
0x3e: {  	_ =	shalt  }
0x3f: {  	_ =	shalt  }
0x40: {  	_ =	shalt  }
0x41: {  	_ =	shalt  }
0x42: {  	_ =	shalt  }
0x43: {  	_ =	shalt  }
0x44: {  	_ =	shalt  }
0x45: {  	_ =	shalt  }
0x46: {  	_ =	shalt  }
0x47: {  	_ =	shalt  }
0x48: {  	_ =	shalt  }
0x49: {  	_ =	shalt  }
0x4a: {  	_ =	shalt  }
0x4b: {  	_ =	shalt  }
0x4c: {  	_ =	shalt  }
0x4d: {  	_ =	shalt  }
0x4e: {  	_ =	shalt  }
0x4f: {  	_ =	shalt  }
0x50: {  	_ =	shalt  }
0x51: {  	_ =	shalt  }
0x52: {  	_ =	shalt  }
0x53: {  	_ =	shalt  }
0x54: {  	_ =	shalt  }
0x55: {  	_ =	shalt  }
0x56: {  	_ =	shalt  }
0x57: {  	_ =	shalt  }
0x58: {  	_ =	shalt  }
0x59: {  	_ =	shalt  }
0x5a: {  	_ =	shalt  }
0x5b: {  	_ =	shalt  }
0x5c: {  	_ =	shalt  }
0x5d: {  	_ =	shalt  }
0x5e: {  	_ =	shalt  }
0x5f: {  	_ =	shalt  }
0x60: {  	_ =	shalt  }
0x61: {  	_ =	shalt  }
0x62: {  	_ =	shalt  }
0x63: {  	_ =	shalt  }
0x64: {  	_ =	shalt  }
0x65: {  	_ =	shalt  }
0x66: {  	_ =	shalt  }
0x67: {  	_ =	shalt  }
0x68: {  	_ =	shalt  }
0x69: {  	_ =	shalt  }
0x6a: {  	_ =	shalt  }
0x6b: {  	_ =	shalt  }
0x6c: {  	_ =	shalt  }
0x6d: {  	_ =	shalt  }
0x6e: {  	_ =	shalt  }
0x6f: {  	_ =	shalt  }
0x70: {  	_ =	shalt  }
0x71: {  	_ =	shalt  }
0x72: {  	_ =	shalt  }
0x73: {  	_ =	shalt  }
0x74: {  	_ =	shalt  }
0x75: {  	_ =	shalt  }
0x76: {  	_ =	shalt  }
0x77: {  	_ =	shalt  }
0x78: {  	_ =	shalt  }
0x79: {  	_ =	shalt  }
0x7a: {  	_ =	shalt  }
0x7b: {  	_ =	shalt  }
0x7c: {  	_ =	shalt  }
0x7d: {  	_ =	shalt  }
0x7e: {  	_ =	shalt  }
0x7f: {  	_ =	shalt  }
0x80: {  	_ =	shalt  }
0x81: {  	_ =	shalt  }
0x82: {  	_ =	shalt  }
0x83: {  	_ =	shalt  }
0x84: {  	_ =	shalt  }
0x85: {  	_ =	shalt  }
0x86: {  	_ =	shalt  }
0x87: {  	_ =	shalt  }
.Lfunc_end0:
.L_simem_size_0:
called_computation.1_lowered:
.L_overlay_start_0:
0x88: {  	s2 =	sld [smem:$0x3FD9]  }
0x89: {  	s3 =	sld [smem:$0x3FFE];
	_ =	sdelay $0x1  }
0x8a: {  	s1 =	srdreg.scid  }
0x8b: {  	s0 =	sand.u32 $0x1, s1  }
0x8c: {  	s17 =	sshll.u32 s0, $0xA;
	s2 =	sadd.s32 s3, s2  }
0x8d: {  	s2 =	sadd.s32 s2, s17  }
0x8e: {  	[smem:$0x3FC6] =	sst s2  }
0x8f: {  	_ = 	snop  }
0x90: {  	s2 =	sld [smem:$0x3FC9]  }
0x91: {  	s18 =	sld [smem:$0x3FC8];
	(tm) =	ssettm $0x1  }
0x92: {  	s4 =	sld [smem:$0x3FFB];
	_ =	sdelay $0x3  }
0x93: {  	_ =	strace s4  }
0x94: {  	s4 =	sld [smem:$0x3FFC];
	_ =	sdelay $0x3  }
0x95: {  	_ =	strace s4  }
0x96: {  	s4 =	sld [smem:$0x3FFD];
	_ =	sdelay $0x3  }
0x97: {  	_ =	strace s4  }
0x98: {  	_ =	strace $0x8FFFFFFF  }
0x99: {  	s19 =	sld [smem:$0x3FDB];
	_ =	sdelay $0x1  }
0x9a: {  	s5 =	simm.s32 $_scs_section_size  }
0x9b: {  	s6 =	simm.s32 $_size__tile_overlayer_lowered;
	s7 =	simm.s32 $_tile_overlayer_lowered  }
0x9c: {  	s22 =	simm.s32 $0x1BFF;
	s21 =	sshll.u32 s7, $0x1;
	s4 =	sadd.s32 s5, s19  }
0x9d: {  	s8 =	simm.s32 $0x0;
	s20 =	sshll.u32 s6, $0x1;
	s6 =	sadd.s32 s21, s4  }
0x9e: {  	[timem:s8], [sflag:s22] =	dma.local [hbm:s6], s20  }
0x9f: {  	_ =	swait.ge [sflag:s22], s20  }
0xa0: {  	s5 =	ssub.s32 $0x0, s20;
	[sflag:s22] =	ssyncset.done $0x0  }
0xa1: {  	[sflag:s22] =	ssyncadd.s32 s5;
	_ =	sdelay $0x1  }
0xa2: {  	s23 =	simm.s32 $0x1B8B  }
0xa3: {  	_ =	swait.ge [sflag:s23], $0x1  }
0xa4: {  	[sflag:s23] =	ssyncset.done $0x0  }
0xa5: {  	s25 =	simm.s32 $0x1B8E;
	s24 =	sld [smem:$0x3FFE];
	[sflag:s23] =	ssyncadd.s32 $0xFFFFFFFF  }
0xa6: {  	s26 =	simm.s32 $execute0_lowered;
	[smem:$0x3FD2] =	sst s25  }
0xa7: {  	s6 =	sshll.u32 s26, $0x1;
	_ =	strace $0x80000049;
	[dreg:$0x1] =	wrdreg $0xFFFFFFFF  }
0xa8: {  	s28 =	simm.s32 $_size_execute0_lowered;
	s4 =	sadd.s32 s4, s6;
	[dreg:$0x0] =	wrdreg $0x0  }
0xa9: {  	s6 =	sshll.u32 s28, $0x1;
	[dreg:$0x2] =	wrdreg s4  }
0xaa: {  	[dreg:$0x3] =	wrdreg s6  }
0xab: {  	[dreg:$0x4] =	wrdreg $0xC0  }
0xac: {  	_ =	task [dreg:s8], $0x5FFFF  }
0xad: {  	[dreg:$0x1] =	wrdreg $0xFFFFFFFF  }
0xae: {  	[dreg:$0x0] =	wrdreg $0x60  }
0xaf: {  	[dreg:$0x2] =	wrdreg s2  }
0xb0: {  	[dreg:$0x3] =	wrdreg s18  }
0xb1: {  	[dreg:$0x4] =	wrdreg s24  }
0xb2: {  	[dreg:$0x5] =	wrdreg $0x9  }
0xb3: {  	_ =	task.clear_ibuf [dreg:s8], $0x6FFFF;
	_ =	strace $0x90000049  }
0xb4: {  	s29 =	simm.s32 $0x9;
	_ =	strace $0x8000004B  }
0xb5: {  	_ =	swait.ge [sflag:s29], $0x1  }
0xb6: {  	[sflag:s29] =	ssyncadd.s32 $0xFFFFFFFF  }
0xb7: {  	_ =	strace $0x9000004B  }
0xb8: {  	_ =	sfence  }
0xb9: {  	s30 =	sld [smem:$0x0];
	_ =	sdelay $0x2  }
0xba: {  	s31 =	sshll.u32 s1, $0xD;
	s1 =	sshrl.u32 s1, $0x2  }
0xbb: {  	s3 =	sand.u32 $0x4000, s31;
	s1 =	sadd.s32 s1, s30  }
0xbc: {  	s0 =	sor.u32 s3, s0;
	s1 =	sshll.u32 s1, $0x11  }
0xbd: {  	s0 =	sor.u32 s1, s0  }
0xbe: {  	s0 =	sadd.s32 $0x8F2B, s0  }
0xbf: {  	[sflag:s0] =	ssyncadd.remote.s32 $0x1  }
0xc0: {  	_ =	sfence.sel $0xFFFF  }
0xc1: {  	[dreg:$0x0] =	wrdreg $0xFFFFFFFF;
	(pc) =	sbr.abs _section_cstart, $3  }
0xc2: {  	[dreg:$0x1] =	wrdreg $0xFFFFFFFF  }
0xc3: {  	_ =	task.clear_ibuf [dreg:s8], $0x2FFFF;
	_ =	strace $0x9FFFFFFF  }
0xc4: {  	(tm) =	ssettm $0x7FFFFFFF  }
0xc5: {  	_ =	shalt  }
tec
execute0_lowered:
.L_overlay_start_1:
0x0: {  	(tag) =	ssettag $0x1  }
0x1: {  	v0 =	vimm.s32 $0xBA98FEDC;
	v1 =	vimm.s32 $0x32107654  }
0x2: {  	s6 =	rddreg [dreg:$0x0];
	v0 =	vunpack.c.l.s4.s8 v0;
	v1 =	vunpack.c.l.s4.s8 v1  }
0x3: {  	s1 =	rddreg [dreg:$0x1]  }
0x4: {  	s7 =	rddreg [dreg:$0x2];
	v0 =	vunpack.c.0.s8.s32 v0;
	v1 =	vunpack.c.0.s8.s32 v1  }
0x5: {  	s0 =	rddreg [dreg:$0x3];
	v3 =	vimm.s32 $0xFEDCBA98;
	v4 =	vimm.s32 $0xDCFE98BA  }
0x6: {  	s2 =	simm.s32 $0x0;
	s5 =	srdreg.scid;
	s3 =	stileid.u32;
	v3 =	vunpack.c.l.s4.s8 v3;
	v5 =	vcombine.low v1, v0;
	v1 =	vimm.s32 $0x54761032  }
0x7: {  	v2 =	vimm.s32 $0x76543210;
	s16 =	simm.s32 $0x3;
	s17 =	simm.s32 $0x8400;
	s18 =	simm.s32 $0x8900;
	v0 =	vunpack.c.l.s4.s8 v4;
	v1 =	vunpack.c.l.s4.s8 v1  }
0x8: {  	v6 =	vimm.s32 $0x67452301;
	s19 =	simm.s32 $0x4000;
	s20 =	simm.s32 $0x1;
	s21 =	simm.s32 $0x8800;
	v2 =	vunpack.c.l.s4.s8 v2;
	v3 =	vunpack.c.0.s8.s32 v3  }
0x9: {  	s22 =	simm.s32 $0x2;
	s23 =	simm.s32 $0x0;
	[smem:$0x7FF] =	sst s2;
	v4 =	vimm.s32 $0xEFCDAB89;
	v0 =	vunpack.c.0.s8.s32 v0;
	v1 =	vunpack.c.0.s8.s32 v1  }
0xa: {  	s4 =	sadd.s32 $0x2400, s7;
	s8 =	sand.u32 $0x1, s5;
	s30 =	sshll.u32 s3, $0x1;
	v6 =	vunpack.c.l.s4.s8 v6;
	v2 =	vunpack.c.0.s8.s32 v2;
	v4 =	vunpack.c.l.s4.s8 v4  }
0xb: {  	s5 =	sadd.s32 $0x2600, s7;
	_ =	strace $0x8000004A;
	s9 =	sor.u32 s8, s30;
	v7 =	vcombine.low v1, v0;
	v1 =	vand.u32 $0xF, v3  }
0xc: {  	s8 =	ssub.s32 $0x2, s8;
	s10 =	sshll.u32 s9, $0x1;
	s12 =	sshll.u32 s9, $0xD;
	v6 =	vunpack.c.0.s8.s32 v6;
	v4 =	vunpack.c.0.s8.s32 v4;
	v1 =	vcombine.low v1, v2  }
0xd: {  	s11 =	sshrl.u32 s8, $0x1;
	s13 =	smul.u32 $0x30000, s9;
	s6 =	sadd.s32 s6, s12  }
0xe: {  	s14 =	sadd.s32 s10, s7;
	s15 =	ssub.s32 s8, s11;
	s7 =	sadd.s32 $0x800, s6;
	v0 =	vlaneseq.u32;
	v4 =	vcombine.low v6, v4;
	[tilespmem:$0x1FFC0] =	vst v1;
	v1 =	vand.u32 $0xF, v5  }
0xf: {  	s8 =	sadd.s32 $0x1000, s6;
	s31 =	sshrl.u32 s13, $0x3;
	s9 =	sadd.s32 $0x2800, s14;
	v0 =	vmul.u32 $0x10, v0;
	[tilespmem:$0x1FFD0] =	vst v1;
	v1 =	vand.u32 $0xF, v7  }
0x10: {  	s11 =	sor.u32 $0x4000, s13;
	s12 =	sor.u32 $0x8000, s13;
	s13 =	sadd.s32 $0x2A00, s14;
	[tilespmem:$0x1FFE0] =	vst v1;
	v1 =	vand.u32 $0xF, v4  }
0x11: {  	s14 =	smax.u32 s15, $0x1;
	s15 =	simm.s32 $0x8000;
	s10 =	sadd.s32 s1, s31;
	v6 =	vor.u32 $0x1, v0;
	[tilespmem:$0x1FFF0] =	vst v1  }
.LBB2_1:
0x12: {  	[tilespmem:s15], [sflag:$0x3] =	stream.linear.gather [hbm4b:s4+s2], $0x400, $0x38;
	[tilespmem:$0x8980] =	vst v63  }
0x13: {  	_ =	swait.ge [sflag:s16], $0x400  }
0x14: {  	[sflag:s16] =	ssyncset.done $0x0  }
0x15: {  	[sflag:s16] =	ssyncadd.s32 $0xFFFFFC00  }
0x16: {  	[tilespmem:s17], [sflag:$0x3] =	stream.linear.gather [hbm4b:s5+s2], $0x400, $0x38;
	[tilespmem:$0x8980] =	vst v63  }
0x17: {  	_ =	swait.ge [sflag:s16], $0x400  }
0x18: {  	[sflag:s16] =	ssyncset.done $0x0  }
0x19: {  	s25 =	simm.s32 $0x0;
	[sflag:s16] =	ssyncadd.s32 $0xFFFFFC00  }
0x1a: {  	v8 =	vld [tilespmem:s25+$0x8400]  }
0x1b: {  	v9 =	vimm.f32 $+Inf;
	v7 =	vimm.f32 $-Inf;
	s24 =	simm.s32 $0x40;
	v10 =	vld [tilespmem:s25+$0x8000]  }
.LBB2_2:
0x1c: {  	p0 =	sne.s32 s24, $0xFC0  }
.Ltmp0:
0x1d: {  	_ = 	snop;
	(pc) =	sbr.rel @p0 .LBB2_2-.Ltmp0, $4  }
0x1e: {  	_ = 	snop  }
0x1f: {  	s25 =	sshra.s32 s24, $0x2;
	s24 =	sadd.s32 $0x40, s24;
	v7 =	vmax.f32 v7, v8  }
0x20: {  	v8 =	vld [tilespmem:s25+$0x8400];
	v9 =	vmin.f32 v9, v10  }
0x21: {  	v10 =	vld [tilespmem:s25+$0x8000]  }
0x22: {  	v1 =	vld [tilespmem:$0x1FFC0];
	_ =	sdelay $0x5  }
0x23: {  	v9 =	vmin.f32 v9, v10  }
0x24: {  	v2 =	vld [tilespmem:$0x1FFD0];
	[tilespmem:$0x8900] =	vst v9  }
0x25: {  	v10 =	vld.idx.msk [tilespmem:v1+s18+$0x0], $0xffff;
	_ =	sdelay $0x4  }
0x26: {  	v9 =	vmin.f32 v9, v10  }
0x27: {  	v3 =	vld [tilespmem:$0x1FFE0];
	[tilespmem:$0x8900] =	vst v9  }
0x28: {  	v10 =	vld.idx.msk [tilespmem:v2+s18+$0x0], $0xffff;
	_ =	sdelay $0x4  }
0x29: {  	v9 =	vmin.f32 v9, v10  }
0x2a: {  	v4 =	vld [tilespmem:$0x1FFF0];
	[tilespmem:$0x8900] =	vst v9  }
0x2b: {  	v10 =	vld.idx.msk [tilespmem:v3+s18+$0x0], $0xffff;
	_ =	sdelay $0x4  }
0x2c: {  	v9 =	vmin.f32 v9, v10  }
0x2d: {  	v7 =	vmax.f32 v7, v8;
	[tilespmem:$0x8900] =	vst v9  }
0x2e: {  	v8 =	vld.idx.msk [tilespmem:v4+s18+$0x0], $0xffff;
	[tilespmem:$0x8900] =	vst v7  }
0x2f: {  	v10 =	vld.idx.msk [tilespmem:v1+s18+$0x0], $0xffff;
	_ =	sdelay $0x4  }
0x30: {  	v7 =	vmax.f32 v7, v10  }
0x31: {  	[tilespmem:$0x8900] =	vst v7  }
0x32: {  	v10 =	vld.idx.msk [tilespmem:v2+s18+$0x0], $0xffff;
	_ =	sdelay $0x4  }
0x33: {  	v7 =	vmax.f32 v7, v10  }
0x34: {  	[tilespmem:$0x8900] =	vst v7  }
0x35: {  	v10 =	vld.idx.msk [tilespmem:v3+s18+$0x0], $0xffff;
	_ =	sdelay $0x4  }
0x36: {  	v7 =	vmax.f32 v7, v10  }
0x37: {  	[tilespmem:$0x8900] =	vst v7  }
0x38: {  	v10 =	vld.idx.msk [tilespmem:v4+s18+$0x0], $0xffff;
	_ =	sdelay $0x4  }
0x39: {  	v1 =	vimm.f32 $0.0e+00;
	v8 =	vmin.f32 v9, v8;
	v7 =	vmax.f32 v7, v10  }
0x3a: {  	[tilespmem:$0x8800] =	vst v1;
	v7 =	vsub.f32 v7, v8  }
0x3b: {  	[tilespmem:$0x8810] =	vst v1  }
0x3c: {  	[tilespmem:$0x8820] =	vst v1;
	v7 =	vadd.f32 $1.000000010e-01, v7  }
0x3d: {  	[tilespmem:$0x8830] =	vst v1  }
0x3e: {  	[tilespmem:$0x8840] =	vst v1;
	(erf) = vrcp.f32 v7  }
0x3f: {  	[tilespmem:$0x8850] =	vst v1  }
0x40: {  	[tilespmem:$0x8860] =	vst v1  }
0x41: {  	[tilespmem:$0x8870] =	vst v1  }
0x42: {  	[tilespmem:$0x8880] =	vst v1  }
0x43: {  	[tilespmem:$0x8890] =	vst v1  }
0x44: {  	[tilespmem:$0x88A0] =	vst v1  }
0x45: {  	[tilespmem:$0x88B0] =	vst v1  }
0x46: {  	[tilespmem:$0x88C0] =	vst v1  }
0x47: {  	[tilespmem:$0x88D0] =	vst v1;
	v7 =	vpop (erf)  }
0x48: {  	[tilespmem:$0x88E0] =	vst v1;
	v8 =	vsub.f32 $5.000000070e-02, v8;
	v7 =	vmul.f32 $1.000000000e+01, v7  }
0x49: {  	s24 =	simm.s32 $0x0;
	p1 =	por $0x1, $0x1;
	[tilespmem:$0x88F0] =	vst v1  }
0x4a: {  	[tilespmem:s24], [sflag:$0x1] =	stream.linear.gather [hbm4b:s6+s24], $0x4000, $0x38;
	v8 =	vmul.f32 v7, v8;
	[tilespmem:$0x8980] =	vst v63  }
.LBB2_4:
0x4b: {  	s24 =	sadd.s32 s24, s7  }
0x4c: {  	[tilespmem:s19], [sflag:$0x2] =	stream.linear.gather [hbm4b:s24+s2], $0x4000, $0x38;
	[tilespmem:$0x8980] =	vst v63  }
0x4d: {  	_ =	swait.ge [sflag:s20], $0x4000  }
0x4e: {  	[sflag:s20] =	ssyncset.done $0x0  }
0x4f: {  	s25 =	simm.s32 $0x80;
	[sflag:s20] =	ssyncadd.s32 $0xFFFFC000  }
0x50: {  	v9 =	vld [tilespmem:s25+$0xFFFFFF80]  }
0x51: {  	v10 =	vld [tilespmem:s25+$0x40]  }
0x52: {  	v11 =	vld [tilespmem:s25+$0x10]  }
0x53: {  	v13 =	vld [tilespmem:s25+$0x20]  }
0x54: {  	v14 =	vld [tilespmem:s25+$0x0]  }
0x55: {  	v17 =	vld [tilespmem:s25+$0xFFFFFFE0]  }
0x56: {  	v22 =	vld [tilespmem:s25+$0xFFFFFFB0]  }
0x57: {  	v16 =	vld [tilespmem:s25+$0xFFFFFFF0]  }
0x58: {  	v18 =	vld [tilespmem:s25+$0xFFFFFFD0];
	v9 =	vmul.f32 v9, v7  }
0x59: {  	v21 =	vld [tilespmem:s25+$0xFFFFFFC0];
	v10 =	vmul.f32 v10, v7;
	v13 =	vmul.f32 v13, v7  }
0x5a: {  	v11 =	vmul.f32 v11, v7;
	v14 =	vmul.f32 v14, v7  }
0x5b: {  	v17 =	vmul.f32 v17, v7;
	v22 =	vmul.f32 v22, v7;
	v15 =	vadd.f32 v9, v8  }
0x5c: {  	v12 =	vadd.f32 v10, v8;
	v26 =	vadd.f32 v13, v8;
	v13 =	vmul.f32 v16, v7  }
0x5d: {  	v20 =	vadd.f32 v11, v8;
	v40 =	vadd.f32 v14, v8;
	v14 =	vmul.f32 v18, v7  }
0x5e: {  	v18 =	vmul.f32 v21, v7;
	v17 =	vadd.f32 v17, v8;
	v19 =	vtrunc.f32 v12  }
0x5f: {  	v9 =	vtrunc.f32 v15;
	v30 =	vadd.f32 v13, v8;
	v35 =	vcvt.f32.s32 v19;
	v19 =	vld [tilespmem:s25+$0xFFFFFFA0]  }
0x60: {  	v13 =	vtrunc.f32 v26;
	v21 =	vtrunc.f32 v20;
	v25 =	vadd.f32 v18, v8  }
0x61: {  	v11 =	vld [tilespmem:s25+$0xFFFFFF90];
	v18 =	vadd.f32 v22, v8;
	v22 =	vtrunc.f32 v40;
	v36 =	vtrunc.f32 v17  }
0x62: {  	v10 =	vcvt.f32.s32 v9;
	v31 =	vcvt.f32.s32 v13  }
0x63: {  	v32 =	vadd.f32 v14, v8;
	v39 =	vcvt.f32.s32 v21;
	v27 =	vcvt.f32.s32 v22  }
0x64: {  	v28 =	vtrunc.f32 v30;
	v13 =	vmul.f32 v19, v7  }
0x65: {  	v42 =	vtrunc.f32 v32;
	v43 =	vtrunc.f32 v18;
	v51 =	vadd.s32 v0, v10  }
0x66: {  	v16 =	vcvt.s32.f32 v10;
	v14 =	vmul.f32 v11, v7;
	v24 =	vadd.f32 v13, v8  }
0x67: {  	v23 =	vadd.s32 v6, v35;
	v49 =	vcvt.s32.f32 v31;
	v13 =	vtrunc.f32 v25  }
0x68: {  	v11 =	vsub.f32 v15, v16;
	v16 =	vcvt.f32.s32 v13;
	v13 =	vtrunc.f32 v24  }
0x69: {  	v33 =	vcvt.f32.s32 v28;
	v37 =	vadd.f32 v14, v8;
	v21 =	vcvt.f32.s32 v13  }
0x6a: {  	v47 =	vadd.s32 v0, v27;
	v50 =	vcvt.s32.f32 v35;
	v15 =	vadd.s32 v6, v39  }
0x6b: {  	v19 =	vadd.s32 v0, v35;
	v38 =	vtrunc.f32 v37;
	v22 =	vcvt.s32.f32 v21  }
0x6c: {  	v44 =	vcvt.f32.s32 v38;
	v13 =	vadd.s32 v0, v16;
	v41 =	vadd.s32 v0, v21  }
0x6d: {  	v46 =	vld [tilespmem:s25+$0x30];
	v14 =	vadd.s32 v6, v16;
	v16 =	vcvt.s32.f32 v16;
	v29 =	vsub.f32 v24, v22  }
0x6e: {  	v35 =	vld [tilespmem:s25+$0x50];
	v63 =	vcvt.s32.f32 v44;
	v45 =	vadd.s32 v0, v44;
	v24 =	vcvt.f32.s32 v43  }
0x6f: {  	v34 =	vadd.s32 v6, v21;
	v21 =	vld [tilespmem:s25+$0x70];
	v16 =	vsub.f32 v25, v16;
	v28 =	vsub.f32 $1.000000000e+00, v29  }
0x70: {  	v22 =	vcvt.f32.s32 v36;
	v36 =	vld [tilespmem:s25+$0x60];
	v43 =	vadd.s32 v6, v44;
	v38 =	vcvt.s32.f32 v24  }
0x71: {  	p0 =	por p1, p1;
	s24 =	simm.s32 $0x0;
	s25 =	simm.s32 $0x180;
	v25 =	vadd.s32 v0, v24;
	[tilespmem:v41+s21+$0x0] =	vst.idx.add.f32.msk $0xffff, v28;
	v28 =	vcvt.s32.f32 v27;
	v41 =	vsub.f32 v37, v63  }
.LBB2_5:
0x72: {  	_ =	sdelay $0x2  }
0x73: {  	[tilespmem:v34+s21+$0x0] =	vst.idx.add.f32.msk $0xffff, v29;
	v29 =	vadd.s32 v6, v24;
	v44 =	vcvt.f32.s32 v42  }
0x74: {  	v42 =	vld [tilespmem:s25+$0xFFFFFF90];
	v52 =	vadd.s32 v0, v31;
	v53 =	vcvt.s32.f32 v39;
	v54 =	vadd.s32 v0, v39  }
0x75: {  	v39 =	vld [tilespmem:s25+$0xFFFFFFC0];
	v1 =	vadd.s32 v6, v27;
	v31 =	vadd.s32 v6, v31;
	v21 =	vmul.f32 v21, v7  }
0x76: {  	v55 =	vld [tilespmem:s25+$0xFFFFFF80];
	v24 =	vsub.f32 v40, v28;
	v40 =	vsub.f32 $1.000000000e+00, v41;
	v48 =	vcvt.s32.f32 v22  }
0x77: {  	v56 =	vld [tilespmem:s25+$0xFFFFFFD0];
	v26 =	vsub.f32 v26, v49;
	v59 =	vcvt.s32.f32 v33;
	v38 =	vsub.f32 v18, v38  }
0x78: {  	v4 =	vld [tilespmem:s25+$0x20];
	v53 =	vsub.f32 v20, v53;
	v20 =	vcvt.s32.f32 v44;
	v21 =	vadd.f32 v21, v8  }
0x79: {  	v2 =	vld [tilespmem:s25+$0x10];
	v28 =	vmovc v51;
	v60 =	vadd.s32 v0, v44;
	v51 =	vsub.f32 $1.000000000e+00, v24;
	v27 =	vsub.f32 $1.000000000e+00, v26  }
0x7a: {  	v62 =	vld [tilespmem:s25+$0xFFFFFFF0];
	v34 =	vsub.f32 v30, v59;
	v30 =	vadd.s32 v0, v33;
	v37 =	vmul.f32 v46, v7  }
0x7b: {  	v63 =	vld [tilespmem:s25+$0x40];
	v58 =	vmul.f32 v35, v7;
	v35 =	vsub.f32 v17, v48;
	v17 =	vmul.f32 v36, v7  }
0x7c: {  	[tilespmem:v45+s21+$0x0] =	vst.idx.add.f32.msk $0xffff, v40;
	v36 =	vadd.s32 v6, v22;
	v22 =	vadd.s32 v0, v22;
	v61 =	vsub.f32 $1.000000000e+00, v34  }
0x7d: {  	v59 =	vld [tilespmem:s25+$0xFFFFFFE0];
	v18 =	vmul.f32 v55, v7;
	v4 =	vmul.f32 v4, v7;
	v57 =	vadd.f32 v37, v8  }
0x7e: {  	[tilespmem:$0x1FFB0] =	vst v1;
	v46 =	vld [tilespmem:s25+$0xFFFFFFA0];
	v2 =	vmul.f32 v2, v7;
	v37 =	vsub.f32 v32, v20;
	v58 =	vadd.f32 v58, v8  }
0x7f: {  	[tilespmem:v43+s21+$0x0] =	vst.idx.add.f32.msk $0xffff, v41;
	v48 =	vsub.f32 $1.000000000e+00, v35;
	v17 =	vadd.f32 v17, v8;
	v32 =	vtrunc.f32 v57  }
0x80: {  	[tilespmem:v52+s21+$0x0] =	vst.idx.add.f32.msk $0xffff, v27;
	v1 =	vsub.f32 $1.000000000e+00, v37;
	v3 =	vtrunc.f32 v58;
	v32 =	vcvt.f32.s32 v32  }
0x81: {  	v43 =	vadd.f32 v18, v8;
	[tilespmem:v30+s21+$0x0] =	vst.idx.add.f32.msk $0xffff, v61;
	v30 =	vsub.f32 v12, v50;
	v3 =	vcvt.f32.s32 v3  }
0x82: {  	[tilespmem:v60+s21+$0x0] =	vst.idx.add.f32.msk $0xffff, v1;
	v60 =	vtrunc.f32 v17;
	v5 =	vcvt.s32.f32 v32;
	v9 =	vadd.s32 v0, v32  }
0x83: {  	v20 =	vld [tilespmem:s25+$0x0];
	v1 =	vadd.s32 v6, v32;
	v12 =	vcvt.s32.f32 v3;
	v32 =	vcvt.f32.s32 v60  }
0x84: {  	[tilespmem:v47+s21+$0x0] =	vst.idx.add.f32.msk $0xffff, v51;
	v27 =	vsub.f32 $1.000000000e+00, v30;
	v50 =	vadd.s32 v0, v3;
	v5 =	vsub.f32 v57, v5  }
0x85: {  	[tilespmem:v31+s21+$0x0] =	vst.idx.add.f32.msk $0xffff, v26;
	v3 =	vadd.s32 v6, v3;
	v51 =	vsub.f32 v58, v12;
	v60 =	vcvt.s32.f32 v32  }
0x86: {  	[tilespmem:v19+s21+$0x0] =	vst.idx.add.f32.msk $0xffff, v27;
	v57 =	vmul.f32 v63, v7;
	v27 =	vadd.s32 v0, v32;
	v58 =	vsub.f32 $1.000000000e+00, v5  }
0x87: {  	[tilespmem:v23+s21+$0x0] =	vst.idx.add.f32.msk $0xffff, v30;
	v19 =	vsub.f32 $1.000000000e+00, v51;
	v23 =	vsub.f32 v17, v60;
	v17 =	vtrunc.f32 v21  }
0x88: {  	v18 =	vmul.f32 v59, v7;
	v41 =	vadd.s32 v6, v32;
	v17 =	vcvt.f32.s32 v17;
	[tilespmem:v9+s21+$0x0] =	vst.idx.add.f32.msk $0xffff, v58  }
0x89: {  	v61 =	vsub.f32 $1.000000000e+00, v38;
	v12 =	vadd.f32 v57, v8;
	v57 =	vadd.s32 v6, v10;
	[tilespmem:v50+s21+$0x0] =	vst.idx.add.f32.msk $0xffff, v19  }
0x8a: {  	v10 =	vtrunc.f32 v43;
	v26 =	vsub.f32 $1.000000000e+00, v23;
	v9 =	vcvt.s32.f32 v17;
	[tilespmem:v1+s21+$0x0] =	vst.idx.add.f32.msk $0xffff, v5  }
0x8b: {  	v63 =	vsub.f32 $1.000000000e+00, v11;
	v10 =	vcvt.f32.s32 v10;
	v5 =	vadd.s32 v6, v17;
	[tilespmem:v3+s21+$0x0] =	vst.idx.add.f32.msk $0xffff, v51  }
0x8c: {  	v3 =	vmul.f32 v56, v7;
	[tilespmem:v27+s21+$0x0] =	vst.idx.add.f32.msk $0xffff, v26;
	v1 =	vsub.f32 v21, v9;
	v9 =	vsub.f32 $1.000000000e+00, v53  }
0x8d: {  	v49 =	vld [tilespmem:s25+$0xFFFFFFB0];
	v27 =	vadd.s32 v0, v17;
	v17 =	vmul.f32 v20, v7;
	v26 =	vadd.f32 v4, v8  }
0x8e: {  	v30 =	vtrunc.f32 v12;
	v4 =	vmul.f32 v62, v7;
	v20 =	vadd.f32 v2, v8;
	[tilespmem:v54+s21+$0x0] =	vst.idx.add.f32.msk $0xffff, v9  }
0x8f: {  	v58 =	vcvt.f32.s32 v30;
	v32 =	vadd.f32 v3, v8;
	[tilespmem:v15+s21+$0x0] =	vst.idx.add.f32.msk $0xffff, v53;
	v15 =	vmul.f32 v39, v7  }
0x90: {  	[tilespmem:v25+s21+$0x0] =	vst.idx.add.f32.msk $0xffff, v61;
	v3 =	vmul.f32 v46, v7;
	v30 =	vadd.f32 v4, v8;
	v4 =	vtrunc.f32 v26  }
0x91: {  	[tilespmem:v28+s21+$0x0] =	vst.idx.add.f32.msk $0xffff, v63;
	v2 =	vsub.f32 $1.000000000e+00, v16;
	v31 =	vcvt.f32.s32 v4;
	v4 =	vadd.f32 v15, v8  }
0x92: {  	v21 =	vld [tilespmem:s25+$0x70];
	v40 =	vadd.f32 v17, v8;
	v9 =	vcvt.s32.f32 v10;
	v3 =	vadd.f32 v3, v8  }
0x93: {  	[tilespmem:v13+s21+$0x0] =	vst.idx.add.f32.msk $0xffff, v2;
	v2 =	vmul.f32 v49, v7;
	v25 =	vsub.f32 $1.000000000e+00, v1;
	v13 =	vtrunc.f32 v4  }
0x94: {  	[tilespmem:v57+s21+$0x0] =	vst.idx.add.f32.msk $0xffff, v11;
	v11 =	vsub.f32 v43, v9;
	v9 =	vcvt.f32.s32 v13;
	v13 =	vtrunc.f32 v3  }
0x95: {  	v33 =	vadd.s32 v6, v33;
	[tilespmem:v27+s21+$0x0] =	vst.idx.add.f32.msk $0xffff, v25;
	v25 =	vcvt.f32.s32 v13  }
0x96: {  	[tilespmem:v22+s21+$0x0] =	vst.idx.add.f32.msk $0xffff, v48;
	v17 =	vadd.f32 v18, v8;
	v18 =	vadd.f32 v2, v8;
	v2 =	vtrunc.f32 v40  }
0x97: {  	v44 =	vadd.s32 v6, v44;
	[tilespmem:v29+s21+$0x0] =	vst.idx.add.f32.msk $0xffff, v38;
	v27 =	vcvt.f32.s32 v2;
	v2 =	vcvt.s32.f32 v25  }
0x98: {  	v60 =	vadd.s32 v0, v10;
	[tilespmem:v14+s21+$0x0] =	vst.idx.add.f32.msk $0xffff, v16;
	v14 =	vmul.f32 v42, v7  }
0x99: {  	v50 =	vcvt.s32.f32 v58;
	v61 =	vtrunc.f32 v20;
	v29 =	vsub.f32 v3, v2;
	v3 =	vld [tilespmem:$0x1FFB0]  }
0x9a: {  	[tilespmem:v33+s21+$0x0] =	vst.idx.add.f32.msk $0xffff, v34;
	v42 =	vtrunc.f32 v32;
	v16 =	vtrunc.f32 v30;
	v63 =	vadd.f32 v14, v8  }
0x9b: {  	v19 =	vadd.s32 v0, v58;
	[tilespmem:v41+s21+$0x0] =	vst.idx.add.f32.msk $0xffff, v23;
	v39 =	vcvt.f32.s32 v61;
	v62 =	vtrunc.f32 v17  }
0x9c: {  	v23 =	vadd.s32 v6, v58;
	v49 =	vcvt.s32.f32 v31;
	[tilespmem:v5+s21+$0x0] =	vst.idx.add.f32.msk $0xffff, v1;
	v1 =	vtrunc.f32 v63  }
0x9d: {  	s24 =	sadd.s32 $0x10, s24;
	[tilespmem:v36+s21+$0x0] =	vst.idx.add.f32.msk $0xffff, v35;
	v33 =	vcvt.f32.s32 v16;
	v15 =	vadd.s32 v6, v39;
	v1 =	vcvt.f32.s32 v1  }
0x9e: {  	p1 =	slt.u32 s24, $0x3F0;
	[tilespmem:v44+s21+$0x0] =	vst.idx.add.f32.msk $0xffff, v37;
	v22 =	vtrunc.f32 v18;
	v47 =	vadd.s32 v0, v27;
	v5 =	vadd.s32 v0, v25  }
.Ltmp1:
0x9f: {  	v35 =	vld [tilespmem:s25+$0x50];
	v28 =	vcvt.s32.f32 v27;
	v45 =	vadd.s32 v0, v1;
	v13 =	vadd.s32 v0, v9;
	(pc) =	sbr.rel @p1 .LBB2_5-.Ltmp1, $4  }
0xa0: {  	v46 =	vld [tilespmem:s25+$0x30];
	v14 =	vadd.s32 v6, v9;
	v2 =	vcvt.s32.f32 v9;
	v9 =	vcvt.s32.f32 v1  }
0xa1: {  	v43 =	vadd.s32 v6, v1;
	[tilespmem:v3+s21+$0x0] =	vst.idx.add.f32.msk $0xffff, v24;
	v3 =	vsub.f32 $1.000000000e+00, v29;
	v24 =	vcvt.f32.s32 v22  }
0xa2: {  	v36 =	vld [tilespmem:s25+$0x60];
	v34 =	vadd.s32 v6, v25;
	v16 =	vsub.f32 v4, v2;
	v41 =	vsub.f32 v63, v9  }
0xa3: {  	v51 =	vmovc v60;
	s25 =	sadd.s32 $0x100, s25;
	v22 =	vcvt.f32.s32 v62;
	[tilespmem:v5+s21+$0x0] =	vst.idx.add.f32.msk $0xffff, v3;
	v38 =	vcvt.s32.f32 v24;
	v25 =	vadd.s32 v0, v24  }
0xa4: {  	v1 =	vcvt.f32.s32 v42  }
0xa5: {  	v2 =	vsub.f32 v40, v28;
	v5 =	vcvt.s32.f32 v33;
	v37 =	vadd.s32 v0, v33  }
0xa6: {  	v26 =	vsub.f32 v26, v49;
	v49 =	vadd.s32 v0, v31;
	v35 =	vmul.f32 v35, v7  }
0xa7: {  	v12 =	vsub.f32 v12, v50;
	v4 =	vmul.f32 v46, v7;
	v3 =	vcvt.s32.f32 v1  }
0xa8: {  	v9 =	vadd.s32 v0, v1;
	v28 =	vsub.f32 $1.000000000e+00, v2;
	v5 =	vsub.f32 v30, v5  }
0xa9: {  	[tilespmem:v34+s21+$0x0] =	vst.idx.add.f32.msk $0xffff, v29;
	v57 =	vsub.f32 $1.000000000e+00, v12;
	v30 =	vmul.f32 v36, v7;
	v3 =	vsub.f32 v32, v3  }
0xaa: {  	v31 =	vadd.s32 v6, v31;
	v53 =	vsub.f32 $1.000000000e+00, v26;
	v4 =	vadd.f32 v4, v8;
	[tilespmem:v47+s21+$0x0] =	vst.idx.add.f32.msk $0xffff, v28  }
0xab: {  	[tilespmem:v19+s21+$0x0] =	vst.idx.add.f32.msk $0xffff, v57;
	v30 =	vadd.f32 v30, v8;
	v52 =	vsub.f32 $1.000000000e+00, v3  }
0xac: {  	v35 =	vadd.f32 v35, v8;
	v29 =	vsub.f32 $1.000000000e+00, v5;
	v54 =	vtrunc.f32 v4;
	[tilespmem:v49+s21+$0x0] =	vst.idx.add.f32.msk $0xffff, v53  }
0xad: {  	v18 =	vsub.f32 v18, v38;
	v55 =	vtrunc.f32 v30;
	[tilespmem:v9+s21+$0x0] =	vst.idx.add.f32.msk $0xffff, v52;
	v9 =	vcvt.f32.s32 v54  }
0xae: {  	v58 =	vtrunc.f32 v35;
	[tilespmem:v37+s21+$0x0] =	vst.idx.add.f32.msk $0xffff, v29;
	v29 =	vsub.f32 $1.000000000e+00, v41;
	v28 =	vcvt.f32.s32 v55  }
0xaf: {  	v1 =	vadd.s32 v6, v1;
	v34 =	vcvt.f32.s32 v58;
	[tilespmem:v31+s21+$0x0] =	vst.idx.add.f32.msk $0xffff, v26;
	v56 =	vcvt.s32.f32 v9  }
0xb0: {  	v31 =	vsub.f32 $1.000000000e+00, v18;
	[tilespmem:v45+s21+$0x0] =	vst.idx.add.f32.msk $0xffff, v29;
	v59 =	vadd.s32 v0, v9;
	v29 =	vcvt.s32.f32 v28  }
0xb1: {  	v60 =	vcvt.s32.f32 v39;
	[tilespmem:v23+s21+$0x0] =	vst.idx.add.f32.msk $0xffff, v12;
	v19 =	vadd.s32 v0, v28;
	v4 =	vsub.f32 v4, v56  }
0xb2: {  	[tilespmem:v25+s21+$0x0] =	vst.idx.add.f32.msk $0xffff, v31;
	v9 =	vadd.s32 v6, v9;
	v12 =	vsub.f32 v30, v29;
	v29 =	vcvt.s32.f32 v34  }
0xb3: {  	v21 =	vmul.f32 v21, v7;
	v61 =	vadd.s32 v0, v34;
	[tilespmem:v43+s21+$0x0] =	vst.idx.add.f32.msk $0xffff, v41;
	v30 =	vsub.f32 $1.000000000e+00, v4  }
0xb4: {  	v23 =	vadd.s32 v0, v39;
	[tilespmem:v1+s21+$0x0] =	vst.idx.add.f32.msk $0xffff, v3;
	v26 =	vsub.f32 $1.000000000e+00, v12;
	v29 =	vsub.f32 v35, v29  }
0xb5: {  	v20 =	vsub.f32 v20, v60;
	[tilespmem:v59+s21+$0x0] =	vst.idx.add.f32.msk $0xffff, v30  }
0xb6: {  	v30 =	vadd.s32 v6, v34;
	[tilespmem:v19+s21+$0x0] =	vst.idx.add.f32.msk $0xffff, v26;
	v19 =	vadd.f32 v21, v8;
	v21 =	vsub.f32 $1.000000000e+00, v29  }
0xb7: {  	[tilespmem:v9+s21+$0x0] =	vst.idx.add.f32.msk $0xffff, v4;
	v4 =	vsub.f32 $1.000000000e+00, v20  }
0xb8: {  	[tilespmem:v61+s21+$0x0] =	vst.idx.add.f32.msk $0xffff, v21  }
0xb9: {  	v9 =	vtrunc.f32 v19;
	v21 =	vadd.s32 v6, v28;
	[tilespmem:v23+s21+$0x0] =	vst.idx.add.f32.msk $0xffff, v4  }
0xba: {  	v9 =	vcvt.f32.s32 v9;
	v4 =	vadd.s32 v6, v10;
	v10 =	vsub.f32 $1.000000000e+00, v16;
	[tilespmem:v15+s21+$0x0] =	vst.idx.add.f32.msk $0xffff, v20  }
0xbb: {  	[tilespmem:v30+s21+$0x0] =	vst.idx.add.f32.msk $0xffff, v29  }
0xbc: {  	v15 =	vsub.f32 $1.000000000e+00, v11;
	v23 =	vcvt.s32.f32 v9;
	[tilespmem:v13+s21+$0x0] =	vst.idx.add.f32.msk $0xffff, v10;
	v10 =	vadd.s32 v6, v24  }
0xbd: {  	v20 =	vadd.s32 v0, v9;
	v13 =	vcvt.s32.f32 v22;
	[tilespmem:v14+s21+$0x0] =	vst.idx.add.f32.msk $0xffff, v16  }
0xbe: {  	v14 =	vadd.s32 v0, v22;
	[tilespmem:v51+s21+$0x0] =	vst.idx.add.f32.msk $0xffff, v15;
	v19 =	vsub.f32 v19, v23  }
0xbf: {  	v9 =	vadd.s32 v6, v9;
	v13 =	vsub.f32 v17, v13;
	[tilespmem:v21+s21+$0x0] =	vst.idx.add.f32.msk $0xffff, v12  }
0xc0: {  	v12 =	vadd.s32 v6, v27;
	[tilespmem:v4+s21+$0x0] =	vst.idx.add.f32.msk $0xffff, v11;
	v15 =	vsub.f32 $1.000000000e+00, v19  }
0xc1: {  	v4 =	vadd.s32 v6, v33;
	v11 =	vsub.f32 $1.000000000e+00, v13;
	[tilespmem:v10+s21+$0x0] =	vst.idx.add.f32.msk $0xffff, v18  }
0xc2: {  	v10 =	vadd.s32 v6, v22;
	[tilespmem:v20+s21+$0x0] =	vst.idx.add.f32.msk $0xffff, v15  }
0xc3: {  	[tilespmem:v14+s21+$0x0] =	vst.idx.add.f32.msk $0xffff, v11  }
0xc4: {  	[tilespmem:v9+s21+$0x0] =	vst.idx.add.f32.msk $0xffff, v19  }
0xc5: {  	[tilespmem:v12+s21+$0x0] =	vst.idx.add.f32.msk $0xffff, v2  }
0xc6: {  	[tilespmem:v4+s21+$0x0] =	vst.idx.add.f32.msk $0xffff, v5  }
0xc7: {  	[tilespmem:v10+s21+$0x0] =	vst.idx.add.f32.msk $0xffff, v13  }
0xc8: {  	[tilespmem:s2], [sflag:$0x1] =	stream.linear.gather [hbm4b:s8+s2], $0x4000, $0x38;
	[tilespmem:$0x8980] =	vst v63  }
0xc9: {  	_ =	swait.ge [sflag:s22], $0x4000  }
0xca: {  	[sflag:s22] =	ssyncset.done $0x0  }
0xcb: {  	s25 =	simm.s32 $0x4080;
	[sflag:s22] =	ssyncadd.s32 $0xFFFFC000  }
0xcc: {  	v1 =	vld [tilespmem:s25+$0xFFFFFF80]  }
0xcd: {  	v2 =	vld [tilespmem:s25+$0x40]  }
0xce: {  	v3 =	vld [tilespmem:s25+$0x10]  }
0xcf: {  	v4 =	vld [tilespmem:s25+$0x20]  }
0xd0: {  	v5 =	vld [tilespmem:s25+$0x0]  }
0xd1: {  	v11 =	vld [tilespmem:s25+$0xFFFFFFF0]  }
0xd2: {  	v13 =	vld [tilespmem:s25+$0xFFFFFFD0]  }
0xd3: {  	v15 =	vld [tilespmem:s25+$0xFFFFFFC0]  }
0xd4: {  	v16 =	vld [tilespmem:s25+$0xFFFFFFB0];
	v1 =	vmul.f32 v1, v7  }
0xd5: {  	v2 =	vmul.f32 v2, v7;
	v4 =	vmul.f32 v4, v7  }
0xd6: {  	v3 =	vmul.f32 v3, v7;
	v5 =	vmul.f32 v5, v7;
	v1 =	vadd.f32 v1, v8  }
0xd7: {  	v12 =	vadd.f32 v2, v8;
	v26 =	vadd.f32 v4, v8;
	v4 =	vmul.f32 v11, v7  }
0xd8: {  	v42 =	vadd.f32 v5, v8;
	v5 =	vmul.f32 v13, v7;
	v13 =	vmul.f32 v15, v7  }
0xd9: {  	v2 =	vld [tilespmem:s25+$0xFFFFFFE0];
	v20 =	vadd.f32 v3, v8;
	v15 =	vmul.f32 v16, v7;
	v9 =	vtrunc.f32 v1  }
0xda: {  	v3 =	vld [tilespmem:s25+$0xFFFFFF90];
	v14 =	vtrunc.f32 v12;
	v30 =	vadd.f32 v4, v8;
	v4 =	vtrunc.f32 v26  }
0xdb: {  	v32 =	vadd.f32 v5, v8;
	v5 =	vadd.f32 v13, v8;
	v62 =	vcvt.f32.s32 v14;
	v14 =	vld [tilespmem:s25+$0xFFFFFFA0]  }
0xdc: {  	v18 =	vadd.f32 v15, v8;
	v10 =	vcvt.f32.s32 v9;
	v31 =	vcvt.f32.s32 v4  }
0xdd: {  	v13 =	vtrunc.f32 v5;
	v16 =	vtrunc.f32 v30  }
0xde: {  	v41 =	vtrunc.f32 v32;
	v28 =	vtrunc.f32 v18  }
0xdf: {  	v11 =	vcvt.s32.f32 v10;
	v2 =	vmul.f32 v2, v7  }
0xe0: {  	v51 =	vadd.s32 v0, v10;
	v3 =	vmul.f32 v3, v7;
	v4 =	vmul.f32 v14, v7  }
0xe1: {  	v19 =	vadd.s32 v0, v62;
	v49 =	vcvt.s32.f32 v31;
	v33 =	vcvt.f32.s32 v16  }
0xe2: {  	v50 =	vcvt.s32.f32 v62;
	v17 =	vadd.f32 v2, v8;
	v4 =	vadd.f32 v4, v8  }
0xe3: {  	v2 =	vtrunc.f32 v20;
	v11 =	vsub.f32 v1, v11;
	v1 =	vcvt.f32.s32 v13  }
0xe4: {  	v23 =	vadd.s32 v6, v62;
	v39 =	vcvt.f32.s32 v2;
	v2 =	vtrunc.f32 v4  }
0xe5: {  	v3 =	vadd.f32 v3, v8;
	v14 =	vtrunc.f32 v42;
	v2 =	vcvt.f32.s32 v2  }
0xe6: {  	v22 =	vtrunc.f32 v17;
	v13 =	vadd.s32 v0, v1;
	v27 =	vcvt.f32.s32 v14  }
0xe7: {  	v14 =	vadd.s32 v6, v1;
	v24 =	vtrunc.f32 v3;
	v21 =	vcvt.s32.f32 v2  }
0xe8: {  	v1 =	vcvt.s32.f32 v1;
	v15 =	vadd.s32 v6, v39;
	v25 =	vadd.s32 v0, v2  }
0xe9: {  	v45 =	vld [tilespmem:s25+$0x30];
	v34 =	vadd.s32 v6, v2;
	v2 =	vcvt.f32.s32 v24;
	v29 =	vsub.f32 v4, v21  }
0xea: {  	v36 =	vld [tilespmem:s25+$0x60];
	v22 =	vcvt.f32.s32 v22;
	v47 =	vadd.s32 v0, v27;
	v16 =	vsub.f32 v5, v1  }
0xeb: {  	v35 =	vld [tilespmem:s25+$0x50];
	v24 =	vcvt.f32.s32 v28;
	v63 =	vcvt.s32.f32 v2;
	v4 =	vsub.f32 $1.000000000e+00, v29  }
0xec: {  	v28 =	vcvt.s32.f32 v27;
	v21 =	vld [tilespmem:s25+$0x70];
	v46 =	vadd.s32 v0, v2;
	v43 =	vadd.s32 v6, v2  }
0xed: {  	s24 =	simm.s32 $0x0;
	v38 =	vcvt.s32.f32 v24;
	s25 =	simm.s32 $0x4180;
	v40 =	vsub.f32 v3, v63;
	[tilespmem:v25+s21+$0x0] =	vst.idx.add.f32.msk $0xffff, v4;
	v25 =	vadd.s32 v0, v24  }
.LBB2_7:
0xee: {  	[tilespmem:v34+s21+$0x0] =	vst.idx.add.f32.msk $0xffff, v29  }
0xef: {  	v1 =	vcvt.f32.s32 v41;
	v41 =	vld [tilespmem:s25+$0xFFFFFF90]  }
0xf0: {  	v52 =	vld [tilespmem:s25+$0xFFFFFF80]  }
0xf1: {  	v29 =	vadd.s32 v6, v24;
	v3 =	vcvt.s32.f32 v22;
	v37 =	vcvt.s32.f32 v39;
	v54 =	vld [tilespmem:s25+$0xFFFFFFD0]  }
0xf2: {  	v9 =	vadd.s32 v6, v27;
	v55 =	vld [tilespmem:s25+$0xFFFFFFE0];
	v21 =	vmul.f32 v21, v7;
	v24 =	vsub.f32 v42, v28  }
0xf3: {  	v58 =	vld [tilespmem:s25+$0xFFFFFFF0];
	v2 =	vsub.f32 $1.000000000e+00, v40;
	v26 =	vsub.f32 v26, v49;
	v42 =	vadd.s32 v0, v31  }
0xf4: {  	v61 =	vld [tilespmem:s25+$0x10];
	v59 =	vcvt.s32.f32 v33;
	v28 =	vmovc v51;
	v51 =	vadd.s32 v0, v39;
	v31 =	vadd.s32 v6, v31  }
0xf5: {  	v62 =	vld [tilespmem:s25+$0x20];
	v38 =	vsub.f32 v18, v38;
	v53 =	vsub.f32 v20, v37;
	v20 =	vcvt.s32.f32 v1  }
0xf6: {  	v49 =	vld [tilespmem:s25+$0xFFFFFFB0];
	v56 =	vadd.s32 v0, v1;
	v21 =	vadd.f32 v21, v8;
	v5 =	vsub.f32 $1.000000000e+00, v24  }
0xf7: {  	v39 =	vld [tilespmem:s25+$0xFFFFFFC0];
	v34 =	vsub.f32 v30, v59;
	v30 =	vadd.s32 v0, v33;
	v33 =	vadd.s32 v6, v33  }
0xf8: {  	v27 =	vsub.f32 $1.000000000e+00, v26;
	[tilespmem:v46+s21+$0x0] =	vst.idx.add.f32.msk $0xffff, v2;
	v4 =	vmul.f32 v45, v7;
	v44 =	vmul.f32 v35, v7  }
0xf9: {  	v59 =	vld [tilespmem:s25+$0x40];
	v37 =	vsub.f32 v32, v20;
	v35 =	vsub.f32 v17, v3;
	v3 =	vmul.f32 v36, v7  }
0xfa: {  	v45 =	vld [tilespmem:s25+$0xFFFFFFA0];
	v36 =	vadd.s32 v6, v22;
	v18 =	vtrunc.f32 v21;
	v4 =	vadd.f32 v4, v8  }
0xfb: {  	[tilespmem:$0x1FFA0] =	vst v9;
	v17 =	vld [tilespmem:s25+$0x0];
	v22 =	vadd.s32 v0, v22;
	v32 =	vadd.f32 v44, v8;
	v60 =	vsub.f32 $1.000000000e+00, v37  }
0xfc: {  	v57 =	vsub.f32 $1.000000000e+00, v34;
	[tilespmem:v47+s21+$0x0] =	vst.idx.add.f32.msk $0xffff, v5;
	v18 =	vcvt.f32.s32 v18;
	v3 =	vadd.f32 v3, v8  }
0xfd: {  	v44 =	vadd.s32 v6, v1;
	v20 =	vtrunc.f32 v4;
	v1 =	vtrunc.f32 v32;
	[tilespmem:v56+s21+$0x0] =	vst.idx.add.f32.msk $0xffff, v60  }
0xfe: {  	v56 =	vtrunc.f32 v3;
	[tilespmem:v30+s21+$0x0] =	vst.idx.add.f32.msk $0xffff, v57;
	v30 =	vsub.f32 v12, v50;
	v20 =	vcvt.f32.s32 v20  }
0xff: {  	v48 =	vsub.f32 $1.000000000e+00, v35;
	[tilespmem:v42+s21+$0x0] =	vst.idx.add.f32.msk $0xffff, v27;
	v1 =	vcvt.f32.s32 v1;
	v5 =	vcvt.f32.s32 v56  }
0x100: {  	[tilespmem:v31+s21+$0x0] =	vst.idx.add.f32.msk $0xffff, v26;
	v31 =	vmul.f32 v55, v7;
	v27 =	vsub.f32 $1.000000000e+00, v30;
	v63 =	vcvt.s32.f32 v20  }
0x101: {  	[tilespmem:v22+s21+$0x0] =	vst.idx.add.f32.msk $0xffff, v48;
	v9 =	vadd.s32 v0, v20;
	v60 =	vadd.s32 v0, v1;
	v46 =	vcvt.s32.f32 v5  }
0x102: {  	v12 =	vcvt.s32.f32 v1;
	[tilespmem:v19+s21+$0x0] =	vst.idx.add.f32.msk $0xffff, v27;
	v27 =	vadd.s32 v0, v5;
	v4 =	vsub.f32 v4, v63  }
0x103: {  	[tilespmem:v23+s21+$0x0] =	vst.idx.add.f32.msk $0xffff, v30;
	v3 =	vsub.f32 v3, v46;
	v23 =	vmul.f32 v52, v7;
	v52 =	vsub.f32 $1.000000000e+00, v38  }
0x104: {  	v17 =	vmul.f32 v17, v7;
	[tilespmem:v33+s21+$0x0] =	vst.idx.add.f32.msk $0xffff, v34;
	v32 =	vsub.f32 v32, v12;
	v2 =	vsub.f32 $1.000000000e+00, v4  }
0x105: {  	v20 =	vadd.s32 v6, v20;
	v63 =	vmul.f32 v59, v7;
	v26 =	vsub.f32 $1.000000000e+00, v3;
	[tilespmem:v25+s21+$0x0] =	vst.idx.add.f32.msk $0xffff, v52  }
0x106: {  	v1 =	vadd.s32 v6, v1;
	v42 =	vadd.f32 v17, v8;
	v19 =	vsub.f32 $1.000000000e+00, v32;
	[tilespmem:v9+s21+$0x0] =	vst.idx.add.f32.msk $0xffff, v2  }
0x107: {  	v56 =	vadd.s32 v6, v10;
	v12 =	vadd.f32 v63, v8;
	v25 =	vsub.f32 $1.000000000e+00, v53;
	[tilespmem:v27+s21+$0x0] =	vst.idx.add.f32.msk $0xffff, v26  }
0x108: {  	v5 =	vadd.s32 v6, v5;
	v23 =	vadd.f32 v23, v8;
	[tilespmem:v60+s21+$0x0] =	vst.idx.add.f32.msk $0xffff, v19  }
0x109: {  	v17 =	vadd.f32 v31, v8;
	v30 =	vtrunc.f32 v12;
	v2 =	vcvt.s32.f32 v18;
	[tilespmem:v51+s21+$0x0] =	vst.idx.add.f32.msk $0xffff, v25  }
0x10a: {  	v9 =	vsub.f32 $1.000000000e+00, v11;
	v27 =	vadd.s32 v0, v18;
	v10 =	vtrunc.f32 v23;
	[tilespmem:v20+s21+$0x0] =	vst.idx.add.f32.msk $0xffff, v4  }
0x10b: {  	v4 =	vadd.s32 v6, v18;
	v10 =	vcvt.f32.s32 v10;
	v18 =	vmul.f32 v62, v7;
	[tilespmem:v1+s21+$0x0] =	vst.idx.add.f32.msk $0xffff, v32  }
0x10c: {  	v19 =	vsub.f32 $1.000000000e+00, v16;
	v20 =	vmul.f32 v61, v7;
	v1 =	vmul.f32 v54, v7;
	[tilespmem:v15+s21+$0x0] =	vst.idx.add.f32.msk $0xffff, v53  }
0x10d: {  	v57 =	vcvt.f32.s32 v30;
	v15 =	vmul.f32 v39, v7;
	[tilespmem:v5+s21+$0x0] =	vst.idx.add.f32.msk $0xffff, v3;
	v2 =	vsub.f32 v21, v2  }
0x10e: {  	v5 =	vtrunc.f32 v17;
	[tilespmem:v13+s21+$0x0] =	vst.idx.add.f32.msk $0xffff, v19;
	v13 =	vmul.f32 v49, v7;
	v60 =	vadd.s32 v0, v10  }
0x10f: {  	v26 =	vadd.f32 v18, v8;
	v32 =	vadd.f32 v1, v8;
	v1 =	vmul.f32 v45, v7  }
0x110: {  	v18 =	vmul.f32 v58, v7;
	v20 =	vadd.f32 v20, v8;
	v25 =	vcvt.s32.f32 v10;
	[tilespmem:v14+s21+$0x0] =	vst.idx.add.f32.msk $0xffff, v16  }
0x111: {  	v21 =	vld [tilespmem:s25+$0x70];
	v16 =	vadd.f32 v15, v8;
	v14 =	vmul.f32 v41, v7;
	v1 =	vadd.f32 v1, v8  }
0x112: {  	[tilespmem:v28+s21+$0x0] =	vst.idx.add.f32.msk $0xffff, v9;
	v15 =	vtrunc.f32 v42;
	v50 =	vcvt.s32.f32 v57;
	v59 =	vsub.f32 $1.000000000e+00, v2  }
0x113: {  	[tilespmem:v56+s21+$0x0] =	vst.idx.add.f32.msk $0xffff, v11;
	v30 =	vadd.f32 v18, v8;
	v18 =	vtrunc.f32 v26;
	v3 =	vtrunc.f32 v1  }
0x114: {  	v19 =	vadd.s32 v0, v57;
	v61 =	vtrunc.f32 v20;
	[tilespmem:v27+s21+$0x0] =	vst.idx.add.f32.msk $0xffff, v59;
	v3 =	vcvt.f32.s32 v3  }
0x115: {  	v9 =	vtrunc.f32 v16;
	v11 =	vsub.f32 v23, v25;
	v41 =	vtrunc.f32 v32;
	[tilespmem:v4+s21+$0x0] =	vst.idx.add.f32.msk $0xffff, v2  }
0x116: {  	v22 =	vcvt.s32.f32 v3;
	v4 =	vadd.s32 v0, v3;
	v34 =	vadd.s32 v6, v3;
	v3 =	vld [tilespmem:$0x1FFA0]  }
0x117: {  	v63 =	vadd.f32 v14, v8;
	v31 =	vcvt.f32.s32 v18;
	v9 =	vcvt.f32.s32 v9  }
0x118: {  	[tilespmem:v43+s21+$0x0] =	vst.idx.add.f32.msk $0xffff, v40;
	v23 =	vadd.s32 v6, v57;
	v39 =	vcvt.f32.s32 v61;
	v27 =	vcvt.f32.s32 v15  }
0x119: {  	[tilespmem:v36+s21+$0x0] =	vst.idx.add.f32.msk $0xffff, v35;
	v18 =	vadd.f32 v13, v8;
	v62 =	vtrunc.f32 v30;
	v2 =	vtrunc.f32 v63  }
0x11a: {  	s24 =	sadd.s32 $0x10, s24;
	[tilespmem:v44+s21+$0x0] =	vst.idx.add.f32.msk $0xffff, v37;
	v13 =	vadd.s32 v0, v9;
	v49 =	vcvt.s32.f32 v31;
	v15 =	vadd.s32 v6, v39  }
0x11b: {  	p1 =	slt.u32 s24, $0x3F0;
	[tilespmem:v29+s21+$0x0] =	vst.idx.add.f32.msk $0xffff, v38;
	v14 =	vadd.s32 v6, v9;
	v25 =	vtrunc.f32 v18;
	v33 =	vcvt.f32.s32 v62  }
.Ltmp2:
0x11c: {  	v36 =	vld [tilespmem:s25+$0x60];
	v28 =	vcvt.s32.f32 v27;
	v29 =	vsub.f32 v1, v22;
	v1 =	vcvt.f32.s32 v2;
	(pc) =	sbr.rel @p1 .LBB2_7-.Ltmp2, $4  }
0x11d: {  	v35 =	vld [tilespmem:s25+$0x50];
	v47 =	vadd.s32 v0, v27;
	v2 =	vcvt.s32.f32 v9;
	v22 =	vcvt.f32.s32 v5  }
0x11e: {  	v5 =	vcvt.s32.f32 v1;
	[tilespmem:v3+s21+$0x0] =	vst.idx.add.f32.msk $0xffff, v24;
	v3 =	vsub.f32 $1.000000000e+00, v29;
	v24 =	vcvt.f32.s32 v25  }
0x11f: {  	v45 =	vld [tilespmem:s25+$0x30];
	v51 =	vmovc v60;
	v46 =	vadd.s32 v0, v1;
	v16 =	vsub.f32 v16, v2;
	v43 =	vadd.s32 v6, v1  }
0x120: {  	s25 =	sadd.s32 $0x100, s25;
	v40 =	vsub.f32 v63, v5;
	[tilespmem:v4+s21+$0x0] =	vst.idx.add.f32.msk $0xffff, v3;
	v38 =	vcvt.s32.f32 v24;
	v25 =	vadd.s32 v0, v24  }
0x121: {  	v1 =	vcvt.f32.s32 v41;
	v2 =	vsub.f32 v42, v28;
	v5 =	vcvt.s32.f32 v33  }
0x122: {  	v37 =	vadd.s32 v0, v33;
	v26 =	vsub.f32 v26, v49;
	v48 =	vmul.f32 v36, v7  }
0x123: {  	v49 =	vadd.s32 v0, v31;
	v12 =	vsub.f32 v12, v50;
	v59 =	vadd.s32 v6, v31  }
0x124: {  	v35 =	vmul.f32 v35, v7;
	v57 =	vsub.f32 $1.000000000e+00, v40;
	v18 =	vsub.f32 v18, v38  }
0x125: {  	[tilespmem:v34+s21+$0x0] =	vst.idx.add.f32.msk $0xffff, v29;
	v3 =	vcvt.s32.f32 v1;
	v28 =	vsub.f32 $1.000000000e+00, v2;
	v5 =	vsub.f32 v30, v5  }
0x126: {  	v9 =	vadd.s32 v0, v1;
	v30 =	vadd.f32 v48, v8;
	v61 =	vsub.f32 $1.000000000e+00, v12;
	[tilespmem:v46+s21+$0x0] =	vst.idx.add.f32.msk $0xffff, v57  }
0x127: {  	v54 =	vsub.f32 $1.000000000e+00, v26;
	v1 =	vadd.s32 v6, v1;
	v4 =	vmul.f32 v45, v7;
	[tilespmem:v47+s21+$0x0] =	vst.idx.add.f32.msk $0xffff, v28  }
0x128: {  	v35 =	vadd.f32 v35, v8;
	v3 =	vsub.f32 v32, v3;
	[tilespmem:v19+s21+$0x0] =	vst.idx.add.f32.msk $0xffff, v61  }
0x129: {  	v53 =	vsub.f32 $1.000000000e+00, v5;
	v56 =	vtrunc.f32 v30;
	[tilespmem:v43+s21+$0x0] =	vst.idx.add.f32.msk $0xffff, v40;
	v4 =	vadd.f32 v4, v8  }
0x12a: {  	v58 =	vcvt.f32.s32 v56;
	[tilespmem:v49+s21+$0x0] =	vst.idx.add.f32.msk $0xffff, v54;
	v62 =	vtrunc.f32 v35;
	v52 =	vsub.f32 $1.000000000e+00, v3  }
0x12b: {  	[tilespmem:v37+s21+$0x0] =	vst.idx.add.f32.msk $0xffff, v53;
	v34 =	vcvt.f32.s32 v62;
	v53 =	vsub.f32 $1.000000000e+00, v18;
	v55 =	vtrunc.f32 v4  }
0x12c: {  	v41 =	vcvt.s32.f32 v58;
	v42 =	vadd.s32 v0, v58;
	[tilespmem:v9+s21+$0x0] =	vst.idx.add.f32.msk $0xffff, v52;
	v9 =	vcvt.f32.s32 v55  }
0x12d: {  	[tilespmem:v23+s21+$0x0] =	vst.idx.add.f32.msk $0xffff, v12;
	v56 =	vadd.s32 v6, v58;
	v58 =	vsub.f32 $1.000000000e+00, v11;
	v47 =	vcvt.s32.f32 v34  }
0x12e: {  	[tilespmem:v59+s21+$0x0] =	vst.idx.add.f32.msk $0xffff, v26;
	v49 =	vadd.s32 v0, v34;
	v45 =	vsub.f32 v30, v41;
	v60 =	vcvt.s32.f32 v9  }
0x12f: {  	[tilespmem:v25+s21+$0x0] =	vst.idx.add.f32.msk $0xffff, v53;
	v63 =	vadd.s32 v0, v9;
	v29 =	vsub.f32 v35, v47  }
0x130: {  	[tilespmem:v51+s21+$0x0] =	vst.idx.add.f32.msk $0xffff, v58;
	v9 =	vadd.s32 v6, v9;
	v50 =	vsub.f32 $1.000000000e+00, v45;
	v4 =	vsub.f32 v4, v60  }
0x131: {  	v44 =	vcvt.s32.f32 v39;
	[tilespmem:v1+s21+$0x0] =	vst.idx.add.f32.msk $0xffff, v3;
	v55 =	vsub.f32 $1.000000000e+00, v29  }
0x132: {  	v21 =	vmul.f32 v21, v7;
	v46 =	vadd.s32 v0, v39;
	[tilespmem:v42+s21+$0x0] =	vst.idx.add.f32.msk $0xffff, v50;
	v48 =	vsub.f32 $1.000000000e+00, v4  }
0x133: {  	v20 =	vsub.f32 v20, v44;
	v52 =	vadd.s32 v6, v34;
	[tilespmem:v49+s21+$0x0] =	vst.idx.add.f32.msk $0xffff, v55  }
0x134: {  	v54 =	vadd.f32 v21, v8;
	[tilespmem:v63+s21+$0x0] =	vst.idx.add.f32.msk $0xffff, v48  }
0x135: {  	[tilespmem:v9+s21+$0x0] =	vst.idx.add.f32.msk $0xffff, v4;
	v4 =	vsub.f32 $1.000000000e+00, v20  }
0x136: {  	[tilespmem:v56+s21+$0x0] =	vst.idx.add.f32.msk $0xffff, v45;
	v63 =	vadd.s32 v6, v27;
	v9 =	vtrunc.f32 v54  }
0x137: {  	v9 =	vcvt.f32.s32 v9;
	[tilespmem:v46+s21+$0x0] =	vst.idx.add.f32.msk $0xffff, v4;
	v4 =	vadd.s32 v6, v10;
	v10 =	vsub.f32 $1.000000000e+00, v16  }
0x138: {  	[tilespmem:v52+s21+$0x0] =	vst.idx.add.f32.msk $0xffff, v29  }
0x139: {  	v57 =	vcvt.s32.f32 v9;
	[tilespmem:v13+s21+$0x0] =	vst.idx.add.f32.msk $0xffff, v10;
	v10 =	vadd.s32 v6, v24  }
0x13a: {  	v60 =	vcvt.s32.f32 v22;
	[tilespmem:v15+s21+$0x0] =	vst.idx.add.f32.msk $0xffff, v20;
	v59 =	vadd.s32 v0, v9  }
0x13b: {  	v61 =	vadd.s32 v0, v22;
	[tilespmem:v63+s21+$0x0] =	vst.idx.add.f32.msk $0xffff, v2;
	v19 =	vsub.f32 v54, v57  }
0x13c: {  	v9 =	vadd.s32 v6, v9;
	v13 =	vsub.f32 v17, v60;
	[tilespmem:v14+s21+$0x0] =	vst.idx.add.f32.msk $0xffff, v16  }
0x13d: {  	v62 =	vsub.f32 $1.000000000e+00, v19;
	[tilespmem:v4+s21+$0x0] =	vst.idx.add.f32.msk $0xffff, v11;
	v4 =	vadd.s32 v6, v33  }
0x13e: {  	v11 =	vsub.f32 $1.000000000e+00, v13;
	[tilespmem:v10+s21+$0x0] =	vst.idx.add.f32.msk $0xffff, v18;
	v10 =	vadd.s32 v6, v22  }
.Ltmp3:
0x13f: {  	[tilespmem:v59+s21+$0x0] =	vst.idx.add.f32.msk $0xffff, v62;
	(pc) =	sbr.rel @p0 .LBB2_4-.Ltmp3, $4  }
0x140: {  	[tilespmem:v61+s21+$0x0] =	vst.idx.add.f32.msk $0xffff, v11  }
0x141: {  	[tilespmem:v9+s21+$0x0] =	vst.idx.add.f32.msk $0xffff, v19  }
0x142: {  	[tilespmem:v4+s21+$0x0] =	vst.idx.add.f32.msk $0xffff, v5  }
0x143: {  	s24 =	simm.s32 $0x1000;
	p1 =	por $0x0, $0x0;
	[tilespmem:v10+s21+$0x0] =	vst.idx.add.f32.msk $0xffff, v13  }
0x144: {  	_ =	swait.ge [sflag:s20], $0x4000  }
0x145: {  	[sflag:s20] =	ssyncset.done $0x0  }
0x146: {  	[sflag:s20] =	ssyncadd.s32 $0xFFFFC000  }
0x147: {  	v1 =	vld [tilespmem:$0x8800]  }
0x148: {  	v2 =	vld [tilespmem:$0x8810];
	_ =	sdelay $0x1  }
0x149: {  	v3 =	vld [tilespmem:$0x8820];
	_ =	sdelay $0x1  }
0x14a: {  	v4 =	vld [tilespmem:$0x8830]  }
0x14b: {  	v1 =	vadd.f32 v2, v1  }
0x14c: {  	v2 =	vld [tilespmem:$0x8840]  }
0x14d: {  	v1 =	vadd.f32 v3, v1  }
0x14e: {  	v3 =	vld [tilespmem:$0x8850]  }
0x14f: {  	v1 =	vadd.f32 v4, v1  }
0x150: {  	v4 =	vld [tilespmem:$0x8860]  }
0x151: {  	v1 =	vadd.f32 v2, v1  }
0x152: {  	v2 =	vld [tilespmem:$0x8870]  }
0x153: {  	v1 =	vadd.f32 v3, v1  }
0x154: {  	v3 =	vld [tilespmem:$0x8880]  }
0x155: {  	v1 =	vadd.f32 v4, v1  }
0x156: {  	v4 =	vld [tilespmem:$0x8890]  }
0x157: {  	v1 =	vadd.f32 v2, v1  }
0x158: {  	v2 =	vld [tilespmem:$0x88A0]  }
0x159: {  	v1 =	vadd.f32 v3, v1  }
0x15a: {  	v3 =	vld [tilespmem:$0x88B0]  }
0x15b: {  	v1 =	vadd.f32 v4, v1  }
0x15c: {  	v4 =	vld [tilespmem:$0x88C0]  }
0x15d: {  	v1 =	vadd.f32 v2, v1  }
0x15e: {  	v2 =	vld [tilespmem:$0x88D0]  }
0x15f: {  	v1 =	vadd.f32 v3, v1  }
0x160: {  	v3 =	vld [tilespmem:$0x88E0]  }
0x161: {  	v1 =	vadd.f32 v4, v1  }
0x162: {  	v4 =	vld [tilespmem:$0x88F0]  }
0x163: {  	v1 =	vadd.f32 v2, v1;
	_ =	sdelay $0x1  }
0x164: {  	v1 =	vadd.f32 v3, v1;
	_ =	sdelay $0x1  }
0x165: {  	v1 =	vadd.f32 v4, v1;
	_ =	sdelay $0x1  }
0x166: {  	s24 =	simm.s32 $0x0;
	[tilespmem:$0x8900] =	vst v1  }
0x167: {  	[hbm4b:s9+s24] =	stream.linear.scatter [tilespmem:s18], [sflag:$0x3], $0x10, $0x38;
	[tilespmem:$0x8980] =	vst v63  }
0x168: {  	_ =	swait.ge [sflag:s16], $0x10  }
0x169: {  	[sflag:s16] =	ssyncset.done $0x0  }
0x16a: {  	v1 =	vimm.f32 $0.0e+00;
	[sflag:s16] =	ssyncadd.s32 $0xFFFFFFF0  }
0x16b: {  	[tilespmem:$0x8800] =	vst v1  }
0x16c: {  	[tilespmem:$0x8810] =	vst v1  }
0x16d: {  	[tilespmem:$0x8820] =	vst v1  }
0x16e: {  	[tilespmem:$0x8830] =	vst v1  }
0x16f: {  	[tilespmem:$0x8840] =	vst v1  }
0x170: {  	[tilespmem:$0x8850] =	vst v1  }
0x171: {  	[tilespmem:$0x8860] =	vst v1  }
0x172: {  	[tilespmem:$0x8870] =	vst v1  }
0x173: {  	[tilespmem:$0x8880] =	vst v1  }
0x174: {  	[tilespmem:$0x8890] =	vst v1  }
0x175: {  	[tilespmem:$0x88A0] =	vst v1  }
0x176: {  	[tilespmem:$0x88B0] =	vst v1  }
0x177: {  	[tilespmem:$0x88C0] =	vst v1  }
0x178: {  	[tilespmem:$0x88D0] =	vst v1  }
0x179: {  	[tilespmem:$0x88E0] =	vst v1  }
0x17a: {  	[tilespmem:$0x88F0] =	vst v1  }
0x17b: {  	[tilespmem:s24], [sflag:$0x1] =	stream.linear.gather [hbm4b:s10+s24], $0x4000, $0x38;
	[tilespmem:$0x8980] =	vst v63  }
.LBB2_10:
0x17c: {  	s25 =	sshll.u32 s24, $0xF  }
0x17d: {  	s25 =	sadd.s32 s25, s11  }
0x17e: {  	s25 =	sshrl.u32 s25, $0x3  }
0x17f: {  	s25 =	sadd.s32 s1, s25  }
0x180: {  	[tilespmem:s19], [sflag:$0x2] =	stream.linear.gather [hbm4b:s25+s2], $0x4000, $0x38;
	[tilespmem:$0x8980] =	vst v63  }
0x181: {  	_ =	swait.ge [sflag:s20], $0x4000  }
0x182: {  	[sflag:s20] =	ssyncset.done $0x0  }
0x183: {  	s26 =	simm.s32 $0x80;
	[sflag:s20] =	ssyncadd.s32 $0xFFFFC000  }
0x184: {  	v1 =	vld [tilespmem:s26+$0xFFFFFF80]  }
0x185: {  	v2 =	vld [tilespmem:s26+$0x40]  }
0x186: {  	v3 =	vld [tilespmem:s26+$0x10]  }
0x187: {  	v4 =	vld [tilespmem:s26+$0x20]  }
0x188: {  	v5 =	vld [tilespmem:s26+$0x0]  }
0x189: {  	v11 =	vld [tilespmem:s26+$0xFFFFFFF0]  }
0x18a: {  	v13 =	vld [tilespmem:s26+$0xFFFFFFD0]  }
0x18b: {  	v15 =	vld [tilespmem:s26+$0xFFFFFFC0]  }
0x18c: {  	v16 =	vld [tilespmem:s26+$0xFFFFFFB0];
	v1 =	vmul.f32 v1, v7  }
0x18d: {  	v2 =	vmul.f32 v2, v7;
	v4 =	vmul.f32 v4, v7  }
0x18e: {  	v3 =	vmul.f32 v3, v7;
	v5 =	vmul.f32 v5, v7;
	v1 =	vadd.f32 v1, v8  }
0x18f: {  	v12 =	vadd.f32 v2, v8;
	v26 =	vadd.f32 v4, v8;
	v4 =	vmul.f32 v11, v7  }
0x190: {  	v42 =	vadd.f32 v5, v8;
	v5 =	vmul.f32 v13, v7;
	v13 =	vmul.f32 v15, v7  }
0x191: {  	v2 =	vld [tilespmem:s26+$0xFFFFFFE0];
	v20 =	vadd.f32 v3, v8;
	v15 =	vmul.f32 v16, v7;
	v9 =	vtrunc.f32 v1  }
0x192: {  	v3 =	vld [tilespmem:s26+$0xFFFFFF90];
	v14 =	vtrunc.f32 v12;
	v30 =	vadd.f32 v4, v8;
	v4 =	vtrunc.f32 v26  }
0x193: {  	v32 =	vadd.f32 v5, v8;
	v5 =	vadd.f32 v13, v8;
	v35 =	vcvt.f32.s32 v14;
	v14 =	vld [tilespmem:s26+$0xFFFFFFA0]  }
0x194: {  	v18 =	vadd.f32 v15, v8;
	v10 =	vcvt.f32.s32 v9;
	v31 =	vcvt.f32.s32 v4  }
0x195: {  	v13 =	vtrunc.f32 v5;
	v16 =	vtrunc.f32 v30  }
0x196: {  	v41 =	vtrunc.f32 v32;
	v28 =	vtrunc.f32 v18  }
0x197: {  	v11 =	vcvt.s32.f32 v10;
	v2 =	vmul.f32 v2, v7  }
0x198: {  	v51 =	vadd.s32 v0, v10;
	v3 =	vmul.f32 v3, v7;
	v4 =	vmul.f32 v14, v7  }
0x199: {  	v19 =	vadd.s32 v0, v35;
	v49 =	vcvt.s32.f32 v31;
	v33 =	vcvt.f32.s32 v16  }
0x19a: {  	v50 =	vcvt.s32.f32 v35;
	v17 =	vadd.f32 v2, v8;
	v4 =	vadd.f32 v4, v8  }
0x19b: {  	v2 =	vtrunc.f32 v20;
	v11 =	vsub.f32 v1, v11;
	v1 =	vcvt.f32.s32 v13  }
0x19c: {  	v23 =	vadd.s32 v6, v35;
	v39 =	vcvt.f32.s32 v2;
	v2 =	vtrunc.f32 v4  }
0x19d: {  	v3 =	vadd.f32 v3, v8;
	v14 =	vtrunc.f32 v42;
	v2 =	vcvt.f32.s32 v2  }
0x19e: {  	v22 =	vtrunc.f32 v17;
	v13 =	vadd.s32 v0, v1;
	v27 =	vcvt.f32.s32 v14  }
0x19f: {  	v14 =	vadd.s32 v6, v1;
	v24 =	vtrunc.f32 v3;
	v21 =	vcvt.s32.f32 v2  }
0x1a0: {  	v1 =	vcvt.s32.f32 v1;
	v15 =	vadd.s32 v6, v39;
	v25 =	vadd.s32 v0, v2  }
0x1a1: {  	v45 =	vld [tilespmem:s26+$0x30];
	v34 =	vadd.s32 v6, v2;
	v2 =	vcvt.f32.s32 v24;
	v29 =	vsub.f32 v4, v21  }
0x1a2: {  	v36 =	vld [tilespmem:s26+$0x60];
	v22 =	vcvt.f32.s32 v22;
	v47 =	vadd.s32 v0, v27;
	v16 =	vsub.f32 v5, v1  }
0x1a3: {  	v35 =	vld [tilespmem:s26+$0x50];
	v24 =	vcvt.f32.s32 v28;
	v37 =	vcvt.s32.f32 v2;
	v4 =	vsub.f32 $1.000000000e+00, v29  }
0x1a4: {  	v28 =	vcvt.s32.f32 v27;
	v21 =	vld [tilespmem:s26+$0x70];
	v46 =	vadd.s32 v0, v2;
	v43 =	vadd.s32 v6, v2  }
0x1a5: {  	s25 =	simm.s32 $0x0;
	v38 =	vcvt.s32.f32 v24;
	s26 =	simm.s32 $0x180;
	v40 =	vsub.f32 v3, v37;
	[tilespmem:v25+s21+$0x0] =	vst.idx.add.f32.msk $0xffff, v4;
	v25 =	vadd.s32 v0, v24  }
.LBB2_11:
0x1a6: {  	[tilespmem:v34+s21+$0x0] =	vst.idx.add.f32.msk $0xffff, v29  }
0x1a7: {  	v1 =	vcvt.f32.s32 v41;
	v41 =	vld [tilespmem:s26+$0xFFFFFF90]  }
0x1a8: {  	v52 =	vld [tilespmem:s26+$0xFFFFFF80]  }
0x1a9: {  	v29 =	vadd.s32 v6, v24;
	v3 =	vcvt.s32.f32 v22;
	v37 =	vcvt.s32.f32 v39;
	v54 =	vld [tilespmem:s26+$0xFFFFFFD0]  }
0x1aa: {  	v9 =	vadd.s32 v6, v27;
	v55 =	vld [tilespmem:s26+$0xFFFFFFE0];
	v21 =	vmul.f32 v21, v7;
	v24 =	vsub.f32 v42, v28  }
0x1ab: {  	v58 =	vld [tilespmem:s26+$0xFFFFFFF0];
	v2 =	vsub.f32 $1.000000000e+00, v40;
	v26 =	vsub.f32 v26, v49;
	v42 =	vadd.s32 v0, v31  }
0x1ac: {  	v61 =	vld [tilespmem:s26+$0x10];
	v59 =	vcvt.s32.f32 v33;
	v28 =	vmovc v51;
	v51 =	vadd.s32 v0, v39;
	v31 =	vadd.s32 v6, v31  }
0x1ad: {  	v62 =	vld [tilespmem:s26+$0x20];
	v38 =	vsub.f32 v18, v38;
	v53 =	vsub.f32 v20, v37;
	v20 =	vcvt.s32.f32 v1  }
0x1ae: {  	v49 =	vld [tilespmem:s26+$0xFFFFFFB0];
	v56 =	vadd.s32 v0, v1;
	v21 =	vadd.f32 v21, v8;
	v5 =	vsub.f32 $1.000000000e+00, v24  }
0x1af: {  	v39 =	vld [tilespmem:s26+$0xFFFFFFC0];
	v34 =	vsub.f32 v30, v59;
	v30 =	vadd.s32 v0, v33;
	v33 =	vadd.s32 v6, v33  }
0x1b0: {  	v27 =	vsub.f32 $1.000000000e+00, v26;
	[tilespmem:v46+s21+$0x0] =	vst.idx.add.f32.msk $0xffff, v2;
	v4 =	vmul.f32 v45, v7;
	v44 =	vmul.f32 v35, v7  }
0x1b1: {  	v59 =	vld [tilespmem:s26+$0x40];
	v37 =	vsub.f32 v32, v20;
	v35 =	vsub.f32 v17, v3;
	v3 =	vmul.f32 v36, v7  }
0x1b2: {  	v45 =	vld [tilespmem:s26+$0xFFFFFFA0];
	v36 =	vadd.s32 v6, v22;
	v18 =	vtrunc.f32 v21;
	v4 =	vadd.f32 v4, v8  }
0x1b3: {  	[tilespmem:$0x1FF90] =	vst v9;
	v17 =	vld [tilespmem:s26+$0x0];
	v22 =	vadd.s32 v0, v22;
	v32 =	vadd.f32 v44, v8;
	v60 =	vsub.f32 $1.000000000e+00, v37  }
0x1b4: {  	v57 =	vsub.f32 $1.000000000e+00, v34;
	[tilespmem:v47+s21+$0x0] =	vst.idx.add.f32.msk $0xffff, v5;
	v18 =	vcvt.f32.s32 v18;
	v3 =	vadd.f32 v3, v8  }
0x1b5: {  	v44 =	vadd.s32 v6, v1;
	v20 =	vtrunc.f32 v4;
	v1 =	vtrunc.f32 v32;
	[tilespmem:v56+s21+$0x0] =	vst.idx.add.f32.msk $0xffff, v60  }
0x1b6: {  	v56 =	vtrunc.f32 v3;
	[tilespmem:v30+s21+$0x0] =	vst.idx.add.f32.msk $0xffff, v57;
	v30 =	vsub.f32 v12, v50;
	v20 =	vcvt.f32.s32 v20  }
0x1b7: {  	v48 =	vsub.f32 $1.000000000e+00, v35;
	[tilespmem:v42+s21+$0x0] =	vst.idx.add.f32.msk $0xffff, v27;
	v1 =	vcvt.f32.s32 v1;
	v5 =	vcvt.f32.s32 v56  }
0x1b8: {  	[tilespmem:v31+s21+$0x0] =	vst.idx.add.f32.msk $0xffff, v26;
	v31 =	vmul.f32 v55, v7;
	v27 =	vsub.f32 $1.000000000e+00, v30;
	v63 =	vcvt.s32.f32 v20  }
0x1b9: {  	[tilespmem:v22+s21+$0x0] =	vst.idx.add.f32.msk $0xffff, v48;
	v9 =	vadd.s32 v0, v20;
	v60 =	vadd.s32 v0, v1;
	v46 =	vcvt.s32.f32 v5  }
0x1ba: {  	v12 =	vcvt.s32.f32 v1;
	[tilespmem:v19+s21+$0x0] =	vst.idx.add.f32.msk $0xffff, v27;
	v27 =	vadd.s32 v0, v5;
	v4 =	vsub.f32 v4, v63  }
0x1bb: {  	[tilespmem:v23+s21+$0x0] =	vst.idx.add.f32.msk $0xffff, v30;
	v3 =	vsub.f32 v3, v46;
	v23 =	vmul.f32 v52, v7;
	v52 =	vsub.f32 $1.000000000e+00, v38  }
0x1bc: {  	v17 =	vmul.f32 v17, v7;
	[tilespmem:v33+s21+$0x0] =	vst.idx.add.f32.msk $0xffff, v34;
	v32 =	vsub.f32 v32, v12;
	v2 =	vsub.f32 $1.000000000e+00, v4  }
0x1bd: {  	v20 =	vadd.s32 v6, v20;
	v63 =	vmul.f32 v59, v7;
	v26 =	vsub.f32 $1.000000000e+00, v3;
	[tilespmem:v25+s21+$0x0] =	vst.idx.add.f32.msk $0xffff, v52  }
0x1be: {  	v1 =	vadd.s32 v6, v1;
	v42 =	vadd.f32 v17, v8;
	v19 =	vsub.f32 $1.000000000e+00, v32;
	[tilespmem:v9+s21+$0x0] =	vst.idx.add.f32.msk $0xffff, v2  }
0x1bf: {  	v56 =	vadd.s32 v6, v10;
	v12 =	vadd.f32 v63, v8;
	v25 =	vsub.f32 $1.000000000e+00, v53;
	[tilespmem:v27+s21+$0x0] =	vst.idx.add.f32.msk $0xffff, v26  }
0x1c0: {  	v5 =	vadd.s32 v6, v5;
	v23 =	vadd.f32 v23, v8;
	[tilespmem:v60+s21+$0x0] =	vst.idx.add.f32.msk $0xffff, v19  }
0x1c1: {  	v17 =	vadd.f32 v31, v8;
	v30 =	vtrunc.f32 v12;
	v2 =	vcvt.s32.f32 v18;
	[tilespmem:v51+s21+$0x0] =	vst.idx.add.f32.msk $0xffff, v25  }
0x1c2: {  	v9 =	vsub.f32 $1.000000000e+00, v11;
	v27 =	vadd.s32 v0, v18;
	v10 =	vtrunc.f32 v23;
	[tilespmem:v20+s21+$0x0] =	vst.idx.add.f32.msk $0xffff, v4  }
0x1c3: {  	v4 =	vadd.s32 v6, v18;
	v10 =	vcvt.f32.s32 v10;
	v18 =	vmul.f32 v62, v7;
	[tilespmem:v1+s21+$0x0] =	vst.idx.add.f32.msk $0xffff, v32  }
0x1c4: {  	v19 =	vsub.f32 $1.000000000e+00, v16;
	v20 =	vmul.f32 v61, v7;
	v1 =	vmul.f32 v54, v7;
	[tilespmem:v15+s21+$0x0] =	vst.idx.add.f32.msk $0xffff, v53  }
0x1c5: {  	v57 =	vcvt.f32.s32 v30;
	v15 =	vmul.f32 v39, v7;
	[tilespmem:v5+s21+$0x0] =	vst.idx.add.f32.msk $0xffff, v3;
	v2 =	vsub.f32 v21, v2  }
0x1c6: {  	v5 =	vtrunc.f32 v17;
	[tilespmem:v13+s21+$0x0] =	vst.idx.add.f32.msk $0xffff, v19;
	v13 =	vmul.f32 v49, v7;
	v60 =	vadd.s32 v0, v10  }
0x1c7: {  	v26 =	vadd.f32 v18, v8;
	v32 =	vadd.f32 v1, v8;
	v1 =	vmul.f32 v45, v7  }
0x1c8: {  	v18 =	vmul.f32 v58, v7;
	v20 =	vadd.f32 v20, v8;
	v25 =	vcvt.s32.f32 v10;
	[tilespmem:v14+s21+$0x0] =	vst.idx.add.f32.msk $0xffff, v16  }
0x1c9: {  	v21 =	vld [tilespmem:s26+$0x70];
	v16 =	vadd.f32 v15, v8;
	v14 =	vmul.f32 v41, v7;
	v1 =	vadd.f32 v1, v8  }
0x1ca: {  	[tilespmem:v28+s21+$0x0] =	vst.idx.add.f32.msk $0xffff, v9;
	v15 =	vtrunc.f32 v42;
	v50 =	vcvt.s32.f32 v57;
	v59 =	vsub.f32 $1.000000000e+00, v2  }
0x1cb: {  	[tilespmem:v56+s21+$0x0] =	vst.idx.add.f32.msk $0xffff, v11;
	v30 =	vadd.f32 v18, v8;
	v18 =	vtrunc.f32 v26;
	v3 =	vtrunc.f32 v1  }
0x1cc: {  	v19 =	vadd.s32 v0, v57;
	v61 =	vtrunc.f32 v20;
	[tilespmem:v27+s21+$0x0] =	vst.idx.add.f32.msk $0xffff, v59;
	v3 =	vcvt.f32.s32 v3  }
0x1cd: {  	v9 =	vtrunc.f32 v16;
	v11 =	vsub.f32 v23, v25;
	v41 =	vtrunc.f32 v32;
	[tilespmem:v4+s21+$0x0] =	vst.idx.add.f32.msk $0xffff, v2  }
0x1ce: {  	v22 =	vcvt.s32.f32 v3;
	v4 =	vadd.s32 v0, v3;
	v34 =	vadd.s32 v6, v3;
	v3 =	vld [tilespmem:$0x1FF90]  }
0x1cf: {  	v63 =	vadd.f32 v14, v8;
	v31 =	vcvt.f32.s32 v18;
	v9 =	vcvt.f32.s32 v9  }
0x1d0: {  	[tilespmem:v43+s21+$0x0] =	vst.idx.add.f32.msk $0xffff, v40;
	v23 =	vadd.s32 v6, v57;
	v39 =	vcvt.f32.s32 v61;
	v27 =	vcvt.f32.s32 v15  }
0x1d1: {  	[tilespmem:v36+s21+$0x0] =	vst.idx.add.f32.msk $0xffff, v35;
	v18 =	vadd.f32 v13, v8;
	v62 =	vtrunc.f32 v30;
	v2 =	vtrunc.f32 v63  }
0x1d2: {  	s25 =	sadd.s32 $0x10, s25;
	[tilespmem:v44+s21+$0x0] =	vst.idx.add.f32.msk $0xffff, v37;
	v13 =	vadd.s32 v0, v9;
	v49 =	vcvt.s32.f32 v31;
	v15 =	vadd.s32 v6, v39  }
0x1d3: {  	p0 =	slt.u32 s25, $0x3F0;
	[tilespmem:v29+s21+$0x0] =	vst.idx.add.f32.msk $0xffff, v38;
	v14 =	vadd.s32 v6, v9;
	v25 =	vtrunc.f32 v18;
	v33 =	vcvt.f32.s32 v62  }
.Ltmp4:
0x1d4: {  	v36 =	vld [tilespmem:s26+$0x60];
	v28 =	vcvt.s32.f32 v27;
	v29 =	vsub.f32 v1, v22;
	v1 =	vcvt.f32.s32 v2;
	(pc) =	sbr.rel @p0 .LBB2_11-.Ltmp4, $4  }
0x1d5: {  	v35 =	vld [tilespmem:s26+$0x50];
	v47 =	vadd.s32 v0, v27;
	v2 =	vcvt.s32.f32 v9;
	v22 =	vcvt.f32.s32 v5  }
0x1d6: {  	v5 =	vcvt.s32.f32 v1;
	[tilespmem:v3+s21+$0x0] =	vst.idx.add.f32.msk $0xffff, v24;
	v3 =	vsub.f32 $1.000000000e+00, v29;
	v24 =	vcvt.f32.s32 v25  }
0x1d7: {  	v45 =	vld [tilespmem:s26+$0x30];
	v51 =	vmovc v60;
	v46 =	vadd.s32 v0, v1;
	v16 =	vsub.f32 v16, v2;
	v43 =	vadd.s32 v6, v1  }
0x1d8: {  	s26 =	sadd.s32 $0x100, s26;
	v40 =	vsub.f32 v63, v5;
	[tilespmem:v4+s21+$0x0] =	vst.idx.add.f32.msk $0xffff, v3;
	v38 =	vcvt.s32.f32 v24;
	v25 =	vadd.s32 v0, v24  }
0x1d9: {  	v1 =	vcvt.f32.s32 v41  }
0x1da: {  	v2 =	vsub.f32 v42, v28;
	v5 =	vcvt.s32.f32 v33;
	v37 =	vadd.s32 v0, v33  }
0x1db: {  	v26 =	vsub.f32 v26, v49;
	v49 =	vadd.s32 v0, v31;
	v12 =	vsub.f32 v12, v50  }
0x1dc: {  	v35 =	vmul.f32 v35, v7;
	v3 =	vcvt.s32.f32 v1;
	v9 =	vadd.s32 v0, v1  }
0x1dd: {  	v28 =	vsub.f32 $1.000000000e+00, v2;
	v5 =	vsub.f32 v30, v5;
	v30 =	vmul.f32 v36, v7  }
0x1de: {  	[tilespmem:v34+s21+$0x0] =	vst.idx.add.f32.msk $0xffff, v29;
	v53 =	vsub.f32 $1.000000000e+00, v26;
	v57 =	vsub.f32 $1.000000000e+00, v12;
	v4 =	vmul.f32 v45, v7  }
0x1df: {  	v3 =	vsub.f32 v32, v3;
	v30 =	vadd.f32 v30, v8;
	[tilespmem:v47+s21+$0x0] =	vst.idx.add.f32.msk $0xffff, v28  }
0x1e0: {  	v31 =	vadd.s32 v6, v31;
	v29 =	vsub.f32 $1.000000000e+00, v5;
	[tilespmem:v19+s21+$0x0] =	vst.idx.add.f32.msk $0xffff, v57;
	v4 =	vadd.f32 v4, v8  }
0x1e1: {  	v35 =	vadd.f32 v35, v8;
	[tilespmem:v49+s21+$0x0] =	vst.idx.add.f32.msk $0xffff, v53;
	v52 =	vsub.f32 $1.000000000e+00, v3;
	v55 =	vtrunc.f32 v30  }
0x1e2: {  	[tilespmem:v37+s21+$0x0] =	vst.idx.add.f32.msk $0xffff, v29;
	v29 =	vsub.f32 $1.000000000e+00, v40;
	v54 =	vtrunc.f32 v4;
	v28 =	vcvt.f32.s32 v55  }
0x1e3: {  	v18 =	vsub.f32 v18, v38;
	v58 =	vtrunc.f32 v35;
	[tilespmem:v9+s21+$0x0] =	vst.idx.add.f32.msk $0xffff, v52;
	v9 =	vcvt.f32.s32 v54  }
0x1e4: {  	v1 =	vadd.s32 v6, v1;
	v34 =	vcvt.f32.s32 v58;
	[tilespmem:v46+s21+$0x0] =	vst.idx.add.f32.msk $0xffff, v29;
	v29 =	vcvt.s32.f32 v28  }
0x1e5: {  	[tilespmem:v31+s21+$0x0] =	vst.idx.add.f32.msk $0xffff, v26;
	v31 =	vsub.f32 $1.000000000e+00, v18;
	v19 =	vadd.s32 v0, v28;
	v56 =	vcvt.s32.f32 v9  }
0x1e6: {  	v60 =	vcvt.s32.f32 v39;
	[tilespmem:v23+s21+$0x0] =	vst.idx.add.f32.msk $0xffff, v12;
	v59 =	vadd.s32 v0, v9;
	v12 =	vsub.f32 v30, v29  }
0x1e7: {  	[tilespmem:v25+s21+$0x0] =	vst.idx.add.f32.msk $0xffff, v31;
	v9 =	vadd.s32 v6, v9;
	v29 =	vcvt.s32.f32 v34;
	v4 =	vsub.f32 v4, v56  }
0x1e8: {  	v21 =	vmul.f32 v21, v7;
	v61 =	vadd.s32 v0, v34;
	[tilespmem:v43+s21+$0x0] =	vst.idx.add.f32.msk $0xffff, v40;
	v26 =	vsub.f32 $1.000000000e+00, v12  }
0x1e9: {  	v23 =	vadd.s32 v0, v39;
	[tilespmem:v1+s21+$0x0] =	vst.idx.add.f32.msk $0xffff, v3;
	v29 =	vsub.f32 v35, v29;
	v30 =	vsub.f32 $1.000000000e+00, v4  }
0x1ea: {  	v20 =	vsub.f32 v20, v60;
	[tilespmem:v19+s21+$0x0] =	vst.idx.add.f32.msk $0xffff, v26  }
0x1eb: {  	v19 =	vadd.f32 v21, v8;
	v21 =	vsub.f32 $1.000000000e+00, v29;
	[tilespmem:v59+s21+$0x0] =	vst.idx.add.f32.msk $0xffff, v30;
	v30 =	vadd.s32 v6, v34  }
0x1ec: {  	[tilespmem:v9+s21+$0x0] =	vst.idx.add.f32.msk $0xffff, v4;
	v4 =	vsub.f32 $1.000000000e+00, v20  }
0x1ed: {  	v9 =	vtrunc.f32 v19;
	[tilespmem:v61+s21+$0x0] =	vst.idx.add.f32.msk $0xffff, v21  }
0x1ee: {  	v9 =	vcvt.f32.s32 v9;
	[tilespmem:v23+s21+$0x0] =	vst.idx.add.f32.msk $0xffff, v4  }
0x1ef: {  	v21 =	vadd.s32 v6, v28;
	v4 =	vadd.s32 v6, v10;
	v10 =	vsub.f32 $1.000000000e+00, v16;
	[tilespmem:v15+s21+$0x0] =	vst.idx.add.f32.msk $0xffff, v20  }
0x1f0: {  	v23 =	vcvt.s32.f32 v9;
	[tilespmem:v30+s21+$0x0] =	vst.idx.add.f32.msk $0xffff, v29  }
0x1f1: {  	v15 =	vsub.f32 $1.000000000e+00, v11;
	v20 =	vadd.s32 v0, v9;
	[tilespmem:v13+s21+$0x0] =	vst.idx.add.f32.msk $0xffff, v10  }
0x1f2: {  	v10 =	vadd.s32 v6, v24;
	v13 =	vcvt.s32.f32 v22;
	v19 =	vsub.f32 v19, v23;
	[tilespmem:v14+s21+$0x0] =	vst.idx.add.f32.msk $0xffff, v16  }
0x1f3: {  	v14 =	vadd.s32 v0, v22;
	[tilespmem:v51+s21+$0x0] =	vst.idx.add.f32.msk $0xffff, v15  }
0x1f4: {  	v9 =	vadd.s32 v6, v9;
	[tilespmem:v21+s21+$0x0] =	vst.idx.add.f32.msk $0xffff, v12;
	v13 =	vsub.f32 v17, v13;
	v15 =	vsub.f32 $1.000000000e+00, v19  }
0x1f5: {  	v12 =	vadd.s32 v6, v27;
	[tilespmem:v4+s21+$0x0] =	vst.idx.add.f32.msk $0xffff, v11  }
0x1f6: {  	v4 =	vadd.s32 v6, v33;
	v11 =	vsub.f32 $1.000000000e+00, v13;
	[tilespmem:v20+s21+$0x0] =	vst.idx.add.f32.msk $0xffff, v15  }
0x1f7: {  	s25 =	sshll.u32 s24, $0x1;
	[tilespmem:v10+s21+$0x0] =	vst.idx.add.f32.msk $0xffff, v18;
	v10 =	vadd.s32 v6, v22  }
0x1f8: {  	s25 =	smin.u32 s25, $0x8;
	[tilespmem:v14+s21+$0x0] =	vst.idx.add.f32.msk $0xffff, v11  }
0x1f9: {  	s25 =	sshll.u32 s25, $0xE;
	[tilespmem:v9+s21+$0x0] =	vst.idx.add.f32.msk $0xffff, v19  }
0x1fa: {  	s25 =	sadd.s32 s25, s12;
	[tilespmem:v12+s21+$0x0] =	vst.idx.add.f32.msk $0xffff, v2  }
0x1fb: {  	s25 =	sshrl.u32 s25, $0x3;
	[tilespmem:v4+s21+$0x0] =	vst.idx.add.f32.msk $0xffff, v5  }
0x1fc: {  	s25 =	sadd.s32 s1, s25;
	[tilespmem:v10+s21+$0x0] =	vst.idx.add.f32.msk $0xffff, v13  }
0x1fd: {  	[tilespmem:s2], [sflag:$0x1] =	stream.linear.gather [hbm4b:s25+s2], $0x4000, $0x38;
	[tilespmem:$0x8980] =	vst v63  }
0x1fe: {  	_ =	swait.ge [sflag:s22], $0x4000  }
0x1ff: {  	[sflag:s22] =	ssyncset.done $0x0  }
0x200: {  	s26 =	simm.s32 $0x4080;
	[sflag:s22] =	ssyncadd.s32 $0xFFFFC000  }
0x201: {  	v1 =	vld [tilespmem:s26+$0xFFFFFF80]  }
0x202: {  	v2 =	vld [tilespmem:s26+$0x40]  }
0x203: {  	v3 =	vld [tilespmem:s26+$0x10]  }
0x204: {  	v4 =	vld [tilespmem:s26+$0x20]  }
0x205: {  	v5 =	vld [tilespmem:s26+$0x0]  }
0x206: {  	v11 =	vld [tilespmem:s26+$0xFFFFFFF0]  }
0x207: {  	v13 =	vld [tilespmem:s26+$0xFFFFFFD0]  }
0x208: {  	v15 =	vld [tilespmem:s26+$0xFFFFFFC0]  }
0x209: {  	v16 =	vld [tilespmem:s26+$0xFFFFFFB0];
	v1 =	vmul.f32 v1, v7  }
0x20a: {  	v2 =	vmul.f32 v2, v7;
	v4 =	vmul.f32 v4, v7  }
0x20b: {  	v3 =	vmul.f32 v3, v7;
	v5 =	vmul.f32 v5, v7;
	v1 =	vadd.f32 v1, v8  }
0x20c: {  	v12 =	vadd.f32 v2, v8;
	v26 =	vadd.f32 v4, v8;
	v4 =	vmul.f32 v11, v7  }
0x20d: {  	v42 =	vadd.f32 v5, v8;
	v5 =	vmul.f32 v13, v7;
	v13 =	vmul.f32 v15, v7  }
0x20e: {  	v2 =	vld [tilespmem:s26+$0xFFFFFFE0];
	v20 =	vadd.f32 v3, v8;
	v15 =	vmul.f32 v16, v7;
	v9 =	vtrunc.f32 v1  }
0x20f: {  	v3 =	vld [tilespmem:s26+$0xFFFFFF90];
	v14 =	vtrunc.f32 v12;
	v30 =	vadd.f32 v4, v8;
	v4 =	vtrunc.f32 v26  }
0x210: {  	v32 =	vadd.f32 v5, v8;
	v5 =	vadd.f32 v13, v8;
	v62 =	vcvt.f32.s32 v14;
	v14 =	vld [tilespmem:s26+$0xFFFFFFA0]  }
0x211: {  	v18 =	vadd.f32 v15, v8;
	v10 =	vcvt.f32.s32 v9;
	v31 =	vcvt.f32.s32 v4  }
0x212: {  	v13 =	vtrunc.f32 v5;
	v16 =	vtrunc.f32 v30  }
0x213: {  	v41 =	vtrunc.f32 v32;
	v28 =	vtrunc.f32 v18  }
0x214: {  	v11 =	vcvt.s32.f32 v10;
	v2 =	vmul.f32 v2, v7  }
0x215: {  	v51 =	vadd.s32 v0, v10;
	v3 =	vmul.f32 v3, v7;
	v4 =	vmul.f32 v14, v7  }
0x216: {  	v19 =	vadd.s32 v0, v62;
	v49 =	vcvt.s32.f32 v31;
	v33 =	vcvt.f32.s32 v16  }
0x217: {  	v50 =	vcvt.s32.f32 v62;
	v17 =	vadd.f32 v2, v8;
	v4 =	vadd.f32 v4, v8  }
0x218: {  	v2 =	vtrunc.f32 v20;
	v11 =	vsub.f32 v1, v11;
	v1 =	vcvt.f32.s32 v13  }
0x219: {  	v23 =	vadd.s32 v6, v62;
	v39 =	vcvt.f32.s32 v2;
	v2 =	vtrunc.f32 v4  }
0x21a: {  	v3 =	vadd.f32 v3, v8;
	v14 =	vtrunc.f32 v42;
	v2 =	vcvt.f32.s32 v2  }
0x21b: {  	v22 =	vtrunc.f32 v17;
	v13 =	vadd.s32 v0, v1;
	v27 =	vcvt.f32.s32 v14  }
0x21c: {  	v14 =	vadd.s32 v6, v1;
	v24 =	vtrunc.f32 v3;
	v21 =	vcvt.s32.f32 v2  }
0x21d: {  	v1 =	vcvt.s32.f32 v1;
	v15 =	vadd.s32 v6, v39;
	v25 =	vadd.s32 v0, v2  }
0x21e: {  	v45 =	vld [tilespmem:s26+$0x30];
	v34 =	vadd.s32 v6, v2;
	v2 =	vcvt.f32.s32 v24;
	v29 =	vsub.f32 v4, v21  }
0x21f: {  	v36 =	vld [tilespmem:s26+$0x60];
	v22 =	vcvt.f32.s32 v22;
	v47 =	vadd.s32 v0, v27;
	v16 =	vsub.f32 v5, v1  }
0x220: {  	v35 =	vld [tilespmem:s26+$0x50];
	v24 =	vcvt.f32.s32 v28;
	v63 =	vcvt.s32.f32 v2;
	v4 =	vsub.f32 $1.000000000e+00, v29  }
0x221: {  	v28 =	vcvt.s32.f32 v27;
	v21 =	vld [tilespmem:s26+$0x70];
	v46 =	vadd.s32 v0, v2;
	v43 =	vadd.s32 v6, v2  }
0x222: {  	s25 =	simm.s32 $0x0;
	v38 =	vcvt.s32.f32 v24;
	s26 =	simm.s32 $0x4180;
	v40 =	vsub.f32 v3, v63;
	[tilespmem:v25+s21+$0x0] =	vst.idx.add.f32.msk $0xffff, v4;
	v25 =	vadd.s32 v0, v24  }
.LBB2_13:
0x223: {  	[tilespmem:v34+s21+$0x0] =	vst.idx.add.f32.msk $0xffff, v29  }
0x224: {  	v1 =	vcvt.f32.s32 v41;
	v41 =	vld [tilespmem:s26+$0xFFFFFF90]  }
0x225: {  	v52 =	vld [tilespmem:s26+$0xFFFFFF80]  }
0x226: {  	v29 =	vadd.s32 v6, v24;
	v3 =	vcvt.s32.f32 v22;
	v37 =	vcvt.s32.f32 v39;
	v54 =	vld [tilespmem:s26+$0xFFFFFFD0]  }
0x227: {  	v9 =	vadd.s32 v6, v27;
	v55 =	vld [tilespmem:s26+$0xFFFFFFE0];
	v21 =	vmul.f32 v21, v7;
	v24 =	vsub.f32 v42, v28  }
0x228: {  	v58 =	vld [tilespmem:s26+$0xFFFFFFF0];
	v2 =	vsub.f32 $1.000000000e+00, v40;
	v26 =	vsub.f32 v26, v49;
	v42 =	vadd.s32 v0, v31  }
0x229: {  	v61 =	vld [tilespmem:s26+$0x10];
	v59 =	vcvt.s32.f32 v33;
	v28 =	vmovc v51;
	v51 =	vadd.s32 v0, v39;
	v31 =	vadd.s32 v6, v31  }
0x22a: {  	v62 =	vld [tilespmem:s26+$0x20];
	v38 =	vsub.f32 v18, v38;
	v53 =	vsub.f32 v20, v37;
	v20 =	vcvt.s32.f32 v1  }
0x22b: {  	v49 =	vld [tilespmem:s26+$0xFFFFFFB0];
	v56 =	vadd.s32 v0, v1;
	v21 =	vadd.f32 v21, v8;
	v5 =	vsub.f32 $1.000000000e+00, v24  }
0x22c: {  	v39 =	vld [tilespmem:s26+$0xFFFFFFC0];
	v34 =	vsub.f32 v30, v59;
	v30 =	vadd.s32 v0, v33;
	v33 =	vadd.s32 v6, v33  }
0x22d: {  	v27 =	vsub.f32 $1.000000000e+00, v26;
	[tilespmem:v46+s21+$0x0] =	vst.idx.add.f32.msk $0xffff, v2;
	v4 =	vmul.f32 v45, v7;
	v44 =	vmul.f32 v35, v7  }
0x22e: {  	v59 =	vld [tilespmem:s26+$0x40];
	v37 =	vsub.f32 v32, v20;
	v35 =	vsub.f32 v17, v3;
	v3 =	vmul.f32 v36, v7  }
0x22f: {  	v45 =	vld [tilespmem:s26+$0xFFFFFFA0];
	v36 =	vadd.s32 v6, v22;
	v18 =	vtrunc.f32 v21;
	v4 =	vadd.f32 v4, v8  }
0x230: {  	[tilespmem:$0x1FF80] =	vst v9;
	v17 =	vld [tilespmem:s26+$0x0];
	v22 =	vadd.s32 v0, v22;
	v32 =	vadd.f32 v44, v8;
	v60 =	vsub.f32 $1.000000000e+00, v37  }
0x231: {  	v57 =	vsub.f32 $1.000000000e+00, v34;
	[tilespmem:v47+s21+$0x0] =	vst.idx.add.f32.msk $0xffff, v5;
	v18 =	vcvt.f32.s32 v18;
	v3 =	vadd.f32 v3, v8  }
0x232: {  	v44 =	vadd.s32 v6, v1;
	v20 =	vtrunc.f32 v4;
	v1 =	vtrunc.f32 v32;
	[tilespmem:v56+s21+$0x0] =	vst.idx.add.f32.msk $0xffff, v60  }
0x233: {  	v56 =	vtrunc.f32 v3;
	[tilespmem:v30+s21+$0x0] =	vst.idx.add.f32.msk $0xffff, v57;
	v30 =	vsub.f32 v12, v50;
	v20 =	vcvt.f32.s32 v20  }
0x234: {  	v48 =	vsub.f32 $1.000000000e+00, v35;
	[tilespmem:v42+s21+$0x0] =	vst.idx.add.f32.msk $0xffff, v27;
	v1 =	vcvt.f32.s32 v1;
	v5 =	vcvt.f32.s32 v56  }
0x235: {  	[tilespmem:v31+s21+$0x0] =	vst.idx.add.f32.msk $0xffff, v26;
	v31 =	vmul.f32 v55, v7;
	v27 =	vsub.f32 $1.000000000e+00, v30;
	v63 =	vcvt.s32.f32 v20  }
0x236: {  	[tilespmem:v22+s21+$0x0] =	vst.idx.add.f32.msk $0xffff, v48;
	v9 =	vadd.s32 v0, v20;
	v60 =	vadd.s32 v0, v1;
	v46 =	vcvt.s32.f32 v5  }
0x237: {  	v12 =	vcvt.s32.f32 v1;
	[tilespmem:v19+s21+$0x0] =	vst.idx.add.f32.msk $0xffff, v27;
	v27 =	vadd.s32 v0, v5;
	v4 =	vsub.f32 v4, v63  }
0x238: {  	[tilespmem:v23+s21+$0x0] =	vst.idx.add.f32.msk $0xffff, v30;
	v3 =	vsub.f32 v3, v46;
	v23 =	vmul.f32 v52, v7;
	v52 =	vsub.f32 $1.000000000e+00, v38  }
0x239: {  	v17 =	vmul.f32 v17, v7;
	[tilespmem:v33+s21+$0x0] =	vst.idx.add.f32.msk $0xffff, v34;
	v32 =	vsub.f32 v32, v12;
	v2 =	vsub.f32 $1.000000000e+00, v4  }
0x23a: {  	v20 =	vadd.s32 v6, v20;
	v63 =	vmul.f32 v59, v7;
	v26 =	vsub.f32 $1.000000000e+00, v3;
	[tilespmem:v25+s21+$0x0] =	vst.idx.add.f32.msk $0xffff, v52  }
0x23b: {  	v1 =	vadd.s32 v6, v1;
	v42 =	vadd.f32 v17, v8;
	v19 =	vsub.f32 $1.000000000e+00, v32;
	[tilespmem:v9+s21+$0x0] =	vst.idx.add.f32.msk $0xffff, v2  }
0x23c: {  	v56 =	vadd.s32 v6, v10;
	v12 =	vadd.f32 v63, v8;
	v25 =	vsub.f32 $1.000000000e+00, v53;
	[tilespmem:v27+s21+$0x0] =	vst.idx.add.f32.msk $0xffff, v26  }
0x23d: {  	v5 =	vadd.s32 v6, v5;
	v23 =	vadd.f32 v23, v8;
	[tilespmem:v60+s21+$0x0] =	vst.idx.add.f32.msk $0xffff, v19  }
0x23e: {  	v17 =	vadd.f32 v31, v8;
	v30 =	vtrunc.f32 v12;
	v2 =	vcvt.s32.f32 v18;
	[tilespmem:v51+s21+$0x0] =	vst.idx.add.f32.msk $0xffff, v25  }
0x23f: {  	v9 =	vsub.f32 $1.000000000e+00, v11;
	v27 =	vadd.s32 v0, v18;
	v10 =	vtrunc.f32 v23;
	[tilespmem:v20+s21+$0x0] =	vst.idx.add.f32.msk $0xffff, v4  }
0x240: {  	v4 =	vadd.s32 v6, v18;
	v10 =	vcvt.f32.s32 v10;
	v18 =	vmul.f32 v62, v7;
	[tilespmem:v1+s21+$0x0] =	vst.idx.add.f32.msk $0xffff, v32  }
0x241: {  	v19 =	vsub.f32 $1.000000000e+00, v16;
	v20 =	vmul.f32 v61, v7;
	v1 =	vmul.f32 v54, v7;
	[tilespmem:v15+s21+$0x0] =	vst.idx.add.f32.msk $0xffff, v53  }
0x242: {  	v57 =	vcvt.f32.s32 v30;
	v15 =	vmul.f32 v39, v7;
	[tilespmem:v5+s21+$0x0] =	vst.idx.add.f32.msk $0xffff, v3;
	v2 =	vsub.f32 v21, v2  }
0x243: {  	v5 =	vtrunc.f32 v17;
	[tilespmem:v13+s21+$0x0] =	vst.idx.add.f32.msk $0xffff, v19;
	v13 =	vmul.f32 v49, v7;
	v60 =	vadd.s32 v0, v10  }
0x244: {  	v26 =	vadd.f32 v18, v8;
	v32 =	vadd.f32 v1, v8;
	v1 =	vmul.f32 v45, v7  }
0x245: {  	v18 =	vmul.f32 v58, v7;
	v20 =	vadd.f32 v20, v8;
	v25 =	vcvt.s32.f32 v10;
	[tilespmem:v14+s21+$0x0] =	vst.idx.add.f32.msk $0xffff, v16  }
0x246: {  	v21 =	vld [tilespmem:s26+$0x70];
	v16 =	vadd.f32 v15, v8;
	v14 =	vmul.f32 v41, v7;
	v1 =	vadd.f32 v1, v8  }
0x247: {  	[tilespmem:v28+s21+$0x0] =	vst.idx.add.f32.msk $0xffff, v9;
	v15 =	vtrunc.f32 v42;
	v50 =	vcvt.s32.f32 v57;
	v59 =	vsub.f32 $1.000000000e+00, v2  }
0x248: {  	[tilespmem:v56+s21+$0x0] =	vst.idx.add.f32.msk $0xffff, v11;
	v30 =	vadd.f32 v18, v8;
	v18 =	vtrunc.f32 v26;
	v3 =	vtrunc.f32 v1  }
0x249: {  	v19 =	vadd.s32 v0, v57;
	v61 =	vtrunc.f32 v20;
	[tilespmem:v27+s21+$0x0] =	vst.idx.add.f32.msk $0xffff, v59;
	v3 =	vcvt.f32.s32 v3  }
0x24a: {  	v9 =	vtrunc.f32 v16;
	v11 =	vsub.f32 v23, v25;
	v41 =	vtrunc.f32 v32;
	[tilespmem:v4+s21+$0x0] =	vst.idx.add.f32.msk $0xffff, v2  }
0x24b: {  	v22 =	vcvt.s32.f32 v3;
	v4 =	vadd.s32 v0, v3;
	v34 =	vadd.s32 v6, v3;
	v3 =	vld [tilespmem:$0x1FF80]  }
0x24c: {  	v63 =	vadd.f32 v14, v8;
	v31 =	vcvt.f32.s32 v18;
	v9 =	vcvt.f32.s32 v9  }
0x24d: {  	[tilespmem:v43+s21+$0x0] =	vst.idx.add.f32.msk $0xffff, v40;
	v23 =	vadd.s32 v6, v57;
	v39 =	vcvt.f32.s32 v61;
	v27 =	vcvt.f32.s32 v15  }
0x24e: {  	[tilespmem:v36+s21+$0x0] =	vst.idx.add.f32.msk $0xffff, v35;
	v18 =	vadd.f32 v13, v8;
	v62 =	vtrunc.f32 v30;
	v2 =	vtrunc.f32 v63  }
0x24f: {  	s25 =	sadd.s32 $0x10, s25;
	[tilespmem:v44+s21+$0x0] =	vst.idx.add.f32.msk $0xffff, v37;
	v13 =	vadd.s32 v0, v9;
	v49 =	vcvt.s32.f32 v31;
	v15 =	vadd.s32 v6, v39  }
0x250: {  	p0 =	slt.u32 s25, $0x3F0;
	[tilespmem:v29+s21+$0x0] =	vst.idx.add.f32.msk $0xffff, v38;
	v14 =	vadd.s32 v6, v9;
	v25 =	vtrunc.f32 v18;
	v33 =	vcvt.f32.s32 v62  }
.Ltmp5:
0x251: {  	v36 =	vld [tilespmem:s26+$0x60];
	v28 =	vcvt.s32.f32 v27;
	v29 =	vsub.f32 v1, v22;
	v1 =	vcvt.f32.s32 v2;
	(pc) =	sbr.rel @p0 .LBB2_13-.Ltmp5, $4  }
0x252: {  	v35 =	vld [tilespmem:s26+$0x50];
	v47 =	vadd.s32 v0, v27;
	v2 =	vcvt.s32.f32 v9;
	v22 =	vcvt.f32.s32 v5  }
0x253: {  	v5 =	vcvt.s32.f32 v1;
	[tilespmem:v3+s21+$0x0] =	vst.idx.add.f32.msk $0xffff, v24;
	v3 =	vsub.f32 $1.000000000e+00, v29;
	v24 =	vcvt.f32.s32 v25  }
0x254: {  	v45 =	vld [tilespmem:s26+$0x30];
	v51 =	vmovc v60;
	v46 =	vadd.s32 v0, v1;
	v16 =	vsub.f32 v16, v2;
	v43 =	vadd.s32 v6, v1  }
0x255: {  	s26 =	sadd.s32 $0x100, s26;
	v40 =	vsub.f32 v63, v5;
	[tilespmem:v4+s21+$0x0] =	vst.idx.add.f32.msk $0xffff, v3;
	v38 =	vcvt.s32.f32 v24;
	v25 =	vadd.s32 v0, v24  }
0x256: {  	v1 =	vcvt.f32.s32 v41;
	v2 =	vsub.f32 v42, v28;
	v5 =	vcvt.s32.f32 v33  }
0x257: {  	v37 =	vadd.s32 v0, v33;
	v26 =	vsub.f32 v26, v49;
	v48 =	vmul.f32 v36, v7  }
0x258: {  	v49 =	vadd.s32 v0, v31;
	v12 =	vsub.f32 v12, v50;
	v59 =	vadd.s32 v6, v31  }
0x259: {  	v35 =	vmul.f32 v35, v7;
	v57 =	vsub.f32 $1.000000000e+00, v40;
	v18 =	vsub.f32 v18, v38  }
0x25a: {  	[tilespmem:v34+s21+$0x0] =	vst.idx.add.f32.msk $0xffff, v29;
	v3 =	vcvt.s32.f32 v1;
	v28 =	vsub.f32 $1.000000000e+00, v2;
	v5 =	vsub.f32 v30, v5  }
0x25b: {  	v9 =	vadd.s32 v0, v1;
	v30 =	vadd.f32 v48, v8;
	v61 =	vsub.f32 $1.000000000e+00, v12;
	[tilespmem:v46+s21+$0x0] =	vst.idx.add.f32.msk $0xffff, v57  }
0x25c: {  	v54 =	vsub.f32 $1.000000000e+00, v26;
	v1 =	vadd.s32 v6, v1;
	v4 =	vmul.f32 v45, v7;
	[tilespmem:v47+s21+$0x0] =	vst.idx.add.f32.msk $0xffff, v28  }
0x25d: {  	v35 =	vadd.f32 v35, v8;
	v3 =	vsub.f32 v32, v3;
	[tilespmem:v19+s21+$0x0] =	vst.idx.add.f32.msk $0xffff, v61  }
0x25e: {  	v53 =	vsub.f32 $1.000000000e+00, v5;
	v56 =	vtrunc.f32 v30;
	[tilespmem:v43+s21+$0x0] =	vst.idx.add.f32.msk $0xffff, v40;
	v4 =	vadd.f32 v4, v8  }
0x25f: {  	v58 =	vcvt.f32.s32 v56;
	[tilespmem:v49+s21+$0x0] =	vst.idx.add.f32.msk $0xffff, v54;
	v62 =	vtrunc.f32 v35;
	v52 =	vsub.f32 $1.000000000e+00, v3  }
0x260: {  	[tilespmem:v37+s21+$0x0] =	vst.idx.add.f32.msk $0xffff, v53;
	v34 =	vcvt.f32.s32 v62;
	v53 =	vsub.f32 $1.000000000e+00, v18;
	v55 =	vtrunc.f32 v4  }
0x261: {  	v41 =	vcvt.s32.f32 v58;
	v42 =	vadd.s32 v0, v58;
	[tilespmem:v9+s21+$0x0] =	vst.idx.add.f32.msk $0xffff, v52;
	v9 =	vcvt.f32.s32 v55  }
0x262: {  	[tilespmem:v23+s21+$0x0] =	vst.idx.add.f32.msk $0xffff, v12;
	v56 =	vadd.s32 v6, v58;
	v58 =	vsub.f32 $1.000000000e+00, v11;
	v47 =	vcvt.s32.f32 v34  }
0x263: {  	[tilespmem:v59+s21+$0x0] =	vst.idx.add.f32.msk $0xffff, v26;
	v49 =	vadd.s32 v0, v34;
	v45 =	vsub.f32 v30, v41;
	v60 =	vcvt.s32.f32 v9  }
0x264: {  	[tilespmem:v25+s21+$0x0] =	vst.idx.add.f32.msk $0xffff, v53;
	v63 =	vadd.s32 v0, v9;
	v29 =	vsub.f32 v35, v47  }
0x265: {  	[tilespmem:v51+s21+$0x0] =	vst.idx.add.f32.msk $0xffff, v58;
	v9 =	vadd.s32 v6, v9;
	v50 =	vsub.f32 $1.000000000e+00, v45;
	v4 =	vsub.f32 v4, v60  }
0x266: {  	v44 =	vcvt.s32.f32 v39;
	[tilespmem:v1+s21+$0x0] =	vst.idx.add.f32.msk $0xffff, v3;
	v55 =	vsub.f32 $1.000000000e+00, v29  }
0x267: {  	v21 =	vmul.f32 v21, v7;
	v46 =	vadd.s32 v0, v39;
	[tilespmem:v42+s21+$0x0] =	vst.idx.add.f32.msk $0xffff, v50;
	v48 =	vsub.f32 $1.000000000e+00, v4  }
0x268: {  	v20 =	vsub.f32 v20, v44;
	v52 =	vadd.s32 v6, v34;
	[tilespmem:v49+s21+$0x0] =	vst.idx.add.f32.msk $0xffff, v55  }
0x269: {  	v54 =	vadd.f32 v21, v8;
	[tilespmem:v63+s21+$0x0] =	vst.idx.add.f32.msk $0xffff, v48  }
0x26a: {  	[tilespmem:v9+s21+$0x0] =	vst.idx.add.f32.msk $0xffff, v4;
	v4 =	vsub.f32 $1.000000000e+00, v20  }
0x26b: {  	[tilespmem:v56+s21+$0x0] =	vst.idx.add.f32.msk $0xffff, v45;
	v63 =	vadd.s32 v6, v27;
	v9 =	vtrunc.f32 v54  }
0x26c: {  	v9 =	vcvt.f32.s32 v9;
	[tilespmem:v46+s21+$0x0] =	vst.idx.add.f32.msk $0xffff, v4;
	v4 =	vadd.s32 v6, v10;
	v10 =	vsub.f32 $1.000000000e+00, v16  }
0x26d: {  	[tilespmem:v52+s21+$0x0] =	vst.idx.add.f32.msk $0xffff, v29  }
0x26e: {  	v57 =	vcvt.s32.f32 v9;
	[tilespmem:v13+s21+$0x0] =	vst.idx.add.f32.msk $0xffff, v10;
	v10 =	vadd.s32 v6, v24  }
0x26f: {  	v60 =	vcvt.s32.f32 v22;
	[tilespmem:v15+s21+$0x0] =	vst.idx.add.f32.msk $0xffff, v20;
	v59 =	vadd.s32 v0, v9  }
0x270: {  	v61 =	vadd.s32 v0, v22;
	[tilespmem:v63+s21+$0x0] =	vst.idx.add.f32.msk $0xffff, v2;
	v19 =	vsub.f32 v54, v57  }
0x271: {  	v9 =	vadd.s32 v6, v9;
	v13 =	vsub.f32 v17, v60;
	[tilespmem:v14+s21+$0x0] =	vst.idx.add.f32.msk $0xffff, v16  }
0x272: {  	s24 =	sadd.s32 $0x1, s24;
	v62 =	vsub.f32 $1.000000000e+00, v19;
	[tilespmem:v4+s21+$0x0] =	vst.idx.add.f32.msk $0xffff, v11;
	v4 =	vadd.s32 v6, v33  }
0x273: {  	p0 =	sne.s32 s24, $0x6;
	v11 =	vsub.f32 $1.000000000e+00, v13;
	[tilespmem:v10+s21+$0x0] =	vst.idx.add.f32.msk $0xffff, v18;
	v10 =	vadd.s32 v6, v22  }
.Ltmp6:
0x274: {  	[tilespmem:v59+s21+$0x0] =	vst.idx.add.f32.msk $0xffff, v62;
	(pc) =	sbr.rel @p0 .LBB2_10-.Ltmp6, $4  }
0x275: {  	[tilespmem:v61+s21+$0x0] =	vst.idx.add.f32.msk $0xffff, v11  }
0x276: {  	[tilespmem:v9+s21+$0x0] =	vst.idx.add.f32.msk $0xffff, v19  }
0x277: {  	[tilespmem:v4+s21+$0x0] =	vst.idx.add.f32.msk $0xffff, v5  }
0x278: {  	[tilespmem:v10+s21+$0x0] =	vst.idx.add.f32.msk $0xffff, v13  }
0x279: {  	_ =	swait.ge [sflag:s20], $0x4000  }
0x27a: {  	[sflag:s20] =	ssyncset.done $0x0  }
0x27b: {  	[sflag:s20] =	ssyncadd.s32 $0xFFFFC000  }
0x27c: {  	v1 =	vld [tilespmem:$0x8800]  }
0x27d: {  	v2 =	vld [tilespmem:$0x8810];
	_ =	sdelay $0x1  }
0x27e: {  	v3 =	vld [tilespmem:$0x8820];
	_ =	sdelay $0x1  }
0x27f: {  	v4 =	vld [tilespmem:$0x8830]  }
0x280: {  	v1 =	vadd.f32 v2, v1  }
0x281: {  	v2 =	vld [tilespmem:$0x8840]  }
0x282: {  	v1 =	vadd.f32 v3, v1  }
0x283: {  	v3 =	vld [tilespmem:$0x8850]  }
0x284: {  	v1 =	vadd.f32 v4, v1  }
0x285: {  	v4 =	vld [tilespmem:$0x8860]  }
0x286: {  	v1 =	vadd.f32 v2, v1  }
0x287: {  	v2 =	vld [tilespmem:$0x8870]  }
0x288: {  	v1 =	vadd.f32 v3, v1  }
0x289: {  	v3 =	vld [tilespmem:$0x8880]  }
0x28a: {  	v1 =	vadd.f32 v4, v1  }
0x28b: {  	v4 =	vld [tilespmem:$0x8890]  }
0x28c: {  	v1 =	vadd.f32 v2, v1  }
0x28d: {  	v2 =	vld [tilespmem:$0x88A0]  }
0x28e: {  	v1 =	vadd.f32 v3, v1  }
0x28f: {  	v3 =	vld [tilespmem:$0x88B0]  }
0x290: {  	v1 =	vadd.f32 v4, v1  }
0x291: {  	v4 =	vld [tilespmem:$0x88C0]  }
0x292: {  	v1 =	vadd.f32 v2, v1  }
0x293: {  	v2 =	vld [tilespmem:$0x88D0]  }
0x294: {  	v1 =	vadd.f32 v3, v1  }
0x295: {  	v3 =	vld [tilespmem:$0x88E0]  }
0x296: {  	v1 =	vadd.f32 v4, v1  }
0x297: {  	v4 =	vld [tilespmem:$0x88F0]  }
0x298: {  	v1 =	vadd.f32 v2, v1;
	_ =	sdelay $0x1  }
0x299: {  	v1 =	vadd.f32 v3, v1;
	_ =	sdelay $0x1  }
0x29a: {  	s23 =	sadd.s32 $0x1, s23;
	v1 =	vadd.f32 v4, v1  }
0x29b: {  	p0 =	sne.s32 s23, s14  }
.Ltmp7:
0x29c: {  	[tilespmem:$0x8900] =	vst v1;
	(pc) =	sbr.rel @p0 .LBB2_1-.Ltmp7, $4  }
0x29d: {  	[hbm4b:s13+s2] =	stream.linear.scatter [tilespmem:s18], [sflag:$0x3], $0x10, $0x38;
	[tilespmem:$0x8980] =	vst v63  }
0x29e: {  	_ =	swait.ge [sflag:s16], $0x10  }
0x29f: {  	[sflag:s16] =	ssyncset.done $0x0  }
0x2a0: {  	[sflag:s16] =	ssyncadd.s32 $0xFFFFFFF0  }
0x2a1: {  	_ =	sfence.sel $0x180000  }
0x2a2: {  	[bflag:$0x0] =	sbarrier.arrive $0xFFFF  }
0x2a3: {  	p0 =	sne.s32 s3, $0x0;
	_ =	strace $0x9000004A  }
0x2a4: {  	s0 =	sadd.s32 @!p0 $0x100000, s0;
	[bflag:$0x2] =	sbarrier.arrive $0xFFFF  }
0x2a5: {  	[sflag:s0] =	ssyncadd.tile.s32 @!p0 $0x1;
	_ =	shalt  }
.Lfunc_end2:
_tile_overlayer_lowered:
.L_overlay_start_2:
0x2a6: {  	(tag) =	ssettag $0x2  }
0x2a7: {  	s0 =	rddreg [dreg:$0x0];
	s2 =	stileid.u32  }
0x2a8: {  	s1 =	rddreg [dreg:$0x1];
	p0 =	sne.s32 s2, $0x0  }
0x2a9: {  	s3 =	rddreg [dreg:$0x2];
	[bflag:$0x3] =	sbarrier.arrive $0xFFFF;
	s2 =	simm.s32 @!p0 $0x1C03  }
0x2aa: {  	[timem:s3], [sflag:s2] =	dma.local @!p0 [hbm:s0], s1  }
0x2ab: {  	s0 =	simm.s32 @!p0 $0x3  }
0x2ac: {  	_ =	swait.ge @!p0 [sflag:s0], s1  }
0x2ad: {  	s1 =	ssub.s32 @!p0 $0x0, s1;
	[sflag:s0] =	ssyncset.done @!p0 $0x0  }
0x2ae: {  	[sflag:s0] =	ssyncadd.s32 @!p0 s1  }
0x2af: {  	[bflag:$0x3] =	sbarrier.arrive $0xFFFF  }
0x2b0: {  	_ =	shalt  }

// kernel: _run.13.cloned.1.call-start
scs
__scs_entry_jumppad:
0x0: {  	(pc) =	sbr.rel $0x88, $3  }
0x1: {  	(tag) =	ssettag $0x0;
	lr =	simm.s32 $0x1  }
0x2: {  	[smem:$0x3F9F] =	sst lr;
	_ =	strace $0xD0000000  }
0x3: {  	_ = 	snop  }
0x4: {  	_ = 	snop  }
0x5: {  	_ = 	snop  }
0x6: {  	_ = 	snop  }
0x7: {  	_ = 	snop  }
__scs_overlays_trampoline_lowered:
0x8: {  	[smem:$0x3FAE] =	sst s0  }
0x9: {  	[smem:$0x3FAF] =	sst s1  }
0xa: {  	[smem:$0x3FB0] =	sst s2  }
0xb: {  	[smem:$0x3FB1] =	sst s3  }
0xc: {  	[smem:$0x3FB2] =	sst s4  }
0xd: {  	[smem:$0x3FB3] =	sst s5  }
0xe: {  	[smem:$0x3FB4] =	sst s6  }
0xf: {  	[smem:$0x3FB5] =	sst s7  }
0x10: {  	[smem:$0x3FB6] =	sst s8  }
0x11: {  	[smem:$0x3FB7] =	sst s9;
	s0 =	simm.s32 @!p0 $0x0  }
0x12: {  	s1 =	sld [smem:$0x3F9D];
	s0 =	simm.s32 @p0 $0x1  }
0x13: {  	[smem:$0x3FB8] =	sst s0;
	s0 =	simm.s32 @!p1 $0x0  }
0x14: {  	s2 =	sld [smem:$0x3F9C];
	s0 =	simm.s32 @p1 $0x1  }
0x15: {  	[smem:$0x3FB9] =	sst s0;
	s0 =	simm.s32 @!p2 $0x0  }
0x16: {  	s3 =	sld [smem:$0x3FDB];
	s0 =	simm.s32 @p2 $0x1  }
0x17: {  	s4 =	simm.s32 $0x1BF5;
	[smem:$0x3FBB] =	sst s0  }
0x18: {  	s0 =	sld [smem:$0x3F9E];
	_ =	swait.ge [sflag:s4], $0x0  }
0x19: {  	s7 =	sld [smem:$0x3F9F]  }
0x1a: {  	s8 =	sadd.s32 $0xFFFFE003, lr  }
0x1b: {  	s9 =	sadd.s32 $0xFFFFFEF7, lr;
	s5 =	simm.s32 $0xFFFFFFFF;
	p2 =	slt.u32 s8, $0xFFFFF086  }
0x1c: {  	p1 =	slt.u32 s9, $0xF7A;
	s5 =	simm.s32 @!p2 $0x0  }
0x1d: {  	s5 =	simm.s32 @p1 $0x1;
	p0 =	seq.s32 s7, s2  }
0x1e: {  	s7 =	smul.u32 @!p0 $0xF7A, s2;
	p2 =	seq.s32 @!p0 s5, $0x0  }
0x1f: {  	s9 =	smul.u32 $0xF7A, s1;
	s8 =	simm.s32 @!p0 $0x1BF5;
	p2 =	por !p2, p0  }
0x20: {  	[sflag:s8] =	ssyncset.s32 @!p0 $0xFFFFF086;
	s6 =	sadd.s32 @!p0 s3, s7;
	s7 =	simm.s32 @!p0 $0x108  }
0x21: {  	s3 =	sadd.s32 s3, s9;
	s6 =	sadd.s32 @!p0 $0x88, s6;
	s7 =	simm.s32 @p2 $0x1082  }
0x22: {  	[simem:s7], [sflag:s8] =	dma.local @!p0 [hbm:s6], $0xF7A  }
0x23: {  	s9 =	sor.u32 $0xD0000000, s2;
	s6 =	simm.s32 $0x108;
	_ =	swait.ge @!p0 [sflag:s8], $0x0  }
0x24: {  	s3 =	sadd.s32 $0x88, s3;
	s6 =	simm.s32 @!p1 $0x1082;
	[sflag:s4] =	ssyncset.s32 $0xFFFFF086  }
0x25: {  	[simem:s6], [sflag:s4] =	dma.local [hbm:s3], $0xF7A  }
0x26: {  	[smem:$0x3F9F] =	sst s1;
	(tag) =	ssettag s2;
	_ =	strace s9  }
0x27: {  	s1 =	sld [smem:$0x3FAF]  }
0x28: {  	s2 =	sld [smem:$0x3FB0]  }
0x29: {  	s4 =	sld [smem:$0x3FB2]  }
0x2a: {  	p0 =	seq.s32 s5, $0x0;
	s5 =	sld [smem:$0x3FB3]  }
0x2b: {  	s6 =	sld [smem:$0x3FB4]  }
0x2c: {  	s7 =	sld [smem:$0x3FB5]  }
0x2d: {  	s3 =	simm.s32 $0x108;
	s8 =	sld [smem:$0x3FB6]  }
0x2e: {  	s3 =	simm.s32 @!p0 $0x1082;
	s9 =	sld [smem:$0x3FB7]  }
0x2f: {  	lr =	sadd.s32 s0, s3;
	s0 =	sld [smem:$0x3FAE]  }
0x30: {  	s3 =	sld [smem:$0x3FB1]  }
0x31: {  	[smem:$0x3FBA] =	sst s10  }
0x32: {  	s10 =	sld [smem:$0x3FB8];
	_ =	sdelay $0x3  }
0x33: {  	p0 =	seq.s32 s10, $0x1;
	s10 =	sld [smem:$0x3FBA];
	_ =	sdelay $0x3  }
0x34: {  	[smem:$0x3FBA] =	sst s10  }
0x35: {  	s10 =	sld [smem:$0x3FB9];
	_ =	sdelay $0x3  }
0x36: {  	p1 =	seq.s32 s10, $0x1;
	s10 =	sld [smem:$0x3FBA];
	_ =	sdelay $0x3  }
0x37: {  	[smem:$0x3FBA] =	sst s10  }
0x38: {  	s10 =	sld [smem:$0x3FBB]  }
0x39: {  	_ = 	snop;
	(pc) =	sbr.ind lr, $3  }
0x3a: {  	_ = 	snop  }
0x3b: {  	_ = 	snop  }
0x3c: {  	p2 =	seq.s32 s10, $0x1;
	s10 =	sld [smem:$0x3FBA]  }
0x3d: {  	_ =	shalt  }
0x3e: {  	_ =	shalt  }
0x3f: {  	_ =	shalt  }
0x40: {  	_ =	shalt  }
0x41: {  	_ =	shalt  }
0x42: {  	_ =	shalt  }
0x43: {  	_ =	shalt  }
0x44: {  	_ =	shalt  }
0x45: {  	_ =	shalt  }
0x46: {  	_ =	shalt  }
0x47: {  	_ =	shalt  }
0x48: {  	_ =	shalt  }
0x49: {  	_ =	shalt  }
0x4a: {  	_ =	shalt  }
0x4b: {  	_ =	shalt  }
0x4c: {  	_ =	shalt  }
0x4d: {  	_ =	shalt  }
0x4e: {  	_ =	shalt  }
0x4f: {  	_ =	shalt  }
0x50: {  	_ =	shalt  }
0x51: {  	_ =	shalt  }
0x52: {  	_ =	shalt  }
0x53: {  	_ =	shalt  }
0x54: {  	_ =	shalt  }
0x55: {  	_ =	shalt  }
0x56: {  	_ =	shalt  }
0x57: {  	_ =	shalt  }
0x58: {  	_ =	shalt  }
0x59: {  	_ =	shalt  }
0x5a: {  	_ =	shalt  }
0x5b: {  	_ =	shalt  }
0x5c: {  	_ =	shalt  }
0x5d: {  	_ =	shalt  }
0x5e: {  	_ =	shalt  }
0x5f: {  	_ =	shalt  }
0x60: {  	_ =	shalt  }
0x61: {  	_ =	shalt  }
0x62: {  	_ =	shalt  }
0x63: {  	_ =	shalt  }
0x64: {  	_ =	shalt  }
0x65: {  	_ =	shalt  }
0x66: {  	_ =	shalt  }
0x67: {  	_ =	shalt  }
0x68: {  	_ =	shalt  }
0x69: {  	_ =	shalt  }
0x6a: {  	_ =	shalt  }
0x6b: {  	_ =	shalt  }
0x6c: {  	_ =	shalt  }
0x6d: {  	_ =	shalt  }
0x6e: {  	_ =	shalt  }
0x6f: {  	_ =	shalt  }
0x70: {  	_ =	shalt  }
0x71: {  	_ =	shalt  }
0x72: {  	_ =	shalt  }
0x73: {  	_ =	shalt  }
0x74: {  	_ =	shalt  }
0x75: {  	_ =	shalt  }
0x76: {  	_ =	shalt  }
0x77: {  	_ =	shalt  }
0x78: {  	_ =	shalt  }
0x79: {  	_ =	shalt  }
0x7a: {  	_ =	shalt  }
0x7b: {  	_ =	shalt  }
0x7c: {  	_ =	shalt  }
0x7d: {  	_ =	shalt  }
0x7e: {  	_ =	shalt  }
0x7f: {  	_ =	shalt  }
0x80: {  	_ =	shalt  }
0x81: {  	_ =	shalt  }
0x82: {  	_ =	shalt  }
0x83: {  	_ =	shalt  }
0x84: {  	_ =	shalt  }
0x85: {  	_ =	shalt  }
0x86: {  	_ =	shalt  }
0x87: {  	_ =	shalt  }
.Lfunc_end0:
.L_simem_size_0:
called_computation.2_lowered:
.L_overlay_start_0:
0x88: {  	s2 =	sld [smem:$0x3FD9]  }
0x89: {  	s3 =	sld [smem:$0x3FFE];
	_ =	sdelay $0x1  }
0x8a: {  	s1 =	srdreg.scid  }
0x8b: {  	s0 =	sand.u32 $0x1, s1  }
0x8c: {  	s14 =	sshll.u32 s0, $0xA;
	s2 =	sadd.s32 s3, s2  }
0x8d: {  	s2 =	sadd.s32 s2, s14  }
0x8e: {  	[smem:$0x3FC6] =	sst s2  }
0x8f: {  	_ = 	snop  }
0x90: {  	s2 =	sld [smem:$0x3FD0];
	_ =	sdelay $0x2  }
0x91: {  	s15 =	simm.s32 $0xA;
	s4 =	simm.s32 $0x10  }
0x92: {  	[smem:s4], [sflag:s15] =	dma.local [hbm:s2], $0x1  }
0x93: {  	_ =	swait.eq [sflag:s15], $0x1  }
0x94: {  	[sflag:s15] =	ssyncset.done $0x0  }
0x95: {  	[sflag:s15] =	ssyncadd.s32 $0xFFFFFFFF  }
0x96: {  	s16 =	sld [smem:$0x10];
	(tm) =	ssettm $0x1  }
0x97: {  	s17 =	sld [smem:$0x3FFB];
	_ =	sdelay $0x3  }
0x98: {  	_ =	strace s17  }
0x99: {  	s3 =	sld [smem:$0x3FFC];
	_ =	sdelay $0x3  }
0x9a: {  	_ =	strace s3  }
0x9b: {  	s3 =	sld [smem:$0x3FFD];
	_ =	sdelay $0x3  }
0x9c: {  	_ =	strace s3  }
0x9d: {  	_ =	strace $0x8FFFFFFF  }
0x9e: {  	s18 =	sld [smem:$0x3FDB];
	_ =	sdelay $0x1  }
0x9f: {  	s19 =	simm.s32 $_scs_section_size  }
0xa0: {  	s5 =	simm.s32 $_size__tile_overlayer_lowered;
	s6 =	simm.s32 $_tile_overlayer_lowered  }
0xa1: {  	s22 =	simm.s32 $0x1BFF;
	s21 =	sshll.u32 s6, $0x1;
	s3 =	sadd.s32 s19, s18  }
0xa2: {  	s7 =	simm.s32 $0x0;
	s20 =	sshll.u32 s5, $0x1;
	s5 =	sadd.s32 s21, s3  }
0xa3: {  	[timem:s7], [sflag:s22] =	dma.local [hbm:s5], s20  }
0xa4: {  	_ =	swait.ge [sflag:s22], s20  }
0xa5: {  	s4 =	ssub.s32 $0x0, s20;
	[sflag:s22] =	ssyncset.done $0x0  }
0xa6: {  	[sflag:s22] =	ssyncadd.s32 s4;
	_ =	sdelay $0x1  }
0xa7: {  	s23 =	simm.s32 $0x1B8B  }
0xa8: {  	_ =	swait.ge [sflag:s23], $0x1  }
0xa9: {  	[sflag:s23] =	ssyncset.done $0x0  }
0xaa: {  	s25 =	simm.s32 $0x1B8E;
	s24 =	sld [smem:$0x3FFE];
	[sflag:s23] =	ssyncadd.s32 $0xFFFFFFFF  }
0xab: {  	s26 =	simm.s32 $execute0_lowered;
	[smem:$0x3FD2] =	sst s25  }
0xac: {  	s5 =	sshll.u32 s26, $0x1;
	_ =	strace $0x8000004C;
	[dreg:$0x1] =	wrdreg $0xFFFFFFFF  }
0xad: {  	s28 =	simm.s32 $_size_execute0_lowered;
	s3 =	sadd.s32 s3, s5;
	[dreg:$0x0] =	wrdreg $0x0  }
0xae: {  	s5 =	sshll.u32 s28, $0x1;
	[dreg:$0x2] =	wrdreg s3  }
0xaf: {  	[dreg:$0x3] =	wrdreg s5  }
0xb0: {  	[dreg:$0x4] =	wrdreg $0xC0  }
0xb1: {  	_ =	task [dreg:s7], $0x5FFFF  }
0xb2: {  	[dreg:$0x1] =	wrdreg $0xFFFFFFFF  }
0xb3: {  	[dreg:$0x0] =	wrdreg $0x60  }
0xb4: {  	[dreg:$0x2] =	wrdreg s24  }
0xb5: {  	[dreg:$0x3] =	wrdreg s16  }
0xb6: {  	[dreg:$0x4] =	wrdreg $0x9  }
0xb7: {  	_ =	task.clear_ibuf [dreg:s7], $0x5FFFF;
	_ =	strace $0x9000004C  }
0xb8: {  	s29 =	simm.s32 $0x9;
	_ =	strace $0x8000004E  }
0xb9: {  	_ =	swait.ge [sflag:s29], $0x1  }
0xba: {  	[sflag:s29] =	ssyncadd.s32 $0xFFFFFFFF  }
0xbb: {  	_ =	strace $0x9000004E  }
0xbc: {  	_ =	sfence  }
0xbd: {  	s30 =	sld [smem:$0x0];
	_ =	sdelay $0x2  }
0xbe: {  	s31 =	sshll.u32 s1, $0xD;
	s1 =	sshrl.u32 s1, $0x2  }
0xbf: {  	s3 =	sand.u32 $0x4000, s31;
	s1 =	sadd.s32 s1, s30  }
0xc0: {  	s0 =	sor.u32 s3, s0;
	s1 =	sshll.u32 s1, $0x11  }
0xc1: {  	s0 =	sor.u32 s1, s0  }
0xc2: {  	s0 =	sadd.s32 $0x8F2B, s0  }
0xc3: {  	[sflag:s0] =	ssyncadd.remote.s32 $0x1  }
0xc4: {  	_ =	sfence.sel $0xFFFF  }
0xc5: {  	[dreg:$0x0] =	wrdreg $0xFFFFFFFF;
	(pc) =	sbr.abs _section_cstart, $3  }
0xc6: {  	[dreg:$0x1] =	wrdreg $0xFFFFFFFF  }
0xc7: {  	_ =	task.clear_ibuf [dreg:s7], $0x2FFFF;
	_ =	strace $0x9FFFFFFF  }
0xc8: {  	(tm) =	ssettm $0x7FFFFFFF  }
0xc9: {  	_ =	shalt  }
tec
execute0_lowered:
.L_overlay_start_1:
0x0: {  	(tag) =	ssettag $0x1  }
0x1: {  	s0 =	srdreg.scid  }
0x2: {  	s3 =	sand.u32 $0x1, s0;
	s0 =	stileid.u32  }
0x3: {  	s4 =	sshll.u32 s0, $0x1;
	s5 =	ssub.s32 $0x0, s3  }
0x4: {  	p0 =	sne.s32 s4, s5  }
.Ltmp0:
0x5: {  	_ = 	snop;
	(pc) =	sbr.rel @p0 .LBB2_3-.Ltmp0, $4  }
0x6: {  	_ = 	snop  }
0x7: {  	s6 =	rddreg [dreg:$0x0]  }
0x8: {  	s2 =	rddreg [dreg:$0x1]  }
0x9: {  	s1 =	rddreg [dreg:$0x2];
	_ =	strace $0x8000004D  }
0xa: {  	v0 =	vimm.s32 $0x76543210  }
0xb: {  	v1 =	vimm.s32 $0xFEDCBA98;
	v2 =	vimm.s32 $0xBA98FEDC;
	v3 =	vimm.s32 $0x32107654  }
0xc: {  	v4 =	vimm.s32 $0xDCFE98BA;
	v5 =	vimm.s32 $0x54761032;
	v6 =	vimm.s32 $0xEFCDAB89  }
0xd: {  	v7 =	vimm.s32 $0x67452301;
	vm11 =	vcmask $0x2B28;
	vm0 =	vmmov $0x1  }
0xe: {  	vm1 =	vcmask $0x328;
	vm2 =	vcmask $0x728;
	vm3 =	vcmask $0xB28  }
0xf: {  	vm4 =	vcmask $0xF28;
	vm5 =	vcmask $0x1328;
	vm6 =	vcmask $0x1728  }
0x10: {  	vm7 =	vcmask $0x1B28;
	vm8 =	vcmask $0x1F28;
	vm9 =	vcmask $0x2328  }
0x11: {  	v10 =	vlaneseq.u32;
	vm10 =	vmmov $0x7ff;
	v0 =	vunpack.c.l.s4.s8 v0  }
0x12: {  	v1 =	vunpack.c.l.s4.s8 v1;
	v2 =	vunpack.c.l.s4.s8 v2;
	v3 =	vunpack.c.l.s4.s8 v3  }
0x13: {  	v4 =	vunpack.c.l.s4.s8 v4;
	v5 =	vunpack.c.l.s4.s8 v5;
	v6 =	vunpack.c.l.s4.s8 v6  }
0x14: {  	v7 =	vunpack.c.l.s4.s8 v7;
	v8 =	vadd.s32 $0xE, v10;
	v2 =	vunpack.c.0.s8.s32 v2  }
0x15: {  	v3 =	vunpack.c.0.s8.s32 v3;
	v4 =	vunpack.c.0.s8.s32 v4;
	v5 =	vunpack.c.0.s8.s32 v5  }
0x16: {  	v1 =	vunpack.c.0.s8.s32 v1;
	v6 =	vunpack.c.0.s8.s32 v6;
	v7 =	vunpack.c.0.s8.s32 v7  }
0x17: {  	s5 =	ssub.s32 $0x2, s3;
	s3 =	sadd.s32 $0x2800, s6;
	v9 =	vadd.s32 $0xC, v10;
	v0 =	vunpack.c.0.s8.s32 v0;
	v2 =	vcombine.low v3, v2  }
0x18: {  	s4 =	sadd.s32 $0x2A00, s6;
	s8 =	simm.s32 $0x0;
	s9 =	simm.s32 $0x1;
	v3 =	vcombine.low v5, v4;
	v1 =	vand.u32 $0xF, v1;
	v4 =	vcombine.low v7, v6  }
0x19: {  	s10 =	simm.s32 $0x200;
	s11 =	simm.s32 $0x500;
	s7 =	sshrl.u32 s5, $0x1;
	v6 =	vadd.s32 $0xF, v10;
	v0 =	vcombine.low v1, v0;
	v1 =	vand.u32 $0xF, v2  }
0x1a: {  	s12 =	simm.s32 $0x480;
	s13 =	simm.s32 $0x400;
	s7 =	ssub.s32 s5, s7;
	v2 =	vand.u32 $0xF, v3;
	v3 =	vand.u32 $0xF, v4;
	v4 =	vimm.f32 $0.0e+00  }
0x1b: {  	s5 =	sadd.s32 $0x2C00, s6;
	s6 =	sadd.s32 $0x2000, s6;
	s7 =	smax.u32 s7, $0x1;
	v10 =	vadd.s32 $0x8, v10;
	v5 =	vsel vm11, $0x4A000000, v4;
	v7 =	vsel vm11, $0x4B200000, v4  }
.LBB2_2:
0x1c: {  	[tilespmem:s8], [sflag:$0x1] =	stream.linear.gather [hbm4b:s3+s8], $0x200, $0x38;
	[tilespmem:$0xA00] =	vst v63  }
0x1d: {  	_ =	swait.ge [sflag:s9], $0x200  }
0x1e: {  	[sflag:s9] =	ssyncset.done $0x0  }
0x1f: {  	[sflag:s9] =	ssyncadd.s32 $0xFFFFFE00  }
0x20: {  	[tilespmem:s10], [sflag:$0x1] =	stream.linear.gather [hbm4b:s4+s8], $0x200, $0x38;
	[tilespmem:$0xA00] =	vst v63  }
0x21: {  	_ =	swait.ge [sflag:s9], $0x200  }
0x22: {  	[sflag:s9] =	ssyncset.done $0x0  }
0x23: {  	[sflag:s9] =	ssyncadd.s32 $0xFFFFFE00  }
0x24: {  	[tilespmem:s11], [sflag:$0x1] =	stream.linear.gather [hbm4b:s5+s8], $0x500, $0x38;
	[tilespmem:$0xA00] =	vst v63  }
0x25: {  	_ =	swait.ge [sflag:s9], $0x500  }
0x26: {  	[sflag:s9] =	ssyncset.done $0x0  }
0x27: {  	[sflag:s9] =	ssyncadd.s32 $0xFFFFFB00  }
0x28: {  	v11 =	vld [tilespmem:$0x500]  }
0x29: {  	v12 =	vld [tilespmem:$0x510];
	_ =	sdelay $0x1  }
0x2a: {  	v13 =	vld [tilespmem:$0x520];
	_ =	sdelay $0x1  }
0x2b: {  	v14 =	vld [tilespmem:$0x530]  }
0x2c: {  	v11 =	vadd.f32 v12, v11  }
0x2d: {  	v16 =	vld [tilespmem:$0x540]  }
0x2e: {  	v11 =	vadd.f32 v13, v11  }
0x2f: {  	v17 =	vld [tilespmem:$0x550]  }
0x30: {  	v11 =	vadd.f32 v14, v11  }
0x31: {  	v18 =	vld [tilespmem:$0x560]  }
0x32: {  	v11 =	vadd.f32 v16, v11  }
0x33: {  	v19 =	vld [tilespmem:$0x570]  }
0x34: {  	v11 =	vadd.f32 v17, v11;
	_ =	sdelay $0x1  }
0x35: {  	v11 =	vadd.f32 v18, v11;
	_ =	sdelay $0x1  }
0x36: {  	v11 =	vadd.f32 v19, v11;
	_ =	sdelay $0x1  }
0x37: {  	[tilespmem:$0x480] =	vst v11  }
0x38: {  	v20 =	vld.idx.msk [tilespmem:v0+s12+$0x0], $0xffff;
	_ =	sdelay $0x3  }
0x39: {  	v21 =	vld [tilespmem:$0x580]  }
0x3a: {  	v22 =	vld [tilespmem:$0x590];
	v11 =	vadd.f32 v20, v11;
	_ =	sdelay $0x1  }
0x3b: {  	v15 =	vld [tilespmem:$0x5A0];
	[tilespmem:$0x480] =	vst v11  }
0x3c: {  	v23 =	vld.idx.msk [tilespmem:v1+s12+$0x0], $0xffff  }
0x3d: {  	v16 =	vld [tilespmem:$0x5B0]  }
0x3e: {  	v12 =	vadd.f32 v22, v21  }
0x3f: {  	v24 =	vld [tilespmem:$0x5C0]  }
0x40: {  	v12 =	vadd.f32 v15, v12  }
0x41: {  	v25 =	vld [tilespmem:$0x5D0];
	v11 =	vadd.f32 v23, v11  }
0x42: {  	v12 =	vadd.f32 v16, v12  }
0x43: {  	v27 =	vld [tilespmem:$0x5E0];
	[tilespmem:$0x480] =	vst v11  }
0x44: {  	v12 =	vadd.f32 v24, v12;
	v26 =	vld.idx.msk [tilespmem:v2+s12+$0x0], $0xffff  }
0x45: {  	v28 =	vld [tilespmem:$0x5F0]  }
0x46: {  	v12 =	vadd.f32 v25, v12;
	_ =	sdelay $0x1  }
0x47: {  	v12 =	vadd.f32 v27, v12  }
0x48: {  	v11 =	vadd.f32 v26, v11  }
0x49: {  	v13 =	vadd.f32 v28, v12  }
0x4a: {  	[tilespmem:$0x480] =	vst v11  }
0x4b: {  	v12 =	vld.idx.msk [tilespmem:v3+s12+$0x0], $0xffff;
	[tilespmem:$0x480] =	vst v13  }
0x4c: {  	v29 =	vld.idx.msk [tilespmem:v0+s12+$0x0], $0xffff;
	_ =	sdelay $0x3  }
0x4d: {  	v30 =	vld [tilespmem:$0x600]  }
0x4e: {  	v31 =	vld [tilespmem:$0x610];
	v13 =	vadd.f32 v29, v13;
	_ =	sdelay $0x1  }
0x4f: {  	v17 =	vld [tilespmem:$0x620];
	[tilespmem:$0x480] =	vst v13  }
0x50: {  	v32 =	vld.idx.msk [tilespmem:v1+s12+$0x0], $0xffff  }
0x51: {  	v18 =	vld [tilespmem:$0x630]  }
0x52: {  	v14 =	vadd.f32 v31, v30  }
0x53: {  	v33 =	vld [tilespmem:$0x640]  }
0x54: {  	v14 =	vadd.f32 v17, v14  }
0x55: {  	v34 =	vld [tilespmem:$0x650];
	v13 =	vadd.f32 v32, v13  }
0x56: {  	v14 =	vadd.f32 v18, v14  }
0x57: {  	v36 =	vld [tilespmem:$0x660];
	[tilespmem:$0x480] =	vst v13  }
0x58: {  	v14 =	vadd.f32 v33, v14;
	v35 =	vld.idx.msk [tilespmem:v2+s12+$0x0], $0xffff  }
0x59: {  	v37 =	vld [tilespmem:$0x670]  }
0x5a: {  	v14 =	vadd.f32 v34, v14;
	_ =	sdelay $0x1  }
0x5b: {  	v14 =	vadd.f32 v36, v14  }
0x5c: {  	v13 =	vadd.f32 v35, v13  }
0x5d: {  	v15 =	vadd.f32 v37, v14  }
0x5e: {  	[tilespmem:$0x480] =	vst v13  }
0x5f: {  	v14 =	vld.idx.msk [tilespmem:v3+s12+$0x0], $0xffff;
	[tilespmem:$0x480] =	vst v15  }
0x60: {  	v38 =	vld.idx.msk [tilespmem:v0+s12+$0x0], $0xffff;
	_ =	sdelay $0x3  }
0x61: {  	v39 =	vld [tilespmem:$0x680]  }
0x62: {  	v40 =	vld [tilespmem:$0x690];
	v15 =	vadd.f32 v38, v15;
	_ =	sdelay $0x1  }
0x63: {  	v19 =	vld [tilespmem:$0x6A0];
	[tilespmem:$0x480] =	vst v15  }
0x64: {  	v41 =	vld.idx.msk [tilespmem:v1+s12+$0x0], $0xffff  }
0x65: {  	v20 =	vld [tilespmem:$0x6B0]  }
0x66: {  	v16 =	vadd.f32 v40, v39  }
0x67: {  	v42 =	vld [tilespmem:$0x6C0]  }
0x68: {  	v16 =	vadd.f32 v19, v16  }
0x69: {  	v43 =	vld [tilespmem:$0x6D0];
	v15 =	vadd.f32 v41, v15  }
0x6a: {  	v16 =	vadd.f32 v20, v16  }
0x6b: {  	v45 =	vld [tilespmem:$0x6E0];
	[tilespmem:$0x480] =	vst v15  }
0x6c: {  	v16 =	vadd.f32 v42, v16;
	v44 =	vld.idx.msk [tilespmem:v2+s12+$0x0], $0xffff  }
0x6d: {  	v46 =	vld [tilespmem:$0x6F0]  }
0x6e: {  	v16 =	vadd.f32 v43, v16;
	_ =	sdelay $0x1  }
0x6f: {  	v16 =	vadd.f32 v45, v16  }
0x70: {  	v15 =	vadd.f32 v44, v15  }
0x71: {  	v17 =	vadd.f32 v46, v16  }
0x72: {  	[tilespmem:$0x480] =	vst v15  }
0x73: {  	v16 =	vld.idx.msk [tilespmem:v3+s12+$0x0], $0xffff;
	[tilespmem:$0x480] =	vst v17  }
0x74: {  	v47 =	vld.idx.msk [tilespmem:v0+s12+$0x0], $0xffff;
	_ =	sdelay $0x3  }
0x75: {  	v48 =	vld [tilespmem:$0x700]  }
0x76: {  	v49 =	vld [tilespmem:$0x710];
	v17 =	vadd.f32 v47, v17;
	_ =	sdelay $0x1  }
0x77: {  	v21 =	vld [tilespmem:$0x720];
	[tilespmem:$0x480] =	vst v17  }
0x78: {  	v50 =	vld.idx.msk [tilespmem:v1+s12+$0x0], $0xffff  }
0x79: {  	v22 =	vld [tilespmem:$0x730]  }
0x7a: {  	v18 =	vadd.f32 v49, v48  }
0x7b: {  	v51 =	vld [tilespmem:$0x740]  }
0x7c: {  	v18 =	vadd.f32 v21, v18  }
0x7d: {  	v52 =	vld [tilespmem:$0x750];
	v17 =	vadd.f32 v50, v17  }
0x7e: {  	v18 =	vadd.f32 v22, v18  }
0x7f: {  	v54 =	vld [tilespmem:$0x760];
	[tilespmem:$0x480] =	vst v17  }
0x80: {  	v18 =	vadd.f32 v51, v18;
	v53 =	vld.idx.msk [tilespmem:v2+s12+$0x0], $0xffff  }
0x81: {  	v55 =	vld [tilespmem:$0x770]  }
0x82: {  	v18 =	vadd.f32 v52, v18;
	_ =	sdelay $0x1  }
0x83: {  	v18 =	vadd.f32 v54, v18  }
0x84: {  	v17 =	vadd.f32 v53, v17  }
0x85: {  	v19 =	vadd.f32 v55, v18  }
0x86: {  	[tilespmem:$0x480] =	vst v17  }
0x87: {  	v18 =	vld.idx.msk [tilespmem:v3+s12+$0x0], $0xffff;
	[tilespmem:$0x480] =	vst v19  }
0x88: {  	v56 =	vld.idx.msk [tilespmem:v0+s12+$0x0], $0xffff;
	_ =	sdelay $0x3  }
0x89: {  	v57 =	vld [tilespmem:$0x780]  }
0x8a: {  	v58 =	vld [tilespmem:$0x790];
	v19 =	vadd.f32 v56, v19;
	_ =	sdelay $0x1  }
0x8b: {  	v23 =	vld [tilespmem:$0x7A0];
	[tilespmem:$0x480] =	vst v19  }
0x8c: {  	v59 =	vld.idx.msk [tilespmem:v1+s12+$0x0], $0xffff  }
0x8d: {  	v24 =	vld [tilespmem:$0x7B0]  }
0x8e: {  	v20 =	vadd.f32 v58, v57  }
0x8f: {  	v60 =	vld [tilespmem:$0x7C0]  }
0x90: {  	v20 =	vadd.f32 v23, v20  }
0x91: {  	v61 =	vld [tilespmem:$0x7D0];
	v19 =	vadd.f32 v59, v19  }
0x92: {  	v20 =	vadd.f32 v24, v20  }
0x93: {  	v63 =	vld [tilespmem:$0x7E0];
	[tilespmem:$0x480] =	vst v19  }
0x94: {  	v20 =	vadd.f32 v60, v20;
	v62 =	vld.idx.msk [tilespmem:v2+s12+$0x0], $0xffff  }
0x95: {  	v28 =	vld [tilespmem:$0x7F0]  }
0x96: {  	v20 =	vadd.f32 v61, v20;
	_ =	sdelay $0x1  }
0x97: {  	v20 =	vadd.f32 v63, v20  }
0x98: {  	v19 =	vadd.f32 v62, v19  }
0x99: {  	v20 =	vadd.f32 v28, v20  }
0x9a: {  	[tilespmem:$0x480] =	vst v19  }
0x9b: {  	v21 =	vld.idx.msk [tilespmem:v3+s12+$0x0], $0xffff;
	[tilespmem:$0x480] =	vst v20  }
0x9c: {  	v29 =	vld.idx.msk [tilespmem:v0+s12+$0x0], $0xffff;
	_ =	sdelay $0x3  }
0x9d: {  	v30 =	vld [tilespmem:$0x800]  }
0x9e: {  	v31 =	vld [tilespmem:$0x810];
	v20 =	vadd.f32 v29, v20;
	_ =	sdelay $0x1  }
0x9f: {  	v25 =	vld [tilespmem:$0x820];
	[tilespmem:$0x480] =	vst v20  }
0xa0: {  	v32 =	vld.idx.msk [tilespmem:v1+s12+$0x0], $0xffff  }
0xa1: {  	v26 =	vld [tilespmem:$0x830]  }
0xa2: {  	v22 =	vadd.f32 v31, v30  }
0xa3: {  	v33 =	vld [tilespmem:$0x840]  }
0xa4: {  	v22 =	vadd.f32 v25, v22  }
0xa5: {  	v34 =	vld [tilespmem:$0x850];
	v20 =	vadd.f32 v32, v20  }
0xa6: {  	v22 =	vadd.f32 v26, v22  }
0xa7: {  	v36 =	vld [tilespmem:$0x860];
	[tilespmem:$0x480] =	vst v20  }
0xa8: {  	v22 =	vadd.f32 v33, v22;
	v35 =	vld.idx.msk [tilespmem:v2+s12+$0x0], $0xffff  }
0xa9: {  	v37 =	vld [tilespmem:$0x870]  }
0xaa: {  	v22 =	vadd.f32 v34, v22;
	_ =	sdelay $0x1  }
0xab: {  	v22 =	vadd.f32 v36, v22  }
0xac: {  	v20 =	vadd.f32 v35, v20  }
0xad: {  	v22 =	vadd.f32 v37, v22  }
0xae: {  	[tilespmem:$0x480] =	vst v20  }
0xaf: {  	v23 =	vld.idx.msk [tilespmem:v3+s12+$0x0], $0xffff;
	[tilespmem:$0x480] =	vst v22  }
0xb0: {  	v38 =	vld.idx.msk [tilespmem:v0+s12+$0x0], $0xffff;
	_ =	sdelay $0x3  }
0xb1: {  	v39 =	vld [tilespmem:$0x880]  }
0xb2: {  	v40 =	vld [tilespmem:$0x890];
	v22 =	vadd.f32 v38, v22;
	_ =	sdelay $0x1  }
0xb3: {  	v27 =	vld [tilespmem:$0x8A0];
	[tilespmem:$0x480] =	vst v22  }
0xb4: {  	v41 =	vld.idx.msk [tilespmem:v1+s12+$0x0], $0xffff  }
0xb5: {  	v28 =	vld [tilespmem:$0x8B0]  }
0xb6: {  	v24 =	vadd.f32 v40, v39  }
0xb7: {  	v42 =	vld [tilespmem:$0x8C0]  }
0xb8: {  	v24 =	vadd.f32 v27, v24  }
0xb9: {  	v43 =	vld [tilespmem:$0x8D0];
	v22 =	vadd.f32 v41, v22  }
0xba: {  	v24 =	vadd.f32 v28, v24  }
0xbb: {  	v45 =	vld [tilespmem:$0x8E0];
	[tilespmem:$0x480] =	vst v22  }
0xbc: {  	v24 =	vadd.f32 v42, v24;
	v44 =	vld.idx.msk [tilespmem:v2+s12+$0x0], $0xffff  }
0xbd: {  	v46 =	vld [tilespmem:$0x8F0]  }
0xbe: {  	v24 =	vadd.f32 v43, v24;
	_ =	sdelay $0x1  }
0xbf: {  	v24 =	vadd.f32 v45, v24  }
0xc0: {  	v22 =	vadd.f32 v44, v22  }
0xc1: {  	v24 =	vadd.f32 v46, v24  }
0xc2: {  	[tilespmem:$0x480] =	vst v22  }
0xc3: {  	v25 =	vld.idx.msk [tilespmem:v3+s12+$0x0], $0xffff;
	[tilespmem:$0x480] =	vst v24  }
0xc4: {  	v47 =	vld.idx.msk [tilespmem:v0+s12+$0x0], $0xffff;
	_ =	sdelay $0x3  }
0xc5: {  	v48 =	vld [tilespmem:$0x900]  }
0xc6: {  	v49 =	vld [tilespmem:$0x910];
	v24 =	vadd.f32 v47, v24;
	_ =	sdelay $0x1  }
0xc7: {  	v29 =	vld [tilespmem:$0x920];
	[tilespmem:$0x480] =	vst v24  }
0xc8: {  	v50 =	vld.idx.msk [tilespmem:v1+s12+$0x0], $0xffff  }
0xc9: {  	v30 =	vld [tilespmem:$0x930]  }
0xca: {  	v26 =	vadd.f32 v49, v48  }
0xcb: {  	v51 =	vld [tilespmem:$0x940]  }
0xcc: {  	v26 =	vadd.f32 v29, v26  }
0xcd: {  	v52 =	vld [tilespmem:$0x950];
	v24 =	vadd.f32 v50, v24  }
0xce: {  	v26 =	vadd.f32 v30, v26  }
0xcf: {  	v54 =	vld [tilespmem:$0x960];
	[tilespmem:$0x480] =	vst v24  }
0xd0: {  	v26 =	vadd.f32 v51, v26;
	v53 =	vld.idx.msk [tilespmem:v2+s12+$0x0], $0xffff  }
0xd1: {  	v55 =	vld [tilespmem:$0x970]  }
0xd2: {  	v26 =	vadd.f32 v52, v26;
	_ =	sdelay $0x1  }
0xd3: {  	v26 =	vadd.f32 v54, v26  }
0xd4: {  	v24 =	vadd.f32 v53, v24  }
0xd5: {  	v26 =	vadd.f32 v55, v26  }
0xd6: {  	[tilespmem:$0x480] =	vst v24  }
0xd7: {  	v56 =	vld.idx.msk [tilespmem:v3+s12+$0x0], $0xffff;
	[tilespmem:$0x480] =	vst v26  }
0xd8: {  	v57 =	vld.idx.msk [tilespmem:v0+s12+$0x0], $0xffff;
	_ =	sdelay $0x3  }
0xd9: {  	v58 =	vld [tilespmem:$0x980]  }
0xda: {  	v59 =	vld [tilespmem:$0x990];
	v26 =	vadd.f32 v57, v26;
	_ =	sdelay $0x1  }
0xdb: {  	v31 =	vld [tilespmem:$0x9A0];
	[tilespmem:$0x480] =	vst v26  }
0xdc: {  	v60 =	vld.idx.msk [tilespmem:v1+s12+$0x0], $0xffff  }
0xdd: {  	v32 =	vld [tilespmem:$0x9B0]  }
0xde: {  	v28 =	vadd.f32 v59, v58  }
0xdf: {  	v61 =	vld [tilespmem:$0x9C0]  }
0xe0: {  	v28 =	vadd.f32 v31, v28  }
0xe1: {  	v62 =	vld [tilespmem:$0x9D0];
	v26 =	vadd.f32 v60, v26  }
0xe2: {  	v28 =	vadd.f32 v32, v28  }
0xe3: {  	v36 =	vld [tilespmem:$0x9E0];
	[tilespmem:$0x480] =	vst v26  }
0xe4: {  	v28 =	vadd.f32 v61, v28;
	v63 =	vld.idx.msk [tilespmem:v2+s12+$0x0], $0xffff  }
0xe5: {  	v37 =	vld [tilespmem:$0x9F0]  }
0xe6: {  	v28 =	vadd.f32 v62, v28;
	_ =	sdelay $0x1  }
0xe7: {  	v28 =	vadd.f32 v36, v28  }
0xe8: {  	v26 =	vadd.f32 v63, v26  }
0xe9: {  	v28 =	vadd.f32 v37, v28  }
0xea: {  	[tilespmem:$0x480] =	vst v26  }
0xeb: {  	v38 =	vld.idx.msk [tilespmem:v3+s12+$0x0], $0xffff;
	[tilespmem:$0x480] =	vst v28  }
0xec: {  	v39 =	vld.idx.msk [tilespmem:v0+s12+$0x0], $0xffff;
	_ =	sdelay $0x4  }
0xed: {  	v28 =	vadd.f32 v39, v28;
	_ =	sdelay $0x1  }
0xee: {  	[tilespmem:$0x480] =	vst v28  }
0xef: {  	v40 =	vld.idx.msk [tilespmem:v1+s12+$0x0], $0xffff;
	_ =	sdelay $0x4  }
0xf0: {  	v28 =	vadd.f32 v40, v28;
	_ =	sdelay $0x1  }
0xf1: {  	[tilespmem:$0x480] =	vst v28  }
0xf2: {  	v41 =	vld.idx.msk [tilespmem:v2+s12+$0x0], $0xffff;
	_ =	sdelay $0x3  }
0xf3: {  	v11 =	vadd.f32 v12, v11  }
0xf4: {  	v42 =	vadd.f32 v14, v13;
	v43 =	vadd.f32 v41, v28  }
0xf5: {  	v11 =	vsel vm0, v11, v5;
	v44 =	vadd.f32 v16, v15  }
0xf6: {  	v11 =	vsel vm1, v11, v42;
	v45 =	vadd.f32 v18, v17;
	[tilespmem:$0x480] =	vst v43  }
0xf7: {  	v46 =	vadd.f32 v21, v19;
	v11 =	vsel vm2, v11, v44;
	v47 =	vld.idx.msk [tilespmem:v3+s12+$0x0], $0xffff  }
0xf8: {  	v48 =	vadd.f32 v23, v20;
	v11 =	vsel vm3, v11, v45  }
0xf9: {  	v11 =	vsel vm4, v11, v46;
	v49 =	vadd.f32 v25, v22  }
0xfa: {  	v11 =	vsel vm5, v11, v48;
	v50 =	vadd.f32 v56, v24  }
0xfb: {  	v11 =	vsel vm6, v11, v49;
	v51 =	vadd.f32 v38, v26  }
0xfc: {  	v11 =	vsel vm7, v11, v50;
	v52 =	vadd.f32 v47, v43  }
0xfd: {  	v11 =	vsel vm8, v11, v51  }
0xfe: {  	[tilespmem:$0x400] =	vst v4;
	v11 =	vsel vm9, v11, v52  }
0xff: {  	[tilespmem:$0x410] =	vst v11  }
0x100: {  	v12 =	vld.idx.msk [tilespmem:v6+s13+$0x0], $0xffff;
	[tilespmem:s11], [sflag:$0x1] =	stream.linear.gather [hbm4b:s6+s8], $0x500, $0x38  }
0x101: {  	_ =	swait.ge [sflag:s9], $0x500  }
0x102: {  	[sflag:s9] =	ssyncset.done $0x0  }
0x103: {  	[sflag:s9] =	ssyncadd.s32 $0xFFFFFB00  }
0x104: {  	v53 =	vld [tilespmem:$0x500]  }
0x105: {  	v54 =	vld [tilespmem:$0x510];
	_ =	sdelay $0x1  }
0x106: {  	v55 =	vld [tilespmem:$0x520];
	_ =	sdelay $0x1  }
0x107: {  	v56 =	vld [tilespmem:$0x530]  }
0x108: {  	v13 =	vadd.f32 v54, v53  }
0x109: {  	v57 =	vld [tilespmem:$0x540]  }
0x10a: {  	v13 =	vadd.f32 v55, v13  }
0x10b: {  	v58 =	vld [tilespmem:$0x550]  }
0x10c: {  	v13 =	vadd.f32 v56, v13  }
0x10d: {  	v59 =	vld [tilespmem:$0x560]  }
0x10e: {  	v13 =	vadd.f32 v57, v13  }
0x10f: {  	v60 =	vld [tilespmem:$0x570]  }
0x110: {  	v13 =	vadd.f32 v58, v13;
	_ =	sdelay $0x1  }
0x111: {  	v13 =	vadd.f32 v59, v13;
	_ =	sdelay $0x1  }
0x112: {  	v13 =	vadd.f32 v60, v13;
	_ =	sdelay $0x1  }
0x113: {  	[tilespmem:$0x480] =	vst v13  }
0x114: {  	v61 =	vld.idx.msk [tilespmem:v0+s12+$0x0], $0xffff;
	_ =	sdelay $0x3  }
0x115: {  	v62 =	vld [tilespmem:$0x580]  }
0x116: {  	v63 =	vld [tilespmem:$0x590];
	v13 =	vadd.f32 v61, v13;
	_ =	sdelay $0x1  }
0x117: {  	v22 =	vld [tilespmem:$0x5A0];
	[tilespmem:$0x480] =	vst v13  }
0x118: {  	v21 =	vld.idx.msk [tilespmem:v1+s12+$0x0], $0xffff  }
0x119: {  	v23 =	vld [tilespmem:$0x5B0]  }
0x11a: {  	v14 =	vadd.f32 v63, v62  }
0x11b: {  	v24 =	vld [tilespmem:$0x5C0]  }
0x11c: {  	v14 =	vadd.f32 v22, v14  }
0x11d: {  	v25 =	vld [tilespmem:$0x5D0];
	v13 =	vadd.f32 v21, v13  }
0x11e: {  	v14 =	vadd.f32 v23, v14  }
0x11f: {  	v27 =	vld [tilespmem:$0x5E0];
	[tilespmem:$0x480] =	vst v13  }
0x120: {  	v14 =	vadd.f32 v24, v14;
	v26 =	vld.idx.msk [tilespmem:v2+s12+$0x0], $0xffff  }
0x121: {  	v28 =	vld [tilespmem:$0x5F0]  }
0x122: {  	v14 =	vadd.f32 v25, v14;
	_ =	sdelay $0x1  }
0x123: {  	v14 =	vadd.f32 v27, v14  }
0x124: {  	v13 =	vadd.f32 v26, v13  }
0x125: {  	v15 =	vadd.f32 v28, v14  }
0x126: {  	[tilespmem:$0x480] =	vst v13  }
0x127: {  	v14 =	vld.idx.msk [tilespmem:v3+s12+$0x0], $0xffff;
	[tilespmem:$0x480] =	vst v15  }
0x128: {  	v29 =	vld.idx.msk [tilespmem:v0+s12+$0x0], $0xffff;
	_ =	sdelay $0x3  }
0x129: {  	v30 =	vld [tilespmem:$0x600]  }
0x12a: {  	v31 =	vld [tilespmem:$0x610];
	v15 =	vadd.f32 v29, v15;
	_ =	sdelay $0x1  }
0x12b: {  	v33 =	vld [tilespmem:$0x620];
	[tilespmem:$0x480] =	vst v15  }
0x12c: {  	v32 =	vld.idx.msk [tilespmem:v1+s12+$0x0], $0xffff  }
0x12d: {  	v34 =	vld [tilespmem:$0x630]  }
0x12e: {  	v16 =	vadd.f32 v31, v30  }
0x12f: {  	v35 =	vld [tilespmem:$0x640]  }
0x130: {  	v16 =	vadd.f32 v33, v16  }
0x131: {  	v36 =	vld [tilespmem:$0x650];
	v15 =	vadd.f32 v32, v15  }
0x132: {  	v16 =	vadd.f32 v34, v16  }
0x133: {  	v38 =	vld [tilespmem:$0x660];
	[tilespmem:$0x480] =	vst v15  }
0x134: {  	v16 =	vadd.f32 v35, v16;
	v37 =	vld.idx.msk [tilespmem:v2+s12+$0x0], $0xffff  }
0x135: {  	v39 =	vld [tilespmem:$0x670]  }
0x136: {  	v16 =	vadd.f32 v36, v16;
	_ =	sdelay $0x1  }
0x137: {  	v16 =	vadd.f32 v38, v16  }
0x138: {  	v15 =	vadd.f32 v37, v15  }
0x139: {  	v17 =	vadd.f32 v39, v16  }
0x13a: {  	[tilespmem:$0x480] =	vst v15  }
0x13b: {  	v16 =	vld.idx.msk [tilespmem:v3+s12+$0x0], $0xffff;
	[tilespmem:$0x480] =	vst v17  }
0x13c: {  	v40 =	vld.idx.msk [tilespmem:v0+s12+$0x0], $0xffff;
	_ =	sdelay $0x3  }
0x13d: {  	v41 =	vld [tilespmem:$0x680]  }
0x13e: {  	v42 =	vld [tilespmem:$0x690];
	v17 =	vadd.f32 v40, v17;
	_ =	sdelay $0x1  }
0x13f: {  	v44 =	vld [tilespmem:$0x6A0];
	[tilespmem:$0x480] =	vst v17  }
0x140: {  	v43 =	vld.idx.msk [tilespmem:v1+s12+$0x0], $0xffff  }
0x141: {  	v45 =	vld [tilespmem:$0x6B0]  }
0x142: {  	v18 =	vadd.f32 v42, v41  }
0x143: {  	v46 =	vld [tilespmem:$0x6C0]  }
0x144: {  	v18 =	vadd.f32 v44, v18  }
0x145: {  	v47 =	vld [tilespmem:$0x6D0];
	v17 =	vadd.f32 v43, v17  }
0x146: {  	v18 =	vadd.f32 v45, v18  }
0x147: {  	v49 =	vld [tilespmem:$0x6E0];
	[tilespmem:$0x480] =	vst v17  }
0x148: {  	v18 =	vadd.f32 v46, v18;
	v48 =	vld.idx.msk [tilespmem:v2+s12+$0x0], $0xffff  }
0x149: {  	v50 =	vld [tilespmem:$0x6F0]  }
0x14a: {  	v18 =	vadd.f32 v47, v18;
	_ =	sdelay $0x1  }
0x14b: {  	v18 =	vadd.f32 v49, v18  }
0x14c: {  	v17 =	vadd.f32 v48, v17  }
0x14d: {  	v19 =	vadd.f32 v50, v18  }
0x14e: {  	[tilespmem:$0x480] =	vst v17  }
0x14f: {  	v18 =	vld.idx.msk [tilespmem:v3+s12+$0x0], $0xffff;
	[tilespmem:$0x480] =	vst v19  }
0x150: {  	v51 =	vld.idx.msk [tilespmem:v0+s12+$0x0], $0xffff;
	_ =	sdelay $0x3  }
0x151: {  	v52 =	vld [tilespmem:$0x700]  }
0x152: {  	v53 =	vld [tilespmem:$0x710];
	v19 =	vadd.f32 v51, v19;
	_ =	sdelay $0x1  }
0x153: {  	v55 =	vld [tilespmem:$0x720];
	[tilespmem:$0x480] =	vst v19  }
0x154: {  	v54 =	vld.idx.msk [tilespmem:v1+s12+$0x0], $0xffff  }
0x155: {  	v56 =	vld [tilespmem:$0x730]  }
0x156: {  	v20 =	vadd.f32 v53, v52  }
0x157: {  	v57 =	vld [tilespmem:$0x740]  }
0x158: {  	v20 =	vadd.f32 v55, v20  }
0x159: {  	v58 =	vld [tilespmem:$0x750];
	v19 =	vadd.f32 v54, v19  }
0x15a: {  	v20 =	vadd.f32 v56, v20  }
0x15b: {  	v60 =	vld [tilespmem:$0x760];
	[tilespmem:$0x480] =	vst v19  }
0x15c: {  	v20 =	vadd.f32 v57, v20;
	v59 =	vld.idx.msk [tilespmem:v2+s12+$0x0], $0xffff  }
0x15d: {  	v61 =	vld [tilespmem:$0x770]  }
0x15e: {  	v20 =	vadd.f32 v58, v20;
	_ =	sdelay $0x1  }
0x15f: {  	v20 =	vadd.f32 v60, v20  }
0x160: {  	v19 =	vadd.f32 v59, v19  }
0x161: {  	v21 =	vadd.f32 v61, v20  }
0x162: {  	[tilespmem:$0x480] =	vst v19  }
0x163: {  	v20 =	vld.idx.msk [tilespmem:v3+s12+$0x0], $0xffff;
	[tilespmem:$0x480] =	vst v21  }
0x164: {  	v62 =	vld.idx.msk [tilespmem:v0+s12+$0x0], $0xffff;
	_ =	sdelay $0x3  }
0x165: {  	v63 =	vld [tilespmem:$0x780]  }
0x166: {  	v28 =	vld [tilespmem:$0x790];
	v21 =	vadd.f32 v62, v21;
	_ =	sdelay $0x1  }
0x167: {  	v30 =	vld [tilespmem:$0x7A0];
	[tilespmem:$0x480] =	vst v21  }
0x168: {  	v29 =	vld.idx.msk [tilespmem:v1+s12+$0x0], $0xffff  }
0x169: {  	v31 =	vld [tilespmem:$0x7B0]  }
0x16a: {  	v22 =	vadd.f32 v28, v63  }
0x16b: {  	v32 =	vld [tilespmem:$0x7C0]  }
0x16c: {  	v22 =	vadd.f32 v30, v22  }
0x16d: {  	v33 =	vld [tilespmem:$0x7D0];
	v21 =	vadd.f32 v29, v21  }
0x16e: {  	v22 =	vadd.f32 v31, v22  }
0x16f: {  	v35 =	vld [tilespmem:$0x7E0];
	[tilespmem:$0x480] =	vst v21  }
0x170: {  	v22 =	vadd.f32 v32, v22;
	v34 =	vld.idx.msk [tilespmem:v2+s12+$0x0], $0xffff  }
0x171: {  	v36 =	vld [tilespmem:$0x7F0]  }
0x172: {  	v22 =	vadd.f32 v33, v22;
	_ =	sdelay $0x1  }
0x173: {  	v22 =	vadd.f32 v35, v22  }
0x174: {  	v21 =	vadd.f32 v34, v21  }
0x175: {  	v23 =	vadd.f32 v36, v22  }
0x176: {  	[tilespmem:$0x480] =	vst v21  }
0x177: {  	v22 =	vld.idx.msk [tilespmem:v3+s12+$0x0], $0xffff;
	[tilespmem:$0x480] =	vst v23  }
0x178: {  	v37 =	vld.idx.msk [tilespmem:v0+s12+$0x0], $0xffff;
	_ =	sdelay $0x3  }
0x179: {  	v38 =	vld [tilespmem:$0x800]  }
0x17a: {  	v39 =	vld [tilespmem:$0x810];
	v23 =	vadd.f32 v37, v23;
	_ =	sdelay $0x1  }
0x17b: {  	v41 =	vld [tilespmem:$0x820];
	[tilespmem:$0x480] =	vst v23  }
0x17c: {  	v40 =	vld.idx.msk [tilespmem:v1+s12+$0x0], $0xffff  }
0x17d: {  	v42 =	vld [tilespmem:$0x830]  }
0x17e: {  	v24 =	vadd.f32 v39, v38  }
0x17f: {  	v43 =	vld [tilespmem:$0x840]  }
0x180: {  	v24 =	vadd.f32 v41, v24  }
0x181: {  	v44 =	vld [tilespmem:$0x850];
	v23 =	vadd.f32 v40, v23  }
0x182: {  	v24 =	vadd.f32 v42, v24  }
0x183: {  	v46 =	vld [tilespmem:$0x860];
	[tilespmem:$0x480] =	vst v23  }
0x184: {  	v24 =	vadd.f32 v43, v24;
	v45 =	vld.idx.msk [tilespmem:v2+s12+$0x0], $0xffff  }
0x185: {  	v47 =	vld [tilespmem:$0x870]  }
0x186: {  	v24 =	vadd.f32 v44, v24;
	_ =	sdelay $0x1  }
0x187: {  	v24 =	vadd.f32 v46, v24  }
0x188: {  	v23 =	vadd.f32 v45, v23  }
0x189: {  	v24 =	vadd.f32 v47, v24  }
0x18a: {  	[tilespmem:$0x480] =	vst v23  }
0x18b: {  	v25 =	vld.idx.msk [tilespmem:v3+s12+$0x0], $0xffff;
	[tilespmem:$0x480] =	vst v24  }
0x18c: {  	v48 =	vld.idx.msk [tilespmem:v0+s12+$0x0], $0xffff;
	_ =	sdelay $0x3  }
0x18d: {  	v49 =	vld [tilespmem:$0x880]  }
0x18e: {  	v50 =	vld [tilespmem:$0x890];
	v24 =	vadd.f32 v48, v24;
	_ =	sdelay $0x1  }
0x18f: {  	v52 =	vld [tilespmem:$0x8A0];
	[tilespmem:$0x480] =	vst v24  }
0x190: {  	v51 =	vld.idx.msk [tilespmem:v1+s12+$0x0], $0xffff  }
0x191: {  	v53 =	vld [tilespmem:$0x8B0]  }
0x192: {  	v26 =	vadd.f32 v50, v49  }
0x193: {  	v54 =	vld [tilespmem:$0x8C0]  }
0x194: {  	v26 =	vadd.f32 v52, v26  }
0x195: {  	v55 =	vld [tilespmem:$0x8D0];
	v24 =	vadd.f32 v51, v24  }
0x196: {  	v26 =	vadd.f32 v53, v26  }
0x197: {  	v57 =	vld [tilespmem:$0x8E0];
	[tilespmem:$0x480] =	vst v24  }
0x198: {  	v26 =	vadd.f32 v54, v26;
	v56 =	vld.idx.msk [tilespmem:v2+s12+$0x0], $0xffff  }
0x199: {  	v58 =	vld [tilespmem:$0x8F0]  }
0x19a: {  	v26 =	vadd.f32 v55, v26;
	_ =	sdelay $0x1  }
0x19b: {  	v26 =	vadd.f32 v57, v26  }
0x19c: {  	v24 =	vadd.f32 v56, v24  }
0x19d: {  	v26 =	vadd.f32 v58, v26  }
0x19e: {  	[tilespmem:$0x480] =	vst v24  }
0x19f: {  	v27 =	vld.idx.msk [tilespmem:v3+s12+$0x0], $0xffff;
	[tilespmem:$0x480] =	vst v26  }
0x1a0: {  	v59 =	vld.idx.msk [tilespmem:v0+s12+$0x0], $0xffff;
	_ =	sdelay $0x3  }
0x1a1: {  	v60 =	vld [tilespmem:$0x900]  }
0x1a2: {  	v61 =	vld [tilespmem:$0x910];
	v26 =	vadd.f32 v59, v26;
	_ =	sdelay $0x1  }
0x1a3: {  	v63 =	vld [tilespmem:$0x920];
	[tilespmem:$0x480] =	vst v26  }
0x1a4: {  	v62 =	vld.idx.msk [tilespmem:v1+s12+$0x0], $0xffff  }
0x1a5: {  	v36 =	vld [tilespmem:$0x930]  }
0x1a6: {  	v28 =	vadd.f32 v61, v60  }
0x1a7: {  	v37 =	vld [tilespmem:$0x940]  }
0x1a8: {  	v28 =	vadd.f32 v63, v28  }
0x1a9: {  	v38 =	vld [tilespmem:$0x950];
	v26 =	vadd.f32 v62, v26  }
0x1aa: {  	v28 =	vadd.f32 v36, v28  }
0x1ab: {  	v40 =	vld [tilespmem:$0x960];
	[tilespmem:$0x480] =	vst v26  }
0x1ac: {  	v28 =	vadd.f32 v37, v28;
	v39 =	vld.idx.msk [tilespmem:v2+s12+$0x0], $0xffff  }
0x1ad: {  	v41 =	vld [tilespmem:$0x970]  }
0x1ae: {  	v28 =	vadd.f32 v38, v28;
	_ =	sdelay $0x1  }
0x1af: {  	v28 =	vadd.f32 v40, v28  }
0x1b0: {  	v26 =	vadd.f32 v39, v26  }
0x1b1: {  	v28 =	vadd.f32 v41, v28  }
0x1b2: {  	[tilespmem:$0x480] =	vst v26  }
0x1b3: {  	v29 =	vld.idx.msk [tilespmem:v3+s12+$0x0], $0xffff;
	[tilespmem:$0x480] =	vst v28  }
0x1b4: {  	v42 =	vld.idx.msk [tilespmem:v0+s12+$0x0], $0xffff;
	_ =	sdelay $0x3  }
0x1b5: {  	v43 =	vld [tilespmem:$0x980]  }
0x1b6: {  	v44 =	vld [tilespmem:$0x990];
	v28 =	vadd.f32 v42, v28;
	_ =	sdelay $0x1  }
0x1b7: {  	v33 =	vld [tilespmem:$0x9A0];
	[tilespmem:$0x480] =	vst v28  }
0x1b8: {  	v45 =	vld.idx.msk [tilespmem:v1+s12+$0x0], $0xffff  }
0x1b9: {  	v34 =	vld [tilespmem:$0x9B0]  }
0x1ba: {  	v30 =	vadd.f32 v44, v43  }
0x1bb: {  	v46 =	vld [tilespmem:$0x9C0]  }
0x1bc: {  	v30 =	vadd.f32 v33, v30  }
0x1bd: {  	v47 =	vld [tilespmem:$0x9D0];
	v28 =	vadd.f32 v45, v28  }
0x1be: {  	v30 =	vadd.f32 v34, v30  }
0x1bf: {  	v49 =	vld [tilespmem:$0x9E0];
	[tilespmem:$0x480] =	vst v28  }
0x1c0: {  	v30 =	vadd.f32 v46, v30;
	v48 =	vld.idx.msk [tilespmem:v2+s12+$0x0], $0xffff  }
0x1c1: {  	v50 =	vld [tilespmem:$0x9F0]  }
0x1c2: {  	v30 =	vadd.f32 v47, v30;
	_ =	sdelay $0x1  }
0x1c3: {  	v30 =	vadd.f32 v49, v30  }
0x1c4: {  	v28 =	vadd.f32 v48, v28  }
0x1c5: {  	v30 =	vadd.f32 v50, v30  }
0x1c6: {  	[tilespmem:$0x480] =	vst v28  }
0x1c7: {  	v51 =	vld.idx.msk [tilespmem:v3+s12+$0x0], $0xffff;
	[tilespmem:$0x480] =	vst v30  }
0x1c8: {  	v52 =	vld.idx.msk [tilespmem:v0+s12+$0x0], $0xffff;
	_ =	sdelay $0x3  }
0x1c9: {  	v53 =	vld [tilespmem:$0x0]  }
0x1ca: {  	v30 =	vadd.f32 v52, v30  }
0x1cb: {  	v11 =	vsub.f32 v11, v12;
	v54 =	vld [tilespmem:$0x10]  }
0x1cc: {  	v56 =	vld [tilespmem:$0x20];
	[tilespmem:$0x480] =	vst v30  }
0x1cd: {  	v11 =	vnsel vm10, $0x0, v11;
	v55 =	vld.idx.msk [tilespmem:v1+s12+$0x0], $0xffff  }
0x1ce: {  	v11 =	vadd.f32 v53, v11  }
0x1cf: {  	v57 =	vld [tilespmem:$0x30]  }
0x1d0: {  	v11 =	vadd.f32 v54, v11  }
0x1d1: {  	v59 =	vld [tilespmem:$0x40]  }
0x1d2: {  	v11 =	vadd.f32 v56, v11;
	v58 =	vadd.f32 v55, v30  }
0x1d3: {  	v60 =	vld [tilespmem:$0x50]  }
0x1d4: {  	v11 =	vadd.f32 v57, v11;
	v62 =	vld [tilespmem:$0x60];
	[tilespmem:$0x480] =	vst v58  }
0x1d5: {  	v61 =	vld.idx.msk [tilespmem:v2+s12+$0x0], $0xffff  }
0x1d6: {  	v11 =	vadd.f32 v59, v11  }
0x1d7: {  	v63 =	vld [tilespmem:$0x70]  }
0x1d8: {  	v11 =	vadd.f32 v60, v11  }
0x1d9: {  	v13 =	vadd.f32 v14, v13;
	v15 =	vadd.f32 v16, v15;
	v34 =	vld [tilespmem:$0x80]  }
0x1da: {  	v11 =	vadd.f32 v62, v11;
	v12 =	vadd.f32 v61, v58  }
0x1db: {  	v13 =	vsel vm0, v13, v7;
	v36 =	vld [tilespmem:$0x90];
	v35 =	vadd.f32 v18, v17  }
0x1dc: {  	v13 =	vsel vm1, v13, v15;
	v37 =	vadd.f32 v20, v19;
	v40 =	vld [tilespmem:$0xA0];
	v11 =	vadd.f32 v63, v11;
	[tilespmem:$0x480] =	vst v12  }
0x1dd: {  	v13 =	vsel vm2, v13, v35;
	v39 =	vadd.f32 v22, v21;
	v38 =	vld.idx.msk [tilespmem:v3+s12+$0x0], $0xffff  }
0x1de: {  	v13 =	vsel vm3, v13, v37;
	v41 =	vadd.f32 v25, v23;
	v11 =	vadd.f32 v34, v11  }
0x1df: {  	v43 =	vld [tilespmem:$0xB0];
	v13 =	vsel vm4, v13, v39;
	v42 =	vadd.f32 v27, v24  }
0x1e0: {  	v13 =	vsel vm5, v13, v41;
	v11 =	vadd.f32 v36, v11;
	v44 =	vadd.f32 v29, v26  }
0x1e1: {  	v46 =	vld [tilespmem:$0xC0];
	v13 =	vsel vm6, v13, v42;
	v45 =	vadd.f32 v51, v28  }
0x1e2: {  	v11 =	vadd.f32 v40, v11;
	v13 =	vsel vm7, v13, v44;
	v12 =	vadd.f32 v38, v12  }
0x1e3: {  	v47 =	vld [tilespmem:$0xD0];
	v13 =	vsel vm8, v13, v45  }
0x1e4: {  	v11 =	vadd.f32 v43, v11;
	[tilespmem:$0x400] =	vst v4;
	v12 =	vsel vm9, v13, v12  }
0x1e5: {  	v48 =	vld [tilespmem:$0xE0];
	[tilespmem:$0x410] =	vst v12  }
0x1e6: {  	v11 =	vadd.f32 v46, v11;
	v49 =	vld.idx.msk [tilespmem:v6+s13+$0x0], $0xffff  }
0x1e7: {  	v50 =	vld [tilespmem:$0xF0]  }
0x1e8: {  	v11 =	vadd.f32 v47, v11;
	v51 =	vld [tilespmem:$0x200]  }
0x1e9: {  	v52 =	vld [tilespmem:$0x100]  }
0x1ea: {  	v53 =	vld [tilespmem:$0x210];
	v11 =	vadd.f32 v48, v11  }
0x1eb: {  	v54 =	vld [tilespmem:$0x110];
	v12 =	vsub.f32 v12, v49  }
0x1ec: {  	v56 =	vld [tilespmem:$0x120];
	v11 =	vadd.f32 v50, v11  }
0x1ed: {  	v55 =	vld [tilespmem:$0x220];
	v12 =	vnsel vm10, $0x0, v12  }
0x1ee: {  	v57 =	vld [tilespmem:$0x230];
	v11 =	vadd.f32 v52, v11;
	v12 =	vadd.f32 v51, v12  }
0x1ef: {  	v58 =	vld [tilespmem:$0x130]  }
0x1f0: {  	v59 =	vld [tilespmem:$0x240];
	v11 =	vadd.f32 v54, v11;
	v12 =	vadd.f32 v53, v12  }
0x1f1: {  	v60 =	vld [tilespmem:$0x140]  }
0x1f2: {  	v62 =	vld [tilespmem:$0x150];
	v11 =	vadd.f32 v56, v11;
	v12 =	vadd.f32 v55, v12  }
0x1f3: {  	v61 =	vld [tilespmem:$0x250]  }
0x1f4: {  	v63 =	vld [tilespmem:$0x260];
	v11 =	vadd.f32 v58, v11;
	v12 =	vadd.f32 v57, v12  }
0x1f5: {  	v21 =	vld [tilespmem:$0x160]  }
0x1f6: {  	v23 =	vld [tilespmem:$0x170];
	v11 =	vadd.f32 v60, v11;
	v12 =	vadd.f32 v59, v12  }
0x1f7: {  	v22 =	vld [tilespmem:$0x270]  }
0x1f8: {  	v25 =	vld [tilespmem:$0x180];
	v11 =	vadd.f32 v62, v11;
	v12 =	vadd.f32 v61, v12  }
0x1f9: {  	v24 =	vld [tilespmem:$0x280]  }
0x1fa: {  	v26 =	vld [tilespmem:$0x290];
	v11 =	vadd.f32 v21, v11;
	v12 =	vadd.f32 v63, v12  }
0x1fb: {  	v27 =	vld [tilespmem:$0x190]  }
0x1fc: {  	v29 =	vld [tilespmem:$0x1A0];
	v11 =	vadd.f32 v23, v11;
	v12 =	vadd.f32 v22, v12  }
0x1fd: {  	v28 =	vld [tilespmem:$0x2A0]  }
0x1fe: {  	v31 =	vld [tilespmem:$0x1B0];
	v11 =	vadd.f32 v25, v11;
	v12 =	vadd.f32 v24, v12  }
0x1ff: {  	v30 =	vld [tilespmem:$0x2B0]  }
0x200: {  	v32 =	vld [tilespmem:$0x2C0];
	v11 =	vadd.f32 v27, v11;
	v12 =	vadd.f32 v26, v12  }
0x201: {  	v33 =	vld [tilespmem:$0x1C0]  }
0x202: {  	v35 =	vld [tilespmem:$0x1D0];
	v11 =	vadd.f32 v29, v11;
	v12 =	vadd.f32 v28, v12  }
0x203: {  	v34 =	vld [tilespmem:$0x2D0]  }
0x204: {  	v37 =	vld [tilespmem:$0x1E0];
	v11 =	vadd.f32 v31, v11;
	v12 =	vadd.f32 v30, v12  }
0x205: {  	v36 =	vld [tilespmem:$0x2E0]  }
0x206: {  	v39 =	vld [tilespmem:$0x1F0];
	v11 =	vadd.f32 v33, v11;
	v12 =	vadd.f32 v32, v12  }
0x207: {  	v38 =	vld [tilespmem:$0x2F0]  }
0x208: {  	v11 =	vadd.f32 v35, v11;
	v12 =	vadd.f32 v34, v12  }
0x209: {  	v40 =	vld [tilespmem:$0x300]  }
0x20a: {  	v11 =	vadd.f32 v37, v11;
	v12 =	vadd.f32 v36, v12  }
0x20b: {  	v41 =	vld [tilespmem:$0x310]  }
0x20c: {  	v11 =	vadd.f32 v39, v11;
	v12 =	vadd.f32 v38, v12  }
0x20d: {  	v42 =	vld [tilespmem:$0x320]  }
0x20e: {  	v43 =	vld [tilespmem:$0x330];
	[tilespmem:$0x410] =	vst v11;
	v12 =	vadd.f32 v40, v12  }
0x20f: {  	v44 =	vld.idx.msk [tilespmem:v6+s13+$0x0], $0xffff  }
0x210: {  	v12 =	vadd.f32 v41, v12  }
0x211: {  	v45 =	vld [tilespmem:$0x340]  }
0x212: {  	v12 =	vadd.f32 v42, v12  }
0x213: {  	v46 =	vld [tilespmem:$0x350]  }
0x214: {  	v11 =	vadd.f32 v44, v11;
	v12 =	vadd.f32 v43, v12  }
0x215: {  	v47 =	vld [tilespmem:$0x360]  }
0x216: {  	v48 =	vld [tilespmem:$0x370];
	[tilespmem:$0x410] =	vst v11;
	v12 =	vadd.f32 v45, v12  }
0x217: {  	v49 =	vld.idx.msk [tilespmem:v8+s13+$0x0], $0xffff  }
0x218: {  	v12 =	vadd.f32 v46, v12  }
0x219: {  	v50 =	vld [tilespmem:$0x380]  }
0x21a: {  	v12 =	vadd.f32 v47, v12  }
0x21b: {  	v51 =	vld [tilespmem:$0x390]  }
0x21c: {  	v11 =	vadd.f32 v49, v11;
	v12 =	vadd.f32 v48, v12  }
0x21d: {  	v52 =	vld [tilespmem:$0x3A0]  }
0x21e: {  	v53 =	vld [tilespmem:$0x3B0];
	[tilespmem:$0x410] =	vst v11;
	v12 =	vadd.f32 v50, v12  }
0x21f: {  	v54 =	vld.idx.msk [tilespmem:v9+s13+$0x0], $0xffff  }
0x220: {  	v12 =	vadd.f32 v51, v12  }
0x221: {  	v55 =	vld [tilespmem:$0x3C0]  }
0x222: {  	v12 =	vadd.f32 v52, v12  }
0x223: {  	v56 =	vld [tilespmem:$0x3D0]  }
0x224: {  	v11 =	vadd.f32 v54, v11;
	v12 =	vadd.f32 v53, v12  }
0x225: {  	v57 =	vld [tilespmem:$0x3E0]  }
0x226: {  	v58 =	vld [tilespmem:$0x3F0];
	[tilespmem:$0x410] =	vst v11;
	v12 =	vadd.f32 v55, v12  }
0x227: {  	v59 =	vld.idx.msk [tilespmem:v10+s13+$0x0], $0xffff  }
0x228: {  	v12 =	vadd.f32 v56, v12;
	_ =	sdelay $0x1  }
0x229: {  	v12 =	vadd.f32 v57, v12;
	_ =	sdelay $0x1  }
0x22a: {  	v11 =	vadd.f32 v59, v11;
	v12 =	vadd.f32 v58, v12;
	_ =	sdelay $0x1  }
0x22b: {  	v11 =	vmul.f32 v11, v12;
	_ =	sdelay $0x1  }
0x22c: {  	[tilespmem:$0x480] =	vst v11  }
0x22d: {  	v60 =	vld.idx.msk [tilespmem:v0+s12+$0x0], $0xffff;
	_ =	sdelay $0x4  }
0x22e: {  	v11 =	vadd.f32 v60, v11;
	_ =	sdelay $0x1  }
0x22f: {  	[tilespmem:$0x480] =	vst v11  }
0x230: {  	v61 =	vld.idx.msk [tilespmem:v1+s12+$0x0], $0xffff;
	_ =	sdelay $0x4  }
0x231: {  	v11 =	vadd.f32 v61, v11;
	_ =	sdelay $0x1  }
0x232: {  	[tilespmem:$0x480] =	vst v11  }
0x233: {  	v62 =	vld.idx.msk [tilespmem:v2+s12+$0x0], $0xffff;
	_ =	sdelay $0x4  }
0x234: {  	v11 =	vadd.f32 v62, v11;
	_ =	sdelay $0x1  }
0x235: {  	[tilespmem:$0x480] =	vst v11  }
0x236: {  	v63 =	vld.idx.msk [tilespmem:v3+s12+$0x0], $0xffff;
	_ =	sdelay $0x4  }
0x237: {  	v11 =	vadd.f32 v63, v11;
	_ =	sdelay $0x1  }
0x238: {  	v11 =	vmul.f32 $1.421085470e-14, v11  }
0x239: {  	p0 =	sne.s32 s7, $0x1  }
.Ltmp1:
0x23a: {  	[tilespmem:$0x480] =	vst v11;
	(pc) =	sbr.rel @p0 .LBB2_2-.Ltmp1, $4  }
0x23b: {  	[hbm4b:s2+s8] =	stream.linear.scatter [tilespmem:s12], [sflag:$0x1], $0x80, $0x38;
	[tilespmem:$0xA00] =	vst v63  }
0x23c: {  	_ =	swait.ge [sflag:s9], $0x80  }
0x23d: {  	[sflag:s9] =	ssyncset.done $0x0  }
0x23e: {  	s7 =	sadd.s32 $0xFFFFFFFF, s7;
	[sflag:s9] =	ssyncadd.s32 $0xFFFFFF80  }
.LBB2_3:
0x23f: {  	_ =	sfence.sel $0x180000  }
0x240: {  	[bflag:$0x0] =	sbarrier.arrive $0xFFFF  }
0x241: {  	p0 =	sne.s32 s0, $0x0;
	_ =	strace $0x9000004D  }
0x242: {  	s0 =	sadd.s32 @!p0 $0x100000, s1;
	[bflag:$0x2] =	sbarrier.arrive $0xFFFF  }
0x243: {  	[sflag:s0] =	ssyncadd.tile.s32 @!p0 $0x1;
	_ =	shalt  }
.Lfunc_end2:
_tile_overlayer_lowered:
.L_overlay_start_2:
0x244: {  	(tag) =	ssettag $0x2  }
0x245: {  	s0 =	rddreg [dreg:$0x0];
	s2 =	stileid.u32  }
0x246: {  	s1 =	rddreg [dreg:$0x1];
	p0 =	sne.s32 s2, $0x0  }
0x247: {  	s3 =	rddreg [dreg:$0x2];
	[bflag:$0x3] =	sbarrier.arrive $0xFFFF;
	s2 =	simm.s32 @!p0 $0x1C01  }
0x248: {  	[timem:s3], [sflag:s2] =	dma.local @!p0 [hbm:s0], s1  }
0x249: {  	s0 =	simm.s32 @!p0 $0x1  }
0x24a: {  	_ =	swait.ge @!p0 [sflag:s0], s1  }
0x24b: {  	s1 =	ssub.s32 @!p0 $0x0, s1;
	[sflag:s0] =	ssyncset.done @!p0 $0x0  }
0x24c: {  	[sflag:s0] =	ssyncadd.s32 @!p0 s1  }
0x24d: {  	[bflag:$0x3] =	sbarrier.arrive $0xFFFF  }
0x24e: {  	_ =	shalt  }

// kernel: _run.7.cloned.1.call-start
scs
__scs_entry_jumppad:
0x0: {  	(pc) =	sbr.rel $0x88, $3  }
0x1: {  	(tag) =	ssettag $0x0;
	lr =	simm.s32 $0x1  }
0x2: {  	[smem:$0x3F9F] =	sst lr;
	_ =	strace $0xD0000000  }
0x3: {  	_ = 	snop  }
0x4: {  	_ = 	snop  }
0x5: {  	_ = 	snop  }
0x6: {  	_ = 	snop  }
0x7: {  	_ = 	snop  }
__scs_overlays_trampoline_lowered:
0x8: {  	[smem:$0x3FAE] =	sst s0  }
0x9: {  	[smem:$0x3FAF] =	sst s1  }
0xa: {  	[smem:$0x3FB0] =	sst s2  }
0xb: {  	[smem:$0x3FB1] =	sst s3  }
0xc: {  	[smem:$0x3FB2] =	sst s4  }
0xd: {  	[smem:$0x3FB3] =	sst s5  }
0xe: {  	[smem:$0x3FB4] =	sst s6  }
0xf: {  	[smem:$0x3FB5] =	sst s7  }
0x10: {  	[smem:$0x3FB6] =	sst s8  }
0x11: {  	[smem:$0x3FB7] =	sst s9;
	s0 =	simm.s32 @!p0 $0x0  }
0x12: {  	s1 =	sld [smem:$0x3F9D];
	s0 =	simm.s32 @p0 $0x1  }
0x13: {  	[smem:$0x3FB8] =	sst s0;
	s0 =	simm.s32 @!p1 $0x0  }
0x14: {  	s2 =	sld [smem:$0x3F9C];
	s0 =	simm.s32 @p1 $0x1  }
0x15: {  	[smem:$0x3FB9] =	sst s0;
	s0 =	simm.s32 @!p2 $0x0  }
0x16: {  	s3 =	sld [smem:$0x3FDB];
	s0 =	simm.s32 @p2 $0x1  }
0x17: {  	s4 =	simm.s32 $0x1BF5;
	[smem:$0x3FBB] =	sst s0  }
0x18: {  	s0 =	sld [smem:$0x3F9E];
	_ =	swait.ge [sflag:s4], $0x0  }
0x19: {  	s7 =	sld [smem:$0x3F9F]  }
0x1a: {  	s8 =	sadd.s32 $0xFFFFE003, lr  }
0x1b: {  	s9 =	sadd.s32 $0xFFFFFEF7, lr;
	s5 =	simm.s32 $0xFFFFFFFF;
	p2 =	slt.u32 s8, $0xFFFFF086  }
0x1c: {  	p1 =	slt.u32 s9, $0xF7A;
	s5 =	simm.s32 @!p2 $0x0  }
0x1d: {  	s5 =	simm.s32 @p1 $0x1;
	p0 =	seq.s32 s7, s2  }
0x1e: {  	s7 =	smul.u32 @!p0 $0xF7A, s2;
	p2 =	seq.s32 @!p0 s5, $0x0  }
0x1f: {  	s9 =	smul.u32 $0xF7A, s1;
	s8 =	simm.s32 @!p0 $0x1BF5;
	p2 =	por !p2, p0  }
0x20: {  	[sflag:s8] =	ssyncset.s32 @!p0 $0xFFFFF086;
	s6 =	sadd.s32 @!p0 s3, s7;
	s7 =	simm.s32 @!p0 $0x108  }
0x21: {  	s3 =	sadd.s32 s3, s9;
	s6 =	sadd.s32 @!p0 $0x88, s6;
	s7 =	simm.s32 @p2 $0x1082  }
0x22: {  	[simem:s7], [sflag:s8] =	dma.local @!p0 [hbm:s6], $0xF7A  }
0x23: {  	s9 =	sor.u32 $0xD0000000, s2;
	s6 =	simm.s32 $0x108;
	_ =	swait.ge @!p0 [sflag:s8], $0x0  }
0x24: {  	s3 =	sadd.s32 $0x88, s3;
	s6 =	simm.s32 @!p1 $0x1082;
	[sflag:s4] =	ssyncset.s32 $0xFFFFF086  }
0x25: {  	[simem:s6], [sflag:s4] =	dma.local [hbm:s3], $0xF7A  }
0x26: {  	[smem:$0x3F9F] =	sst s1;
	(tag) =	ssettag s2;
	_ =	strace s9  }
0x27: {  	s1 =	sld [smem:$0x3FAF]  }
0x28: {  	s2 =	sld [smem:$0x3FB0]  }
0x29: {  	s4 =	sld [smem:$0x3FB2]  }
0x2a: {  	p0 =	seq.s32 s5, $0x0;
	s5 =	sld [smem:$0x3FB3]  }
0x2b: {  	s6 =	sld [smem:$0x3FB4]  }
0x2c: {  	s7 =	sld [smem:$0x3FB5]  }
0x2d: {  	s3 =	simm.s32 $0x108;
	s8 =	sld [smem:$0x3FB6]  }
0x2e: {  	s3 =	simm.s32 @!p0 $0x1082;
	s9 =	sld [smem:$0x3FB7]  }
0x2f: {  	lr =	sadd.s32 s0, s3;
	s0 =	sld [smem:$0x3FAE]  }
0x30: {  	s3 =	sld [smem:$0x3FB1]  }
0x31: {  	[smem:$0x3FBA] =	sst s10  }
0x32: {  	s10 =	sld [smem:$0x3FB8];
	_ =	sdelay $0x3  }
0x33: {  	p0 =	seq.s32 s10, $0x1;
	s10 =	sld [smem:$0x3FBA];
	_ =	sdelay $0x3  }
0x34: {  	[smem:$0x3FBA] =	sst s10  }
0x35: {  	s10 =	sld [smem:$0x3FB9];
	_ =	sdelay $0x3  }
0x36: {  	p1 =	seq.s32 s10, $0x1;
	s10 =	sld [smem:$0x3FBA];
	_ =	sdelay $0x3  }
0x37: {  	[smem:$0x3FBA] =	sst s10  }
0x38: {  	s10 =	sld [smem:$0x3FBB]  }
0x39: {  	_ = 	snop;
	(pc) =	sbr.ind lr, $3  }
0x3a: {  	_ = 	snop  }
0x3b: {  	_ = 	snop  }
0x3c: {  	p2 =	seq.s32 s10, $0x1;
	s10 =	sld [smem:$0x3FBA]  }
0x3d: {  	_ =	shalt  }
0x3e: {  	_ =	shalt  }
0x3f: {  	_ =	shalt  }
0x40: {  	_ =	shalt  }
0x41: {  	_ =	shalt  }
0x42: {  	_ =	shalt  }
0x43: {  	_ =	shalt  }
0x44: {  	_ =	shalt  }
0x45: {  	_ =	shalt  }
0x46: {  	_ =	shalt  }
0x47: {  	_ =	shalt  }
0x48: {  	_ =	shalt  }
0x49: {  	_ =	shalt  }
0x4a: {  	_ =	shalt  }
0x4b: {  	_ =	shalt  }
0x4c: {  	_ =	shalt  }
0x4d: {  	_ =	shalt  }
0x4e: {  	_ =	shalt  }
0x4f: {  	_ =	shalt  }
0x50: {  	_ =	shalt  }
0x51: {  	_ =	shalt  }
0x52: {  	_ =	shalt  }
0x53: {  	_ =	shalt  }
0x54: {  	_ =	shalt  }
0x55: {  	_ =	shalt  }
0x56: {  	_ =	shalt  }
0x57: {  	_ =	shalt  }
0x58: {  	_ =	shalt  }
0x59: {  	_ =	shalt  }
0x5a: {  	_ =	shalt  }
0x5b: {  	_ =	shalt  }
0x5c: {  	_ =	shalt  }
0x5d: {  	_ =	shalt  }
0x5e: {  	_ =	shalt  }
0x5f: {  	_ =	shalt  }
0x60: {  	_ =	shalt  }
0x61: {  	_ =	shalt  }
0x62: {  	_ =	shalt  }
0x63: {  	_ =	shalt  }
0x64: {  	_ =	shalt  }
0x65: {  	_ =	shalt  }
0x66: {  	_ =	shalt  }
0x67: {  	_ =	shalt  }
0x68: {  	_ =	shalt  }
0x69: {  	_ =	shalt  }
0x6a: {  	_ =	shalt  }
0x6b: {  	_ =	shalt  }
0x6c: {  	_ =	shalt  }
0x6d: {  	_ =	shalt  }
0x6e: {  	_ =	shalt  }
0x6f: {  	_ =	shalt  }
0x70: {  	_ =	shalt  }
0x71: {  	_ =	shalt  }
0x72: {  	_ =	shalt  }
0x73: {  	_ =	shalt  }
0x74: {  	_ =	shalt  }
0x75: {  	_ =	shalt  }
0x76: {  	_ =	shalt  }
0x77: {  	_ =	shalt  }
0x78: {  	_ =	shalt  }
0x79: {  	_ =	shalt  }
0x7a: {  	_ =	shalt  }
0x7b: {  	_ =	shalt  }
0x7c: {  	_ =	shalt  }
0x7d: {  	_ =	shalt  }
0x7e: {  	_ =	shalt  }
0x7f: {  	_ =	shalt  }
0x80: {  	_ =	shalt  }
0x81: {  	_ =	shalt  }
0x82: {  	_ =	shalt  }
0x83: {  	_ =	shalt  }
0x84: {  	_ =	shalt  }
0x85: {  	_ =	shalt  }
0x86: {  	_ =	shalt  }
0x87: {  	_ =	shalt  }
.Lfunc_end0:
.L_simem_size_0:
called_computation_lowered:
.L_overlay_start_0:
0x88: {  	s2 =	sld [smem:$0x3FD9]  }
0x89: {  	s3 =	sld [smem:$0x3FFE];
	_ =	sdelay $0x1  }
0x8a: {  	s1 =	srdreg.scid  }
0x8b: {  	s0 =	sand.u32 $0x1, s1  }
0x8c: {  	s17 =	sshll.u32 s0, $0xA;
	s2 =	sadd.s32 s3, s2  }
0x8d: {  	s2 =	sadd.s32 s2, s17  }
0x8e: {  	[smem:$0x3FC6] =	sst s2  }
0x8f: {  	_ = 	snop  }
0x90: {  	s2 =	sld [smem:$0x3FC9]  }
0x91: {  	s18 =	sld [smem:$0x3FC8];
	(tm) =	ssettm $0x1  }
0x92: {  	s4 =	sld [smem:$0x3FFB];
	_ =	sdelay $0x3  }
0x93: {  	_ =	strace s4  }
0x94: {  	s4 =	sld [smem:$0x3FFC];
	_ =	sdelay $0x3  }
0x95: {  	_ =	strace s4  }
0x96: {  	s4 =	sld [smem:$0x3FFD];
	_ =	sdelay $0x3  }
0x97: {  	_ =	strace s4  }
0x98: {  	_ =	strace $0x8FFFFFFF  }
0x99: {  	s19 =	sld [smem:$0x3FDB];
	_ =	sdelay $0x1  }
0x9a: {  	s5 =	simm.s32 $_scs_section_size  }
0x9b: {  	s6 =	simm.s32 $_size__tile_overlayer_lowered;
	s7 =	simm.s32 $_tile_overlayer_lowered  }
0x9c: {  	s22 =	simm.s32 $0x1BFF;
	s21 =	sshll.u32 s7, $0x1;
	s4 =	sadd.s32 s5, s19  }
0x9d: {  	s8 =	simm.s32 $0x0;
	s20 =	sshll.u32 s6, $0x1;
	s6 =	sadd.s32 s21, s4  }
0x9e: {  	[timem:s8], [sflag:s22] =	dma.local [hbm:s6], s20  }
0x9f: {  	_ =	swait.ge [sflag:s22], s20  }
0xa0: {  	s5 =	ssub.s32 $0x0, s20;
	[sflag:s22] =	ssyncset.done $0x0  }
0xa1: {  	[sflag:s22] =	ssyncadd.s32 s5;
	_ =	sdelay $0x1  }
0xa2: {  	s23 =	simm.s32 $0x1B8B  }
0xa3: {  	_ =	swait.ge [sflag:s23], $0x1  }
0xa4: {  	[sflag:s23] =	ssyncset.done $0x0  }
0xa5: {  	s25 =	simm.s32 $0x1B8E;
	s24 =	sld [smem:$0x3FFE];
	[sflag:s23] =	ssyncadd.s32 $0xFFFFFFFF  }
0xa6: {  	s26 =	simm.s32 $execute0_lowered;
	[smem:$0x3FD2] =	sst s25  }
0xa7: {  	s6 =	sshll.u32 s26, $0x1;
	_ =	strace $0x80000046;
	[dreg:$0x1] =	wrdreg $0xFFFFFFFF  }
0xa8: {  	s28 =	simm.s32 $_size_execute0_lowered;
	s4 =	sadd.s32 s4, s6;
	[dreg:$0x0] =	wrdreg $0x0  }
0xa9: {  	s6 =	sshll.u32 s28, $0x1;
	[dreg:$0x2] =	wrdreg s4  }
0xaa: {  	[dreg:$0x3] =	wrdreg s6  }
0xab: {  	[dreg:$0x4] =	wrdreg $0xC0  }
0xac: {  	_ =	task [dreg:s8], $0x5FFFF  }
0xad: {  	[dreg:$0x1] =	wrdreg $0xFFFFFFFF  }
0xae: {  	[dreg:$0x0] =	wrdreg $0x60  }
0xaf: {  	[dreg:$0x2] =	wrdreg s2  }
0xb0: {  	[dreg:$0x3] =	wrdreg s18  }
0xb1: {  	[dreg:$0x4] =	wrdreg s24  }
0xb2: {  	[dreg:$0x5] =	wrdreg $0x9  }
0xb3: {  	_ =	task.clear_ibuf [dreg:s8], $0x6FFFF;
	_ =	strace $0x90000046  }
0xb4: {  	s29 =	simm.s32 $0x9;
	_ =	strace $0x80000048  }
0xb5: {  	_ =	swait.ge [sflag:s29], $0x1  }
0xb6: {  	[sflag:s29] =	ssyncadd.s32 $0xFFFFFFFF  }
0xb7: {  	_ =	strace $0x90000048  }
0xb8: {  	_ =	sfence  }
0xb9: {  	s30 =	sld [smem:$0x0];
	_ =	sdelay $0x2  }
0xba: {  	s31 =	sshll.u32 s1, $0xD;
	s1 =	sshrl.u32 s1, $0x2  }
0xbb: {  	s3 =	sand.u32 $0x4000, s31;
	s1 =	sadd.s32 s1, s30  }
0xbc: {  	s0 =	sor.u32 s3, s0;
	s1 =	sshll.u32 s1, $0x11  }
0xbd: {  	s0 =	sor.u32 s1, s0  }
0xbe: {  	s0 =	sadd.s32 $0x8F2B, s0  }
0xbf: {  	[sflag:s0] =	ssyncadd.remote.s32 $0x1  }
0xc0: {  	_ =	sfence.sel $0xFFFF  }
0xc1: {  	[dreg:$0x0] =	wrdreg $0xFFFFFFFF;
	(pc) =	sbr.abs _section_cstart, $3  }
0xc2: {  	[dreg:$0x1] =	wrdreg $0xFFFFFFFF  }
0xc3: {  	_ =	task.clear_ibuf [dreg:s8], $0x2FFFF;
	_ =	strace $0x9FFFFFFF  }
0xc4: {  	(tm) =	ssettm $0x7FFFFFFF  }
0xc5: {  	_ =	shalt  }
tec
execute0_lowered:
.L_overlay_start_1:
0x0: {  	(tag) =	ssettag $0x1  }
0x1: {  	s1 =	rddreg [dreg:$0x0]  }
0x2: {  	s3 =	rddreg [dreg:$0x1];
	s2 =	srdreg.scid  }
0x3: {  	s0 =	stileid.u32;
	s5 =	rddreg [dreg:$0x2];
	s4 =	simm.s32 $0x0  }
0x4: {  	s14 =	simm.s32 $0x4000;
	s15 =	simm.s32 $0x1;
	s16 =	simm.s32 $0x2  }
0x5: {  	s17 =	simm.s32 $0x8000;
	s18 =	simm.s32 $0x3;
	s19 =	simm.s32 $0x0  }
0x6: {  	s6 =	sand.u32 $0x1, s2;
	s7 =	sshll.u32 s0, $0x1;
	s2 =	rddreg [dreg:$0x3]  }
0x7: {  	[smem:$0x7FF] =	sst s4;
	s8 =	sor.u32 s6, s7;
	s30 =	ssub.s32 $0x2, s6  }
0x8: {  	_ =	strace $0x80000047;
	s7 =	sshll.u32 s8, $0x1;
	s6 =	sshrl.u32 s30, $0x1  }
0x9: {  	s31 =	sshll.u32 s8, $0x11;
	s9 =	sshll.u32 s8, $0xE;
	s10 =	sshll.u32 s8, $0x13  }
0xa: {  	s8 =	sshll.u32 s8, $0x10;
	s12 =	sadd.s32 s7, s5;
	s13 =	ssub.s32 s30, s6  }
0xb: {  	s5 =	sadd.s32 s1, s9;
	s6 =	sor.u32 $0x4000, s31;
	s7 =	sor.u32 $0x8000, s31  }
0xc: {  	s8 =	sadd.s32 s3, s8;
	s9 =	sor.u32 $0x4000, s10;
	s10 =	sor.u32 $0x8000, s10  }
0xd: {  	s11 =	sadd.s32 $0x2000, s12;
	s12 =	sadd.s32 $0x2200, s12;
	s13 =	smax.u32 s13, $0x1  }
.LBB2_1:
0xe: {  	[tilespmem:s4], [sflag:$0x1] =	stream.linear.gather [hbm4b:s5+s4], $0x4000, $0x38;
	v2 =	vimm.f32 $+Inf;
	[tilespmem:$0x8080] =	vst v63  }
0xf: {  	v0 =	vimm.f32 $-Inf;
	v1 =	vimm.f32 $-Inf;
	v3 =	vimm.f32 $+Inf;
	s20 =	simm.s32 $0x0  }
.LBB2_2:
0x10: {  	s21 =	sshll.u32 s20, $0xF  }
0x11: {  	s21 =	sadd.s32 s6, s21  }
0x12: {  	s21 =	sshrl.u32 s21, $0x3  }
0x13: {  	s22 =	simm.s32 $0x0;
	s21 =	sadd.s32 s1, s21  }
0x14: {  	[tilespmem:s14], [sflag:$0x2] =	stream.linear.gather [hbm4b:s21+s22], $0x4000, $0x38;
	[tilespmem:$0x8080] =	vst v63  }
0x15: {  	_ =	swait.ge [sflag:s15], $0x4000  }
0x16: {  	[sflag:s15] =	ssyncset.done $0x0  }
0x17: {  	s21 =	simm.s32 $0x0;
	[sflag:s15] =	ssyncadd.s32 $0xFFFFC000  }
0x18: {  	v10 =	vld [tilespmem:s21+$0x0]  }
0x19: {  	v9 =	vld [tilespmem:s21+$0x20]  }
0x1a: {  	v8 =	vld [tilespmem:s21+$0x40]  }
0x1b: {  	v7 =	vld [tilespmem:s21+$0x60]  }
0x1c: {  	v6 =	vld [tilespmem:s21+$0x80]  }
0x1d: {  	v5 =	vld [tilespmem:s21+$0xA0];
	v3 =	vmin.f32 v3, v10  }
0x1e: {  	v4 =	vld [tilespmem:s21+$0xC0];
	v3 =	vmin.f32 v3, v9  }
0x1f: {  	s22 =	simm.s32 $0x400;
	v11 =	vmin.f32 v3, v8;
	v3 =	vld [tilespmem:s21+$0xE0]  }
.LBB2_3:
0x20: {  	p0 =	sne.s32 s22, $0xFC00;
	v12 =	vld [tilespmem:s21+$0x10];
	v11 =	vmin.f32 v11, v7  }
0x21: {  	v13 =	vld [tilespmem:s21+$0x30];
	v11 =	vmin.f32 v11, v6  }
0x22: {  	v14 =	vld [tilespmem:s21+$0x50];
	v11 =	vmin.f32 v11, v5  }
0x23: {  	v15 =	vld [tilespmem:s21+$0x70];
	v11 =	vmin.f32 v11, v4  }
0x24: {  	v16 =	vld [tilespmem:s21+$0x90];
	v11 =	vmin.f32 v11, v3  }
0x25: {  	v1 =	vmax.f32 v1, v10;
	v2 =	vmin.f32 v2, v12;
	v0 =	vmax.f32 v0, v12;
	v12 =	vld [tilespmem:s21+$0xB0]  }
0x26: {  	v1 =	vmax.f32 v1, v9;
	v2 =	vmin.f32 v2, v13;
	v0 =	vmax.f32 v0, v13;
	v13 =	vld [tilespmem:s21+$0xD0]  }
0x27: {  	v1 =	vmax.f32 v1, v8;
	v2 =	vmin.f32 v2, v14;
	v0 =	vmax.f32 v0, v14;
	v14 =	vld [tilespmem:s21+$0xF0];
	s21 =	sshra.s32 s22, $0x2  }
0x28: {  	v1 =	vmax.f32 v1, v7;
	v10 =	vld [tilespmem:s21+$0x0];
	v2 =	vmin.f32 v2, v15;
	v0 =	vmax.f32 v0, v15  }
0x29: {  	v1 =	vmax.f32 v1, v6;
	v9 =	vld [tilespmem:s21+$0x20];
	v2 =	vmin.f32 v2, v16;
	v0 =	vmax.f32 v0, v16  }
0x2a: {  	v1 =	vmax.f32 v1, v5;
	v8 =	vld [tilespmem:s21+$0x40];
	v2 =	vmin.f32 v2, v12;
	v0 =	vmax.f32 v0, v12  }
.Ltmp0:
0x2b: {  	v1 =	vmax.f32 v1, v4;
	v7 =	vld [tilespmem:s21+$0x60];
	v2 =	vmin.f32 v2, v13;
	v0 =	vmax.f32 v0, v13;
	(pc) =	sbr.rel @p0 .LBB2_3-.Ltmp0, $4  }
0x2c: {  	v1 =	vmax.f32 v1, v3;
	v6 =	vld [tilespmem:s21+$0x80];
	v2 =	vmin.f32 v2, v14;
	v0 =	vmax.f32 v0, v14  }
0x2d: {  	v3 =	vmin.f32 v11, v10;
	v5 =	vld [tilespmem:s21+$0xA0]  }
0x2e: {  	v3 =	vmin.f32 v3, v9;
	v4 =	vld [tilespmem:s21+$0xC0]  }
0x2f: {  	s22 =	sadd.s32 $0x400, s22;
	v11 =	vmin.f32 v3, v8;
	v3 =	vld [tilespmem:s21+$0xE0]  }
0x30: {  	v12 =	vld [tilespmem:s21+$0x10]  }
0x31: {  	v13 =	vld [tilespmem:s21+$0x30];
	s22 =	sshll.u32 s20, $0x1  }
0x32: {  	v14 =	vld [tilespmem:s21+$0x50];
	s22 =	smin.u32 s22, $0x4  }
0x33: {  	v15 =	vld [tilespmem:s21+$0x70];
	s22 =	sshll.u32 s22, $0xE  }
0x34: {  	v16 =	vld [tilespmem:s21+$0x90];
	s22 =	sadd.s32 s22, s7  }
0x35: {  	v17 =	vld [tilespmem:s21+$0xB0];
	s22 =	sshrl.u32 s22, $0x3  }
0x36: {  	v18 =	vld [tilespmem:s21+$0xD0];
	s31 =	simm.s32 $0x0;
	s30 =	sadd.s32 s1, s22  }
0x37: {  	v19 =	vld [tilespmem:s21+$0xF0];
	v11 =	vmin.f32 v11, v7;
	[tilespmem:s31], [sflag:$0x1] =	stream.linear.gather [hbm4b:s30+s31], $0x4000, $0x38  }
0x38: {  	v1 =	vmax.f32 v1, v10;
	v11 =	vmin.f32 v11, v6;
	_ =	swait.ge [sflag:s16], $0x4000  }
0x39: {  	v1 =	vmax.f32 v1, v9;
	v10 =	vmin.f32 v11, v5;
	[sflag:s16] =	ssyncset.done $0x0  }
0x3a: {  	s21 =	simm.s32 $0x0;
	v1 =	vmax.f32 v1, v8;
	v9 =	vmin.f32 v10, v4;
	v2 =	vmin.f32 v2, v12;
	[sflag:s16] =	ssyncadd.s32 $0xFFFFC000  }
0x3b: {  	v10 =	vmin.f32 v9, v3;
	v0 =	vmax.f32 v0, v12;
	v2 =	vmin.f32 v2, v13;
	v9 =	vld [tilespmem:s21+$0x4000]  }
0x3c: {  	v1 =	vmax.f32 v1, v7;
	v0 =	vmax.f32 v0, v13;
	v2 =	vmin.f32 v2, v14;
	v8 =	vld [tilespmem:s21+$0x4020]  }
0x3d: {  	v6 =	vmax.f32 v1, v6;
	v0 =	vmax.f32 v0, v14;
	v2 =	vmin.f32 v2, v15;
	v7 =	vld [tilespmem:s21+$0x4040]  }
0x3e: {  	v5 =	vmax.f32 v6, v5;
	v0 =	vmax.f32 v0, v15;
	v2 =	vmin.f32 v2, v16;
	v1 =	vld [tilespmem:s21+$0x4060]  }
0x3f: {  	v4 =	vmax.f32 v5, v4;
	v0 =	vmax.f32 v0, v16;
	v6 =	vmin.f32 v2, v17;
	v2 =	vld [tilespmem:s21+$0x4080]  }
0x40: {  	v0 =	vmax.f32 v0, v17;
	v5 =	vld [tilespmem:s21+$0x40A0];
	v11 =	vmin.f32 v6, v18;
	v10 =	vmin.f32 v10, v9  }
0x41: {  	v0 =	vmax.f32 v0, v18;
	v6 =	vmax.f32 v4, v3;
	v4 =	vld [tilespmem:s21+$0x40C0];
	v3 =	vmin.f32 v10, v8  }
0x42: {  	s22 =	simm.s32 $0x400;
	v10 =	vmin.f32 v11, v19;
	v11 =	vmax.f32 v0, v19;
	v0 =	vld [tilespmem:s21+$0x40E0];
	v3 =	vmin.f32 v3, v7  }
.LBB2_5:
0x43: {  	p0 =	sne.s32 s22, $0xFC00;
	v12 =	vld [tilespmem:s21+$0x4010];
	v3 =	vmin.f32 v3, v1  }
0x44: {  	v13 =	vld [tilespmem:s21+$0x4030];
	v3 =	vmin.f32 v3, v2  }
0x45: {  	v14 =	vld [tilespmem:s21+$0x4050];
	v3 =	vmin.f32 v3, v5  }
0x46: {  	v15 =	vld [tilespmem:s21+$0x4070];
	v3 =	vmin.f32 v3, v4  }
0x47: {  	v16 =	vld [tilespmem:s21+$0x4090];
	v3 =	vmin.f32 v3, v0  }
0x48: {  	v6 =	vmax.f32 v6, v9;
	v9 =	vmin.f32 v10, v12;
	v10 =	vmax.f32 v11, v12;
	v11 =	vld [tilespmem:s21+$0x40B0]  }
0x49: {  	v6 =	vmax.f32 v6, v8;
	v8 =	vmin.f32 v9, v13;
	v9 =	vmax.f32 v10, v13;
	v10 =	vld [tilespmem:s21+$0x40D0]  }
0x4a: {  	v6 =	vmax.f32 v6, v7;
	v7 =	vmin.f32 v8, v14;
	v8 =	vmax.f32 v9, v14;
	v12 =	vld [tilespmem:s21+$0x40F0];
	s21 =	sshra.s32 s22, $0x2  }
0x4b: {  	v1 =	vmax.f32 v6, v1;
	v9 =	vld [tilespmem:s21+$0x4000];
	v6 =	vmin.f32 v7, v15;
	v7 =	vmax.f32 v8, v15  }
0x4c: {  	v1 =	vmax.f32 v1, v2;
	v8 =	vld [tilespmem:s21+$0x4020];
	v2 =	vmin.f32 v6, v16;
	v6 =	vmax.f32 v7, v16  }
0x4d: {  	v5 =	vmax.f32 v1, v5;
	v7 =	vld [tilespmem:s21+$0x4040];
	v2 =	vmin.f32 v2, v11;
	v6 =	vmax.f32 v6, v11  }
.Ltmp1:
0x4e: {  	v4 =	vmax.f32 v5, v4;
	v1 =	vld [tilespmem:s21+$0x4060];
	v5 =	vmin.f32 v2, v10;
	v11 =	vmax.f32 v6, v10;
	(pc) =	sbr.rel @p0 .LBB2_5-.Ltmp1, $4  }
0x4f: {  	v6 =	vmax.f32 v4, v0;
	v2 =	vld [tilespmem:s21+$0x4080];
	v10 =	vmin.f32 v5, v12;
	v11 =	vmax.f32 v11, v12  }
0x50: {  	v0 =	vmin.f32 v3, v9;
	v5 =	vld [tilespmem:s21+$0x40A0]  }
0x51: {  	v0 =	vmin.f32 v0, v8;
	v4 =	vld [tilespmem:s21+$0x40C0]  }
0x52: {  	s22 =	sadd.s32 $0x400, s22;
	v3 =	vmin.f32 v0, v7;
	v0 =	vld [tilespmem:s21+$0x40E0]  }
0x53: {  	v12 =	vld [tilespmem:s21+$0x4010]  }
0x54: {  	v13 =	vld [tilespmem:s21+$0x4030]  }
0x55: {  	v3 =	vmin.f32 v3, v1;
	v14 =	vld [tilespmem:s21+$0x4050]  }
0x56: {  	v15 =	vld [tilespmem:s21+$0x4070];
	v6 =	vmax.f32 v6, v9;
	v3 =	vmin.f32 v3, v2  }
0x57: {  	v16 =	vld [tilespmem:s21+$0x4090];
	v6 =	vmax.f32 v6, v8;
	v3 =	vmin.f32 v3, v5  }
0x58: {  	v54 =	vld [tilespmem:s21+$0x40B0];
	v6 =	vmax.f32 v6, v7;
	v52 =	vmin.f32 v10, v12;
	v53 =	vmax.f32 v11, v12  }
0x59: {  	v57 =	vld [tilespmem:s21+$0x40D0];
	s20 =	sadd.s32 $0x1, s20;
	v3 =	vmin.f32 v3, v4;
	v55 =	vmin.f32 v52, v13;
	v56 =	vmax.f32 v53, v13  }
0x5a: {  	v60 =	vld [tilespmem:s21+$0x40F0];
	p0 =	sne.s32 s20, $0x4;
	v1 =	vmax.f32 v6, v1;
	v58 =	vmin.f32 v55, v14;
	v59 =	vmax.f32 v56, v14  }
.Ltmp2:
0x5b: {  	v3 =	vmin.f32 v3, v0;
	v61 =	vmin.f32 v58, v15;
	v62 =	vmax.f32 v59, v15;
	(pc) =	sbr.rel @p0 .LBB2_2-.Ltmp2, $4  }
0x5c: {  	v1 =	vmax.f32 v1, v2;
	v2 =	vmin.f32 v61, v16;
	v63 =	vmax.f32 v62, v16  }
0x5d: {  	v1 =	vmax.f32 v1, v5;
	v2 =	vmin.f32 v2, v54;
	v5 =	vmax.f32 v63, v54  }
0x5e: {  	v1 =	vmax.f32 v1, v4;
	v2 =	vmin.f32 v2, v57;
	v4 =	vmax.f32 v5, v57  }
0x5f: {  	v1 =	vmax.f32 v1, v0;
	v2 =	vmin.f32 v2, v60;
	v0 =	vmax.f32 v4, v60  }
0x60: {  	_ =	swait.ge [sflag:s15], $0x4000  }
0x61: {  	[sflag:s15] =	ssyncset.done $0x0  }
0x62: {  	s20 =	simm.s32 $0x0;
	s21 =	simm.s32 $0x0;
	[sflag:s15] =	ssyncadd.s32 $0xFFFFC000  }
0x63: {  	[tilespmem:s20], [sflag:$0x1] =	stream.linear.gather [hbm4b:s8+s20], $0x4000, $0x38;
	[tilespmem:$0x8080] =	vst v63  }
.LBB2_8:
0x64: {  	s22 =	sshll.u32 s21, $0xF  }
0x65: {  	s22 =	sadd.s32 s9, s22  }
0x66: {  	s22 =	sshrl.u32 s22, $0x3  }
0x67: {  	s22 =	sadd.s32 s3, s22  }
0x68: {  	[tilespmem:s14], [sflag:$0x2] =	stream.linear.gather [hbm4b:s22+s20], $0x4000, $0x38;
	[tilespmem:$0x8080] =	vst v63  }
0x69: {  	_ =	swait.ge [sflag:s15], $0x4000  }
0x6a: {  	[sflag:s15] =	ssyncset.done $0x0  }
0x6b: {  	s22 =	simm.s32 $0x0;
	[sflag:s15] =	ssyncadd.s32 $0xFFFFC000  }
0x6c: {  	v10 =	vld [tilespmem:s22+$0x0]  }
0x6d: {  	v9 =	vld [tilespmem:s22+$0x20]  }
0x6e: {  	v8 =	vld [tilespmem:s22+$0x40]  }
0x6f: {  	v7 =	vld [tilespmem:s22+$0x60]  }
0x70: {  	v6 =	vld [tilespmem:s22+$0x80]  }
0x71: {  	v5 =	vld [tilespmem:s22+$0xA0];
	v3 =	vmin.f32 v3, v10  }
0x72: {  	v4 =	vld [tilespmem:s22+$0xC0];
	v3 =	vmin.f32 v3, v9  }
0x73: {  	s23 =	simm.s32 $0x400;
	v11 =	vmin.f32 v3, v8;
	v3 =	vld [tilespmem:s22+$0xE0]  }
.LBB2_9:
0x74: {  	p0 =	sne.s32 s23, $0xFC00;
	v12 =	vld [tilespmem:s22+$0x10];
	v11 =	vmin.f32 v11, v7  }
0x75: {  	v13 =	vld [tilespmem:s22+$0x30];
	v11 =	vmin.f32 v11, v6  }
0x76: {  	v14 =	vld [tilespmem:s22+$0x50];
	v11 =	vmin.f32 v11, v5  }
0x77: {  	v15 =	vld [tilespmem:s22+$0x70];
	v11 =	vmin.f32 v11, v4  }
0x78: {  	v16 =	vld [tilespmem:s22+$0x90];
	v11 =	vmin.f32 v11, v3  }
0x79: {  	v1 =	vmax.f32 v1, v10;
	v2 =	vmin.f32 v2, v12;
	v0 =	vmax.f32 v0, v12;
	v12 =	vld [tilespmem:s22+$0xB0]  }
0x7a: {  	v1 =	vmax.f32 v1, v9;
	v2 =	vmin.f32 v2, v13;
	v0 =	vmax.f32 v0, v13;
	v13 =	vld [tilespmem:s22+$0xD0]  }
0x7b: {  	v1 =	vmax.f32 v1, v8;
	v2 =	vmin.f32 v2, v14;
	v0 =	vmax.f32 v0, v14;
	v14 =	vld [tilespmem:s22+$0xF0];
	s22 =	sshra.s32 s23, $0x2  }
0x7c: {  	v1 =	vmax.f32 v1, v7;
	v10 =	vld [tilespmem:s22+$0x0];
	v2 =	vmin.f32 v2, v15;
	v0 =	vmax.f32 v0, v15  }
0x7d: {  	v1 =	vmax.f32 v1, v6;
	v9 =	vld [tilespmem:s22+$0x20];
	v2 =	vmin.f32 v2, v16;
	v0 =	vmax.f32 v0, v16  }
0x7e: {  	v1 =	vmax.f32 v1, v5;
	v8 =	vld [tilespmem:s22+$0x40];
	v2 =	vmin.f32 v2, v12;
	v0 =	vmax.f32 v0, v12  }
.Ltmp3:
0x7f: {  	v1 =	vmax.f32 v1, v4;
	v7 =	vld [tilespmem:s22+$0x60];
	v2 =	vmin.f32 v2, v13;
	v0 =	vmax.f32 v0, v13;
	(pc) =	sbr.rel @p0 .LBB2_9-.Ltmp3, $4  }
0x80: {  	v1 =	vmax.f32 v1, v3;
	v6 =	vld [tilespmem:s22+$0x80];
	v2 =	vmin.f32 v2, v14;
	v0 =	vmax.f32 v0, v14  }
0x81: {  	v3 =	vmin.f32 v11, v10;
	v5 =	vld [tilespmem:s22+$0xA0]  }
0x82: {  	v3 =	vmin.f32 v3, v9;
	v4 =	vld [tilespmem:s22+$0xC0]  }
0x83: {  	s23 =	sadd.s32 $0x400, s23;
	v11 =	vmin.f32 v3, v8;
	v3 =	vld [tilespmem:s22+$0xE0]  }
0x84: {  	v12 =	vld [tilespmem:s22+$0x10]  }
0x85: {  	v13 =	vld [tilespmem:s22+$0x30];
	s23 =	sshll.u32 s21, $0x1  }
0x86: {  	v14 =	vld [tilespmem:s22+$0x50];
	s23 =	smin.u32 s23, $0x1C  }
0x87: {  	v15 =	vld [tilespmem:s22+$0x70];
	s23 =	sshll.u32 s23, $0xE  }
0x88: {  	v16 =	vld [tilespmem:s22+$0x90];
	s23 =	sadd.s32 s23, s10  }
0x89: {  	v17 =	vld [tilespmem:s22+$0xB0];
	s23 =	sshrl.u32 s23, $0x3  }
0x8a: {  	v18 =	vld [tilespmem:s22+$0xD0];
	s31 =	simm.s32 $0x0;
	s30 =	sadd.s32 s3, s23  }
0x8b: {  	v19 =	vld [tilespmem:s22+$0xF0];
	v11 =	vmin.f32 v11, v7;
	[tilespmem:s31], [sflag:$0x1] =	stream.linear.gather [hbm4b:s30+s31], $0x4000, $0x38  }
0x8c: {  	v1 =	vmax.f32 v1, v10;
	v11 =	vmin.f32 v11, v6;
	_ =	swait.ge [sflag:s16], $0x4000  }
0x8d: {  	v1 =	vmax.f32 v1, v9;
	v10 =	vmin.f32 v11, v5;
	[sflag:s16] =	ssyncset.done $0x0  }
0x8e: {  	s22 =	simm.s32 $0x0;
	v1 =	vmax.f32 v1, v8;
	v9 =	vmin.f32 v10, v4;
	v2 =	vmin.f32 v2, v12;
	[sflag:s16] =	ssyncadd.s32 $0xFFFFC000  }
0x8f: {  	v10 =	vmin.f32 v9, v3;
	v0 =	vmax.f32 v0, v12;
	v2 =	vmin.f32 v2, v13;
	v9 =	vld [tilespmem:s22+$0x4000]  }
0x90: {  	v1 =	vmax.f32 v1, v7;
	v0 =	vmax.f32 v0, v13;
	v2 =	vmin.f32 v2, v14;
	v8 =	vld [tilespmem:s22+$0x4020]  }
0x91: {  	v6 =	vmax.f32 v1, v6;
	v0 =	vmax.f32 v0, v14;
	v2 =	vmin.f32 v2, v15;
	v7 =	vld [tilespmem:s22+$0x4040]  }
0x92: {  	v5 =	vmax.f32 v6, v5;
	v0 =	vmax.f32 v0, v15;
	v2 =	vmin.f32 v2, v16;
	v1 =	vld [tilespmem:s22+$0x4060]  }
0x93: {  	v4 =	vmax.f32 v5, v4;
	v0 =	vmax.f32 v0, v16;
	v6 =	vmin.f32 v2, v17;
	v2 =	vld [tilespmem:s22+$0x4080]  }
0x94: {  	v0 =	vmax.f32 v0, v17;
	v5 =	vld [tilespmem:s22+$0x40A0];
	v11 =	vmin.f32 v6, v18;
	v10 =	vmin.f32 v10, v9  }
0x95: {  	v0 =	vmax.f32 v0, v18;
	v6 =	vmax.f32 v4, v3;
	v4 =	vld [tilespmem:s22+$0x40C0];
	v3 =	vmin.f32 v10, v8  }
0x96: {  	s23 =	simm.s32 $0x400;
	v10 =	vmin.f32 v11, v19;
	v11 =	vmax.f32 v0, v19;
	v0 =	vld [tilespmem:s22+$0x40E0];
	v3 =	vmin.f32 v3, v7  }
.LBB2_11:
0x97: {  	p0 =	sne.s32 s23, $0xFC00;
	v12 =	vld [tilespmem:s22+$0x4010];
	v3 =	vmin.f32 v3, v1  }
0x98: {  	v13 =	vld [tilespmem:s22+$0x4030];
	v3 =	vmin.f32 v3, v2  }
0x99: {  	v14 =	vld [tilespmem:s22+$0x4050];
	v3 =	vmin.f32 v3, v5  }
0x9a: {  	v15 =	vld [tilespmem:s22+$0x4070];
	v3 =	vmin.f32 v3, v4  }
0x9b: {  	v16 =	vld [tilespmem:s22+$0x4090];
	v3 =	vmin.f32 v3, v0  }
0x9c: {  	v6 =	vmax.f32 v6, v9;
	v9 =	vmin.f32 v10, v12;
	v10 =	vmax.f32 v11, v12;
	v11 =	vld [tilespmem:s22+$0x40B0]  }
0x9d: {  	v6 =	vmax.f32 v6, v8;
	v8 =	vmin.f32 v9, v13;
	v9 =	vmax.f32 v10, v13;
	v10 =	vld [tilespmem:s22+$0x40D0]  }
0x9e: {  	v6 =	vmax.f32 v6, v7;
	v7 =	vmin.f32 v8, v14;
	v8 =	vmax.f32 v9, v14;
	v12 =	vld [tilespmem:s22+$0x40F0];
	s22 =	sshra.s32 s23, $0x2  }
0x9f: {  	v1 =	vmax.f32 v6, v1;
	v9 =	vld [tilespmem:s22+$0x4000];
	v6 =	vmin.f32 v7, v15;
	v7 =	vmax.f32 v8, v15  }
0xa0: {  	v1 =	vmax.f32 v1, v2;
	v8 =	vld [tilespmem:s22+$0x4020];
	v2 =	vmin.f32 v6, v16;
	v6 =	vmax.f32 v7, v16  }
0xa1: {  	v5 =	vmax.f32 v1, v5;
	v7 =	vld [tilespmem:s22+$0x4040];
	v2 =	vmin.f32 v2, v11;
	v6 =	vmax.f32 v6, v11  }
.Ltmp4:
0xa2: {  	v4 =	vmax.f32 v5, v4;
	v1 =	vld [tilespmem:s22+$0x4060];
	v5 =	vmin.f32 v2, v10;
	v11 =	vmax.f32 v6, v10;
	(pc) =	sbr.rel @p0 .LBB2_11-.Ltmp4, $4  }
0xa3: {  	v6 =	vmax.f32 v4, v0;
	v2 =	vld [tilespmem:s22+$0x4080];
	v10 =	vmin.f32 v5, v12;
	v11 =	vmax.f32 v11, v12  }
0xa4: {  	v0 =	vmin.f32 v3, v9;
	v5 =	vld [tilespmem:s22+$0x40A0]  }
0xa5: {  	v0 =	vmin.f32 v0, v8;
	v4 =	vld [tilespmem:s22+$0x40C0]  }
0xa6: {  	s23 =	sadd.s32 $0x400, s23;
	v3 =	vmin.f32 v0, v7;
	v0 =	vld [tilespmem:s22+$0x40E0]  }
0xa7: {  	v12 =	vld [tilespmem:s22+$0x4010]  }
0xa8: {  	v13 =	vld [tilespmem:s22+$0x4030]  }
0xa9: {  	v3 =	vmin.f32 v3, v1;
	v14 =	vld [tilespmem:s22+$0x4050]  }
0xaa: {  	v15 =	vld [tilespmem:s22+$0x4070];
	v6 =	vmax.f32 v6, v9;
	v3 =	vmin.f32 v3, v2  }
0xab: {  	v16 =	vld [tilespmem:s22+$0x4090];
	v6 =	vmax.f32 v6, v8;
	v3 =	vmin.f32 v3, v5  }
0xac: {  	v54 =	vld [tilespmem:s22+$0x40B0];
	v6 =	vmax.f32 v6, v7;
	v52 =	vmin.f32 v10, v12;
	v53 =	vmax.f32 v11, v12  }
0xad: {  	v57 =	vld [tilespmem:s22+$0x40D0];
	s21 =	sadd.s32 $0x1, s21;
	v3 =	vmin.f32 v3, v4;
	v55 =	vmin.f32 v52, v13;
	v56 =	vmax.f32 v53, v13  }
0xae: {  	v60 =	vld [tilespmem:s22+$0x40F0];
	p0 =	sne.s32 s21, $0x10;
	v1 =	vmax.f32 v6, v1;
	v58 =	vmin.f32 v55, v14;
	v59 =	vmax.f32 v56, v14  }
.Ltmp5:
0xaf: {  	v3 =	vmin.f32 v3, v0;
	v61 =	vmin.f32 v58, v15;
	v62 =	vmax.f32 v59, v15;
	(pc) =	sbr.rel @p0 .LBB2_8-.Ltmp5, $4  }
0xb0: {  	v1 =	vmax.f32 v1, v2;
	v2 =	vmin.f32 v61, v16;
	v63 =	vmax.f32 v62, v16  }
0xb1: {  	v1 =	vmax.f32 v1, v5;
	v2 =	vmin.f32 v2, v54;
	v5 =	vmax.f32 v63, v54  }
0xb2: {  	v1 =	vmax.f32 v1, v4;
	v2 =	vmin.f32 v2, v57;
	v4 =	vmax.f32 v5, v57  }
0xb3: {  	v1 =	vmax.f32 v1, v0;
	v2 =	vmin.f32 v2, v60;
	v0 =	vmax.f32 v4, v60  }
0xb4: {  	_ =	swait.ge [sflag:s15], $0x4000  }
0xb5: {  	[sflag:s15] =	ssyncset.done $0x0  }
0xb6: {  	v2 =	vmin.f32 v3, v2;
	[sflag:s15] =	ssyncadd.s32 $0xFFFFC000  }
0xb7: {  	[tilespmem:$0x8000] =	vst v2  }
0xb8: {  	[hbm4b:s11+s4] =	stream.linear.scatter [tilespmem:s17], [sflag:$0x3], $0x10, $0x38;
	[tilespmem:$0x8080] =	vst v63  }
0xb9: {  	_ =	swait.ge [sflag:s18], $0x10  }
0xba: {  	s19 =	sadd.s32 $0x1, s19;
	[sflag:s18] =	ssyncset.done $0x0  }
0xbb: {  	v0 =	vmax.f32 v1, v0;
	p0 =	sne.s32 s19, s13;
	[sflag:s18] =	ssyncadd.s32 $0xFFFFFFF0  }
.Ltmp6:
0xbc: {  	[tilespmem:$0x8000] =	vst v0;
	(pc) =	sbr.rel @p0 .LBB2_1-.Ltmp6, $4  }
0xbd: {  	[hbm4b:s12+s4] =	stream.linear.scatter [tilespmem:s17], [sflag:$0x3], $0x10, $0x38;
	[tilespmem:$0x8080] =	vst v63  }
0xbe: {  	_ =	swait.ge [sflag:s18], $0x10  }
0xbf: {  	[sflag:s18] =	ssyncset.done $0x0  }
0xc0: {  	[sflag:s18] =	ssyncadd.s32 $0xFFFFFFF0  }
0xc1: {  	_ =	sfence.sel $0x180000  }
0xc2: {  	[bflag:$0x0] =	sbarrier.arrive $0xFFFF  }
0xc3: {  	p0 =	sne.s32 s0, $0x0;
	_ =	strace $0x90000047  }
0xc4: {  	s0 =	sadd.s32 @!p0 $0x100000, s2;
	[bflag:$0x2] =	sbarrier.arrive $0xFFFF  }
0xc5: {  	[sflag:s0] =	ssyncadd.tile.s32 @!p0 $0x1;
	_ =	shalt  }
.Lfunc_end2:
_tile_overlayer_lowered:
.L_overlay_start_2:
0xc6: {  	(tag) =	ssettag $0x2  }
0xc7: {  	s0 =	rddreg [dreg:$0x0];
	s2 =	stileid.u32  }
0xc8: {  	s1 =	rddreg [dreg:$0x1];
	p0 =	sne.s32 s2, $0x0  }
0xc9: {  	s3 =	rddreg [dreg:$0x2];
	[bflag:$0x3] =	sbarrier.arrive $0xFFFF;
	s2 =	simm.s32 @!p0 $0x1C03  }
0xca: {  	[timem:s3], [sflag:s2] =	dma.local @!p0 [hbm:s0], s1  }
0xcb: {  	s0 =	simm.s32 @!p0 $0x3  }
0xcc: {  	_ =	swait.ge @!p0 [sflag:s0], s1  }
0xcd: {  	s1 =	ssub.s32 @!p0 $0x0, s1;
	[sflag:s0] =	ssyncset.done @!p0 $0x0  }
0xce: {  	[sflag:s0] =	ssyncadd.s32 @!p0 s1  }
0xcf: {  	[bflag:$0x3] =	sbarrier.arrive $0xFFFF  }
0xd0: {  	_ =	shalt  }

</sc_bundles>
